<compile_context>
chip_gen: v7x
topology: tpu7x:2x2x1
jax: 0.10.2.dev20260603
libtpu: 0.0.44.dev20260713+nightly
codegen_flags: <defaults>
</compile_context>

<pallas_src>
import functools

import numpy as np
import jax
import jax.numpy as jnp
from jax import lax
from jax.experimental import pallas as pl
from jax.experimental.pallas import tpu as pltpu
from jax.experimental.pallas import tpu_sc as plsc

EMBED = 256
NH = 8
NL = 4
NP = 4
HD = 32
SPATIAL = ((64, 64), (32, 32), (16, 16), (8, 8))
LEN_V = sum(h * w for h, w in SPATIAL)
LEN_Q = 5440
BS = 4
NCOL = NH * NL * NP
NROW = 4 * NCOL
TOT = BS * LEN_Q
TQ = 680

_lvl = (np.arange(NCOL) >> 2) & 3
_W_np = np.array([w for _, w in SPATIAL])[_lvl]
_starts = np.cumsum([0] + [h * w for h, w in SPATIAL])[:NL]
_BASE_np = _starts[_lvl] + (np.arange(NCOL) >> 4) * LEN_V
_S_np = np.zeros((NL * 2, 2 * NCOL), np.float32)
for _j in range(NCOL):
    _S_np[2 * _lvl[_j] + 0, _j] = 1.0
    _S_np[2 * _lvl[_j] + 1, NCOL + _j] = 1.0
_BD_np = (np.arange(NCOL)[:, None] // (NL * NP) == np.arange(NCOL)[None, :] // (NL * NP)).astype(np.float32)


def _prep_body(qref, rref, woff_ref, boff_ref, wattn_ref, battn_ref,
               sref, bdref, wlfref, wliref, baseref, idx_ref, cw_ref):
    b = pl.program_id(0)
    q = qref[0]
    r8 = rref[0]
    off = jnp.dot(q, woff_ref[...], preferred_element_type=jnp.float32, precision=jax.lax.Precision.HIGHEST) + boff_ref[0]
    logits = jnp.dot(q, wattn_ref[...], preferred_element_type=jnp.float32, precision=jax.lax.Precision.HIGHEST) + battn_ref[0]
    m = jnp.max(logits, axis=-1, keepdims=True)
    e = jnp.exp(logits - m)
    den = jnp.dot(e, bdref[...], preferred_element_type=jnp.float32, precision=jax.lax.Precision.HIGHEST)
    aw = e / den
    rxy = jnp.dot(r8, sref[...], preferred_element_type=jnp.float32, precision=jax.lax.Precision.HIGHEST)
    wl = wlfref[0]
    wli = wliref[0]
    gx = rxy[:, :NCOL] * wl + off[:, :NCOL] - 0.5
    gy = rxy[:, NCOL:] * wl + off[:, NCOL:] - 0.5
    x0 = jnp.floor(gx)
    y0 = jnp.floor(gy)
    fx = gx - x0
    fy = gy - y0
    base = b * (NH * LEN_V) + baseref[0]
    for c in range(4):
        dx, dy = c & 1, c >> 1
        xc = x0 + dx
        yc = y0 + dy
        valid = (xc >= 0) & (xc <= wl - 1) & (yc >= 0) & (yc <= wl - 1)
        wx = fx if dx else (1.0 - fx)
        wy = fy if dy else (1.0 - fy)
        w = aw * wx * wy * valid.astype(jnp.float32)
        xi = jnp.clip(xc, 0.0, wl - 1).astype(jnp.int32)
        yi = jnp.clip(yc, 0.0, wl - 1).astype(jnp.int32)
        idx_ref[c] = base + yi * wli + xi
        cw_ref[c] = w


def _prep(query, ref8, W_off2, b_off2, W_attn, b_attn):
    grid = (BS, LEN_Q // TQ)
    return pl.pallas_call(
        _prep_body,
        grid=grid,
        in_specs=[
            pl.BlockSpec((1, TQ, EMBED), lambda b, i: (b, i, 0)),
            pl.BlockSpec((1, TQ, NL * 2), lambda b, i: (b, i, 0)),
            pl.BlockSpec((EMBED, 2 * NCOL), lambda b, i: (0, 0)),
            pl.BlockSpec((1, 2 * NCOL), lambda b, i: (0, 0)),
            pl.BlockSpec((EMBED, NCOL), lambda b, i: (0, 0)),
            pl.BlockSpec((1, NCOL), lambda b, i: (0, 0)),
            pl.BlockSpec((NL * 2, 2 * NCOL), lambda b, i: (0, 0)),
            pl.BlockSpec((NCOL, NCOL), lambda b, i: (0, 0)),
            pl.BlockSpec((1, NCOL), lambda b, i: (0, 0)),
            pl.BlockSpec((1, NCOL), lambda b, i: (0, 0)),
            pl.BlockSpec((1, NCOL), lambda b, i: (0, 0)),
        ],
        out_specs=[
            pl.BlockSpec((4, TQ, NCOL), lambda b, i: (0, b * (LEN_Q // TQ) + i, 0)),
            pl.BlockSpec((4, TQ, NCOL), lambda b, i: (0, b * (LEN_Q // TQ) + i, 0)),
        ],
        out_shape=[
            jax.ShapeDtypeStruct((4, BS * LEN_Q, NCOL), jnp.int32),
            jax.ShapeDtypeStruct((4, BS * LEN_Q, NCOL), jnp.float32),
        ],
    )(query, ref8, W_off2, b_off2, W_attn, b_attn,
      jnp.asarray(_S_np), jnp.asarray(_BD_np),
      jnp.asarray(_W_np.astype(np.float32)).reshape(1, NCOL),
      jnp.asarray(_W_np.astype(np.int32)).reshape(1, NCOL),
      jnp.asarray(_BASE_np.astype(np.int32)).reshape(1, NCOL))


def _vproj_body(vref, wv_ref, bv_ref, oref):
    y = jnp.dot(vref[0], wv_ref[...], preferred_element_type=jnp.float32, precision=jax.lax.Precision.HIGHEST) + bv_ref[0]
    for h in range(NH):
        lo = jax.lax.bitcast_convert_type(y[:, h * HD:h * HD + 16], jnp.int32)
        hi = jax.lax.bitcast_convert_type(y[:, h * HD + 16:(h + 1) * HD], jnp.int32)
        rl = lo + 32767 + ((lo >> 16) & 1)
        rh = hi + 32767 + ((hi >> 16) & 1)
        oref[0, h] = ((rl >> 16) & 65535) | (rh & (-65536))


def _vproj(value, W_val, b_val):
    grid = (BS, LEN_V // TQ)
    return pl.pallas_call(
        _vproj_body,
        grid=grid,
        in_specs=[
            pl.BlockSpec((1, TQ, EMBED), lambda b, i: (b, i, 0)),
            pl.BlockSpec((EMBED, EMBED), lambda b, i: (0, 0)),
            pl.BlockSpec((1, EMBED), lambda b, i: (0, 0)),
        ],
        out_specs=pl.BlockSpec((1, NH, TQ, HD // 2), lambda b, i: (b, 0, i, 0)),
        out_shape=jax.ShapeDtypeStruct((BS, NH, LEN_V, HD // 2), jnp.int32),
    )(value, W_val, b_val)


def _outproj_body(xref, wo_ref, bo_ref, oref):
    x = jnp.concatenate([xref[0], xref[1]], axis=1)
    oref[0] = jnp.dot(x, wo_ref[...], preferred_element_type=jnp.float32, precision=jax.lax.Precision.HIGHEST) + bo_ref[0]


def _outproj(x, W_out, b_out):
    grid = (BS, LEN_Q // TQ)
    return pl.pallas_call(
        _outproj_body,
        grid=grid,
        in_specs=[
            pl.BlockSpec((2, TQ, EMBED // 2), lambda b, i: (0, b * (LEN_Q // TQ) + i, 0)),
            pl.BlockSpec((EMBED, EMBED), lambda b, i: (0, 0)),
            pl.BlockSpec((1, EMBED), lambda b, i: (0, 0)),
        ],
        out_specs=pl.BlockSpec((1, TQ, EMBED), lambda b, i: (b, i, 0)),
        out_shape=jax.ShapeDtypeStruct((BS, LEN_Q, EMBED), jnp.float32),
    )(x, W_out, b_out)


def _sc_gather(idx, cw, v2):
    info = plsc.get_sparse_core_info()
    nwk = info.num_cores * info.num_subcores
    nq = TOT // nwk
    mesh = plsc.VectorSubcoreMesh(core_axis_name="c", subcore_axis_name="s")

    @functools.partial(
        pl.kernel,
        mesh=mesh,
        compiler_params=pltpu.CompilerParams(
            needs_layout_passes=False, use_tc_tiling_on_sc=False),
        out_type=jax.ShapeDtypeStruct((2, TOT, EMBED // 2), jnp.float32),
        scratch_types=[
            pltpu.VMEM((3, 4, 128), jnp.int32),
            pltpu.VMEM((3, 4, 128), jnp.float32),
            pltpu.VMEM((2 * NROW, HD // 2), jnp.int32),
            pltpu.VMEM((2 * EMBED,), jnp.float32),
            pltpu.SemaphoreType.DMA((3,)),
            pltpu.SemaphoreType.DMA((2,)),
            pltpu.SemaphoreType.DMA((2,)),
        ],
    )
    def k(idx_hbm, cw_hbm, v2_hbm, out_hbm, idx_v, cw_v, rows_v, out_v, sin, sg, sout):
        wid = lax.axis_index("s") * info.num_cores + lax.axis_index("c")
        base = wid * nq
        iota16 = lax.iota(jnp.int32, 16)

        def in_copy(qi, slot):
            pltpu.async_copy(idx_hbm.at[:, qi], idx_v.at[slot], sin.at[slot])
            pltpu.async_copy(cw_hbm.at[:, qi], cw_v.at[slot], sin.at[slot])

        def in_wait(slot):
            pltpu.make_async_copy(idx_hbm.at[:, 0], idx_v.at[slot], sin.at[slot]).wait()
            pltpu.make_async_copy(cw_hbm.at[:, 0], cw_v.at[slot], sin.at[slot]).wait()

        def g_issue(slot3, slot2):
            for j in range(4):
                pltpu.async_copy(
                    v2_hbm.at[idx_v.at[slot3, j]],
                    rows_v.at[pl.ds(slot2 * NROW + j * 128, 128)],
                    sg.at[slot2],
                )

        def g_wait(slot2):
            for j in range(4):
                pltpu.make_async_copy(
                    v2_hbm.at[idx_v.at[0, j]],
                    rows_v.at[pl.ds(slot2 * NROW + j * 128, 128)],
                    sg.at[slot2],
                ).wait()

        in_copy(base, 0)
        in_copy(base + 1, 1)
        in_wait(0)
        g_issue(0, 0)

        def qstep(i, carry):
            q = base + i
            s3 = i % 3
            s2 = i % 2
            n3 = (i + 1) % 3
            n2 = (i + 1) % 2
            p3 = (i + 2) % 3

            @pl.when(i + 2 < nq)
            def _():
                in_copy(q + 2, p3)

            @pl.when(i + 1 < nq)
            def _():
                in_wait(n3)
                g_issue(n3, n2)

            g_wait(s2)

            @pl.when(i >= 2)
            def _():
                for half in range(2):
                    pltpu.make_async_copy(
                        out_v.at[pl.ds(s2 * EMBED + half * 128, 128)],
                        out_hbm.at[half, q], sout.at[s2],
                    ).wait()

            cwbase = s3 * NROW
            rbase = s2 * NROW
            for h in range(NH):
                def jbody(j, acc):
                    a0, a1 = acc
                    rr = ((j >> 4) << 7) | (h << 4) | (j & 15)
                    w = plsc.load_gather(
                        cw_v,
                        [jnp.full((16,), s3, jnp.int32),
                         jnp.full((16,), j >> 4, jnp.int32),
                         jnp.full((16,), (h << 4) | (j & 15), jnp.int32)])
                    x = plsc.load_gather(rows_v, [jnp.full((16,), rbase + rr, jnp.int32), iota16])
                    lo = plsc.bitcast(x << 16, jnp.float32)
                    hi = plsc.bitcast(x & (-65536), jnp.float32)
                    return (a0 + w * lo, a1 + w * hi)

                z = jnp.zeros((16,), jnp.float32)
                a0, a1 = lax.fori_loop(0, 64, jbody, (z, z), unroll=4)
                out_v[pl.ds(s2 * EMBED + h * HD, 16)] = a0
                out_v[pl.ds(s2 * EMBED + h * HD + 16, 16)] = a1
            for half in range(2):
                pltpu.async_copy(
                    out_v.at[pl.ds(s2 * EMBED + half * 128, 128)],
                    out_hbm.at[half, q], sout.at[s2],
                )
            return carry

        lax.fori_loop(0, nq, qstep, 0)
        for t in (nq - 2, nq - 1):
            for half in range(2):
                pltpu.make_async_copy(
                    out_v.at[pl.ds((t % 2) * EMBED + half * 128, 128)],
                    out_hbm.at[half, base + t], sout.at[t % 2],
                ).wait()

    return k(idx, cw, v2)


def kernel(query, reference_points, value, value_spatial_shapes, W_off, b_off, W_attn, b_attn, W_val, b_val, W_out, b_out):
    del value_spatial_shapes
    perm = np.concatenate([np.arange(NCOL) * 2, np.arange(NCOL) * 2 + 1])
    W_off2 = W_off[:, perm]
    b_off2 = b_off[perm].reshape(1, 2 * NCOL)
    ref8 = reference_points.reshape(BS, LEN_Q, NL * 2)
    idx, cw = _prep(query, ref8, W_off2, b_off2, W_attn, b_attn.reshape(1, NCOL))
    v2p = _vproj(value, W_val, b_val.reshape(1, EMBED)).reshape(BS * NH * LEN_V, HD // 2)
    out_attn = _sc_gather(idx, cw, v2p)
    return _outproj(out_attn, W_out, b_out.reshape(1, EMBED))

# --- scband reference (transcript-rebuilt; emitter-appended) ---
"""Pipeline reference for scband-msdeformable-attention-89678917141181 (READ-ONLY COPY).

The authoritative reference and input builder live on the scoring server;
editing this copy changes nothing except your own understanding.
"""

import jax, jax.numpy as jnp
import numpy as np

EMBED_DIM = 256
NUM_HEADS = 8
NUM_LEVELS = 4
NUM_POINTS = 4
HEAD_DIM = EMBED_DIM // NUM_HEADS
SPATIAL = [(64, 64), (32, 32), (16, 16), (8, 8)]


def setup_inputs(seed: int = 0) -> dict:
    key = jax.random.key(seed)
    ks = jax.random.split(key, 10)
    bs, Len_q, C = 4, 5440, EMBED_DIM
    Len_v = sum(h * w for h, w in SPATIAL)
    tp = NUM_HEADS * NUM_LEVELS * NUM_POINTS
    return {
        "query": jax.random.normal(ks[0], (bs, Len_q, C), jnp.float32),
        "reference_points": jax.random.uniform(ks[1], (bs, Len_q, NUM_LEVELS, 2), jnp.float32),
        "value": jax.random.normal(ks[2], (bs, Len_v, C), jnp.float32),
        "value_spatial_shapes": jnp.array(SPATIAL, dtype=jnp.int64),
        "W_off": jax.random.normal(ks[3], (C, tp * 2), jnp.float32) * 0.01,
        "b_off": jax.random.normal(ks[4], (tp * 2,), jnp.float32) * 0.01,
        "W_attn": jax.random.normal(ks[5], (C, tp), jnp.float32) * 0.02,
        "b_attn": jnp.zeros((tp,), jnp.float32),
        "W_val": jax.random.normal(ks[6], (C, C), jnp.float32) * (1.0 / np.sqrt(C)),
        "b_val": jnp.zeros((C,), jnp.float32),
        "W_out": jax.random.normal(ks[7], (C, C), jnp.float32) * (1.0 / np.sqrt(C)),
        "b_out": jnp.zeros((C,), jnp.float32),
    }


def _grid_sample(img, grid):
    # img [N, C, H, W], grid [N, Hg, Wg, 2] in [-1,1]; bilinear, zeros padding, align_corners=False
    N, C, H, W = img.shape
    gx = (grid[..., 0] + 1.0) * W / 2.0 - 0.5
    gy = (grid[..., 1] + 1.0) * H / 2.0 - 0.5
    x0 = jnp.floor(gx)
    y0 = jnp.floor(gy)
    x1 = x0 + 1.0
    y1 = y0 + 1.0
    wx1 = gx - x0
    wx0 = 1.0 - wx1
    wy1 = gy - y0
    wy0 = 1.0 - wy1
    flat = img.reshape(N, C, H * W)

    def gather(ix, iy):
        valid = (ix >= 0) & (ix <= W - 1) & (iy >= 0) & (iy <= H - 1)
        ixc = jnp.clip(ix, 0, W - 1).astype(jnp.int32)
        iyc = jnp.clip(iy, 0, H - 1).astype(jnp.int32)
        idx = (iyc * W + ixc).reshape(N, 1, -1)
        v = jnp.take_along_axis(flat, idx, axis=2).reshape(N, C, ix.shape[1], ix.shape[2])
        return v * valid[:, None].astype(img.dtype)

    out = (gather(x0, y0) * (wx0 * wy0)[:, None]
           + gather(x1, y0) * (wx1 * wy0)[:, None]
           + gather(x0, y1) * (wx0 * wy1)[:, None]
           + gather(x1, y1) * (wx1 * wy1)[:, None])
    return out


def _forward(query, reference_points, value, W_off, b_off, W_attn, b_attn, W_val, b_val, W_out, b_out, spatial, value_spatial_shapes):
    bs, Len_q, C = query.shape
    nH, nL, nP, hd = NUM_HEADS, NUM_LEVELS, NUM_POINTS, HEAD_DIM
    v = value @ W_val + b_val
    v = v.reshape(bs, -1, nH, hd)
    off = (query @ W_off + b_off).reshape(bs, Len_q, nH, nL, nP, 2)
    aw = (query @ W_attn + b_attn).reshape(bs, Len_q, nH, nL * nP)
    aw = jax.nn.softmax(aw, axis=-1).reshape(bs, Len_q, nH, nL, nP)
    norm = value_spatial_shapes[:, ::-1].astype(query.dtype)  # (W, H) per level
    loc = reference_points[:, :, None, :, None, :] + off / norm[None, None, None, :, None, :]
    grids = 2.0 * loc - 1.0  # [bs, Len_q, nH, nL, nP, 2]
    start = 0
    sampled = []
    for lvl, (h_, w_) in enumerate(spatial):
        end = start + h_ * w_
        v_l = v[:, start:end].transpose(0, 2, 3, 1).reshape(bs * nH, hd, h_, w_)
        g_l = grids[:, :, :, lvl].transpose(0, 2, 1, 3, 4).reshape(bs * nH, Len_q, nP, 2)
        sampled.append(_grid_sample(v_l, g_l))  # [bs*nH, hd, Len_q, nP]
        start = end
    samp = jnp.stack(sampled, axis=-2).reshape(bs * nH, hd, Len_q, nL * nP)
    aw2 = aw.transpose(0, 2, 1, 3, 4).reshape(bs * nH, 1, Len_q, nL * nP)
    out = (samp * aw2).sum(-1).reshape(bs, nH * hd, Len_q).transpose(0, 2, 1)
    return out @ W_out + b_out


def reference(query, reference_points, value, value_spatial_shapes, W_off, b_off, W_attn, b_attn, W_val, b_val, W_out, b_out):
    spatial = [(int(h), int(w)) for h, w in SPATIAL]
    return _forward(query, reference_points, value, W_off, b_off, W_attn, b_attn, W_val, b_val, W_out, b_out, spatial, value_spatial_shapes)

if __name__ == "__main__":
    import jax
    _d = setup_inputs()
    print(jax.jit(kernel)(*tuple(_d.values())))

</pallas_src>

<mosaic_0001>
#map = affine_map<(d0, d1) -> (0, 0, 0)>
#map1 = affine_map<(d0, d1) -> (0, 0)>
module attributes {stable_mosaic.version = 14 : i64} {
  func.func @k(%arg0: i32, %arg1: i32, %arg2: memref<4x21760x128xi32, #tpu.memory_space<hbm>>, %arg3: memref<4x21760x128xf32, #tpu.memory_space<hbm>>, %arg4: memref<174080x16xi32, #tpu.memory_space<hbm>>, %arg5: memref<2x21760x128xf32, #tpu.memory_space<hbm>>, %arg6: memref<3x4x128xi32, #tpu.memory_space<vmem>>, %arg7: memref<3x4x128xf32, #tpu.memory_space<vmem>>, %arg8: memref<1024x16xi32, #tpu.memory_space<vmem>>, %arg9: memref<512xf32, #tpu.memory_space<vmem>>, %arg10: memref<3x!tpu.dma_semaphore, #tpu.memory_space<semaphore_mem>>, %arg11: memref<2x!tpu.dma_semaphore, #tpu.memory_space<semaphore_mem>>, %arg12: memref<2x!tpu.dma_semaphore, #tpu.memory_space<semaphore_mem>>) attributes {dimension_semantics = [#tpu.dimension_semantics<core_parallel>, #tpu.dimension_semantics<subcore_parallel>], iteration_bounds = array<i64: 2, 16>, scalar_prefetch = 0 : i64, scratch_operands = 7 : i64, tpu.core_type = #tpu.core_type<sc_vector_subcore>, window_params = [{transform_indices = #map}, {transform_indices = #map}, {transform_indices = #map1}, {transform_indices = #map}]} {
    %mul3A = arith.constant 2 : i32
    %mul3A_0 = arith.muli %arg1, %mul3A : i32
    %add3A = arith.addi %mul3A_0, %arg0 : i32
    %mul3A_1 = arith.constant 680 : i32
    %mul3A_2 = arith.muli %add3A, %mul3A_1 : i32
    %iota3A = tpu.iota {dimensions = array<i32: 0>} : vector<16xi32>
    %dma_start3A = arith.constant 0 : i32
    %dma_start3A_3 = arith.constant 0 : i32
    %dma_start3A_4 = arith.constant 0 : i32
    %dma_start3A_5 = arith.constant 0 : i32
    %dma_start3A_6 = tpu.memref_slice %arg6[%dma_start3A, %dma_start3A_4, %dma_start3A_5] : memref<3x4x128xi32, #tpu.memory_space<vmem>> -> memref<1x4x128xi32, #tpu.memory_space<vmem>>
    %dma_start3A_7 = tpu.memref_squeeze %dma_start3A_6 : memref<1x4x128xi32, #tpu.memory_space<vmem>> -> memref<4x128xi32, #tpu.memory_space<vmem>>
    %dma_start3A_8 = arith.constant 0 : i32
    %dma_start3A_9 = arith.constant 0 : i32
    %dma_start3A_10 = tpu.memref_slice %arg2[%dma_start3A_8, %mul3A_2, %dma_start3A_9] : memref<4x21760x128xi32, #tpu.memory_space<hbm>> -> memref<4x1x128xi32, #tpu.memory_space<hbm>>
    %dma_start3A_11 = tpu.memref_squeeze %dma_start3A_10 : memref<4x1x128xi32, #tpu.memory_space<hbm>> -> memref<4x128xi32, #tpu.memory_space<hbm>>
    %dma_start3A_12 = tpu.memref_slice %arg10[%dma_start3A_3] : memref<3x!tpu.dma_semaphore, #tpu.memory_space<semaphore_mem>> -> memref<1x!tpu.dma_semaphore, #tpu.memory_space<semaphore_mem>>
    %dma_start3A_13 = tpu.memref_squeeze %dma_start3A_12 : memref<1x!tpu.dma_semaphore, #tpu.memory_space<semaphore_mem>> -> memref<!tpu.dma_semaphore, #tpu.memory_space<semaphore_mem>>
    %dma_start3A_14 = arith.constant 0 : i32
    %dma_start3A_15 = arith.constant 0 : i32
    %dma_start3A_16 = tpu.memref_slice %arg6[%dma_start3A, %dma_start3A_14, %dma_start3A_15] : memref<3x4x128xi32, #tpu.memory_space<vmem>> -> memref<1x4x128xi32, #tpu.memory_space<vmem>>
    %dma_start3A_17 = tpu.memref_squeeze %dma_start3A_16 : memref<1x4x128xi32, #tpu.memory_space<vmem>> -> memref<4x128xi32, #tpu.memory_space<vmem>>
    %dma_start3A_18 = arith.constant 0 : i32
    %dma_start3A_19 = arith.constant 0 : i32
    %dma_start3A_20 = tpu.memref_slice %arg2[%dma_start3A_18, %mul3A_2, %dma_start3A_19] : memref<4x21760x128xi32, #tpu.memory_space<hbm>> -> memref<4x1x128xi32, #tpu.memory_space<hbm>>
    %dma_start3A_21 = tpu.memref_squeeze %dma_start3A_20 : memref<4x1x128xi32, #tpu.memory_space<hbm>> -> memref<4x128xi32, #tpu.memory_space<hbm>>
    tpu.enqueue_dma source(%dma_start3A_21 : memref<4x128xi32, #tpu.memory_space<hbm>>) target(%dma_start3A_17 : memref<4x128xi32, #tpu.memory_space<vmem>>) target_semaphore(%dma_start3A_13 : memref<!tpu.dma_semaphore, #tpu.memory_space<semaphore_mem>>)
    %dma_start3A_22 = arith.constant 0 : i32
    %dma_start3A_23 = arith.constant 0 : i32
    %dma_start3A_24 = arith.constant 0 : i32
    %dma_start3A_25 = arith.constant 0 : i32
    %dma_start3A_26 = tpu.memref_slice %arg7[%dma_start3A_22, %dma_start3A_24, %dma_start3A_25] : memref<3x4x128xf32, #tpu.memory_space<vmem>> -> memref<1x4x128xf32, #tpu.memory_space<vmem>>
    %dma_start3A_27 = tpu.memref_squeeze %dma_start3A_26 : memref<1x4x128xf32, #tpu.memory_space<vmem>> -> memref<4x128xf32, #tpu.memory_space<vmem>>
    %dma_start3A_28 = arith.constant 0 : i32
    %dma_start3A_29 = arith.constant 0 : i32
    %dma_start3A_30 = tpu.memref_slice %arg3[%dma_start3A_28, %mul3A_2, %dma_start3A_29] : memref<4x21760x128xf32, #tpu.memory_space<hbm>> -> memref<4x1x128xf32, #tpu.memory_space<hbm>>
    %dma_start3A_31 = tpu.memref_squeeze %dma_start3A_30 : memref<4x1x128xf32, #tpu.memory_space<hbm>> -> memref<4x128xf32, #tpu.memory_space<hbm>>
    %dma_start3A_32 = tpu.memref_slice %arg10[%dma_start3A_23] : memref<3x!tpu.dma_semaphore, #tpu.memory_space<semaphore_mem>> -> memref<1x!tpu.dma_semaphore, #tpu.memory_space<semaphore_mem>>
    %dma_start3A_33 = tpu.memref_squeeze %dma_start3A_32 : memref<1x!tpu.dma_semaphore, #tpu.memory_space<semaphore_mem>> -> memref<!tpu.dma_semaphore, #tpu.memory_space<semaphore_mem>>
    %dma_start3A_34 = arith.constant 0 : i32
    %dma_start3A_35 = arith.constant 0 : i32
    %dma_start3A_36 = tpu.memref_slice %arg7[%dma_start3A_22, %dma_start3A_34, %dma_start3A_35] : memref<3x4x128xf32, #tpu.memory_space<vmem>> -> memref<1x4x128xf32, #tpu.memory_space<vmem>>
    %dma_start3A_37 = tpu.memref_squeeze %dma_start3A_36 : memref<1x4x128xf32, #tpu.memory_space<vmem>> -> memref<4x128xf32, #tpu.memory_space<vmem>>
    %dma_start3A_38 = arith.constant 0 : i32
    %dma_start3A_39 = arith.constant 0 : i32
    %dma_start3A_40 = tpu.memref_slice %arg3[%dma_start3A_38, %mul3A_2, %dma_start3A_39] : memref<4x21760x128xf32, #tpu.memory_space<hbm>> -> memref<4x1x128xf32, #tpu.memory_space<hbm>>
    %dma_start3A_41 = tpu.memref_squeeze %dma_start3A_40 : memref<4x1x128xf32, #tpu.memory_space<hbm>> -> memref<4x128xf32, #tpu.memory_space<hbm>>
    tpu.enqueue_dma source(%dma_start3A_41 : memref<4x128xf32, #tpu.memory_space<hbm>>) target(%dma_start3A_37 : memref<4x128xf32, #tpu.memory_space<vmem>>) target_semaphore(%dma_start3A_33 : memref<!tpu.dma_semaphore, #tpu.memory_space<semaphore_mem>>)
    %add3A_42 = arith.constant 1 : i32
    %add3A_43 = arith.addi %mul3A_2, %add3A_42 : i32
    %dma_start3A_44 = arith.constant 1 : i32
    %dma_start3A_45 = arith.constant 1 : i32
    %dma_start3A_46 = arith.constant 0 : i32
    %dma_start3A_47 = arith.constant 0 : i32
    %dma_start3A_48 = tpu.memref_slice %arg6[%dma_start3A_44, %dma_start3A_46, %dma_start3A_47] : memref<3x4x128xi32, #tpu.memory_space<vmem>> -> memref<1x4x128xi32, #tpu.memory_space<vmem>>
    %dma_start3A_49 = tpu.memref_squeeze %dma_start3A_48 : memref<1x4x128xi32, #tpu.memory_space<vmem>> -> memref<4x128xi32, #tpu.memory_space<vmem>>
    %dma_start3A_50 = arith.constant 0 : i32
    %dma_start3A_51 = arith.constant 0 : i32
    %dma_start3A_52 = tpu.memref_slice %arg2[%dma_start3A_50, %add3A_43, %dma_start3A_51] : memref<4x21760x128xi32, #tpu.memory_space<hbm>> -> memref<4x1x128xi32, #tpu.memory_space<hbm>>
    %dma_start3A_53 = tpu.memref_squeeze %dma_start3A_52 : memref<4x1x128xi32, #tpu.memory_space<hbm>> -> memref<4x128xi32, #tpu.memory_space<hbm>>
    %dma_start3A_54 = tpu.memref_slice %arg10[%dma_start3A_45] : memref<3x!tpu.dma_semaphore, #tpu.memory_space<semaphore_mem>> -> memref<1x!tpu.dma_semaphore, #tpu.memory_space<semaphore_mem>>
    %dma_start3A_55 = tpu.memref_squeeze %dma_start3A_54 : memref<1x!tpu.dma_semaphore, #tpu.memory_space<semaphore_mem>> -> memref<!tpu.dma_semaphore, #tpu.memory_space<semaphore_mem>>
    %dma_start3A_56 = arith.constant 0 : i32
    %dma_start3A_57 = arith.constant 0 : i32
    %dma_start3A_58 = tpu.memref_slice %arg6[%dma_start3A_44, %dma_start3A_56, %dma_start3A_57] : memref<3x4x128xi32, #tpu.memory_space<vmem>> -> memref<1x4x128xi32, #tpu.memory_space<vmem>>
    %dma_start3A_59 = tpu.memref_squeeze %dma_start3A_58 : memref<1x4x128xi32, #tpu.memory_space<vmem>> -> memref<4x128xi32, #tpu.memory_space<vmem>>
    %dma_start3A_60 = arith.constant 0 : i32
    %dma_start3A_61 = arith.constant 0 : i32
    %dma_start3A_62 = tpu.memref_slice %arg2[%dma_start3A_60, %add3A_43, %dma_start3A_61] : memref<4x21760x128xi32, #tpu.memory_space<hbm>> -> memref<4x1x128xi32, #tpu.memory_space<hbm>>
    %dma_start3A_63 = tpu.memref_squeeze %dma_start3A_62 : memref<4x1x128xi32, #tpu.memory_space<hbm>> -> memref<4x128xi32, #tpu.memory_space<hbm>>
    tpu.enqueue_dma source(%dma_start3A_63 : memref<4x128xi32, #tpu.memory_space<hbm>>) target(%dma_start3A_59 : memref<4x128xi32, #tpu.memory_space<vmem>>) target_semaphore(%dma_start3A_55 : memref<!tpu.dma_semaphore, #tpu.memory_space<semaphore_mem>>)
    %dma_start3A_64 = arith.constant 1 : i32
    %dma_start3A_65 = arith.constant 1 : i32
    %dma_start3A_66 = arith.constant 0 : i32
    %dma_start3A_67 = arith.constant 0 : i32
    %dma_start3A_68 = tpu.memref_slice %arg7[%dma_start3A_64, %dma_start3A_66, %dma_start3A_67] : memref<3x4x128xf32, #tpu.memory_space<vmem>> -> memref<1x4x128xf32, #tpu.memory_space<vmem>>
    %dma_start3A_69 = tpu.memref_squeeze %dma_start3A_68 : memref<1x4x128xf32, #tpu.memory_space<vmem>> -> memref<4x128xf32, #tpu.memory_space<vmem>>
    %dma_start3A_70 = arith.constant 0 : i32
    %dma_start3A_71 = arith.constant 0 : i32
    %dma_start3A_72 = tpu.memref_slice %arg3[%dma_start3A_70, %add3A_43, %dma_start3A_71] : memref<4x21760x128xf32, #tpu.memory_space<hbm>> -> memref<4x1x128xf32, #tpu.memory_space<hbm>>
    %dma_start3A_73 = tpu.memref_squeeze %dma_start3A_72 : memref<4x1x128xf32, #tpu.memory_space<hbm>> -> memref<4x128xf32, #tpu.memory_space<hbm>>
    %dma_start3A_74 = tpu.memref_slice %arg10[%dma_start3A_65] : memref<3x!tpu.dma_semaphore, #tpu.memory_space<semaphore_mem>> -> memref<1x!tpu.dma_semaphore, #tpu.memory_space<semaphore_mem>>
    %dma_start3A_75 = tpu.memref_squeeze %dma_start3A_74 : memref<1x!tpu.dma_semaphore, #tpu.memory_space<semaphore_mem>> -> memref<!tpu.dma_semaphore, #tpu.memory_space<semaphore_mem>>
    %dma_start3A_76 = arith.constant 0 : i32
    %dma_start3A_77 = arith.constant 0 : i32
    %dma_start3A_78 = tpu.memref_slice %arg7[%dma_start3A_64, %dma_start3A_76, %dma_start3A_77] : memref<3x4x128xf32, #tpu.memory_space<vmem>> -> memref<1x4x128xf32, #tpu.memory_space<vmem>>
    %dma_start3A_79 = tpu.memref_squeeze %dma_start3A_78 : memref<1x4x128xf32, #tpu.memory_space<vmem>> -> memref<4x128xf32, #tpu.memory_space<vmem>>
    %dma_start3A_80 = arith.constant 0 : i32
    %dma_start3A_81 = arith.constant 0 : i32
    %dma_start3A_82 = tpu.memref_slice %arg3[%dma_start3A_80, %add3A_43, %dma_start3A_81] : memref<4x21760x128xf32, #tpu.memory_space<hbm>> -> memref<4x1x128xf32, #tpu.memory_space<hbm>>
    %dma_start3A_83 = tpu.memref_squeeze %dma_start3A_82 : memref<4x1x128xf32, #tpu.memory_space<hbm>> -> memref<4x128xf32, #tpu.memory_space<hbm>>
    tpu.enqueue_dma source(%dma_start3A_83 : memref<4x128xf32, #tpu.memory_space<hbm>>) target(%dma_start3A_79 : memref<4x128xf32, #tpu.memory_space<vmem>>) target_semaphore(%dma_start3A_75 : memref<!tpu.dma_semaphore, #tpu.memory_space<semaphore_mem>>)
    %dma_wait3A = arith.constant 0 : i32
    %dma_wait3A_84 = arith.constant 0 : i32
    %dma_wait3A_85 = arith.constant 0 : i32
    %dma_wait3A_86 = arith.constant 0 : i32
    %dma_wait3A_87 = arith.constant 0 : i32
    %dma_wait3A_88 = tpu.memref_slice %arg6[%dma_wait3A_84, %dma_wait3A_86, %dma_wait3A_87] : memref<3x4x128xi32, #tpu.memory_space<vmem>> -> memref<1x4x128xi32, #tpu.memory_space<vmem>>
    %dma_wait3A_89 = tpu.memref_squeeze %dma_wait3A_88 : memref<1x4x128xi32, #tpu.memory_space<vmem>> -> memref<4x128xi32, #tpu.memory_space<vmem>>
    %dma_wait3A_90 = arith.constant 0 : i32
    %dma_wait3A_91 = arith.constant 0 : i32
    %dma_wait3A_92 = tpu.memref_slice %arg2[%dma_wait3A_90, %dma_wait3A, %dma_wait3A_91] : memref<4x21760x128xi32, #tpu.memory_space<hbm>> -> memref<4x1x128xi32, #tpu.memory_space<hbm>>
    %dma_wait3A_93 = tpu.memref_squeeze %dma_wait3A_92 : memref<4x1x128xi32, #tpu.memory_space<hbm>> -> memref<4x128xi32, #tpu.memory_space<hbm>>
    %dma_wait3A_94 = tpu.memref_slice %arg10[%dma_wait3A_85] : memref<3x!tpu.dma_semaphore, #tpu.memory_space<semaphore_mem>> -> memref<1x!tpu.dma_semaphore, #tpu.memory_space<semaphore_mem>>
    %dma_wait3A_95 = tpu.memref_squeeze %dma_wait3A_94 : memref<1x!tpu.dma_semaphore, #tpu.memory_space<semaphore_mem>> -> memref<!tpu.dma_semaphore, #tpu.memory_space<semaphore_mem>>
    %dma_wait3A_96 = arith.constant 0 : i32
    %dma_wait3A_97 = arith.constant 0 : i32
    %dma_wait3A_98 = tpu.memref_slice %arg6[%dma_wait3A_84, %dma_wait3A_96, %dma_wait3A_97] : memref<3x4x128xi32, #tpu.memory_space<vmem>> -> memref<1x4x128xi32, #tpu.memory_space<vmem>>
    %dma_wait3A_99 = tpu.memref_squeeze %dma_wait3A_98 : memref<1x4x128xi32, #tpu.memory_space<vmem>> -> memref<4x128xi32, #tpu.memory_space<vmem>>
    %dma_wait3A_100 = arith.constant 0 : i32
    %dma_wait3A_101 = arith.constant 0 : i32
    %dma_wait3A_102 = tpu.memref_slice %arg2[%dma_wait3A_100, %dma_wait3A, %dma_wait3A_101] : memref<4x21760x128xi32, #tpu.memory_space<hbm>> -> memref<4x1x128xi32, #tpu.memory_space<hbm>>
    %dma_wait3A_103 = tpu.memref_squeeze %dma_wait3A_102 : memref<4x1x128xi32, #tpu.memory_space<hbm>> -> memref<4x128xi32, #tpu.memory_space<hbm>>
    tpu.wait_dma2 semaphore(%dma_wait3A_95 : memref<!tpu.dma_semaphore, #tpu.memory_space<semaphore_mem>>) src(%dma_wait3A_103 : memref<4x128xi32, #tpu.memory_space<hbm>>) dst(%dma_wait3A_99 : memref<4x128xi32, #tpu.memory_space<vmem>>)
    %dma_wait3A_104 = arith.constant 0 : i32
    %dma_wait3A_105 = arith.constant 0 : i32
    %dma_wait3A_106 = arith.constant 0 : i32
    %dma_wait3A_107 = arith.constant 0 : i32
    %dma_wait3A_108 = arith.constant 0 : i32
    %dma_wait3A_109 = tpu.memref_slice %arg7[%dma_wait3A_105, %dma_wait3A_107, %dma_wait3A_108] : memref<3x4x128xf32, #tpu.memory_space<vmem>> -> memref<1x4x128xf32, #tpu.memory_space<vmem>>
    %dma_wait3A_110 = tpu.memref_squeeze %dma_wait3A_109 : memref<1x4x128xf32, #tpu.memory_space<vmem>> -> memref<4x128xf32, #tpu.memory_space<vmem>>
    %dma_wait3A_111 = arith.constant 0 : i32
    %dma_wait3A_112 = arith.constant 0 : i32
    %dma_wait3A_113 = tpu.memref_slice %arg3[%dma_wait3A_111, %dma_wait3A_104, %dma_wait3A_112] : memref<4x21760x128xf32, #tpu.memory_space<hbm>> -> memref<4x1x128xf32, #tpu.memory_space<hbm>>
    %dma_wait3A_114 = tpu.memref_squeeze %dma_wait3A_113 : memref<4x1x128xf32, #tpu.memory_space<hbm>> -> memref<4x128xf32, #tpu.memory_space<hbm>>
    %dma_wait3A_115 = tpu.memref_slice %arg10[%dma_wait3A_106] : memref<3x!tpu.dma_semaphore, #tpu.memory_space<semaphore_mem>> -> memref<1x!tpu.dma_semaphore, #tpu.memory_space<semaphore_mem>>
    %dma_wait3A_116 = tpu.memref_squeeze %dma_wait3A_115 : memref<1x!tpu.dma_semaphore, #tpu.memory_space<semaphore_mem>> -> memref<!tpu.dma_semaphore, #tpu.memory_space<semaphore_mem>>
    %dma_wait3A_117 = arith.constant 0 : i32
    %dma_wait3A_118 = arith.constant 0 : i32
    %dma_wait3A_119 = tpu.memref_slice %arg7[%dma_wait3A_105, %dma_wait3A_117, %dma_wait3A_118] : memref<3x4x128xf32, #tpu.memory_space<vmem>> -> memref<1x4x128xf32, #tpu.memory_space<vmem>>
    %dma_wait3A_120 = tpu.memref_squeeze %dma_wait3A_119 : memref<1x4x128xf32, #tpu.memory_space<vmem>> -> memref<4x128xf32, #tpu.memory_space<vmem>>
    %dma_wait3A_121 = arith.constant 0 : i32
    %dma_wait3A_122 = arith.constant 0 : i32
    %dma_wait3A_123 = tpu.memref_slice %arg3[%dma_wait3A_121, %dma_wait3A_104, %dma_wait3A_122] : memref<4x21760x128xf32, #tpu.memory_space<hbm>> -> memref<4x1x128xf32, #tpu.memory_space<hbm>>
    %dma_wait3A_124 = tpu.memref_squeeze %dma_wait3A_123 : memref<4x1x128xf32, #tpu.memory_space<hbm>> -> memref<4x128xf32, #tpu.memory_space<hbm>>
    tpu.wait_dma2 semaphore(%dma_wait3A_116 : memref<!tpu.dma_semaphore, #tpu.memory_space<semaphore_mem>>) src(%dma_wait3A_124 : memref<4x128xf32, #tpu.memory_space<hbm>>) dst(%dma_wait3A_120 : memref<4x128xf32, #tpu.memory_space<vmem>>)
    %dma_start3A_125 = arith.constant 0 : i32
    %dma_start3A_126 = arith.constant 0 : i32
    %dma_start3A_127 = arith.constant 0 : i32
    %dma_start3A_128 = arith.constant 0 : i32
    %dma_start3A_129 = arith.constant 0 : i32
    %dma_start3A_130 = tpu.memref_slice %arg8[%dma_start3A_128, %dma_start3A_129] : memref<1024x16xi32, #tpu.memory_space<vmem>> -> memref<128x16xi32, #tpu.memory_space<vmem>>
    %dma_start3A_131 = arith.constant 0 : i32
    %dma_start3A_132 = tpu.memref_slice %arg6[%dma_start3A_125, %dma_start3A_126, %dma_start3A_131] : memref<3x4x128xi32, #tpu.memory_space<vmem>> -> memref<1x1x128xi32, #tpu.memory_space<vmem>>
    %dma_start3A_133 = tpu.memref_squeeze %dma_start3A_132 : memref<1x1x128xi32, #tpu.memory_space<vmem>> -> memref<128xi32, #tpu.memory_space<vmem>>
    %dma_start3A_134 = arith.constant 0 : i32
    %dma_start3A_135 = arith.constant 0 : i32
    %dma_start3A_136 = tpu.memref_slice %arg4[%dma_start3A_134, %dma_start3A_135] : memref<174080x16xi32, #tpu.memory_space<hbm>> -> memref<174080x16xi32, #tpu.memory_space<hbm>>
    %dma_start3A_137 = tpu.memref_slice %arg11[%dma_start3A_127] : memref<2x!tpu.dma_semaphore, #tpu.memory_space<semaphore_mem>> -> memref<1x!tpu.dma_semaphore, #tpu.memory_space<semaphore_mem>>
    %dma_start3A_138 = tpu.memref_squeeze %dma_start3A_137 : memref<1x!tpu.dma_semaphore, #tpu.memory_space<semaphore_mem>> -> memref<!tpu.dma_semaphore, #tpu.memory_space<semaphore_mem>>
    tpu.enqueue_indirect_dma source(%dma_start3A_136 : memref<174080x16xi32, #tpu.memory_space<hbm>>) target(%dma_start3A_130 : memref<128x16xi32, #tpu.memory_space<vmem>>) offsets(%dma_start3A_133 : memref<128xi32, #tpu.memory_space<vmem>>) semaphore(%dma_start3A_138 : memref<!tpu.dma_semaphore, #tpu.memory_space<semaphore_mem>>)
    %dma_start3A_139 = arith.constant 0 : i32
    %dma_start3A_140 = arith.constant 1 : i32
    %dma_start3A_141 = arith.constant 0 : i32
    %dma_start3A_142 = arith.constant 128 : i32
    %dma_start3A_143 = arith.constant 0 : i32
    %dma_start3A_144 = tpu.memref_slice %arg8[%dma_start3A_142, %dma_start3A_143] : memref<1024x16xi32, #tpu.memory_space<vmem>> -> memref<128x16xi32, #tpu.memory_space<vmem>>
    %dma_start3A_145 = arith.constant 0 : i32
    %dma_start3A_146 = tpu.memref_slice %arg6[%dma_start3A_139, %dma_start3A_140, %dma_start3A_145] : memref<3x4x128xi32, #tpu.memory_space<vmem>> -> memref<1x1x128xi32, #tpu.memory_space<vmem>>
    %dma_start3A_147 = tpu.memref_squeeze %dma_start3A_146 : memref<1x1x128xi32, #tpu.memory_space<vmem>> -> memref<128xi32, #tpu.memory_space<vmem>>
    %dma_start3A_148 = arith.constant 0 : i32
    %dma_start3A_149 = arith.constant 0 : i32
    %dma_start3A_150 = tpu.memref_slice %arg4[%dma_start3A_148, %dma_start3A_149] : memref<174080x16xi32, #tpu.memory_space<hbm>> -> memref<174080x16xi32, #tpu.memory_space<hbm>>
    %dma_start3A_151 = tpu.memref_slice %arg11[%dma_start3A_141] : memref<2x!tpu.dma_semaphore, #tpu.memory_space<semaphore_mem>> -> memref<1x!tpu.dma_semaphore, #tpu.memory_space<semaphore_mem>>
    %dma_start3A_152 = tpu.memref_squeeze %dma_start3A_151 : memref<1x!tpu.dma_semaphore, #tpu.memory_space<semaphore_mem>> -> memref<!tpu.dma_semaphore, #tpu.memory_space<semaphore_mem>>
    tpu.enqueue_indirect_dma source(%dma_start3A_150 : memref<174080x16xi32, #tpu.memory_space<hbm>>) target(%dma_start3A_144 : memref<128x16xi32, #tpu.memory_space<vmem>>) offsets(%dma_start3A_147 : memref<128xi32, #tpu.memory_space<vmem>>) semaphore(%dma_start3A_152 : memref<!tpu.dma_semaphore, #tpu.memory_space<semaphore_mem>>)
    %dma_start3A_153 = arith.constant 0 : i32
    %dma_start3A_154 = arith.constant 2 : i32
    %dma_start3A_155 = arith.constant 0 : i32
    %dma_start3A_156 = arith.constant 256 : i32
    %dma_start3A_157 = arith.constant 0 : i32
    %dma_start3A_158 = tpu.memref_slice %arg8[%dma_start3A_156, %dma_start3A_157] : memref<1024x16xi32, #tpu.memory_space<vmem>> -> memref<128x16xi32, #tpu.memory_space<vmem>>
    %dma_start3A_159 = arith.constant 0 : i32
    %dma_start3A_160 = tpu.memref_slice %arg6[%dma_start3A_153, %dma_start3A_154, %dma_start3A_159] : memref<3x4x128xi32, #tpu.memory_space<vmem>> -> memref<1x1x128xi32, #tpu.memory_space<vmem>>
    %dma_start3A_161 = tpu.memref_squeeze %dma_start3A_160 : memref<1x1x128xi32, #tpu.memory_space<vmem>> -> memref<128xi32, #tpu.memory_space<vmem>>
    %dma_start3A_162 = arith.constant 0 : i32
    %dma_start3A_163 = arith.constant 0 : i32
    %dma_start3A_164 = tpu.memref_slice %arg4[%dma_start3A_162, %dma_start3A_163] : memref<174080x16xi32, #tpu.memory_space<hbm>> -> memref<174080x16xi32, #tpu.memory_space<hbm>>
    %dma_start3A_165 = tpu.memref_slice %arg11[%dma_start3A_155] : memref<2x!tpu.dma_semaphore, #tpu.memory_space<semaphore_mem>> -> memref<1x!tpu.dma_semaphore, #tpu.memory_space<semaphore_mem>>
    %dma_start3A_166 = tpu.memref_squeeze %dma_start3A_165 : memref<1x!tpu.dma_semaphore, #tpu.memory_space<semaphore_mem>> -> memref<!tpu.dma_semaphore, #tpu.memory_space<semaphore_mem>>
    tpu.enqueue_indirect_dma source(%dma_start3A_164 : memref<174080x16xi32, #tpu.memory_space<hbm>>) target(%dma_start3A_158 : memref<128x16xi32, #tpu.memory_space<vmem>>) offsets(%dma_start3A_161 : memref<128xi32, #tpu.memory_space<vmem>>) semaphore(%dma_start3A_166 : memref<!tpu.dma_semaphore, #tpu.memory_space<semaphore_mem>>)
    %dma_start3A_167 = arith.constant 0 : i32
    %dma_start3A_168 = arith.constant 3 : i32
    %dma_start3A_169 = arith.constant 0 : i32
    %dma_start3A_170 = arith.constant 384 : i32
    %dma_start3A_171 = arith.constant 0 : i32
    %dma_start3A_172 = tpu.memref_slice %arg8[%dma_start3A_170, %dma_start3A_171] : memref<1024x16xi32, #tpu.memory_space<vmem>> -> memref<128x16xi32, #tpu.memory_space<vmem>>
    %dma_start3A_173 = arith.constant 0 : i32
    %dma_start3A_174 = tpu.memref_slice %arg6[%dma_start3A_167, %dma_start3A_168, %dma_start3A_173] : memref<3x4x128xi32, #tpu.memory_space<vmem>> -> memref<1x1x128xi32, #tpu.memory_space<vmem>>
    %dma_start3A_175 = tpu.memref_squeeze %dma_start3A_174 : memref<1x1x128xi32, #tpu.memory_space<vmem>> -> memref<128xi32, #tpu.memory_space<vmem>>
    %dma_start3A_176 = arith.constant 0 : i32
    %dma_start3A_177 = arith.constant 0 : i32
    %dma_start3A_178 = tpu.memref_slice %arg4[%dma_start3A_176, %dma_start3A_177] : memref<174080x16xi32, #tpu.memory_space<hbm>> -> memref<174080x16xi32, #tpu.memory_space<hbm>>
    %dma_start3A_179 = tpu.memref_slice %arg11[%dma_start3A_169] : memref<2x!tpu.dma_semaphore, #tpu.memory_space<semaphore_mem>> -> memref<1x!tpu.dma_semaphore, #tpu.memory_space<semaphore_mem>>
    %dma_start3A_180 = tpu.memref_squeeze %dma_start3A_179 : memref<1x!tpu.dma_semaphore, #tpu.memory_space<semaphore_mem>> -> memref<!tpu.dma_semaphore, #tpu.memory_space<semaphore_mem>>
    tpu.enqueue_indirect_dma source(%dma_start3A_178 : memref<174080x16xi32, #tpu.memory_space<hbm>>) target(%dma_start3A_172 : memref<128x16xi32, #tpu.memory_space<vmem>>) offsets(%dma_start3A_175 : memref<128xi32, #tpu.memory_space<vmem>>) semaphore(%dma_start3A_180 : memref<!tpu.dma_semaphore, #tpu.memory_space<semaphore_mem>>)
    %scan3A = arith.constant 0 : i32
    %scan3A_181 = arith.constant 0 : i32
    %scan3A_182 = arith.constant 680 : i32
    %scan3A_183 = arith.addi %scan3A_181, %scan3A_182 : i32
    %scan3A_184 = arith.constant 1 : i32
    scf.for %scan3A_250 = %scan3A_181 to %scan3A_183 step %scan3A_184  : i32 {
      %add3A_251 = arith.addi %mul3A_2, %scan3A_250 : i32
      %jit3A = arith.constant 3 : i32
      %eq3A = arith.constant 0 : i32
      %eq3A_252 = arith.cmpi eq, %jit3A, %eq3A : i32
      %jit3A_253 = arith.constant 1 : i32
      %select_n3A = arith.select %eq3A_252, %jit3A_253, %jit3A : i32
      %rem3A = arith.remsi %scan3A_250, %select_n3A : i32
      %ne3A = arith.constant 0 : i32
      %ne3A_254 = arith.cmpi ne, %rem3A, %ne3A : i32
      %lt3A = arith.constant 0 : i32
      %lt3A_255 = arith.cmpi slt, %rem3A, %lt3A : i32
      %lt3A_256 = arith.constant 0 : i32
      %lt3A_257 = arith.cmpi slt, %select_n3A, %lt3A_256 : i32
      %ne3A_258 = arith.xori %lt3A_255, %lt3A_257 : i1
      %and3A = arith.andi %ne3A_258, %ne3A_254 : i1
      %add3A_259 = arith.addi %rem3A, %select_n3A : i32
      %select_n3A_260 = arith.select %and3A, %add3A_259, %rem3A : i32
      %jit3A_261 = arith.constant 2 : i32
      %eq3A_262 = arith.constant 0 : i32
      %eq3A_263 = arith.cmpi eq, %jit3A_261, %eq3A_262 : i32
      %jit3A_264 = arith.constant 1 : i32
      %select_n3A_265 = arith.select %eq3A_263, %jit3A_264, %jit3A_261 : i32
      %rem3A_266 = arith.remsi %scan3A_250, %select_n3A_265 : i32
      %ne3A_267 = arith.constant 0 : i32
      %ne3A_268 = arith.cmpi ne, %rem3A_266, %ne3A_267 : i32
      %lt3A_269 = arith.constant 0 : i32
      %lt3A_270 = arith.cmpi slt, %rem3A_266, %lt3A_269 : i32
      %lt3A_271 = arith.constant 0 : i32
      %lt3A_272 = arith.cmpi slt, %select_n3A_265, %lt3A_271 : i32
      %ne3A_273 = arith.xori %lt3A_270, %lt3A_272 : i1
      %and3A_274 = arith.andi %ne3A_273, %ne3A_268 : i1
      %add3A_275 = arith.addi %rem3A_266, %select_n3A_265 : i32
      %select_n3A_276 = arith.select %and3A_274, %add3A_275, %rem3A_266 : i32
      %add3A_277 = arith.constant 1 : i32
      %add3A_278 = arith.addi %scan3A_250, %add3A_277 : i32
      %jit3A_279 = arith.constant 3 : i32
      %eq3A_280 = arith.constant 0 : i32
      %eq3A_281 = arith.cmpi eq, %jit3A_279, %eq3A_280 : i32
      %jit3A_282 = arith.constant 1 : i32
      %select_n3A_283 = arith.select %eq3A_281, %jit3A_282, %jit3A_279 : i32
      %rem3A_284 = arith.remsi %add3A_278, %select_n3A_283 : i32
      %ne3A_285 = arith.constant 0 : i32
      %ne3A_286 = arith.cmpi ne, %rem3A_284, %ne3A_285 : i32
      %lt3A_287 = arith.constant 0 : i32
      %lt3A_288 = arith.cmpi slt, %rem3A_284, %lt3A_287 : i32
      %lt3A_289 = arith.constant 0 : i32
      %lt3A_290 = arith.cmpi slt, %select_n3A_283, %lt3A_289 : i32
      %ne3A_291 = arith.xori %lt3A_288, %lt3A_290 : i1
      %and3A_292 = arith.andi %ne3A_291, %ne3A_286 : i1
      %add3A_293 = arith.addi %rem3A_284, %select_n3A_283 : i32
      %select_n3A_294 = arith.select %and3A_292, %add3A_293, %rem3A_284 : i32
      %add3A_295 = arith.constant 1 : i32
      %add3A_296 = arith.addi %scan3A_250, %add3A_295 : i32
      %jit3A_297 = arith.constant 2 : i32
      %eq3A_298 = arith.constant 0 : i32
      %eq3A_299 = arith.cmpi eq, %jit3A_297, %eq3A_298 : i32
      %jit3A_300 = arith.constant 1 : i32
      %select_n3A_301 = arith.select %eq3A_299, %jit3A_300, %jit3A_297 : i32
      %rem3A_302 = arith.remsi %add3A_296, %select_n3A_301 : i32
      %ne3A_303 = arith.constant 0 : i32
      %ne3A_304 = arith.cmpi ne, %rem3A_302, %ne3A_303 : i32
      %lt3A_305 = arith.constant 0 : i32
      %lt3A_306 = arith.cmpi slt, %rem3A_302, %lt3A_305 : i32
      %lt3A_307 = arith.constant 0 : i32
      %lt3A_308 = arith.cmpi slt, %select_n3A_301, %lt3A_307 : i32
      %ne3A_309 = arith.xori %lt3A_306, %lt3A_308 : i1
      %and3A_310 = arith.andi %ne3A_309, %ne3A_304 : i1
      %add3A_311 = arith.addi %rem3A_302, %select_n3A_301 : i32
      %select_n3A_312 = arith.select %and3A_310, %add3A_311, %rem3A_302 : i32
      %add3A_313 = arith.constant 2 : i32
      %add3A_314 = arith.addi %scan3A_250, %add3A_313 : i32
      %jit3A_315 = arith.constant 3 : i32
      %eq3A_316 = arith.constant 0 : i32
      %eq3A_317 = arith.cmpi eq, %jit3A_315, %eq3A_316 : i32
      %jit3A_318 = arith.constant 1 : i32
      %select_n3A_319 = arith.select %eq3A_317, %jit3A_318, %jit3A_315 : i32
      %rem3A_320 = arith.remsi %add3A_314, %select_n3A_319 : i32
      %ne3A_321 = arith.constant 0 : i32
      %ne3A_322 = arith.cmpi ne, %rem3A_320, %ne3A_321 : i32
      %lt3A_323 = arith.constant 0 : i32
      %lt3A_324 = arith.cmpi slt, %rem3A_320, %lt3A_323 : i32
      %lt3A_325 = arith.constant 0 : i32
      %lt3A_326 = arith.cmpi slt, %select_n3A_319, %lt3A_325 : i32
      %ne3A_327 = arith.xori %lt3A_324, %lt3A_326 : i1
      %and3A_328 = arith.andi %ne3A_327, %ne3A_322 : i1
      %add3A_329 = arith.addi %rem3A_320, %select_n3A_319 : i32
      %select_n3A_330 = arith.select %and3A_328, %add3A_329, %rem3A_320 : i32
      %add3A_331 = arith.constant 2 : i32
      %add3A_332 = arith.addi %scan3A_250, %add3A_331 : i32
      %lt3A_333 = arith.constant 680 : i32
      %lt3A_334 = arith.cmpi slt, %add3A_332, %lt3A_333 : i32
      %convert_element_type3A = arith.extui %lt3A_334 : i1 to i32
      %cond3A = arith.constant 0 : i32
      %cond3A_335 = arith.cmpi ne, %convert_element_type3A, %cond3A : i32
      scf.if %cond3A_335 {
        %add3A_619 = arith.constant 2 : i32
        %add3A_620 = arith.addi %add3A_251, %add3A_619 : i32
        %dma_start3A_621 = arith.constant 0 : i32
        %dma_start3A_622 = arith.constant 0 : i32
        %dma_start3A_623 = tpu.memref_slice %arg6[%select_n3A_330, %dma_start3A_621, %dma_start3A_622] : memref<3x4x128xi32, #tpu.memory_space<vmem>> -> memref<1x4x128xi32, #tpu.memory_space<vmem>>
        %dma_start3A_624 = tpu.memref_squeeze %dma_start3A_623 : memref<1x4x128xi32, #tpu.memory_space<vmem>> -> memref<4x128xi32, #tpu.memory_space<vmem>>
        %dma_start3A_625 = arith.constant 0 : i32
        %dma_start3A_626 = arith.constant 0 : i32
        %dma_start3A_627 = tpu.memref_slice %arg2[%dma_start3A_625, %add3A_620, %dma_start3A_626] : memref<4x21760x128xi32, #tpu.memory_space<hbm>> -> memref<4x1x128xi32, #tpu.memory_space<hbm>>
        %dma_start3A_628 = tpu.memref_squeeze %dma_start3A_627 : memref<4x1x128xi32, #tpu.memory_space<hbm>> -> memref<4x128xi32, #tpu.memory_space<hbm>>
        %dma_start3A_629 = tpu.memref_slice %arg10[%select_n3A_330] : memref<3x!tpu.dma_semaphore, #tpu.memory_space<semaphore_mem>> -> memref<1x!tpu.dma_semaphore, #tpu.memory_space<semaphore_mem>>
        %dma_start3A_630 = tpu.memref_squeeze %dma_start3A_629 : memref<1x!tpu.dma_semaphore, #tpu.memory_space<semaphore_mem>> -> memref<!tpu.dma_semaphore, #tpu.memory_space<semaphore_mem>>
        %dma_start3A_631 = arith.constant 0 : i32
        %dma_start3A_632 = arith.constant 0 : i32
        %dma_start3A_633 = tpu.memref_slice %arg6[%select_n3A_330, %dma_start3A_631, %dma_start3A_632] : memref<3x4x128xi32, #tpu.memory_space<vmem>> -> memref<1x4x128xi32, #tpu.memory_space<vmem>>
        %dma_start3A_634 = tpu.memref_squeeze %dma_start3A_633 : memref<1x4x128xi32, #tpu.memory_space<vmem>> -> memref<4x128xi32, #tpu.memory_space<vmem>>
        %dma_start3A_635 = arith.constant 0 : i32
        %dma_start3A_636 = arith.constant 0 : i32
        %dma_start3A_637 = tpu.memref_slice %arg2[%dma_start3A_635, %add3A_620, %dma_start3A_636] : memref<4x21760x128xi32, #tpu.memory_space<hbm>> -> memref<4x1x128xi32, #tpu.memory_space<hbm>>
        %dma_start3A_638 = tpu.memref_squeeze %dma_start3A_637 : memref<4x1x128xi32, #tpu.memory_space<hbm>> -> memref<4x128xi32, #tpu.memory_space<hbm>>
        tpu.enqueue_dma source(%dma_start3A_638 : memref<4x128xi32, #tpu.memory_space<hbm>>) target(%dma_start3A_634 : memref<4x128xi32, #tpu.memory_space<vmem>>) target_semaphore(%dma_start3A_630 : memref<!tpu.dma_semaphore, #tpu.memory_space<semaphore_mem>>)
        %dma_start3A_639 = arith.constant 0 : i32
        %dma_start3A_640 = arith.constant 0 : i32
        %dma_start3A_641 = tpu.memref_slice %arg7[%select_n3A_330, %dma_start3A_639, %dma_start3A_640] : memref<3x4x128xf32, #tpu.memory_space<vmem>> -> memref<1x4x128xf32, #tpu.memory_space<vmem>>
        %dma_start3A_642 = tpu.memref_squeeze %dma_start3A_641 : memref<1x4x128xf32, #tpu.memory_space<vmem>> -> memref<4x128xf32, #tpu.memory_space<vmem>>
        %dma_start3A_643 = arith.constant 0 : i32
        %dma_start3A_644 = arith.constant 0 : i32
        %dma_start3A_645 = tpu.memref_slice %arg3[%dma_start3A_643, %add3A_620, %dma_start3A_644] : memref<4x21760x128xf32, #tpu.memory_space<hbm>> -> memref<4x1x128xf32, #tpu.memory_space<hbm>>
        %dma_start3A_646 = tpu.memref_squeeze %dma_start3A_645 : memref<4x1x128xf32, #tpu.memory_space<hbm>> -> memref<4x128xf32, #tpu.memory_space<hbm>>
        %dma_start3A_647 = tpu.memref_slice %arg10[%select_n3A_330] : memref<3x!tpu.dma_semaphore, #tpu.memory_space<semaphore_mem>> -> memref<1x!tpu.dma_semaphore, #tpu.memory_space<semaphore_mem>>
        %dma_start3A_648 = tpu.memref_squeeze %dma_start3A_647 : memref<1x!tpu.dma_semaphore, #tpu.memory_space<semaphore_mem>> -> memref<!tpu.dma_semaphore, #tpu.memory_space<semaphore_mem>>
        %dma_start3A_649 = arith.constant 0 : i32
        %dma_start3A_650 = arith.constant 0 : i32
        %dma_start3A_651 = tpu.memref_slice %arg7[%select_n3A_330, %dma_start3A_649, %dma_start3A_650] : memref<3x4x128xf32, #tpu.memory_space<vmem>> -> memref<1x4x128xf32, #tpu.memory_space<vmem>>
        %dma_start3A_652 = tpu.memref_squeeze %dma_start3A_651 : memref<1x4x128xf32, #tpu.memory_space<vmem>> -> memref<4x128xf32, #tpu.memory_space<vmem>>
        %dma_start3A_653 = arith.constant 0 : i32
        %dma_start3A_654 = arith.constant 0 : i32
        %dma_start3A_655 = tpu.memref_slice %arg3[%dma_start3A_653, %add3A_620, %dma_start3A_654] : memref<4x21760x128xf32, #tpu.memory_space<hbm>> -> memref<4x1x128xf32, #tpu.memory_space<hbm>>
        %dma_start3A_656 = tpu.memref_squeeze %dma_start3A_655 : memref<4x1x128xf32, #tpu.memory_space<hbm>> -> memref<4x128xf32, #tpu.memory_space<hbm>>
        tpu.enqueue_dma source(%dma_start3A_656 : memref<4x128xf32, #tpu.memory_space<hbm>>) target(%dma_start3A_652 : memref<4x128xf32, #tpu.memory_space<vmem>>) target_semaphore(%dma_start3A_648 : memref<!tpu.dma_semaphore, #tpu.memory_space<semaphore_mem>>)
      } else {
      }
      %add3A_336 = arith.constant 1 : i32
      %add3A_337 = arith.addi %scan3A_250, %add3A_336 : i32
      %lt3A_338 = arith.constant 680 : i32
      %lt3A_339 = arith.cmpi slt, %add3A_337, %lt3A_338 : i32
      %convert_element_type3A_340 = arith.extui %lt3A_339 : i1 to i32
      %cond3A_341 = arith.constant 0 : i32
      %cond3A_342 = arith.cmpi ne, %convert_element_type3A_340, %cond3A_341 : i32
      scf.if %cond3A_342 {
        %dma_wait3A_619 = arith.constant 0 : i32
        %dma_wait3A_620 = arith.constant 0 : i32
        %dma_wait3A_621 = arith.constant 0 : i32
        %dma_wait3A_622 = tpu.memref_slice %arg6[%select_n3A_294, %dma_wait3A_620, %dma_wait3A_621] : memref<3x4x128xi32, #tpu.memory_space<vmem>> -> memref<1x4x128xi32, #tpu.memory_space<vmem>>
        %dma_wait3A_623 = tpu.memref_squeeze %dma_wait3A_622 : memref<1x4x128xi32, #tpu.memory_space<vmem>> -> memref<4x128xi32, #tpu.memory_space<vmem>>
        %dma_wait3A_624 = arith.constant 0 : i32
        %dma_wait3A_625 = arith.constant 0 : i32
        %dma_wait3A_626 = tpu.memref_slice %arg2[%dma_wait3A_624, %dma_wait3A_619, %dma_wait3A_625] : memref<4x21760x128xi32, #tpu.memory_space<hbm>> -> memref<4x1x128xi32, #tpu.memory_space<hbm>>
        %dma_wait3A_627 = tpu.memref_squeeze %dma_wait3A_626 : memref<4x1x128xi32, #tpu.memory_space<hbm>> -> memref<4x128xi32, #tpu.memory_space<hbm>>
        %dma_wait3A_628 = tpu.memref_slice %arg10[%select_n3A_294] : memref<3x!tpu.dma_semaphore, #tpu.memory_space<semaphore_mem>> -> memref<1x!tpu.dma_semaphore, #tpu.memory_space<semaphore_mem>>
        %dma_wait3A_629 = tpu.memref_squeeze %dma_wait3A_628 : memref<1x!tpu.dma_semaphore, #tpu.memory_space<semaphore_mem>> -> memref<!tpu.dma_semaphore, #tpu.memory_space<semaphore_mem>>
        %dma_wait3A_630 = arith.constant 0 : i32
        %dma_wait3A_631 = arith.constant 0 : i32
        %dma_wait3A_632 = tpu.memref_slice %arg6[%select_n3A_294, %dma_wait3A_630, %dma_wait3A_631] : memref<3x4x128xi32, #tpu.memory_space<vmem>> -> memref<1x4x128xi32, #tpu.memory_space<vmem>>
        %dma_wait3A_633 = tpu.memref_squeeze %dma_wait3A_632 : memref<1x4x128xi32, #tpu.memory_space<vmem>> -> memref<4x128xi32, #tpu.memory_space<vmem>>
        %dma_wait3A_634 = arith.constant 0 : i32
        %dma_wait3A_635 = arith.constant 0 : i32
        %dma_wait3A_636 = tpu.memref_slice %arg2[%dma_wait3A_634, %dma_wait3A_619, %dma_wait3A_635] : memref<4x21760x128xi32, #tpu.memory_space<hbm>> -> memref<4x1x128xi32, #tpu.memory_space<hbm>>
        %dma_wait3A_637 = tpu.memref_squeeze %dma_wait3A_636 : memref<4x1x128xi32, #tpu.memory_space<hbm>> -> memref<4x128xi32, #tpu.memory_space<hbm>>
        tpu.wait_dma2 semaphore(%dma_wait3A_629 : memref<!tpu.dma_semaphore, #tpu.memory_space<semaphore_mem>>) src(%dma_wait3A_637 : memref<4x128xi32, #tpu.memory_space<hbm>>) dst(%dma_wait3A_633 : memref<4x128xi32, #tpu.memory_space<vmem>>)
        %dma_wait3A_638 = arith.constant 0 : i32
        %dma_wait3A_639 = arith.constant 0 : i32
        %dma_wait3A_640 = arith.constant 0 : i32
        %dma_wait3A_641 = tpu.memref_slice %arg7[%select_n3A_294, %dma_wait3A_639, %dma_wait3A_640] : memref<3x4x128xf32, #tpu.memory_space<vmem>> -> memref<1x4x128xf32, #tpu.memory_space<vmem>>
        %dma_wait3A_642 = tpu.memref_squeeze %dma_wait3A_641 : memref<1x4x128xf32, #tpu.memory_space<vmem>> -> memref<4x128xf32, #tpu.memory_space<vmem>>
        %dma_wait3A_643 = arith.constant 0 : i32
        %dma_wait3A_644 = arith.constant 0 : i32
        %dma_wait3A_645 = tpu.memref_slice %arg3[%dma_wait3A_643, %dma_wait3A_638, %dma_wait3A_644] : memref<4x21760x128xf32, #tpu.memory_space<hbm>> -> memref<4x1x128xf32, #tpu.memory_space<hbm>>
        %dma_wait3A_646 = tpu.memref_squeeze %dma_wait3A_645 : memref<4x1x128xf32, #tpu.memory_space<hbm>> -> memref<4x128xf32, #tpu.memory_space<hbm>>
        %dma_wait3A_647 = tpu.memref_slice %arg10[%select_n3A_294] : memref<3x!tpu.dma_semaphore, #tpu.memory_space<semaphore_mem>> -> memref<1x!tpu.dma_semaphore, #tpu.memory_space<semaphore_mem>>
        %dma_wait3A_648 = tpu.memref_squeeze %dma_wait3A_647 : memref<1x!tpu.dma_semaphore, #tpu.memory_space<semaphore_mem>> -> memref<!tpu.dma_semaphore, #tpu.memory_space<semaphore_mem>>
        %dma_wait3A_649 = arith.constant 0 : i32
        %dma_wait3A_650 = arith.constant 0 : i32
        %dma_wait3A_651 = tpu.memref_slice %arg7[%select_n3A_294, %dma_wait3A_649, %dma_wait3A_650] : memref<3x4x128xf32, #tpu.memory_space<vmem>> -> memref<1x4x128xf32, #tpu.memory_space<vmem>>
        %dma_wait3A_652 = tpu.memref_squeeze %dma_wait3A_651 : memref<1x4x128xf32, #tpu.memory_space<vmem>> -> memref<4x128xf32, #tpu.memory_space<vmem>>
        %dma_wait3A_653 = arith.constant 0 : i32
        %dma_wait3A_654 = arith.constant 0 : i32
        %dma_wait3A_655 = tpu.memref_slice %arg3[%dma_wait3A_653, %dma_wait3A_638, %dma_wait3A_654] : memref<4x21760x128xf32, #tpu.memory_space<hbm>> -> memref<4x1x128xf32, #tpu.memory_space<hbm>>
        %dma_wait3A_656 = tpu.memref_squeeze %dma_wait3A_655 : memref<4x1x128xf32, #tpu.memory_space<hbm>> -> memref<4x128xf32, #tpu.memory_space<hbm>>
        tpu.wait_dma2 semaphore(%dma_wait3A_648 : memref<!tpu.dma_semaphore, #tpu.memory_space<semaphore_mem>>) src(%dma_wait3A_656 : memref<4x128xf32, #tpu.memory_space<hbm>>) dst(%dma_wait3A_652 : memref<4x128xf32, #tpu.memory_space<vmem>>)
        %mul3A_657 = arith.constant 512 : i32
        %mul3A_658 = arith.muli %select_n3A_312, %mul3A_657 : i32
        %add3A_659 = arith.constant 0 : i32
        %add3A_660 = arith.addi %mul3A_658, %add3A_659 : i32
        %dma_start3A_661 = arith.constant 0 : i32
        %dma_start3A_662 = arith.constant 0 : i32
        %dma_start3A_663 = tpu.memref_slice %arg8[%add3A_660, %dma_start3A_662] : memref<1024x16xi32, #tpu.memory_space<vmem>> -> memref<128x16xi32, #tpu.memory_space<vmem>>
        %dma_start3A_664 = arith.constant 0 : i32
        %dma_start3A_665 = tpu.memref_slice %arg6[%select_n3A_294, %dma_start3A_661, %dma_start3A_664] : memref<3x4x128xi32, #tpu.memory_space<vmem>> -> memref<1x1x128xi32, #tpu.memory_space<vmem>>
        %dma_start3A_666 = tpu.memref_squeeze %dma_start3A_665 : memref<1x1x128xi32, #tpu.memory_space<vmem>> -> memref<128xi32, #tpu.memory_space<vmem>>
        %dma_start3A_667 = arith.constant 0 : i32
        %dma_start3A_668 = arith.constant 0 : i32
        %dma_start3A_669 = tpu.memref_slice %arg4[%dma_start3A_667, %dma_start3A_668] : memref<174080x16xi32, #tpu.memory_space<hbm>> -> memref<174080x16xi32, #tpu.memory_space<hbm>>
        %dma_start3A_670 = tpu.memref_slice %arg11[%select_n3A_312] : memref<2x!tpu.dma_semaphore, #tpu.memory_space<semaphore_mem>> -> memref<1x!tpu.dma_semaphore, #tpu.memory_space<semaphore_mem>>
        %dma_start3A_671 = tpu.memref_squeeze %dma_start3A_670 : memref<1x!tpu.dma_semaphore, #tpu.memory_space<semaphore_mem>> -> memref<!tpu.dma_semaphore, #tpu.memory_space<semaphore_mem>>
        tpu.enqueue_indirect_dma source(%dma_start3A_669 : memref<174080x16xi32, #tpu.memory_space<hbm>>) target(%dma_start3A_663 : memref<128x16xi32, #tpu.memory_space<vmem>>) offsets(%dma_start3A_666 : memref<128xi32, #tpu.memory_space<vmem>>) semaphore(%dma_start3A_671 : memref<!tpu.dma_semaphore, #tpu.memory_space<semaphore_mem>>)
        %mul3A_672 = arith.constant 512 : i32
        %mul3A_673 = arith.muli %select_n3A_312, %mul3A_672 : i32
        %add3A_674 = arith.constant 128 : i32
        %add3A_675 = arith.addi %mul3A_673, %add3A_674 : i32
        %dma_start3A_676 = arith.constant 1 : i32
        %dma_start3A_677 = arith.constant 0 : i32
        %dma_start3A_678 = tpu.memref_slice %arg8[%add3A_675, %dma_start3A_677] : memref<1024x16xi32, #tpu.memory_space<vmem>> -> memref<128x16xi32, #tpu.memory_space<vmem>>
        %dma_start3A_679 = arith.constant 0 : i32
        %dma_start3A_680 = tpu.memref_slice %arg6[%select_n3A_294, %dma_start3A_676, %dma_start3A_679] : memref<3x4x128xi32, #tpu.memory_space<vmem>> -> memref<1x1x128xi32, #tpu.memory_space<vmem>>
        %dma_start3A_681 = tpu.memref_squeeze %dma_start3A_680 : memref<1x1x128xi32, #tpu.memory_space<vmem>> -> memref<128xi32, #tpu.memory_space<vmem>>
        %dma_start3A_682 = arith.constant 0 : i32
        %dma_start3A_683 = arith.constant 0 : i32
        %dma_start3A_684 = tpu.memref_slice %arg4[%dma_start3A_682, %dma_start3A_683] : memref<174080x16xi32, #tpu.memory_space<hbm>> -> memref<174080x16xi32, #tpu.memory_space<hbm>>
        %dma_start3A_685 = tpu.memref_slice %arg11[%select_n3A_312] : memref<2x!tpu.dma_semaphore, #tpu.memory_space<semaphore_mem>> -> memref<1x!tpu.dma_semaphore, #tpu.memory_space<semaphore_mem>>
        %dma_start3A_686 = tpu.memref_squeeze %dma_start3A_685 : memref<1x!tpu.dma_semaphore, #tpu.memory_space<semaphore_mem>> -> memref<!tpu.dma_semaphore, #tpu.memory_space<semaphore_mem>>
        tpu.enqueue_indirect_dma source(%dma_start3A_684 : memref<174080x16xi32, #tpu.memory_space<hbm>>) target(%dma_start3A_678 : memref<128x16xi32, #tpu.memory_space<vmem>>) offsets(%dma_start3A_681 : memref<128xi32, #tpu.memory_space<vmem>>) semaphore(%dma_start3A_686 : memref<!tpu.dma_semaphore, #tpu.memory_space<semaphore_mem>>)
        %mul3A_687 = arith.constant 512 : i32
        %mul3A_688 = arith.muli %select_n3A_312, %mul3A_687 : i32
        %add3A_689 = arith.constant 256 : i32
        %add3A_690 = arith.addi %mul3A_688, %add3A_689 : i32
        %dma_start3A_691 = arith.constant 2 : i32
        %dma_start3A_692 = arith.constant 0 : i32
        %dma_start3A_693 = tpu.memref_slice %arg8[%add3A_690, %dma_start3A_692] : memref<1024x16xi32, #tpu.memory_space<vmem>> -> memref<128x16xi32, #tpu.memory_space<vmem>>
        %dma_start3A_694 = arith.constant 0 : i32
        %dma_start3A_695 = tpu.memref_slice %arg6[%select_n3A_294, %dma_start3A_691, %dma_start3A_694] : memref<3x4x128xi32, #tpu.memory_space<vmem>> -> memref<1x1x128xi32, #tpu.memory_space<vmem>>
        %dma_start3A_696 = tpu.memref_squeeze %dma_start3A_695 : memref<1x1x128xi32, #tpu.memory_space<vmem>> -> memref<128xi32, #tpu.memory_space<vmem>>
        %dma_start3A_697 = arith.constant 0 : i32
        %dma_start3A_698 = arith.constant 0 : i32
        %dma_start3A_699 = tpu.memref_slice %arg4[%dma_start3A_697, %dma_start3A_698] : memref<174080x16xi32, #tpu.memory_space<hbm>> -> memref<174080x16xi32, #tpu.memory_space<hbm>>
        %dma_start3A_700 = tpu.memref_slice %arg11[%select_n3A_312] : memref<2x!tpu.dma_semaphore, #tpu.memory_space<semaphore_mem>> -> memref<1x!tpu.dma_semaphore, #tpu.memory_space<semaphore_mem>>
        %dma_start3A_701 = tpu.memref_squeeze %dma_start3A_700 : memref<1x!tpu.dma_semaphore, #tpu.memory_space<semaphore_mem>> -> memref<!tpu.dma_semaphore, #tpu.memory_space<semaphore_mem>>
        tpu.enqueue_indirect_dma source(%dma_start3A_699 : memref<174080x16xi32, #tpu.memory_space<hbm>>) target(%dma_start3A_693 : memref<128x16xi32, #tpu.memory_space<vmem>>) offsets(%dma_start3A_696 : memref<128xi32, #tpu.memory_space<vmem>>) semaphore(%dma_start3A_701 : memref<!tpu.dma_semaphore, #tpu.memory_space<semaphore_mem>>)
        %mul3A_702 = arith.constant 512 : i32
        %mul3A_703 = arith.muli %select_n3A_312, %mul3A_702 : i32
        %add3A_704 = arith.constant 384 : i32
        %add3A_705 = arith.addi %mul3A_703, %add3A_704 : i32
        %dma_start3A_706 = arith.constant 3 : i32
        %dma_start3A_707 = arith.constant 0 : i32
        %dma_start3A_708 = tpu.memref_slice %arg8[%add3A_705, %dma_start3A_707] : memref<1024x16xi32, #tpu.memory_space<vmem>> -> memref<128x16xi32, #tpu.memory_space<vmem>>
        %dma_start3A_709 = arith.constant 0 : i32
        %dma_start3A_710 = tpu.memref_slice %arg6[%select_n3A_294, %dma_start3A_706, %dma_start3A_709] : memref<3x4x128xi32, #tpu.memory_space<vmem>> -> memref<1x1x128xi32, #tpu.memory_space<vmem>>
        %dma_start3A_711 = tpu.memref_squeeze %dma_start3A_710 : memref<1x1x128xi32, #tpu.memory_space<vmem>> -> memref<128xi32, #tpu.memory_space<vmem>>
        %dma_start3A_712 = arith.constant 0 : i32
        %dma_start3A_713 = arith.constant 0 : i32
        %dma_start3A_714 = tpu.memref_slice %arg4[%dma_start3A_712, %dma_start3A_713] : memref<174080x16xi32, #tpu.memory_space<hbm>> -> memref<174080x16xi32, #tpu.memory_space<hbm>>
        %dma_start3A_715 = tpu.memref_slice %arg11[%select_n3A_312] : memref<2x!tpu.dma_semaphore, #tpu.memory_space<semaphore_mem>> -> memref<1x!tpu.dma_semaphore, #tpu.memory_space<semaphore_mem>>
        %dma_start3A_716 = tpu.memref_squeeze %dma_start3A_715 : memref<1x!tpu.dma_semaphore, #tpu.memory_space<semaphore_mem>> -> memref<!tpu.dma_semaphore, #tpu.memory_space<semaphore_mem>>
        tpu.enqueue_indirect_dma source(%dma_start3A_714 : memref<174080x16xi32, #tpu.memory_space<hbm>>) target(%dma_start3A_708 : memref<128x16xi32, #tpu.memory_space<vmem>>) offsets(%dma_start3A_711 : memref<128xi32, #tpu.memory_space<vmem>>) semaphore(%dma_start3A_716 : memref<!tpu.dma_semaphore, #tpu.memory_space<semaphore_mem>>)
      } else {
      }
      %mul3A_343 = arith.constant 512 : i32
      %mul3A_344 = arith.muli %select_n3A_276, %mul3A_343 : i32
      %add3A_345 = arith.constant 0 : i32
      %add3A_346 = arith.addi %mul3A_344, %add3A_345 : i32
      %dma_wait3A_347 = arith.constant 0 : i32
      %dma_wait3A_348 = arith.constant 0 : i32
      %dma_wait3A_349 = arith.constant 0 : i32
      %dma_wait3A_350 = tpu.memref_slice %arg8[%add3A_346, %dma_wait3A_349] : memref<1024x16xi32, #tpu.memory_space<vmem>> -> memref<128x16xi32, #tpu.memory_space<vmem>>
      %dma_wait3A_351 = arith.constant 0 : i32
      %dma_wait3A_352 = tpu.memref_slice %arg6[%dma_wait3A_347, %dma_wait3A_348, %dma_wait3A_351] : memref<3x4x128xi32, #tpu.memory_space<vmem>> -> memref<1x1x128xi32, #tpu.memory_space<vmem>>
      %dma_wait3A_353 = tpu.memref_squeeze %dma_wait3A_352 : memref<1x1x128xi32, #tpu.memory_space<vmem>> -> memref<128xi32, #tpu.memory_space<vmem>>
      %dma_wait3A_354 = arith.constant 0 : i32
      %dma_wait3A_355 = arith.constant 0 : i32
      %dma_wait3A_356 = tpu.memref_slice %arg4[%dma_wait3A_354, %dma_wait3A_355] : memref<174080x16xi32, #tpu.memory_space<hbm>> -> memref<174080x16xi32, #tpu.memory_space<hbm>>
      %dma_wait3A_357 = tpu.memref_slice %arg11[%select_n3A_276] : memref<2x!tpu.dma_semaphore, #tpu.memory_space<semaphore_mem>> -> memref<1x!tpu.dma_semaphore, #tpu.memory_space<semaphore_mem>>
      %dma_wait3A_358 = tpu.memref_squeeze %dma_wait3A_357 : memref<1x!tpu.dma_semaphore, #tpu.memory_space<semaphore_mem>> -> memref<!tpu.dma_semaphore, #tpu.memory_space<semaphore_mem>>
      tpu.wait_indirect_dma semaphore(%dma_wait3A_358 : memref<!tpu.dma_semaphore, #tpu.memory_space<semaphore_mem>>) src(%dma_wait3A_356 : memref<174080x16xi32, #tpu.memory_space<hbm>>) dst(%dma_wait3A_350 : memref<128x16xi32, #tpu.memory_space<vmem>>)
      %mul3A_359 = arith.constant 512 : i32
      %mul3A_360 = arith.muli %select_n3A_276, %mul3A_359 : i32
      %add3A_361 = arith.constant 128 : i32
      %add3A_362 = arith.addi %mul3A_360, %add3A_361 : i32
      %dma_wait3A_363 = arith.constant 0 : i32
      %dma_wait3A_364 = arith.constant 1 : i32
      %dma_wait3A_365 = arith.constant 0 : i32
      %dma_wait3A_366 = tpu.memref_slice %arg8[%add3A_362, %dma_wait3A_365] : memref<1024x16xi32, #tpu.memory_space<vmem>> -> memref<128x16xi32, #tpu.memory_space<vmem>>
      %dma_wait3A_367 = arith.constant 0 : i32
      %dma_wait3A_368 = tpu.memref_slice %arg6[%dma_wait3A_363, %dma_wait3A_364, %dma_wait3A_367] : memref<3x4x128xi32, #tpu.memory_space<vmem>> -> memref<1x1x128xi32, #tpu.memory_space<vmem>>
      %dma_wait3A_369 = tpu.memref_squeeze %dma_wait3A_368 : memref<1x1x128xi32, #tpu.memory_space<vmem>> -> memref<128xi32, #tpu.memory_space<vmem>>
      %dma_wait3A_370 = arith.constant 0 : i32
      %dma_wait3A_371 = arith.constant 0 : i32
      %dma_wait3A_372 = tpu.memref_slice %arg4[%dma_wait3A_370, %dma_wait3A_371] : memref<174080x16xi32, #tpu.memory_space<hbm>> -> memref<174080x16xi32, #tpu.memory_space<hbm>>
      %dma_wait3A_373 = tpu.memref_slice %arg11[%select_n3A_276] : memref<2x!tpu.dma_semaphore, #tpu.memory_space<semaphore_mem>> -> memref<1x!tpu.dma_semaphore, #tpu.memory_space<semaphore_mem>>
      %dma_wait3A_374 = tpu.memref_squeeze %dma_wait3A_373 : memref<1x!tpu.dma_semaphore, #tpu.memory_space<semaphore_mem>> -> memref<!tpu.dma_semaphore, #tpu.memory_space<semaphore_mem>>
      tpu.wait_indirect_dma semaphore(%dma_wait3A_374 : memref<!tpu.dma_semaphore, #tpu.memory_space<semaphore_mem>>) src(%dma_wait3A_372 : memref<174080x16xi32, #tpu.memory_space<hbm>>) dst(%dma_wait3A_366 : memref<128x16xi32, #tpu.memory_space<vmem>>)
      %mul3A_375 = arith.constant 512 : i32
      %mul3A_376 = arith.muli %select_n3A_276, %mul3A_375 : i32
      %add3A_377 = arith.constant 256 : i32
      %add3A_378 = arith.addi %mul3A_376, %add3A_377 : i32
      %dma_wait3A_379 = arith.constant 0 : i32
      %dma_wait3A_380 = arith.constant 2 : i32
      %dma_wait3A_381 = arith.constant 0 : i32
      %dma_wait3A_382 = tpu.memref_slice %arg8[%add3A_378, %dma_wait3A_381] : memref<1024x16xi32, #tpu.memory_space<vmem>> -> memref<128x16xi32, #tpu.memory_space<vmem>>
      %dma_wait3A_383 = arith.constant 0 : i32
      %dma_wait3A_384 = tpu.memref_slice %arg6[%dma_wait3A_379, %dma_wait3A_380, %dma_wait3A_383] : memref<3x4x128xi32, #tpu.memory_space<vmem>> -> memref<1x1x128xi32, #tpu.memory_space<vmem>>
      %dma_wait3A_385 = tpu.memref_squeeze %dma_wait3A_384 : memref<1x1x128xi32, #tpu.memory_space<vmem>> -> memref<128xi32, #tpu.memory_space<vmem>>
      %dma_wait3A_386 = arith.constant 0 : i32
      %dma_wait3A_387 = arith.constant 0 : i32
      %dma_wait3A_388 = tpu.memref_slice %arg4[%dma_wait3A_386, %dma_wait3A_387] : memref<174080x16xi32, #tpu.memory_space<hbm>> -> memref<174080x16xi32, #tpu.memory_space<hbm>>
      %dma_wait3A_389 = tpu.memref_slice %arg11[%select_n3A_276] : memref<2x!tpu.dma_semaphore, #tpu.memory_space<semaphore_mem>> -> memref<1x!tpu.dma_semaphore, #tpu.memory_space<semaphore_mem>>
      %dma_wait3A_390 = tpu.memref_squeeze %dma_wait3A_389 : memref<1x!tpu.dma_semaphore, #tpu.memory_space<semaphore_mem>> -> memref<!tpu.dma_semaphore, #tpu.memory_space<semaphore_mem>>
      tpu.wait_indirect_dma semaphore(%dma_wait3A_390 : memref<!tpu.dma_semaphore, #tpu.memory_space<semaphore_mem>>) src(%dma_wait3A_388 : memref<174080x16xi32, #tpu.memory_space<hbm>>) dst(%dma_wait3A_382 : memref<128x16xi32, #tpu.memory_space<vmem>>)
      %mul3A_391 = arith.constant 512 : i32
      %mul3A_392 = arith.muli %select_n3A_276, %mul3A_391 : i32
      %add3A_393 = arith.constant 384 : i32
      %add3A_394 = arith.addi %mul3A_392, %add3A_393 : i32
      %dma_wait3A_395 = arith.constant 0 : i32
      %dma_wait3A_396 = arith.constant 3 : i32
      %dma_wait3A_397 = arith.constant 0 : i32
      %dma_wait3A_398 = tpu.memref_slice %arg8[%add3A_394, %dma_wait3A_397] : memref<1024x16xi32, #tpu.memory_space<vmem>> -> memref<128x16xi32, #tpu.memory_space<vmem>>
      %dma_wait3A_399 = arith.constant 0 : i32
      %dma_wait3A_400 = tpu.memref_slice %arg6[%dma_wait3A_395, %dma_wait3A_396, %dma_wait3A_399] : memref<3x4x128xi32, #tpu.memory_space<vmem>> -> memref<1x1x128xi32, #tpu.memory_space<vmem>>
      %dma_wait3A_401 = tpu.memref_squeeze %dma_wait3A_400 : memref<1x1x128xi32, #tpu.memory_space<vmem>> -> memref<128xi32, #tpu.memory_space<vmem>>
      %dma_wait3A_402 = arith.constant 0 : i32
      %dma_wait3A_403 = arith.constant 0 : i32
      %dma_wait3A_404 = tpu.memref_slice %arg4[%dma_wait3A_402, %dma_wait3A_403] : memref<174080x16xi32, #tpu.memory_space<hbm>> -> memref<174080x16xi32, #tpu.memory_space<hbm>>
      %dma_wait3A_405 = tpu.memref_slice %arg11[%select_n3A_276] : memref<2x!tpu.dma_semaphore, #tpu.memory_space<semaphore_mem>> -> memref<1x!tpu.dma_semaphore, #tpu.memory_space<semaphore_mem>>
      %dma_wait3A_406 = tpu.memref_squeeze %dma_wait3A_405 : memref<1x!tpu.dma_semaphore, #tpu.memory_space<semaphore_mem>> -> memref<!tpu.dma_semaphore, #tpu.memory_space<semaphore_mem>>
      tpu.wait_indirect_dma semaphore(%dma_wait3A_406 : memref<!tpu.dma_semaphore, #tpu.memory_space<semaphore_mem>>) src(%dma_wait3A_404 : memref<174080x16xi32, #tpu.memory_space<hbm>>) dst(%dma_wait3A_398 : memref<128x16xi32, #tpu.memory_space<vmem>>)
      %ge3A = arith.constant 2 : i32
      %ge3A_407 = arith.cmpi sge, %scan3A_250, %ge3A : i32
      %convert_element_type3A_408 = arith.extui %ge3A_407 : i1 to i32
      %cond3A_409 = arith.constant 0 : i32
      %cond3A_410 = arith.cmpi ne, %convert_element_type3A_408, %cond3A_409 : i32
      scf.if %cond3A_410 {
        %mul3A_619 = arith.constant 256 : i32
        %mul3A_620 = arith.muli %select_n3A_276, %mul3A_619 : i32
        %add3A_621 = arith.constant 0 : i32
        %add3A_622 = arith.addi %mul3A_620, %add3A_621 : i32
        %dma_wait3A_623 = arith.constant 0 : i32
        %dma_wait3A_624 = tpu.memref_slice %arg9[%add3A_622] : memref<512xf32, #tpu.memory_space<vmem>> -> memref<128xf32, #tpu.memory_space<vmem>>
        %dma_wait3A_625 = arith.constant 0 : i32
        %dma_wait3A_626 = tpu.memref_slice %arg5[%dma_wait3A_623, %add3A_251, %dma_wait3A_625] : memref<2x21760x128xf32, #tpu.memory_space<hbm>> -> memref<1x1x128xf32, #tpu.memory_space<hbm>>
        %dma_wait3A_627 = tpu.memref_squeeze %dma_wait3A_626 : memref<1x1x128xf32, #tpu.memory_space<hbm>> -> memref<128xf32, #tpu.memory_space<hbm>>
        %dma_wait3A_628 = tpu.memref_slice %arg12[%select_n3A_276] : memref<2x!tpu.dma_semaphore, #tpu.memory_space<semaphore_mem>> -> memref<1x!tpu.dma_semaphore, #tpu.memory_space<semaphore_mem>>
        %dma_wait3A_629 = tpu.memref_squeeze %dma_wait3A_628 : memref<1x!tpu.dma_semaphore, #tpu.memory_space<semaphore_mem>> -> memref<!tpu.dma_semaphore, #tpu.memory_space<semaphore_mem>>
        %dma_wait3A_630 = arith.constant 0 : i32
        %dma_wait3A_631 = tpu.memref_slice %arg5[%dma_wait3A_623, %add3A_251, %dma_wait3A_630] : memref<2x21760x128xf32, #tpu.memory_space<hbm>> -> memref<1x1x128xf32, #tpu.memory_space<hbm>>
        %dma_wait3A_632 = tpu.memref_squeeze %dma_wait3A_631 : memref<1x1x128xf32, #tpu.memory_space<hbm>> -> memref<128xf32, #tpu.memory_space<hbm>>
        %dma_wait3A_633 = tpu.memref_slice %arg9[%add3A_622] : memref<512xf32, #tpu.memory_space<vmem>> -> memref<128xf32, #tpu.memory_space<vmem>>
        tpu.wait_dma2 semaphore(%dma_wait3A_629 : memref<!tpu.dma_semaphore, #tpu.memory_space<semaphore_mem>>) src(%dma_wait3A_633 : memref<128xf32, #tpu.memory_space<vmem>>) dst(%dma_wait3A_632 : memref<128xf32, #tpu.memory_space<hbm>>)
        %mul3A_634 = arith.constant 256 : i32
        %mul3A_635 = arith.muli %select_n3A_276, %mul3A_634 : i32
        %add3A_636 = arith.constant 128 : i32
        %add3A_637 = arith.addi %mul3A_635, %add3A_636 : i32
        %dma_wait3A_638 = arith.constant 1 : i32
        %dma_wait3A_639 = tpu.memref_slice %arg9[%add3A_637] : memref<512xf32, #tpu.memory_space<vmem>> -> memref<128xf32, #tpu.memory_space<vmem>>
        %dma_wait3A_640 = arith.constant 0 : i32
        %dma_wait3A_641 = tpu.memref_slice %arg5[%dma_wait3A_638, %add3A_251, %dma_wait3A_640] : memref<2x21760x128xf32, #tpu.memory_space<hbm>> -> memref<1x1x128xf32, #tpu.memory_space<hbm>>
        %dma_wait3A_642 = tpu.memref_squeeze %dma_wait3A_641 : memref<1x1x128xf32, #tpu.memory_space<hbm>> -> memref<128xf32, #tpu.memory_space<hbm>>
        %dma_wait3A_643 = tpu.memref_slice %arg12[%select_n3A_276] : memref<2x!tpu.dma_semaphore, #tpu.memory_space<semaphore_mem>> -> memref<1x!tpu.dma_semaphore, #tpu.memory_space<semaphore_mem>>
        %dma_wait3A_644 = tpu.memref_squeeze %dma_wait3A_643 : memref<1x!tpu.dma_semaphore, #tpu.memory_space<semaphore_mem>> -> memref<!tpu.dma_semaphore, #tpu.memory_space<semaphore_mem>>
        %dma_wait3A_645 = arith.constant 0 : i32
        %dma_wait3A_646 = tpu.memref_slice %arg5[%dma_wait3A_638, %add3A_251, %dma_wait3A_645] : memref<2x21760x128xf32, #tpu.memory_space<hbm>> -> memref<1x1x128xf32, #tpu.memory_space<hbm>>
        %dma_wait3A_647 = tpu.memref_squeeze %dma_wait3A_646 : memref<1x1x128xf32, #tpu.memory_space<hbm>> -> memref<128xf32, #tpu.memory_space<hbm>>
        %dma_wait3A_648 = tpu.memref_slice %arg9[%add3A_637] : memref<512xf32, #tpu.memory_space<vmem>> -> memref<128xf32, #tpu.memory_space<vmem>>
        tpu.wait_dma2 semaphore(%dma_wait3A_644 : memref<!tpu.dma_semaphore, #tpu.memory_space<semaphore_mem>>) src(%dma_wait3A_648 : memref<128xf32, #tpu.memory_space<vmem>>) dst(%dma_wait3A_647 : memref<128xf32, #tpu.memory_space<hbm>>)
      } else {
      }
      %mul3A_411 = arith.constant 512 : i32
      %mul3A_412 = arith.muli %select_n3A_260, %mul3A_411 : i32
      %mul3A_413 = arith.constant 512 : i32
      %mul3A_414 = arith.muli %select_n3A_276, %mul3A_413 : i32
      %broadcast_in_dim3A = arith.constant 0.000000e+00 : f32
      %broadcast_in_dim3A_415 = vector.broadcast %broadcast_in_dim3A : f32 to vector<16xf32>
      %scan3A_416 = arith.constant 0 : i32
      %scan3A_417 = arith.constant 64 : i32
      %scan3A_418 = arith.addi %scan3A_416, %scan3A_417 : i32
      %scan3A_419 = arith.constant 4 : i32
      %scan3A_420:2 = scf.for %scan3A_619 = %scan3A_416 to %scan3A_418 step %scan3A_419 iter_args(%scan3A_620 = %broadcast_in_dim3A_415, %scan3A_621 = %broadcast_in_dim3A_415) -> (vector<16xf32>, vector<16xf32>)  : i32 {
        %shift_right_arithmetic3A = arith.constant 4 : i32
        %shift_right_arithmetic3A_622 = arith.shrsi %scan3A_619, %shift_right_arithmetic3A : i32
        %shift_left3A = arith.constant 7 : i32
        %shift_left3A_623 = arith.shli %shift_right_arithmetic3A_622, %shift_left3A : i32
        %or3A = arith.constant 0 : i32
        %or3A_624 = arith.ori %shift_left3A_623, %or3A : i32
        %and3A_625 = arith.constant 15 : i32
        %and3A_626 = arith.andi %scan3A_619, %and3A_625 : i32
        %or3A_627 = arith.ori %or3A_624, %and3A_626 : i32
        %broadcast_in_dim3A_628 = vector.broadcast %select_n3A_260 : i32 to vector<16xi32>
        %shift_right_arithmetic3A_629 = arith.constant 4 : i32
        %shift_right_arithmetic3A_630 = arith.shrsi %scan3A_619, %shift_right_arithmetic3A_629 : i32
        %broadcast_in_dim3A_631 = vector.broadcast %shift_right_arithmetic3A_630 : i32 to vector<16xi32>
        %and3A_632 = arith.constant 15 : i32
        %and3A_633 = arith.andi %scan3A_619, %and3A_632 : i32
        %or3A_634 = arith.constant 0 : i32
        %or3A_635 = arith.ori %or3A_634, %and3A_633 : i32
        %broadcast_in_dim3A_636 = vector.broadcast %or3A_635 : i32 to vector<16xi32>
        %gather3A = tpu.vector_load_idx %arg7[%broadcast_in_dim3A_628, %broadcast_in_dim3A_631, %broadcast_in_dim3A_636] : memref<3x4x128xf32, #tpu.memory_space<vmem>>[vector<16xi32>, vector<16xi32>, vector<16xi32>], vector<16xf32>,
        %add3A_637 = arith.addi %mul3A_414, %or3A_627 : i32
        %broadcast_in_dim3A_638 = vector.broadcast %add3A_637 : i32 to vector<16xi32>
        %gather3A_639 = tpu.vector_load_idx %arg8[%broadcast_in_dim3A_638, %iota3A] : memref<1024x16xi32, #tpu.memory_space<vmem>>[vector<16xi32>, vector<16xi32>], vector<16xi32>,
        %shift_left3A_640 = arith.constant 16 : i32
        %shift_left3A_641 = vector.broadcast %shift_left3A_640 : i32 to vector<16xi32>
        %shift_left3A_642 = arith.shli %gather3A_639, %shift_left3A_641 : vector<16xi32>
        %bitcast3A = vector.bitcast %shift_left3A_642 : vector<16xi32> to vector<16xf32>
        %and3A_643 = arith.constant -65536 : i32
        %and3A_644 = vector.broadcast %and3A_643 : i32 to vector<16xi32>
        %and3A_645 = arith.andi %gather3A_639, %and3A_644 : vector<16xi32>
        %bitcast3A_646 = vector.bitcast %and3A_645 : vector<16xi32> to vector<16xf32>
        %mul3A_647 = arith.mulf %gather3A, %bitcast3A : vector<16xf32>
        %add3A_648 = arith.addf %scan3A_620, %mul3A_647 : vector<16xf32>
        %mul3A_649 = arith.mulf %gather3A, %bitcast3A_646 : vector<16xf32>
        %add3A_650 = arith.addf %scan3A_621, %mul3A_649 : vector<16xf32>
        %scan3A_651 = arith.constant 1 : i32
        %scan3A_652 = arith.addi %scan3A_619, %scan3A_651 : i32
        %shift_right_arithmetic3A_653 = arith.constant 4 : i32
        %shift_right_arithmetic3A_654 = arith.shrsi %scan3A_652, %shift_right_arithmetic3A_653 : i32
        %shift_left3A_655 = arith.constant 7 : i32
        %shift_left3A_656 = arith.shli %shift_right_arithmetic3A_654, %shift_left3A_655 : i32
        %or3A_657 = arith.constant 0 : i32
        %or3A_658 = arith.ori %shift_left3A_656, %or3A_657 : i32
        %and3A_659 = arith.constant 15 : i32
        %and3A_660 = arith.andi %scan3A_652, %and3A_659 : i32
        %or3A_661 = arith.ori %or3A_658, %and3A_660 : i32
        %broadcast_in_dim3A_662 = vector.broadcast %select_n3A_260 : i32 to vector<16xi32>
        %shift_right_arithmetic3A_663 = arith.constant 4 : i32
        %shift_right_arithmetic3A_664 = arith.shrsi %scan3A_652, %shift_right_arithmetic3A_663 : i32
        %broadcast_in_dim3A_665 = vector.broadcast %shift_right_arithmetic3A_664 : i32 to vector<16xi32>
        %and3A_666 = arith.constant 15 : i32
        %and3A_667 = arith.andi %scan3A_652, %and3A_666 : i32
        %or3A_668 = arith.constant 0 : i32
        %or3A_669 = arith.ori %or3A_668, %and3A_667 : i32
        %broadcast_in_dim3A_670 = vector.broadcast %or3A_669 : i32 to vector<16xi32>
        %gather3A_671 = tpu.vector_load_idx %arg7[%broadcast_in_dim3A_662, %broadcast_in_dim3A_665, %broadcast_in_dim3A_670] : memref<3x4x128xf32, #tpu.memory_space<vmem>>[vector<16xi32>, vector<16xi32>, vector<16xi32>], vector<16xf32>,
        %add3A_672 = arith.addi %mul3A_414, %or3A_661 : i32
        %broadcast_in_dim3A_673 = vector.broadcast %add3A_672 : i32 to vector<16xi32>
        %gather3A_674 = tpu.vector_load_idx %arg8[%broadcast_in_dim3A_673, %iota3A] : memref<1024x16xi32, #tpu.memory_space<vmem>>[vector<16xi32>, vector<16xi32>], vector<16xi32>,
        %shift_left3A_675 = arith.constant 16 : i32
        %shift_left3A_676 = vector.broadcast %shift_left3A_675 : i32 to vector<16xi32>
        %shift_left3A_677 = arith.shli %gather3A_674, %shift_left3A_676 : vector<16xi32>
        %bitcast3A_678 = vector.bitcast %shift_left3A_677 : vector<16xi32> to vector<16xf32>
        %and3A_679 = arith.constant -65536 : i32
        %and3A_680 = vector.broadcast %and3A_679 : i32 to vector<16xi32>
        %and3A_681 = arith.andi %gather3A_674, %and3A_680 : vector<16xi32>
        %bitcast3A_682 = vector.bitcast %and3A_681 : vector<16xi32> to vector<16xf32>
        %mul3A_683 = arith.mulf %gather3A_671, %bitcast3A_678 : vector<16xf32>
        %add3A_684 = arith.addf %add3A_648, %mul3A_683 : vector<16xf32>
        %mul3A_685 = arith.mulf %gather3A_671, %bitcast3A_682 : vector<16xf32>
        %add3A_686 = arith.addf %add3A_650, %mul3A_685 : vector<16xf32>
        %scan3A_687 = arith.constant 2 : i32
        %scan3A_688 = arith.addi %scan3A_619, %scan3A_687 : i32
        %shift_right_arithmetic3A_689 = arith.constant 4 : i32
        %shift_right_arithmetic3A_690 = arith.shrsi %scan3A_688, %shift_right_arithmetic3A_689 : i32
        %shift_left3A_691 = arith.constant 7 : i32
        %shift_left3A_692 = arith.shli %shift_right_arithmetic3A_690, %shift_left3A_691 : i32
        %or3A_693 = arith.constant 0 : i32
        %or3A_694 = arith.ori %shift_left3A_692, %or3A_693 : i32
        %and3A_695 = arith.constant 15 : i32
        %and3A_696 = arith.andi %scan3A_688, %and3A_695 : i32
        %or3A_697 = arith.ori %or3A_694, %and3A_696 : i32
        %broadcast_in_dim3A_698 = vector.broadcast %select_n3A_260 : i32 to vector<16xi32>
        %shift_right_arithmetic3A_699 = arith.constant 4 : i32
        %shift_right_arithmetic3A_700 = arith.shrsi %scan3A_688, %shift_right_arithmetic3A_699 : i32
        %broadcast_in_dim3A_701 = vector.broadcast %shift_right_arithmetic3A_700 : i32 to vector<16xi32>
        %and3A_702 = arith.constant 15 : i32
        %and3A_703 = arith.andi %scan3A_688, %and3A_702 : i32
        %or3A_704 = arith.constant 0 : i32
        %or3A_705 = arith.ori %or3A_704, %and3A_703 : i32
        %broadcast_in_dim3A_706 = vector.broadcast %or3A_705 : i32 to vector<16xi32>
        %gather3A_707 = tpu.vector_load_idx %arg7[%broadcast_in_dim3A_698, %broadcast_in_dim3A_701, %broadcast_in_dim3A_706] : memref<3x4x128xf32, #tpu.memory_space<vmem>>[vector<16xi32>, vector<16xi32>, vector<16xi32>], vector<16xf32>,
        %add3A_708 = arith.addi %mul3A_414, %or3A_697 : i32
        %broadcast_in_dim3A_709 = vector.broadcast %add3A_708 : i32 to vector<16xi32>
        %gather3A_710 = tpu.vector_load_idx %arg8[%broadcast_in_dim3A_709, %iota3A] : memref<1024x16xi32, #tpu.memory_space<vmem>>[vector<16xi32>, vector<16xi32>], vector<16xi32>,
        %shift_left3A_711 = arith.constant 16 : i32
        %shift_left3A_712 = vector.broadcast %shift_left3A_711 : i32 to vector<16xi32>
        %shift_left3A_713 = arith.shli %gather3A_710, %shift_left3A_712 : vector<16xi32>
        %bitcast3A_714 = vector.bitcast %shift_left3A_713 : vector<16xi32> to vector<16xf32>
        %and3A_715 = arith.constant -65536 : i32
        %and3A_716 = vector.broadcast %and3A_715 : i32 to vector<16xi32>
        %and3A_717 = arith.andi %gather3A_710, %and3A_716 : vector<16xi32>
        %bitcast3A_718 = vector.bitcast %and3A_717 : vector<16xi32> to vector<16xf32>
        %mul3A_719 = arith.mulf %gather3A_707, %bitcast3A_714 : vector<16xf32>
        %add3A_720 = arith.addf %add3A_684, %mul3A_719 : vector<16xf32>
        %mul3A_721 = arith.mulf %gather3A_707, %bitcast3A_718 : vector<16xf32>
        %add3A_722 = arith.addf %add3A_686, %mul3A_721 : vector<16xf32>
        %scan3A_723 = arith.constant 3 : i32
        %scan3A_724 = arith.addi %scan3A_619, %scan3A_723 : i32
        %shift_right_arithmetic3A_725 = arith.constant 4 : i32
        %shift_right_arithmetic3A_726 = arith.shrsi %scan3A_724, %shift_right_arithmetic3A_725 : i32
        %shift_left3A_727 = arith.constant 7 : i32
        %shift_left3A_728 = arith.shli %shift_right_arithmetic3A_726, %shift_left3A_727 : i32
        %or3A_729 = arith.constant 0 : i32
        %or3A_730 = arith.ori %shift_left3A_728, %or3A_729 : i32
        %and3A_731 = arith.constant 15 : i32
        %and3A_732 = arith.andi %scan3A_724, %and3A_731 : i32
        %or3A_733 = arith.ori %or3A_730, %and3A_732 : i32
        %broadcast_in_dim3A_734 = vector.broadcast %select_n3A_260 : i32 to vector<16xi32>
        %shift_right_arithmetic3A_735 = arith.constant 4 : i32
        %shift_right_arithmetic3A_736 = arith.shrsi %scan3A_724, %shift_right_arithmetic3A_735 : i32
        %broadcast_in_dim3A_737 = vector.broadcast %shift_right_arithmetic3A_736 : i32 to vector<16xi32>
        %and3A_738 = arith.constant 15 : i32
        %and3A_739 = arith.andi %scan3A_724, %and3A_738 : i32
        %or3A_740 = arith.constant 0 : i32
        %or3A_741 = arith.ori %or3A_740, %and3A_739 : i32
        %broadcast_in_dim3A_742 = vector.broadcast %or3A_741 : i32 to vector<16xi32>
        %gather3A_743 = tpu.vector_load_idx %arg7[%broadcast_in_dim3A_734, %broadcast_in_dim3A_737, %broadcast_in_dim3A_742] : memref<3x4x128xf32, #tpu.memory_space<vmem>>[vector<16xi32>, vector<16xi32>, vector<16xi32>], vector<16xf32>,
        %add3A_744 = arith.addi %mul3A_414, %or3A_733 : i32
        %broadcast_in_dim3A_745 = vector.broadcast %add3A_744 : i32 to vector<16xi32>
        %gather3A_746 = tpu.vector_load_idx %arg8[%broadcast_in_dim3A_745, %iota3A] : memref<1024x16xi32, #tpu.memory_space<vmem>>[vector<16xi32>, vector<16xi32>], vector<16xi32>,
        %shift_left3A_747 = arith.constant 16 : i32
        %shift_left3A_748 = vector.broadcast %shift_left3A_747 : i32 to vector<16xi32>
        %shift_left3A_749 = arith.shli %gather3A_746, %shift_left3A_748 : vector<16xi32>
        %bitcast3A_750 = vector.bitcast %shift_left3A_749 : vector<16xi32> to vector<16xf32>
        %and3A_751 = arith.constant -65536 : i32
        %and3A_752 = vector.broadcast %and3A_751 : i32 to vector<16xi32>
        %and3A_753 = arith.andi %gather3A_746, %and3A_752 : vector<16xi32>
        %bitcast3A_754 = vector.bitcast %and3A_753 : vector<16xi32> to vector<16xf32>
        %mul3A_755 = arith.mulf %gather3A_743, %bitcast3A_750 : vector<16xf32>
        %add3A_756 = arith.addf %add3A_720, %mul3A_755 : vector<16xf32>
        %mul3A_757 = arith.mulf %gather3A_743, %bitcast3A_754 : vector<16xf32>
        %add3A_758 = arith.addf %add3A_722, %mul3A_757 : vector<16xf32>
        scf.yield %add3A_756, %add3A_758 : vector<16xf32>, vector<16xf32>
      }
      %scan3A_421 = arith.constant 64 : i32
      %mul3A_422 = arith.constant 256 : i32
      %mul3A_423 = arith.muli %select_n3A_276, %mul3A_422 : i32
      %add3A_424 = arith.constant 0 : i32
      %add3A_425 = arith.addi %mul3A_423, %add3A_424 : i32
      %swap3A = arith.index_cast %add3A_425 : i32 to index
      %swap3A_426 = tpu.vector_load %arg9[%swap3A] {strides = array<i32>} : memref<512xf32, #tpu.memory_space<vmem>>, vector<16xf32>,
      tpu.vector_store %arg9[%swap3A], %scan3A_420#0 {strides = array<i32>} : memref<512xf32, #tpu.memory_space<vmem>>, vector<16xf32>,
      %mul3A_427 = arith.constant 256 : i32
      %mul3A_428 = arith.muli %select_n3A_276, %mul3A_427 : i32
      %add3A_429 = arith.constant 0 : i32
      %add3A_430 = arith.addi %mul3A_428, %add3A_429 : i32
      %add3A_431 = arith.constant 16 : i32
      %add3A_432 = arith.addi %add3A_430, %add3A_431 : i32
      %swap3A_433 = arith.index_cast %add3A_432 : i32 to index
      %swap3A_434 = tpu.vector_load %arg9[%swap3A_433] {strides = array<i32>} : memref<512xf32, #tpu.memory_space<vmem>>, vector<16xf32>,
      tpu.vector_store %arg9[%swap3A_433], %scan3A_420#1 {strides = array<i32>} : memref<512xf32, #tpu.memory_space<vmem>>, vector<16xf32>,
      %broadcast_in_dim3A_435 = arith.constant 0.000000e+00 : f32
      %broadcast_in_dim3A_436 = vector.broadcast %broadcast_in_dim3A_435 : f32 to vector<16xf32>
      %scan3A_437 = arith.constant 0 : i32
      %scan3A_438 = arith.constant 64 : i32
      %scan3A_439 = arith.addi %scan3A_437, %scan3A_438 : i32
      %scan3A_440 = arith.constant 4 : i32
      %scan3A_441:2 = scf.for %scan3A_619 = %scan3A_437 to %scan3A_439 step %scan3A_440 iter_args(%scan3A_620 = %broadcast_in_dim3A_436, %scan3A_621 = %broadcast_in_dim3A_436) -> (vector<16xf32>, vector<16xf32>)  : i32 {
        %shift_right_arithmetic3A = arith.constant 4 : i32
        %shift_right_arithmetic3A_622 = arith.shrsi %scan3A_619, %shift_right_arithmetic3A : i32
        %shift_left3A = arith.constant 7 : i32
        %shift_left3A_623 = arith.shli %shift_right_arithmetic3A_622, %shift_left3A : i32
        %or3A = arith.constant 16 : i32
        %or3A_624 = arith.ori %shift_left3A_623, %or3A : i32
        %and3A_625 = arith.constant 15 : i32
        %and3A_626 = arith.andi %scan3A_619, %and3A_625 : i32
        %or3A_627 = arith.ori %or3A_624, %and3A_626 : i32
        %broadcast_in_dim3A_628 = vector.broadcast %select_n3A_260 : i32 to vector<16xi32>
        %shift_right_arithmetic3A_629 = arith.constant 4 : i32
        %shift_right_arithmetic3A_630 = arith.shrsi %scan3A_619, %shift_right_arithmetic3A_629 : i32
        %broadcast_in_dim3A_631 = vector.broadcast %shift_right_arithmetic3A_630 : i32 to vector<16xi32>
        %and3A_632 = arith.constant 15 : i32
        %and3A_633 = arith.andi %scan3A_619, %and3A_632 : i32
        %or3A_634 = arith.constant 16 : i32
        %or3A_635 = arith.ori %or3A_634, %and3A_633 : i32
        %broadcast_in_dim3A_636 = vector.broadcast %or3A_635 : i32 to vector<16xi32>
        %gather3A = tpu.vector_load_idx %arg7[%broadcast_in_dim3A_628, %broadcast_in_dim3A_631, %broadcast_in_dim3A_636] : memref<3x4x128xf32, #tpu.memory_space<vmem>>[vector<16xi32>, vector<16xi32>, vector<16xi32>], vector<16xf32>,
        %add3A_637 = arith.addi %mul3A_414, %or3A_627 : i32
        %broadcast_in_dim3A_638 = vector.broadcast %add3A_637 : i32 to vector<16xi32>
        %gather3A_639 = tpu.vector_load_idx %arg8[%broadcast_in_dim3A_638, %iota3A] : memref<1024x16xi32, #tpu.memory_space<vmem>>[vector<16xi32>, vector<16xi32>], vector<16xi32>,
        %shift_left3A_640 = arith.constant 16 : i32
        %shift_left3A_641 = vector.broadcast %shift_left3A_640 : i32 to vector<16xi32>
        %shift_left3A_642 = arith.shli %gather3A_639, %shift_left3A_641 : vector<16xi32>
        %bitcast3A = vector.bitcast %shift_left3A_642 : vector<16xi32> to vector<16xf32>
        %and3A_643 = arith.constant -65536 : i32
        %and3A_644 = vector.broadcast %and3A_643 : i32 to vector<16xi32>
        %and3A_645 = arith.andi %gather3A_639, %and3A_644 : vector<16xi32>
        %bitcast3A_646 = vector.bitcast %and3A_645 : vector<16xi32> to vector<16xf32>
        %mul3A_647 = arith.mulf %gather3A, %bitcast3A : vector<16xf32>
        %add3A_648 = arith.addf %scan3A_620, %mul3A_647 : vector<16xf32>
        %mul3A_649 = arith.mulf %gather3A, %bitcast3A_646 : vector<16xf32>
        %add3A_650 = arith.addf %scan3A_621, %mul3A_649 : vector<16xf32>
        %scan3A_651 = arith.constant 1 : i32
        %scan3A_652 = arith.addi %scan3A_619, %scan3A_651 : i32
        %shift_right_arithmetic3A_653 = arith.constant 4 : i32
        %shift_right_arithmetic3A_654 = arith.shrsi %scan3A_652, %shift_right_arithmetic3A_653 : i32
        %shift_left3A_655 = arith.constant 7 : i32
        %shift_left3A_656 = arith.shli %shift_right_arithmetic3A_654, %shift_left3A_655 : i32
        %or3A_657 = arith.constant 16 : i32
        %or3A_658 = arith.ori %shift_left3A_656, %or3A_657 : i32
        %and3A_659 = arith.constant 15 : i32
        %and3A_660 = arith.andi %scan3A_652, %and3A_659 : i32
        %or3A_661 = arith.ori %or3A_658, %and3A_660 : i32
        %broadcast_in_dim3A_662 = vector.broadcast %select_n3A_260 : i32 to vector<16xi32>
        %shift_right_arithmetic3A_663 = arith.constant 4 : i32
        %shift_right_arithmetic3A_664 = arith.shrsi %scan3A_652, %shift_right_arithmetic3A_663 : i32
        %broadcast_in_dim3A_665 = vector.broadcast %shift_right_arithmetic3A_664 : i32 to vector<16xi32>
        %and3A_666 = arith.constant 15 : i32
        %and3A_667 = arith.andi %scan3A_652, %and3A_666 : i32
        %or3A_668 = arith.constant 16 : i32
        %or3A_669 = arith.ori %or3A_668, %and3A_667 : i32
        %broadcast_in_dim3A_670 = vector.broadcast %or3A_669 : i32 to vector<16xi32>
        %gather3A_671 = tpu.vector_load_idx %arg7[%broadcast_in_dim3A_662, %broadcast_in_dim3A_665, %broadcast_in_dim3A_670] : memref<3x4x128xf32, #tpu.memory_space<vmem>>[vector<16xi32>, vector<16xi32>, vector<16xi32>], vector<16xf32>,
        %add3A_672 = arith.addi %mul3A_414, %or3A_661 : i32
        %broadcast_in_dim3A_673 = vector.broadcast %add3A_672 : i32 to vector<16xi32>
        %gather3A_674 = tpu.vector_load_idx %arg8[%broadcast_in_dim3A_673, %iota3A] : memref<1024x16xi32, #tpu.memory_space<vmem>>[vector<16xi32>, vector<16xi32>], vector<16xi32>,
        %shift_left3A_675 = arith.constant 16 : i32
        %shift_left3A_676 = vector.broadcast %shift_left3A_675 : i32 to vector<16xi32>
        %shift_left3A_677 = arith.shli %gather3A_674, %shift_left3A_676 : vector<16xi32>
        %bitcast3A_678 = vector.bitcast %shift_left3A_677 : vector<16xi32> to vector<16xf32>
        %and3A_679 = arith.constant -65536 : i32
        %and3A_680 = vector.broadcast %and3A_679 : i32 to vector<16xi32>
        %and3A_681 = arith.andi %gather3A_674, %and3A_680 : vector<16xi32>
        %bitcast3A_682 = vector.bitcast %and3A_681 : vector<16xi32> to vector<16xf32>
        %mul3A_683 = arith.mulf %gather3A_671, %bitcast3A_678 : vector<16xf32>
        %add3A_684 = arith.addf %add3A_648, %mul3A_683 : vector<16xf32>
        %mul3A_685 = arith.mulf %gather3A_671, %bitcast3A_682 : vector<16xf32>
        %add3A_686 = arith.addf %add3A_650, %mul3A_685 : vector<16xf32>
        %scan3A_687 = arith.constant 2 : i32
        %scan3A_688 = arith.addi %scan3A_619, %scan3A_687 : i32
        %shift_right_arithmetic3A_689 = arith.constant 4 : i32
        %shift_right_arithmetic3A_690 = arith.shrsi %scan3A_688, %shift_right_arithmetic3A_689 : i32
        %shift_left3A_691 = arith.constant 7 : i32
        %shift_left3A_692 = arith.shli %shift_right_arithmetic3A_690, %shift_left3A_691 : i32
        %or3A_693 = arith.constant 16 : i32
        %or3A_694 = arith.ori %shift_left3A_692, %or3A_693 : i32
        %and3A_695 = arith.constant 15 : i32
        %and3A_696 = arith.andi %scan3A_688, %and3A_695 : i32
        %or3A_697 = arith.ori %or3A_694, %and3A_696 : i32
        %broadcast_in_dim3A_698 = vector.broadcast %select_n3A_260 : i32 to vector<16xi32>
        %shift_right_arithmetic3A_699 = arith.constant 4 : i32
        %shift_right_arithmetic3A_700 = arith.shrsi %scan3A_688, %shift_right_arithmetic3A_699 : i32
        %broadcast_in_dim3A_701 = vector.broadcast %shift_right_arithmetic3A_700 : i32 to vector<16xi32>
        %and3A_702 = arith.constant 15 : i32
        %and3A_703 = arith.andi %scan3A_688, %and3A_702 : i32
        %or3A_704 = arith.constant 16 : i32
        %or3A_705 = arith.ori %or3A_704, %and3A_703 : i32
        %broadcast_in_dim3A_706 = vector.broadcast %or3A_705 : i32 to vector<16xi32>
        %gather3A_707 = tpu.vector_load_idx %arg7[%broadcast_in_dim3A_698, %broadcast_in_dim3A_701, %broadcast_in_dim3A_706] : memref<3x4x128xf32, #tpu.memory_space<vmem>>[vector<16xi32>, vector<16xi32>, vector<16xi32>], vector<16xf32>,
        %add3A_708 = arith.addi %mul3A_414, %or3A_697 : i32
        %broadcast_in_dim3A_709 = vector.broadcast %add3A_708 : i32 to vector<16xi32>
        %gather3A_710 = tpu.vector_load_idx %arg8[%broadcast_in_dim3A_709, %iota3A] : memref<1024x16xi32, #tpu.memory_space<vmem>>[vector<16xi32>, vector<16xi32>], vector<16xi32>,
        %shift_left3A_711 = arith.constant 16 : i32
        %shift_left3A_712 = vector.broadcast %shift_left3A_711 : i32 to vector<16xi32>
        %shift_left3A_713 = arith.shli %gather3A_710, %shift_left3A_712 : vector<16xi32>
        %bitcast3A_714 = vector.bitcast %shift_left3A_713 : vector<16xi32> to vector<16xf32>
        %and3A_715 = arith.constant -65536 : i32
        %and3A_716 = vector.broadcast %and3A_715 : i32 to vector<16xi32>
        %and3A_717 = arith.andi %gather3A_710, %and3A_716 : vector<16xi32>
        %bitcast3A_718 = vector.bitcast %and3A_717 : vector<16xi32> to vector<16xf32>
        %mul3A_719 = arith.mulf %gather3A_707, %bitcast3A_714 : vector<16xf32>
        %add3A_720 = arith.addf %add3A_684, %mul3A_719 : vector<16xf32>
        %mul3A_721 = arith.mulf %gather3A_707, %bitcast3A_718 : vector<16xf32>
        %add3A_722 = arith.addf %add3A_686, %mul3A_721 : vector<16xf32>
        %scan3A_723 = arith.constant 3 : i32
        %scan3A_724 = arith.addi %scan3A_619, %scan3A_723 : i32
        %shift_right_arithmetic3A_725 = arith.constant 4 : i32
        %shift_right_arithmetic3A_726 = arith.shrsi %scan3A_724, %shift_right_arithmetic3A_725 : i32
        %shift_left3A_727 = arith.constant 7 : i32
        %shift_left3A_728 = arith.shli %shift_right_arithmetic3A_726, %shift_left3A_727 : i32
        %or3A_729 = arith.constant 16 : i32
        %or3A_730 = arith.ori %shift_left3A_728, %or3A_729 : i32
        %and3A_731 = arith.constant 15 : i32
        %and3A_732 = arith.andi %scan3A_724, %and3A_731 : i32
        %or3A_733 = arith.ori %or3A_730, %and3A_732 : i32
        %broadcast_in_dim3A_734 = vector.broadcast %select_n3A_260 : i32 to vector<16xi32>
        %shift_right_arithmetic3A_735 = arith.constant 4 : i32
        %shift_right_arithmetic3A_736 = arith.shrsi %scan3A_724, %shift_right_arithmetic3A_735 : i32
        %broadcast_in_dim3A_737 = vector.broadcast %shift_right_arithmetic3A_736 : i32 to vector<16xi32>
        %and3A_738 = arith.constant 15 : i32
        %and3A_739 = arith.andi %scan3A_724, %and3A_738 : i32
        %or3A_740 = arith.constant 16 : i32
        %or3A_741 = arith.ori %or3A_740, %and3A_739 : i32
        %broadcast_in_dim3A_742 = vector.broadcast %or3A_741 : i32 to vector<16xi32>
        %gather3A_743 = tpu.vector_load_idx %arg7[%broadcast_in_dim3A_734, %broadcast_in_dim3A_737, %broadcast_in_dim3A_742] : memref<3x4x128xf32, #tpu.memory_space<vmem>>[vector<16xi32>, vector<16xi32>, vector<16xi32>], vector<16xf32>,
        %add3A_744 = arith.addi %mul3A_414, %or3A_733 : i32
        %broadcast_in_dim3A_745 = vector.broadcast %add3A_744 : i32 to vector<16xi32>
        %gather3A_746 = tpu.vector_load_idx %arg8[%broadcast_in_dim3A_745, %iota3A] : memref<1024x16xi32, #tpu.memory_space<vmem>>[vector<16xi32>, vector<16xi32>], vector<16xi32>,
        %shift_left3A_747 = arith.constant 16 : i32
        %shift_left3A_748 = vector.broadcast %shift_left3A_747 : i32 to vector<16xi32>
        %shift_left3A_749 = arith.shli %gather3A_746, %shift_left3A_748 : vector<16xi32>
        %bitcast3A_750 = vector.bitcast %shift_left3A_749 : vector<16xi32> to vector<16xf32>
        %and3A_751 = arith.constant -65536 : i32
        %and3A_752 = vector.broadcast %and3A_751 : i32 to vector<16xi32>
        %and3A_753 = arith.andi %gather3A_746, %and3A_752 : vector<16xi32>
        %bitcast3A_754 = vector.bitcast %and3A_753 : vector<16xi32> to vector<16xf32>
        %mul3A_755 = arith.mulf %gather3A_743, %bitcast3A_750 : vector<16xf32>
        %add3A_756 = arith.addf %add3A_720, %mul3A_755 : vector<16xf32>
        %mul3A_757 = arith.mulf %gather3A_743, %bitcast3A_754 : vector<16xf32>
        %add3A_758 = arith.addf %add3A_722, %mul3A_757 : vector<16xf32>
        scf.yield %add3A_756, %add3A_758 : vector<16xf32>, vector<16xf32>
      }
      %scan3A_442 = arith.constant 64 : i32
      %mul3A_443 = arith.constant 256 : i32
      %mul3A_444 = arith.muli %select_n3A_276, %mul3A_443 : i32
      %add3A_445 = arith.constant 32 : i32
      %add3A_446 = arith.addi %mul3A_444, %add3A_445 : i32
      %swap3A_447 = arith.index_cast %add3A_446 : i32 to index
      %swap3A_448 = tpu.vector_load %arg9[%swap3A_447] {strides = array<i32>} : memref<512xf32, #tpu.memory_space<vmem>>, vector<16xf32>,
      tpu.vector_store %arg9[%swap3A_447], %scan3A_441#0 {strides = array<i32>} : memref<512xf32, #tpu.memory_space<vmem>>, vector<16xf32>,
      %mul3A_449 = arith.constant 256 : i32
      %mul3A_450 = arith.muli %select_n3A_276, %mul3A_449 : i32
      %add3A_451 = arith.constant 32 : i32
      %add3A_452 = arith.addi %mul3A_450, %add3A_451 : i32
      %add3A_453 = arith.constant 16 : i32
      %add3A_454 = arith.addi %add3A_452, %add3A_453 : i32
      %swap3A_455 = arith.index_cast %add3A_454 : i32 to index
      %swap3A_456 = tpu.vector_load %arg9[%swap3A_455] {strides = array<i32>} : memref<512xf32, #tpu.memory_space<vmem>>, vector<16xf32>,
      tpu.vector_store %arg9[%swap3A_455], %scan3A_441#1 {strides = array<i32>} : memref<512xf32, #tpu.memory_space<vmem>>, vector<16xf32>,
      %broadcast_in_dim3A_457 = arith.constant 0.000000e+00 : f32
      %broadcast_in_dim3A_458 = vector.broadcast %broadcast_in_dim3A_457 : f32 to vector<16xf32>
      %scan3A_459 = arith.constant 0 : i32
      %scan3A_460 = arith.constant 64 : i32
      %scan3A_461 = arith.addi %scan3A_459, %scan3A_460 : i32
      %scan3A_462 = arith.constant 4 : i32
      %scan3A_463:2 = scf.for %scan3A_619 = %scan3A_459 to %scan3A_461 step %scan3A_462 iter_args(%scan3A_620 = %broadcast_in_dim3A_458, %scan3A_621 = %broadcast_in_dim3A_458) -> (vector<16xf32>, vector<16xf32>)  : i32 {
        %shift_right_arithmetic3A = arith.constant 4 : i32
        %shift_right_arithmetic3A_622 = arith.shrsi %scan3A_619, %shift_right_arithmetic3A : i32
        %shift_left3A = arith.constant 7 : i32
        %shift_left3A_623 = arith.shli %shift_right_arithmetic3A_622, %shift_left3A : i32
        %or3A = arith.constant 32 : i32
        %or3A_624 = arith.ori %shift_left3A_623, %or3A : i32
        %and3A_625 = arith.constant 15 : i32
        %and3A_626 = arith.andi %scan3A_619, %and3A_625 : i32
        %or3A_627 = arith.ori %or3A_624, %and3A_626 : i32
        %broadcast_in_dim3A_628 = vector.broadcast %select_n3A_260 : i32 to vector<16xi32>
        %shift_right_arithmetic3A_629 = arith.constant 4 : i32
        %shift_right_arithmetic3A_630 = arith.shrsi %scan3A_619, %shift_right_arithmetic3A_629 : i32
        %broadcast_in_dim3A_631 = vector.broadcast %shift_right_arithmetic3A_630 : i32 to vector<16xi32>
        %and3A_632 = arith.constant 15 : i32
        %and3A_633 = arith.andi %scan3A_619, %and3A_632 : i32
        %or3A_634 = arith.constant 32 : i32
        %or3A_635 = arith.ori %or3A_634, %and3A_633 : i32
        %broadcast_in_dim3A_636 = vector.broadcast %or3A_635 : i32 to vector<16xi32>
        %gather3A = tpu.vector_load_idx %arg7[%broadcast_in_dim3A_628, %broadcast_in_dim3A_631, %broadcast_in_dim3A_636] : memref<3x4x128xf32, #tpu.memory_space<vmem>>[vector<16xi32>, vector<16xi32>, vector<16xi32>], vector<16xf32>,
        %add3A_637 = arith.addi %mul3A_414, %or3A_627 : i32
        %broadcast_in_dim3A_638 = vector.broadcast %add3A_637 : i32 to vector<16xi32>
        %gather3A_639 = tpu.vector_load_idx %arg8[%broadcast_in_dim3A_638, %iota3A] : memref<1024x16xi32, #tpu.memory_space<vmem>>[vector<16xi32>, vector<16xi32>], vector<16xi32>,
        %shift_left3A_640 = arith.constant 16 : i32
        %shift_left3A_641 = vector.broadcast %shift_left3A_640 : i32 to vector<16xi32>
        %shift_left3A_642 = arith.shli %gather3A_639, %shift_left3A_641 : vector<16xi32>
        %bitcast3A = vector.bitcast %shift_left3A_642 : vector<16xi32> to vector<16xf32>
        %and3A_643 = arith.constant -65536 : i32
        %and3A_644 = vector.broadcast %and3A_643 : i32 to vector<16xi32>
        %and3A_645 = arith.andi %gather3A_639, %and3A_644 : vector<16xi32>
        %bitcast3A_646 = vector.bitcast %and3A_645 : vector<16xi32> to vector<16xf32>
        %mul3A_647 = arith.mulf %gather3A, %bitcast3A : vector<16xf32>
        %add3A_648 = arith.addf %scan3A_620, %mul3A_647 : vector<16xf32>
        %mul3A_649 = arith.mulf %gather3A, %bitcast3A_646 : vector<16xf32>
        %add3A_650 = arith.addf %scan3A_621, %mul3A_649 : vector<16xf32>
        %scan3A_651 = arith.constant 1 : i32
        %scan3A_652 = arith.addi %scan3A_619, %scan3A_651 : i32
        %shift_right_arithmetic3A_653 = arith.constant 4 : i32
        %shift_right_arithmetic3A_654 = arith.shrsi %scan3A_652, %shift_right_arithmetic3A_653 : i32
        %shift_left3A_655 = arith.constant 7 : i32
        %shift_left3A_656 = arith.shli %shift_right_arithmetic3A_654, %shift_left3A_655 : i32
        %or3A_657 = arith.constant 32 : i32
        %or3A_658 = arith.ori %shift_left3A_656, %or3A_657 : i32
        %and3A_659 = arith.constant 15 : i32
        %and3A_660 = arith.andi %scan3A_652, %and3A_659 : i32
        %or3A_661 = arith.ori %or3A_658, %and3A_660 : i32
        %broadcast_in_dim3A_662 = vector.broadcast %select_n3A_260 : i32 to vector<16xi32>
        %shift_right_arithmetic3A_663 = arith.constant 4 : i32
        %shift_right_arithmetic3A_664 = arith.shrsi %scan3A_652, %shift_right_arithmetic3A_663 : i32
        %broadcast_in_dim3A_665 = vector.broadcast %shift_right_arithmetic3A_664 : i32 to vector<16xi32>
        %and3A_666 = arith.constant 15 : i32
        %and3A_667 = arith.andi %scan3A_652, %and3A_666 : i32
        %or3A_668 = arith.constant 32 : i32
        %or3A_669 = arith.ori %or3A_668, %and3A_667 : i32
        %broadcast_in_dim3A_670 = vector.broadcast %or3A_669 : i32 to vector<16xi32>
        %gather3A_671 = tpu.vector_load_idx %arg7[%broadcast_in_dim3A_662, %broadcast_in_dim3A_665, %broadcast_in_dim3A_670] : memref<3x4x128xf32, #tpu.memory_space<vmem>>[vector<16xi32>, vector<16xi32>, vector<16xi32>], vector<16xf32>,
        %add3A_672 = arith.addi %mul3A_414, %or3A_661 : i32
        %broadcast_in_dim3A_673 = vector.broadcast %add3A_672 : i32 to vector<16xi32>
        %gather3A_674 = tpu.vector_load_idx %arg8[%broadcast_in_dim3A_673, %iota3A] : memref<1024x16xi32, #tpu.memory_space<vmem>>[vector<16xi32>, vector<16xi32>], vector<16xi32>,
        %shift_left3A_675 = arith.constant 16 : i32
        %shift_left3A_676 = vector.broadcast %shift_left3A_675 : i32 to vector<16xi32>
        %shift_left3A_677 = arith.shli %gather3A_674, %shift_left3A_676 : vector<16xi32>
        %bitcast3A_678 = vector.bitcast %shift_left3A_677 : vector<16xi32> to vector<16xf32>
        %and3A_679 = arith.constant -65536 : i32
        %and3A_680 = vector.broadcast %and3A_679 : i32 to vector<16xi32>
        %and3A_681 = arith.andi %gather3A_674, %and3A_680 : vector<16xi32>
        %bitcast3A_682 = vector.bitcast %and3A_681 : vector<16xi32> to vector<16xf32>
        %mul3A_683 = arith.mulf %gather3A_671, %bitcast3A_678 : vector<16xf32>
        %add3A_684 = arith.addf %add3A_648, %mul3A_683 : vector<16xf32>
        %mul3A_685 = arith.mulf %gather3A_671, %bitcast3A_682 : vector<16xf32>
        %add3A_686 = arith.addf %add3A_650, %mul3A_685 : vector<16xf32>
        %scan3A_687 = arith.constant 2 : i32
        %scan3A_688 = arith.addi %scan3A_619, %scan3A_687 : i32
        %shift_right_arithmetic3A_689 = arith.constant 4 : i32
        %shift_right_arithmetic3A_690 = arith.shrsi %scan3A_688, %shift_right_arithmetic3A_689 : i32
        %shift_left3A_691 = arith.constant 7 : i32
        %shift_left3A_692 = arith.shli %shift_right_arithmetic3A_690, %shift_left3A_691 : i32
        %or3A_693 = arith.constant 32 : i32
        %or3A_694 = arith.ori %shift_left3A_692, %or3A_693 : i32
        %and3A_695 = arith.constant 15 : i32
        %and3A_696 = arith.andi %scan3A_688, %and3A_695 : i32
        %or3A_697 = arith.ori %or3A_694, %and3A_696 : i32
        %broadcast_in_dim3A_698 = vector.broadcast %select_n3A_260 : i32 to vector<16xi32>
        %shift_right_arithmetic3A_699 = arith.constant 4 : i32
        %shift_right_arithmetic3A_700 = arith.shrsi %scan3A_688, %shift_right_arithmetic3A_699 : i32
        %broadcast_in_dim3A_701 = vector.broadcast %shift_right_arithmetic3A_700 : i32 to vector<16xi32>
        %and3A_702 = arith.constant 15 : i32
        %and3A_703 = arith.andi %scan3A_688, %and3A_702 : i32
        %or3A_704 = arith.constant 32 : i32
        %or3A_705 = arith.ori %or3A_704, %and3A_703 : i32
        %broadcast_in_dim3A_706 = vector.broadcast %or3A_705 : i32 to vector<16xi32>
        %gather3A_707 = tpu.vector_load_idx %arg7[%broadcast_in_dim3A_698, %broadcast_in_dim3A_701, %broadcast_in_dim3A_706] : memref<3x4x128xf32, #tpu.memory_space<vmem>>[vector<16xi32>, vector<16xi32>, vector<16xi32>], vector<16xf32>,
        %add3A_708 = arith.addi %mul3A_414, %or3A_697 : i32
        %broadcast_in_dim3A_709 = vector.broadcast %add3A_708 : i32 to vector<16xi32>
        %gather3A_710 = tpu.vector_load_idx %arg8[%broadcast_in_dim3A_709, %iota3A] : memref<1024x16xi32, #tpu.memory_space<vmem>>[vector<16xi32>, vector<16xi32>], vector<16xi32>,
        %shift_left3A_711 = arith.constant 16 : i32
        %shift_left3A_712 = vector.broadcast %shift_left3A_711 : i32 to vector<16xi32>
        %shift_left3A_713 = arith.shli %gather3A_710, %shift_left3A_712 : vector<16xi32>
        %bitcast3A_714 = vector.bitcast %shift_left3A_713 : vector<16xi32> to vector<16xf32>
        %and3A_715 = arith.constant -65536 : i32
        %and3A_716 = vector.broadcast %and3A_715 : i32 to vector<16xi32>
        %and3A_717 = arith.andi %gather3A_710, %and3A_716 : vector<16xi32>
        %bitcast3A_718 = vector.bitcast %and3A_717 : vector<16xi32> to vector<16xf32>
        %mul3A_719 = arith.mulf %gather3A_707, %bitcast3A_714 : vector<16xf32>
        %add3A_720 = arith.addf %add3A_684, %mul3A_719 : vector<16xf32>
        %mul3A_721 = arith.mulf %gather3A_707, %bitcast3A_718 : vector<16xf32>
        %add3A_722 = arith.addf %add3A_686, %mul3A_721 : vector<16xf32>
        %scan3A_723 = arith.constant 3 : i32
        %scan3A_724 = arith.addi %scan3A_619, %scan3A_723 : i32
        %shift_right_arithmetic3A_725 = arith.constant 4 : i32
        %shift_right_arithmetic3A_726 = arith.shrsi %scan3A_724, %shift_right_arithmetic3A_725 : i32
        %shift_left3A_727 = arith.constant 7 : i32
        %shift_left3A_728 = arith.shli %shift_right_arithmetic3A_726, %shift_left3A_727 : i32
        %or3A_729 = arith.constant 32 : i32
        %or3A_730 = arith.ori %shift_left3A_728, %or3A_729 : i32
        %and3A_731 = arith.constant 15 : i32
        %and3A_732 = arith.andi %scan3A_724, %and3A_731 : i32
        %or3A_733 = arith.ori %or3A_730, %and3A_732 : i32
        %broadcast_in_dim3A_734 = vector.broadcast %select_n3A_260 : i32 to vector<16xi32>
        %shift_right_arithmetic3A_735 = arith.constant 4 : i32
        %shift_right_arithmetic3A_736 = arith.shrsi %scan3A_724, %shift_right_arithmetic3A_735 : i32
        %broadcast_in_dim3A_737 = vector.broadcast %shift_right_arithmetic3A_736 : i32 to vector<16xi32>
        %and3A_738 = arith.constant 15 : i32
        %and3A_739 = arith.andi %scan3A_724, %and3A_738 : i32
        %or3A_740 = arith.constant 32 : i32
        %or3A_741 = arith.ori %or3A_740, %and3A_739 : i32
        %broadcast_in_dim3A_742 = vector.broadcast %or3A_741 : i32 to vector<16xi32>
        %gather3A_743 = tpu.vector_load_idx %arg7[%broadcast_in_dim3A_734, %broadcast_in_dim3A_737, %broadcast_in_dim3A_742] : memref<3x4x128xf32, #tpu.memory_space<vmem>>[vector<16xi32>, vector<16xi32>, vector<16xi32>], vector<16xf32>,
        %add3A_744 = arith.addi %mul3A_414, %or3A_733 : i32
        %broadcast_in_dim3A_745 = vector.broadcast %add3A_744 : i32 to vector<16xi32>
        %gather3A_746 = tpu.vector_load_idx %arg8[%broadcast_in_dim3A_745, %iota3A] : memref<1024x16xi32, #tpu.memory_space<vmem>>[vector<16xi32>, vector<16xi32>], vector<16xi32>,
        %shift_left3A_747 = arith.constant 16 : i32
        %shift_left3A_748 = vector.broadcast %shift_left3A_747 : i32 to vector<16xi32>
        %shift_left3A_749 = arith.shli %gather3A_746, %shift_left3A_748 : vector<16xi32>
        %bitcast3A_750 = vector.bitcast %shift_left3A_749 : vector<16xi32> to vector<16xf32>
        %and3A_751 = arith.constant -65536 : i32
        %and3A_752 = vector.broadcast %and3A_751 : i32 to vector<16xi32>
        %and3A_753 = arith.andi %gather3A_746, %and3A_752 : vector<16xi32>
        %bitcast3A_754 = vector.bitcast %and3A_753 : vector<16xi32> to vector<16xf32>
        %mul3A_755 = arith.mulf %gather3A_743, %bitcast3A_750 : vector<16xf32>
        %add3A_756 = arith.addf %add3A_720, %mul3A_755 : vector<16xf32>
        %mul3A_757 = arith.mulf %gather3A_743, %bitcast3A_754 : vector<16xf32>
        %add3A_758 = arith.addf %add3A_722, %mul3A_757 : vector<16xf32>
        scf.yield %add3A_756, %add3A_758 : vector<16xf32>, vector<16xf32>
      }
      %scan3A_464 = arith.constant 64 : i32
      %mul3A_465 = arith.constant 256 : i32
      %mul3A_466 = arith.muli %select_n3A_276, %mul3A_465 : i32
      %add3A_467 = arith.constant 64 : i32
      %add3A_468 = arith.addi %mul3A_466, %add3A_467 : i32
      %swap3A_469 = arith.index_cast %add3A_468 : i32 to index
      %swap3A_470 = tpu.vector_load %arg9[%swap3A_469] {strides = array<i32>} : memref<512xf32, #tpu.memory_space<vmem>>, vector<16xf32>,
      tpu.vector_store %arg9[%swap3A_469], %scan3A_463#0 {strides = array<i32>} : memref<512xf32, #tpu.memory_space<vmem>>, vector<16xf32>,
      %mul3A_471 = arith.constant 256 : i32
      %mul3A_472 = arith.muli %select_n3A_276, %mul3A_471 : i32
      %add3A_473 = arith.constant 64 : i32
      %add3A_474 = arith.addi %mul3A_472, %add3A_473 : i32
      %add3A_475 = arith.constant 16 : i32
      %add3A_476 = arith.addi %add3A_474, %add3A_475 : i32
      %swap3A_477 = arith.index_cast %add3A_476 : i32 to index
      %swap3A_478 = tpu.vector_load %arg9[%swap3A_477] {strides = array<i32>} : memref<512xf32, #tpu.memory_space<vmem>>, vector<16xf32>,
      tpu.vector_store %arg9[%swap3A_477], %scan3A_463#1 {strides = array<i32>} : memref<512xf32, #tpu.memory_space<vmem>>, vector<16xf32>,
      %broadcast_in_dim3A_479 = arith.constant 0.000000e+00 : f32
      %broadcast_in_dim3A_480 = vector.broadcast %broadcast_in_dim3A_479 : f32 to vector<16xf32>
      %scan3A_481 = arith.constant 0 : i32
      %scan3A_482 = arith.constant 64 : i32
      %scan3A_483 = arith.addi %scan3A_481, %scan3A_482 : i32
      %scan3A_484 = arith.constant 4 : i32
      %scan3A_485:2 = scf.for %scan3A_619 = %scan3A_481 to %scan3A_483 step %scan3A_484 iter_args(%scan3A_620 = %broadcast_in_dim3A_480, %scan3A_621 = %broadcast_in_dim3A_480) -> (vector<16xf32>, vector<16xf32>)  : i32 {
        %shift_right_arithmetic3A = arith.constant 4 : i32
        %shift_right_arithmetic3A_622 = arith.shrsi %scan3A_619, %shift_right_arithmetic3A : i32
        %shift_left3A = arith.constant 7 : i32
        %shift_left3A_623 = arith.shli %shift_right_arithmetic3A_622, %shift_left3A : i32
        %or3A = arith.constant 48 : i32
        %or3A_624 = arith.ori %shift_left3A_623, %or3A : i32
        %and3A_625 = arith.constant 15 : i32
        %and3A_626 = arith.andi %scan3A_619, %and3A_625 : i32
        %or3A_627 = arith.ori %or3A_624, %and3A_626 : i32
        %broadcast_in_dim3A_628 = vector.broadcast %select_n3A_260 : i32 to vector<16xi32>
        %shift_right_arithmetic3A_629 = arith.constant 4 : i32
        %shift_right_arithmetic3A_630 = arith.shrsi %scan3A_619, %shift_right_arithmetic3A_629 : i32
        %broadcast_in_dim3A_631 = vector.broadcast %shift_right_arithmetic3A_630 : i32 to vector<16xi32>
        %and3A_632 = arith.constant 15 : i32
        %and3A_633 = arith.andi %scan3A_619, %and3A_632 : i32
        %or3A_634 = arith.constant 48 : i32
        %or3A_635 = arith.ori %or3A_634, %and3A_633 : i32
        %broadcast_in_dim3A_636 = vector.broadcast %or3A_635 : i32 to vector<16xi32>
        %gather3A = tpu.vector_load_idx %arg7[%broadcast_in_dim3A_628, %broadcast_in_dim3A_631, %broadcast_in_dim3A_636] : memref<3x4x128xf32, #tpu.memory_space<vmem>>[vector<16xi32>, vector<16xi32>, vector<16xi32>], vector<16xf32>,
        %add3A_637 = arith.addi %mul3A_414, %or3A_627 : i32
        %broadcast_in_dim3A_638 = vector.broadcast %add3A_637 : i32 to vector<16xi32>
        %gather3A_639 = tpu.vector_load_idx %arg8[%broadcast_in_dim3A_638, %iota3A] : memref<1024x16xi32, #tpu.memory_space<vmem>>[vector<16xi32>, vector<16xi32>], vector<16xi32>,
        %shift_left3A_640 = arith.constant 16 : i32
        %shift_left3A_641 = vector.broadcast %shift_left3A_640 : i32 to vector<16xi32>
        %shift_left3A_642 = arith.shli %gather3A_639, %shift_left3A_641 : vector<16xi32>
        %bitcast3A = vector.bitcast %shift_left3A_642 : vector<16xi32> to vector<16xf32>
        %and3A_643 = arith.constant -65536 : i32
        %and3A_644 = vector.broadcast %and3A_643 : i32 to vector<16xi32>
        %and3A_645 = arith.andi %gather3A_639, %and3A_644 : vector<16xi32>
        %bitcast3A_646 = vector.bitcast %and3A_645 : vector<16xi32> to vector<16xf32>
        %mul3A_647 = arith.mulf %gather3A, %bitcast3A : vector<16xf32>
        %add3A_648 = arith.addf %scan3A_620, %mul3A_647 : vector<16xf32>
        %mul3A_649 = arith.mulf %gather3A, %bitcast3A_646 : vector<16xf32>
        %add3A_650 = arith.addf %scan3A_621, %mul3A_649 : vector<16xf32>
        %scan3A_651 = arith.constant 1 : i32
        %scan3A_652 = arith.addi %scan3A_619, %scan3A_651 : i32
        %shift_right_arithmetic3A_653 = arith.constant 4 : i32
        %shift_right_arithmetic3A_654 = arith.shrsi %scan3A_652, %shift_right_arithmetic3A_653 : i32
        %shift_left3A_655 = arith.constant 7 : i32
        %shift_left3A_656 = arith.shli %shift_right_arithmetic3A_654, %shift_left3A_655 : i32
        %or3A_657 = arith.constant 48 : i32
        %or3A_658 = arith.ori %shift_left3A_656, %or3A_657 : i32
        %and3A_659 = arith.constant 15 : i32
        %and3A_660 = arith.andi %scan3A_652, %and3A_659 : i32
        %or3A_661 = arith.ori %or3A_658, %and3A_660 : i32
        %broadcast_in_dim3A_662 = vector.broadcast %select_n3A_260 : i32 to vector<16xi32>
        %shift_right_arithmetic3A_663 = arith.constant 4 : i32
        %shift_right_arithmetic3A_664 = arith.shrsi %scan3A_652, %shift_right_arithmetic3A_663 : i32
        %broadcast_in_dim3A_665 = vector.broadcast %shift_right_arithmetic3A_664 : i32 to vector<16xi32>
        %and3A_666 = arith.constant 15 : i32
        %and3A_667 = arith.andi %scan3A_652, %and3A_666 : i32
        %or3A_668 = arith.constant 48 : i32
        %or3A_669 = arith.ori %or3A_668, %and3A_667 : i32
        %broadcast_in_dim3A_670 = vector.broadcast %or3A_669 : i32 to vector<16xi32>
        %gather3A_671 = tpu.vector_load_idx %arg7[%broadcast_in_dim3A_662, %broadcast_in_dim3A_665, %broadcast_in_dim3A_670] : memref<3x4x128xf32, #tpu.memory_space<vmem>>[vector<16xi32>, vector<16xi32>, vector<16xi32>], vector<16xf32>,
        %add3A_672 = arith.addi %mul3A_414, %or3A_661 : i32
        %broadcast_in_dim3A_673 = vector.broadcast %add3A_672 : i32 to vector<16xi32>
        %gather3A_674 = tpu.vector_load_idx %arg8[%broadcast_in_dim3A_673, %iota3A] : memref<1024x16xi32, #tpu.memory_space<vmem>>[vector<16xi32>, vector<16xi32>], vector<16xi32>,
        %shift_left3A_675 = arith.constant 16 : i32
        %shift_left3A_676 = vector.broadcast %shift_left3A_675 : i32 to vector<16xi32>
        %shift_left3A_677 = arith.shli %gather3A_674, %shift_left3A_676 : vector<16xi32>
        %bitcast3A_678 = vector.bitcast %shift_left3A_677 : vector<16xi32> to vector<16xf32>
        %and3A_679 = arith.constant -65536 : i32
        %and3A_680 = vector.broadcast %and3A_679 : i32 to vector<16xi32>
        %and3A_681 = arith.andi %gather3A_674, %and3A_680 : vector<16xi32>
        %bitcast3A_682 = vector.bitcast %and3A_681 : vector<16xi32> to vector<16xf32>
        %mul3A_683 = arith.mulf %gather3A_671, %bitcast3A_678 : vector<16xf32>
        %add3A_684 = arith.addf %add3A_648, %mul3A_683 : vector<16xf32>
        %mul3A_685 = arith.mulf %gather3A_671, %bitcast3A_682 : vector<16xf32>
        %add3A_686 = arith.addf %add3A_650, %mul3A_685 : vector<16xf32>
        %scan3A_687 = arith.constant 2 : i32
        %scan3A_688 = arith.addi %scan3A_619, %scan3A_687 : i32
        %shift_right_arithmetic3A_689 = arith.constant 4 : i32
        %shift_right_arithmetic3A_690 = arith.shrsi %scan3A_688, %shift_right_arithmetic3A_689 : i32
        %shift_left3A_691 = arith.constant 7 : i32
        %shift_left3A_692 = arith.shli %shift_right_arithmetic3A_690, %shift_left3A_691 : i32
        %or3A_693 = arith.constant 48 : i32
        %or3A_694 = arith.ori %shift_left3A_692, %or3A_693 : i32
        %and3A_695 = arith.constant 15 : i32
        %and3A_696 = arith.andi %scan3A_688, %and3A_695 : i32
        %or3A_697 = arith.ori %or3A_694, %and3A_696 : i32
        %broadcast_in_dim3A_698 = vector.broadcast %select_n3A_260 : i32 to vector<16xi32>
        %shift_right_arithmetic3A_699 = arith.constant 4 : i32
        %shift_right_arithmetic3A_700 = arith.shrsi %scan3A_688, %shift_right_arithmetic3A_699 : i32
        %broadcast_in_dim3A_701 = vector.broadcast %shift_right_arithmetic3A_700 : i32 to vector<16xi32>
        %and3A_702 = arith.constant 15 : i32
        %and3A_703 = arith.andi %scan3A_688, %and3A_702 : i32
        %or3A_704 = arith.constant 48 : i32
        %or3A_705 = arith.ori %or3A_704, %and3A_703 : i32
        %broadcast_in_dim3A_706 = vector.broadcast %or3A_705 : i32 to vector<16xi32>
        %gather3A_707 = tpu.vector_load_idx %arg7[%broadcast_in_dim3A_698, %broadcast_in_dim3A_701, %broadcast_in_dim3A_706] : memref<3x4x128xf32, #tpu.memory_space<vmem>>[vector<16xi32>, vector<16xi32>, vector<16xi32>], vector<16xf32>,
        %add3A_708 = arith.addi %mul3A_414, %or3A_697 : i32
        %broadcast_in_dim3A_709 = vector.broadcast %add3A_708 : i32 to vector<16xi32>
        %gather3A_710 = tpu.vector_load_idx %arg8[%broadcast_in_dim3A_709, %iota3A] : memref<1024x16xi32, #tpu.memory_space<vmem>>[vector<16xi32>, vector<16xi32>], vector<16xi32>,
        %shift_left3A_711 = arith.constant 16 : i32
        %shift_left3A_712 = vector.broadcast %shift_left3A_711 : i32 to vector<16xi32>
        %shift_left3A_713 = arith.shli %gather3A_710, %shift_left3A_712 : vector<16xi32>
        %bitcast3A_714 = vector.bitcast %shift_left3A_713 : vector<16xi32> to vector<16xf32>
        %and3A_715 = arith.constant -65536 : i32
        %and3A_716 = vector.broadcast %and3A_715 : i32 to vector<16xi32>
        %and3A_717 = arith.andi %gather3A_710, %and3A_716 : vector<16xi32>
        %bitcast3A_718 = vector.bitcast %and3A_717 : vector<16xi32> to vector<16xf32>
        %mul3A_719 = arith.mulf %gather3A_707, %bitcast3A_714 : vector<16xf32>
        %add3A_720 = arith.addf %add3A_684, %mul3A_719 : vector<16xf32>
        %mul3A_721 = arith.mulf %gather3A_707, %bitcast3A_718 : vector<16xf32>
        %add3A_722 = arith.addf %add3A_686, %mul3A_721 : vector<16xf32>
        %scan3A_723 = arith.constant 3 : i32
        %scan3A_724 = arith.addi %scan3A_619, %scan3A_723 : i32
        %shift_right_arithmetic3A_725 = arith.constant 4 : i32
        %shift_right_arithmetic3A_726 = arith.shrsi %scan3A_724, %shift_right_arithmetic3A_725 : i32
        %shift_left3A_727 = arith.constant 7 : i32
        %shift_left3A_728 = arith.shli %shift_right_arithmetic3A_726, %shift_left3A_727 : i32
        %or3A_729 = arith.constant 48 : i32
        %or3A_730 = arith.ori %shift_left3A_728, %or3A_729 : i32
        %and3A_731 = arith.constant 15 : i32
        %and3A_732 = arith.andi %scan3A_724, %and3A_731 : i32
        %or3A_733 = arith.ori %or3A_730, %and3A_732 : i32
        %broadcast_in_dim3A_734 = vector.broadcast %select_n3A_260 : i32 to vector<16xi32>
        %shift_right_arithmetic3A_735 = arith.constant 4 : i32
        %shift_right_arithmetic3A_736 = arith.shrsi %scan3A_724, %shift_right_arithmetic3A_735 : i32
        %broadcast_in_dim3A_737 = vector.broadcast %shift_right_arithmetic3A_736 : i32 to vector<16xi32>
        %and3A_738 = arith.constant 15 : i32
        %and3A_739 = arith.andi %scan3A_724, %and3A_738 : i32
        %or3A_740 = arith.constant 48 : i32
        %or3A_741 = arith.ori %or3A_740, %and3A_739 : i32
        %broadcast_in_dim3A_742 = vector.broadcast %or3A_741 : i32 to vector<16xi32>
        %gather3A_743 = tpu.vector_load_idx %arg7[%broadcast_in_dim3A_734, %broadcast_in_dim3A_737, %broadcast_in_dim3A_742] : memref<3x4x128xf32, #tpu.memory_space<vmem>>[vector<16xi32>, vector<16xi32>, vector<16xi32>], vector<16xf32>,
        %add3A_744 = arith.addi %mul3A_414, %or3A_733 : i32
        %broadcast_in_dim3A_745 = vector.broadcast %add3A_744 : i32 to vector<16xi32>
        %gather3A_746 = tpu.vector_load_idx %arg8[%broadcast_in_dim3A_745, %iota3A] : memref<1024x16xi32, #tpu.memory_space<vmem>>[vector<16xi32>, vector<16xi32>], vector<16xi32>,
        %shift_left3A_747 = arith.constant 16 : i32
        %shift_left3A_748 = vector.broadcast %shift_left3A_747 : i32 to vector<16xi32>
        %shift_left3A_749 = arith.shli %gather3A_746, %shift_left3A_748 : vector<16xi32>
        %bitcast3A_750 = vector.bitcast %shift_left3A_749 : vector<16xi32> to vector<16xf32>
        %and3A_751 = arith.constant -65536 : i32
        %and3A_752 = vector.broadcast %and3A_751 : i32 to vector<16xi32>
        %and3A_753 = arith.andi %gather3A_746, %and3A_752 : vector<16xi32>
        %bitcast3A_754 = vector.bitcast %and3A_753 : vector<16xi32> to vector<16xf32>
        %mul3A_755 = arith.mulf %gather3A_743, %bitcast3A_750 : vector<16xf32>
        %add3A_756 = arith.addf %add3A_720, %mul3A_755 : vector<16xf32>
        %mul3A_757 = arith.mulf %gather3A_743, %bitcast3A_754 : vector<16xf32>
        %add3A_758 = arith.addf %add3A_722, %mul3A_757 : vector<16xf32>
        scf.yield %add3A_756, %add3A_758 : vector<16xf32>, vector<16xf32>
      }
      %scan3A_486 = arith.constant 64 : i32
      %mul3A_487 = arith.constant 256 : i32
      %mul3A_488 = arith.muli %select_n3A_276, %mul3A_487 : i32
      %add3A_489 = arith.constant 96 : i32
      %add3A_490 = arith.addi %mul3A_488, %add3A_489 : i32
      %swap3A_491 = arith.index_cast %add3A_490 : i32 to index
      %swap3A_492 = tpu.vector_load %arg9[%swap3A_491] {strides = array<i32>} : memref<512xf32, #tpu.memory_space<vmem>>, vector<16xf32>,
      tpu.vector_store %arg9[%swap3A_491], %scan3A_485#0 {strides = array<i32>} : memref<512xf32, #tpu.memory_space<vmem>>, vector<16xf32>,
      %mul3A_493 = arith.constant 256 : i32
      %mul3A_494 = arith.muli %select_n3A_276, %mul3A_493 : i32
      %add3A_495 = arith.constant 96 : i32
      %add3A_496 = arith.addi %mul3A_494, %add3A_495 : i32
      %add3A_497 = arith.constant 16 : i32
      %add3A_498 = arith.addi %add3A_496, %add3A_497 : i32
      %swap3A_499 = arith.index_cast %add3A_498 : i32 to index
      %swap3A_500 = tpu.vector_load %arg9[%swap3A_499] {strides = array<i32>} : memref<512xf32, #tpu.memory_space<vmem>>, vector<16xf32>,
      tpu.vector_store %arg9[%swap3A_499], %scan3A_485#1 {strides = array<i32>} : memref<512xf32, #tpu.memory_space<vmem>>, vector<16xf32>,
      %broadcast_in_dim3A_501 = arith.constant 0.000000e+00 : f32
      %broadcast_in_dim3A_502 = vector.broadcast %broadcast_in_dim3A_501 : f32 to vector<16xf32>
      %scan3A_503 = arith.constant 0 : i32
      %scan3A_504 = arith.constant 64 : i32
      %scan3A_505 = arith.addi %scan3A_503, %scan3A_504 : i32
      %scan3A_506 = arith.constant 4 : i32
      %scan3A_507:2 = scf.for %scan3A_619 = %scan3A_503 to %scan3A_505 step %scan3A_506 iter_args(%scan3A_620 = %broadcast_in_dim3A_502, %scan3A_621 = %broadcast_in_dim3A_502) -> (vector<16xf32>, vector<16xf32>)  : i32 {
        %shift_right_arithmetic3A = arith.constant 4 : i32
        %shift_right_arithmetic3A_622 = arith.shrsi %scan3A_619, %shift_right_arithmetic3A : i32
        %shift_left3A = arith.constant 7 : i32
        %shift_left3A_623 = arith.shli %shift_right_arithmetic3A_622, %shift_left3A : i32
        %or3A = arith.constant 64 : i32
        %or3A_624 = arith.ori %shift_left3A_623, %or3A : i32
        %and3A_625 = arith.constant 15 : i32
        %and3A_626 = arith.andi %scan3A_619, %and3A_625 : i32
        %or3A_627 = arith.ori %or3A_624, %and3A_626 : i32
        %broadcast_in_dim3A_628 = vector.broadcast %select_n3A_260 : i32 to vector<16xi32>
        %shift_right_arithmetic3A_629 = arith.constant 4 : i32
        %shift_right_arithmetic3A_630 = arith.shrsi %scan3A_619, %shift_right_arithmetic3A_629 : i32
        %broadcast_in_dim3A_631 = vector.broadcast %shift_right_arithmetic3A_630 : i32 to vector<16xi32>
        %and3A_632 = arith.constant 15 : i32
        %and3A_633 = arith.andi %scan3A_619, %and3A_632 : i32
        %or3A_634 = arith.constant 64 : i32
        %or3A_635 = arith.ori %or3A_634, %and3A_633 : i32
        %broadcast_in_dim3A_636 = vector.broadcast %or3A_635 : i32 to vector<16xi32>
        %gather3A = tpu.vector_load_idx %arg7[%broadcast_in_dim3A_628, %broadcast_in_dim3A_631, %broadcast_in_dim3A_636] : memref<3x4x128xf32, #tpu.memory_space<vmem>>[vector<16xi32>, vector<16xi32>, vector<16xi32>], vector<16xf32>,
        %add3A_637 = arith.addi %mul3A_414, %or3A_627 : i32
        %broadcast_in_dim3A_638 = vector.broadcast %add3A_637 : i32 to vector<16xi32>
        %gather3A_639 = tpu.vector_load_idx %arg8[%broadcast_in_dim3A_638, %iota3A] : memref<1024x16xi32, #tpu.memory_space<vmem>>[vector<16xi32>, vector<16xi32>], vector<16xi32>,
        %shift_left3A_640 = arith.constant 16 : i32
        %shift_left3A_641 = vector.broadcast %shift_left3A_640 : i32 to vector<16xi32>
        %shift_left3A_642 = arith.shli %gather3A_639, %shift_left3A_641 : vector<16xi32>
        %bitcast3A = vector.bitcast %shift_left3A_642 : vector<16xi32> to vector<16xf32>
        %and3A_643 = arith.constant -65536 : i32
        %and3A_644 = vector.broadcast %and3A_643 : i32 to vector<16xi32>
        %and3A_645 = arith.andi %gather3A_639, %and3A_644 : vector<16xi32>
        %bitcast3A_646 = vector.bitcast %and3A_645 : vector<16xi32> to vector<16xf32>
        %mul3A_647 = arith.mulf %gather3A, %bitcast3A : vector<16xf32>
        %add3A_648 = arith.addf %scan3A_620, %mul3A_647 : vector<16xf32>
        %mul3A_649 = arith.mulf %gather3A, %bitcast3A_646 : vector<16xf32>
        %add3A_650 = arith.addf %scan3A_621, %mul3A_649 : vector<16xf32>
        %scan3A_651 = arith.constant 1 : i32
        %scan3A_652 = arith.addi %scan3A_619, %scan3A_651 : i32
        %shift_right_arithmetic3A_653 = arith.constant 4 : i32
        %shift_right_arithmetic3A_654 = arith.shrsi %scan3A_652, %shift_right_arithmetic3A_653 : i32
        %shift_left3A_655 = arith.constant 7 : i32
        %shift_left3A_656 = arith.shli %shift_right_arithmetic3A_654, %shift_left3A_655 : i32
        %or3A_657 = arith.constant 64 : i32
        %or3A_658 = arith.ori %shift_left3A_656, %or3A_657 : i32
        %and3A_659 = arith.constant 15 : i32
        %and3A_660 = arith.andi %scan3A_652, %and3A_659 : i32
        %or3A_661 = arith.ori %or3A_658, %and3A_660 : i32
        %broadcast_in_dim3A_662 = vector.broadcast %select_n3A_260 : i32 to vector<16xi32>
        %shift_right_arithmetic3A_663 = arith.constant 4 : i32
        %shift_right_arithmetic3A_664 = arith.shrsi %scan3A_652, %shift_right_arithmetic3A_663 : i32
        %broadcast_in_dim3A_665 = vector.broadcast %shift_right_arithmetic3A_664 : i32 to vector<16xi32>
        %and3A_666 = arith.constant 15 : i32
        %and3A_667 = arith.andi %scan3A_652, %and3A_666 : i32
        %or3A_668 = arith.constant 64 : i32
        %or3A_669 = arith.ori %or3A_668, %and3A_667 : i32
        %broadcast_in_dim3A_670 = vector.broadcast %or3A_669 : i32 to vector<16xi32>
        %gather3A_671 = tpu.vector_load_idx %arg7[%broadcast_in_dim3A_662, %broadcast_in_dim3A_665, %broadcast_in_dim3A_670] : memref<3x4x128xf32, #tpu.memory_space<vmem>>[vector<16xi32>, vector<16xi32>, vector<16xi32>], vector<16xf32>,
        %add3A_672 = arith.addi %mul3A_414, %or3A_661 : i32
        %broadcast_in_dim3A_673 = vector.broadcast %add3A_672 : i32 to vector<16xi32>
        %gather3A_674 = tpu.vector_load_idx %arg8[%broadcast_in_dim3A_673, %iota3A] : memref<1024x16xi32, #tpu.memory_space<vmem>>[vector<16xi32>, vector<16xi32>], vector<16xi32>,
        %shift_left3A_675 = arith.constant 16 : i32
        %shift_left3A_676 = vector.broadcast %shift_left3A_675 : i32 to vector<16xi32>
        %shift_left3A_677 = arith.shli %gather3A_674, %shift_left3A_676 : vector<16xi32>
        %bitcast3A_678 = vector.bitcast %shift_left3A_677 : vector<16xi32> to vector<16xf32>
        %and3A_679 = arith.constant -65536 : i32
        %and3A_680 = vector.broadcast %and3A_679 : i32 to vector<16xi32>
        %and3A_681 = arith.andi %gather3A_674, %and3A_680 : vector<16xi32>
        %bitcast3A_682 = vector.bitcast %and3A_681 : vector<16xi32> to vector<16xf32>
        %mul3A_683 = arith.mulf %gather3A_671, %bitcast3A_678 : vector<16xf32>
        %add3A_684 = arith.addf %add3A_648, %mul3A_683 : vector<16xf32>
        %mul3A_685 = arith.mulf %gather3A_671, %bitcast3A_682 : vector<16xf32>
        %add3A_686 = arith.addf %add3A_650, %mul3A_685 : vector<16xf32>
        %scan3A_687 = arith.constant 2 : i32
        %scan3A_688 = arith.addi %scan3A_619, %scan3A_687 : i32
        %shift_right_arithmetic3A_689 = arith.constant 4 : i32
        %shift_right_arithmetic3A_690 = arith.shrsi %scan3A_688, %shift_right_arithmetic3A_689 : i32
        %shift_left3A_691 = arith.constant 7 : i32
        %shift_left3A_692 = arith.shli %shift_right_arithmetic3A_690, %shift_left3A_691 : i32
        %or3A_693 = arith.constant 64 : i32
        %or3A_694 = arith.ori %shift_left3A_692, %or3A_693 : i32
        %and3A_695 = arith.constant 15 : i32
        %and3A_696 = arith.andi %scan3A_688, %and3A_695 : i32
        %or3A_697 = arith.ori %or3A_694, %and3A_696 : i32
        %broadcast_in_dim3A_698 = vector.broadcast %select_n3A_260 : i32 to vector<16xi32>
        %shift_right_arithmetic3A_699 = arith.constant 4 : i32
        %shift_right_arithmetic3A_700 = arith.shrsi %scan3A_688, %shift_right_arithmetic3A_699 : i32
        %broadcast_in_dim3A_701 = vector.broadcast %shift_right_arithmetic3A_700 : i32 to vector<16xi32>
        %and3A_702 = arith.constant 15 : i32
        %and3A_703 = arith.andi %scan3A_688, %and3A_702 : i32
        %or3A_704 = arith.constant 64 : i32
        %or3A_705 = arith.ori %or3A_704, %and3A_703 : i32
        %broadcast_in_dim3A_706 = vector.broadcast %or3A_705 : i32 to vector<16xi32>
        %gather3A_707 = tpu.vector_load_idx %arg7[%broadcast_in_dim3A_698, %broadcast_in_dim3A_701, %broadcast_in_dim3A_706] : memref<3x4x128xf32, #tpu.memory_space<vmem>>[vector<16xi32>, vector<16xi32>, vector<16xi32>], vector<16xf32>,
        %add3A_708 = arith.addi %mul3A_414, %or3A_697 : i32
        %broadcast_in_dim3A_709 = vector.broadcast %add3A_708 : i32 to vector<16xi32>
        %gather3A_710 = tpu.vector_load_idx %arg8[%broadcast_in_dim3A_709, %iota3A] : memref<1024x16xi32, #tpu.memory_space<vmem>>[vector<16xi32>, vector<16xi32>], vector<16xi32>,
        %shift_left3A_711 = arith.constant 16 : i32
        %shift_left3A_712 = vector.broadcast %shift_left3A_711 : i32 to vector<16xi32>
        %shift_left3A_713 = arith.shli %gather3A_710, %shift_left3A_712 : vector<16xi32>
        %bitcast3A_714 = vector.bitcast %shift_left3A_713 : vector<16xi32> to vector<16xf32>
        %and3A_715 = arith.constant -65536 : i32
        %and3A_716 = vector.broadcast %and3A_715 : i32 to vector<16xi32>
        %and3A_717 = arith.andi %gather3A_710, %and3A_716 : vector<16xi32>
        %bitcast3A_718 = vector.bitcast %and3A_717 : vector<16xi32> to vector<16xf32>
        %mul3A_719 = arith.mulf %gather3A_707, %bitcast3A_714 : vector<16xf32>
        %add3A_720 = arith.addf %add3A_684, %mul3A_719 : vector<16xf32>
        %mul3A_721 = arith.mulf %gather3A_707, %bitcast3A_718 : vector<16xf32>
        %add3A_722 = arith.addf %add3A_686, %mul3A_721 : vector<16xf32>
        %scan3A_723 = arith.constant 3 : i32
        %scan3A_724 = arith.addi %scan3A_619, %scan3A_723 : i32
        %shift_right_arithmetic3A_725 = arith.constant 4 : i32
        %shift_right_arithmetic3A_726 = arith.shrsi %scan3A_724, %shift_right_arithmetic3A_725 : i32
        %shift_left3A_727 = arith.constant 7 : i32
        %shift_left3A_728 = arith.shli %shift_right_arithmetic3A_726, %shift_left3A_727 : i32
        %or3A_729 = arith.constant 64 : i32
        %or3A_730 = arith.ori %shift_left3A_728, %or3A_729 : i32
        %and3A_731 = arith.constant 15 : i32
        %and3A_732 = arith.andi %scan3A_724, %and3A_731 : i32
        %or3A_733 = arith.ori %or3A_730, %and3A_732 : i32
        %broadcast_in_dim3A_734 = vector.broadcast %select_n3A_260 : i32 to vector<16xi32>
        %shift_right_arithmetic3A_735 = arith.constant 4 : i32
        %shift_right_arithmetic3A_736 = arith.shrsi %scan3A_724, %shift_right_arithmetic3A_735 : i32
        %broadcast_in_dim3A_737 = vector.broadcast %shift_right_arithmetic3A_736 : i32 to vector<16xi32>
        %and3A_738 = arith.constant 15 : i32
        %and3A_739 = arith.andi %scan3A_724, %and3A_738 : i32
        %or3A_740 = arith.constant 64 : i32
        %or3A_741 = arith.ori %or3A_740, %and3A_739 : i32
        %broadcast_in_dim3A_742 = vector.broadcast %or3A_741 : i32 to vector<16xi32>
        %gather3A_743 = tpu.vector_load_idx %arg7[%broadcast_in_dim3A_734, %broadcast_in_dim3A_737, %broadcast_in_dim3A_742] : memref<3x4x128xf32, #tpu.memory_space<vmem>>[vector<16xi32>, vector<16xi32>, vector<16xi32>], vector<16xf32>,
        %add3A_744 = arith.addi %mul3A_414, %or3A_733 : i32
        %broadcast_in_dim3A_745 = vector.broadcast %add3A_744 : i32 to vector<16xi32>
        %gather3A_746 = tpu.vector_load_idx %arg8[%broadcast_in_dim3A_745, %iota3A] : memref<1024x16xi32, #tpu.memory_space<vmem>>[vector<16xi32>, vector<16xi32>], vector<16xi32>,
        %shift_left3A_747 = arith.constant 16 : i32
        %shift_left3A_748 = vector.broadcast %shift_left3A_747 : i32 to vector<16xi32>
        %shift_left3A_749 = arith.shli %gather3A_746, %shift_left3A_748 : vector<16xi32>
        %bitcast3A_750 = vector.bitcast %shift_left3A_749 : vector<16xi32> to vector<16xf32>
        %and3A_751 = arith.constant -65536 : i32
        %and3A_752 = vector.broadcast %and3A_751 : i32 to vector<16xi32>
        %and3A_753 = arith.andi %gather3A_746, %and3A_752 : vector<16xi32>
        %bitcast3A_754 = vector.bitcast %and3A_753 : vector<16xi32> to vector<16xf32>
        %mul3A_755 = arith.mulf %gather3A_743, %bitcast3A_750 : vector<16xf32>
        %add3A_756 = arith.addf %add3A_720, %mul3A_755 : vector<16xf32>
        %mul3A_757 = arith.mulf %gather3A_743, %bitcast3A_754 : vector<16xf32>
        %add3A_758 = arith.addf %add3A_722, %mul3A_757 : vector<16xf32>
        scf.yield %add3A_756, %add3A_758 : vector<16xf32>, vector<16xf32>
      }
      %scan3A_508 = arith.constant 64 : i32
      %mul3A_509 = arith.constant 256 : i32
      %mul3A_510 = arith.muli %select_n3A_276, %mul3A_509 : i32
      %add3A_511 = arith.constant 128 : i32
      %add3A_512 = arith.addi %mul3A_510, %add3A_511 : i32
      %swap3A_513 = arith.index_cast %add3A_512 : i32 to index
      %swap3A_514 = tpu.vector_load %arg9[%swap3A_513] {strides = array<i32>} : memref<512xf32, #tpu.memory_space<vmem>>, vector<16xf32>,
      tpu.vector_store %arg9[%swap3A_513], %scan3A_507#0 {strides = array<i32>} : memref<512xf32, #tpu.memory_space<vmem>>, vector<16xf32>,
      %mul3A_515 = arith.constant 256 : i32
      %mul3A_516 = arith.muli %select_n3A_276, %mul3A_515 : i32
      %add3A_517 = arith.constant 128 : i32
      %add3A_518 = arith.addi %mul3A_516, %add3A_517 : i32
      %add3A_519 = arith.constant 16 : i32
      %add3A_520 = arith.addi %add3A_518, %add3A_519 : i32
      %swap3A_521 = arith.index_cast %add3A_520 : i32 to index
      %swap3A_522 = tpu.vector_load %arg9[%swap3A_521] {strides = array<i32>} : memref<512xf32, #tpu.memory_space<vmem>>, vector<16xf32>,
      tpu.vector_store %arg9[%swap3A_521], %scan3A_507#1 {strides = array<i32>} : memref<512xf32, #tpu.memory_space<vmem>>, vector<16xf32>,
      %broadcast_in_dim3A_523 = arith.constant 0.000000e+00 : f32
      %broadcast_in_dim3A_524 = vector.broadcast %broadcast_in_dim3A_523 : f32 to vector<16xf32>
      %scan3A_525 = arith.constant 0 : i32
      %scan3A_526 = arith.constant 64 : i32
      %scan3A_527 = arith.addi %scan3A_525, %scan3A_526 : i32
      %scan3A_528 = arith.constant 4 : i32
      %scan3A_529:2 = scf.for %scan3A_619 = %scan3A_525 to %scan3A_527 step %scan3A_528 iter_args(%scan3A_620 = %broadcast_in_dim3A_524, %scan3A_621 = %broadcast_in_dim3A_524) -> (vector<16xf32>, vector<16xf32>)  : i32 {
        %shift_right_arithmetic3A = arith.constant 4 : i32
        %shift_right_arithmetic3A_622 = arith.shrsi %scan3A_619, %shift_right_arithmetic3A : i32
        %shift_left3A = arith.constant 7 : i32
        %shift_left3A_623 = arith.shli %shift_right_arithmetic3A_622, %shift_left3A : i32
        %or3A = arith.constant 80 : i32
        %or3A_624 = arith.ori %shift_left3A_623, %or3A : i32
        %and3A_625 = arith.constant 15 : i32
        %and3A_626 = arith.andi %scan3A_619, %and3A_625 : i32
        %or3A_627 = arith.ori %or3A_624, %and3A_626 : i32
        %broadcast_in_dim3A_628 = vector.broadcast %select_n3A_260 : i32 to vector<16xi32>
        %shift_right_arithmetic3A_629 = arith.constant 4 : i32
        %shift_right_arithmetic3A_630 = arith.shrsi %scan3A_619, %shift_right_arithmetic3A_629 : i32
        %broadcast_in_dim3A_631 = vector.broadcast %shift_right_arithmetic3A_630 : i32 to vector<16xi32>
        %and3A_632 = arith.constant 15 : i32
        %and3A_633 = arith.andi %scan3A_619, %and3A_632 : i32
        %or3A_634 = arith.constant 80 : i32
        %or3A_635 = arith.ori %or3A_634, %and3A_633 : i32
        %broadcast_in_dim3A_636 = vector.broadcast %or3A_635 : i32 to vector<16xi32>
        %gather3A = tpu.vector_load_idx %arg7[%broadcast_in_dim3A_628, %broadcast_in_dim3A_631, %broadcast_in_dim3A_636] : memref<3x4x128xf32, #tpu.memory_space<vmem>>[vector<16xi32>, vector<16xi32>, vector<16xi32>], vector<16xf32>,
        %add3A_637 = arith.addi %mul3A_414, %or3A_627 : i32
        %broadcast_in_dim3A_638 = vector.broadcast %add3A_637 : i32 to vector<16xi32>
        %gather3A_639 = tpu.vector_load_idx %arg8[%broadcast_in_dim3A_638, %iota3A] : memref<1024x16xi32, #tpu.memory_space<vmem>>[vector<16xi32>, vector<16xi32>], vector<16xi32>,
        %shift_left3A_640 = arith.constant 16 : i32
        %shift_left3A_641 = vector.broadcast %shift_left3A_640 : i32 to vector<16xi32>
        %shift_left3A_642 = arith.shli %gather3A_639, %shift_left3A_641 : vector<16xi32>
        %bitcast3A = vector.bitcast %shift_left3A_642 : vector<16xi32> to vector<16xf32>
        %and3A_643 = arith.constant -65536 : i32
        %and3A_644 = vector.broadcast %and3A_643 : i32 to vector<16xi32>
        %and3A_645 = arith.andi %gather3A_639, %and3A_644 : vector<16xi32>
        %bitcast3A_646 = vector.bitcast %and3A_645 : vector<16xi32> to vector<16xf32>
        %mul3A_647 = arith.mulf %gather3A, %bitcast3A : vector<16xf32>
        %add3A_648 = arith.addf %scan3A_620, %mul3A_647 : vector<16xf32>
        %mul3A_649 = arith.mulf %gather3A, %bitcast3A_646 : vector<16xf32>
        %add3A_650 = arith.addf %scan3A_621, %mul3A_649 : vector<16xf32>
        %scan3A_651 = arith.constant 1 : i32
        %scan3A_652 = arith.addi %scan3A_619, %scan3A_651 : i32
        %shift_right_arithmetic3A_653 = arith.constant 4 : i32
        %shift_right_arithmetic3A_654 = arith.shrsi %scan3A_652, %shift_right_arithmetic3A_653 : i32
        %shift_left3A_655 = arith.constant 7 : i32
        %shift_left3A_656 = arith.shli %shift_right_arithmetic3A_654, %shift_left3A_655 : i32
        %or3A_657 = arith.constant 80 : i32
        %or3A_658 = arith.ori %shift_left3A_656, %or3A_657 : i32
        %and3A_659 = arith.constant 15 : i32
        %and3A_660 = arith.andi %scan3A_652, %and3A_659 : i32
        %or3A_661 = arith.ori %or3A_658, %and3A_660 : i32
        %broadcast_in_dim3A_662 = vector.broadcast %select_n3A_260 : i32 to vector<16xi32>
        %shift_right_arithmetic3A_663 = arith.constant 4 : i32
        %shift_right_arithmetic3A_664 = arith.shrsi %scan3A_652, %shift_right_arithmetic3A_663 : i32
        %broadcast_in_dim3A_665 = vector.broadcast %shift_right_arithmetic3A_664 : i32 to vector<16xi32>
        %and3A_666 = arith.constant 15 : i32
        %and3A_667 = arith.andi %scan3A_652, %and3A_666 : i32
        %or3A_668 = arith.constant 80 : i32
        %or3A_669 = arith.ori %or3A_668, %and3A_667 : i32
        %broadcast_in_dim3A_670 = vector.broadcast %or3A_669 : i32 to vector<16xi32>
        %gather3A_671 = tpu.vector_load_idx %arg7[%broadcast_in_dim3A_662, %broadcast_in_dim3A_665, %broadcast_in_dim3A_670] : memref<3x4x128xf32, #tpu.memory_space<vmem>>[vector<16xi32>, vector<16xi32>, vector<16xi32>], vector<16xf32>,
        %add3A_672 = arith.addi %mul3A_414, %or3A_661 : i32
        %broadcast_in_dim3A_673 = vector.broadcast %add3A_672 : i32 to vector<16xi32>
        %gather3A_674 = tpu.vector_load_idx %arg8[%broadcast_in_dim3A_673, %iota3A] : memref<1024x16xi32, #tpu.memory_space<vmem>>[vector<16xi32>, vector<16xi32>], vector<16xi32>,
        %shift_left3A_675 = arith.constant 16 : i32
        %shift_left3A_676 = vector.broadcast %shift_left3A_675 : i32 to vector<16xi32>
        %shift_left3A_677 = arith.shli %gather3A_674, %shift_left3A_676 : vector<16xi32>
        %bitcast3A_678 = vector.bitcast %shift_left3A_677 : vector<16xi32> to vector<16xf32>
        %and3A_679 = arith.constant -65536 : i32
        %and3A_680 = vector.broadcast %and3A_679 : i32 to vector<16xi32>
        %and3A_681 = arith.andi %gather3A_674, %and3A_680 : vector<16xi32>
        %bitcast3A_682 = vector.bitcast %and3A_681 : vector<16xi32> to vector<16xf32>
        %mul3A_683 = arith.mulf %gather3A_671, %bitcast3A_678 : vector<16xf32>
        %add3A_684 = arith.addf %add3A_648, %mul3A_683 : vector<16xf32>
        %mul3A_685 = arith.mulf %gather3A_671, %bitcast3A_682 : vector<16xf32>
        %add3A_686 = arith.addf %add3A_650, %mul3A_685 : vector<16xf32>
        %scan3A_687 = arith.constant 2 : i32
        %scan3A_688 = arith.addi %scan3A_619, %scan3A_687 : i32
        %shift_right_arithmetic3A_689 = arith.constant 4 : i32
        %shift_right_arithmetic3A_690 = arith.shrsi %scan3A_688, %shift_right_arithmetic3A_689 : i32
        %shift_left3A_691 = arith.constant 7 : i32
        %shift_left3A_692 = arith.shli %shift_right_arithmetic3A_690, %shift_left3A_691 : i32
        %or3A_693 = arith.constant 80 : i32
        %or3A_694 = arith.ori %shift_left3A_692, %or3A_693 : i32
        %and3A_695 = arith.constant 15 : i32
        %and3A_696 = arith.andi %scan3A_688, %and3A_695 : i32
        %or3A_697 = arith.ori %or3A_694, %and3A_696 : i32
        %broadcast_in_dim3A_698 = vector.broadcast %select_n3A_260 : i32 to vector<16xi32>
        %shift_right_arithmetic3A_699 = arith.constant 4 : i32
        %shift_right_arithmetic3A_700 = arith.shrsi %scan3A_688, %shift_right_arithmetic3A_699 : i32
        %broadcast_in_dim3A_701 = vector.broadcast %shift_right_arithmetic3A_700 : i32 to vector<16xi32>
        %and3A_702 = arith.constant 15 : i32
        %and3A_703 = arith.andi %scan3A_688, %and3A_702 : i32
        %or3A_704 = arith.constant 80 : i32
        %or3A_705 = arith.ori %or3A_704, %and3A_703 : i32
        %broadcast_in_dim3A_706 = vector.broadcast %or3A_705 : i32 to vector<16xi32>
        %gather3A_707 = tpu.vector_load_idx %arg7[%broadcast_in_dim3A_698, %broadcast_in_dim3A_701, %broadcast_in_dim3A_706] : memref<3x4x128xf32, #tpu.memory_space<vmem>>[vector<16xi32>, vector<16xi32>, vector<16xi32>], vector<16xf32>,
        %add3A_708 = arith.addi %mul3A_414, %or3A_697 : i32
        %broadcast_in_dim3A_709 = vector.broadcast %add3A_708 : i32 to vector<16xi32>
        %gather3A_710 = tpu.vector_load_idx %arg8[%broadcast_in_dim3A_709, %iota3A] : memref<1024x16xi32, #tpu.memory_space<vmem>>[vector<16xi32>, vector<16xi32>], vector<16xi32>,
        %shift_left3A_711 = arith.constant 16 : i32
        %shift_left3A_712 = vector.broadcast %shift_left3A_711 : i32 to vector<16xi32>
        %shift_left3A_713 = arith.shli %gather3A_710, %shift_left3A_712 : vector<16xi32>
        %bitcast3A_714 = vector.bitcast %shift_left3A_713 : vector<16xi32> to vector<16xf32>
        %and3A_715 = arith.constant -65536 : i32
        %and3A_716 = vector.broadcast %and3A_715 : i32 to vector<16xi32>
        %and3A_717 = arith.andi %gather3A_710, %and3A_716 : vector<16xi32>
        %bitcast3A_718 = vector.bitcast %and3A_717 : vector<16xi32> to vector<16xf32>
        %mul3A_719 = arith.mulf %gather3A_707, %bitcast3A_714 : vector<16xf32>
        %add3A_720 = arith.addf %add3A_684, %mul3A_719 : vector<16xf32>
        %mul3A_721 = arith.mulf %gather3A_707, %bitcast3A_718 : vector<16xf32>
        %add3A_722 = arith.addf %add3A_686, %mul3A_721 : vector<16xf32>
        %scan3A_723 = arith.constant 3 : i32
        %scan3A_724 = arith.addi %scan3A_619, %scan3A_723 : i32
        %shift_right_arithmetic3A_725 = arith.constant 4 : i32
        %shift_right_arithmetic3A_726 = arith.shrsi %scan3A_724, %shift_right_arithmetic3A_725 : i32
        %shift_left3A_727 = arith.constant 7 : i32
        %shift_left3A_728 = arith.shli %shift_right_arithmetic3A_726, %shift_left3A_727 : i32
        %or3A_729 = arith.constant 80 : i32
        %or3A_730 = arith.ori %shift_left3A_728, %or3A_729 : i32
        %and3A_731 = arith.constant 15 : i32
        %and3A_732 = arith.andi %scan3A_724, %and3A_731 : i32
        %or3A_733 = arith.ori %or3A_730, %and3A_732 : i32
        %broadcast_in_dim3A_734 = vector.broadcast %select_n3A_260 : i32 to vector<16xi32>
        %shift_right_arithmetic3A_735 = arith.constant 4 : i32
        %shift_right_arithmetic3A_736 = arith.shrsi %scan3A_724, %shift_right_arithmetic3A_735 : i32
        %broadcast_in_dim3A_737 = vector.broadcast %shift_right_arithmetic3A_736 : i32 to vector<16xi32>
        %and3A_738 = arith.constant 15 : i32
        %and3A_739 = arith.andi %scan3A_724, %and3A_738 : i32
        %or3A_740 = arith.constant 80 : i32
        %or3A_741 = arith.ori %or3A_740, %and3A_739 : i32
        %broadcast_in_dim3A_742 = vector.broadcast %or3A_741 : i32 to vector<16xi32>
        %gather3A_743 = tpu.vector_load_idx %arg7[%broadcast_in_dim3A_734, %broadcast_in_dim3A_737, %broadcast_in_dim3A_742] : memref<3x4x128xf32, #tpu.memory_space<vmem>>[vector<16xi32>, vector<16xi32>, vector<16xi32>], vector<16xf32>,
        %add3A_744 = arith.addi %mul3A_414, %or3A_733 : i32
        %broadcast_in_dim3A_745 = vector.broadcast %add3A_744 : i32 to vector<16xi32>
        %gather3A_746 = tpu.vector_load_idx %arg8[%broadcast_in_dim3A_745, %iota3A] : memref<1024x16xi32, #tpu.memory_space<vmem>>[vector<16xi32>, vector<16xi32>], vector<16xi32>,
        %shift_left3A_747 = arith.constant 16 : i32
        %shift_left3A_748 = vector.broadcast %shift_left3A_747 : i32 to vector<16xi32>
        %shift_left3A_749 = arith.shli %gather3A_746, %shift_left3A_748 : vector<16xi32>
        %bitcast3A_750 = vector.bitcast %shift_left3A_749 : vector<16xi32> to vector<16xf32>
        %and3A_751 = arith.constant -65536 : i32
        %and3A_752 = vector.broadcast %and3A_751 : i32 to vector<16xi32>
        %and3A_753 = arith.andi %gather3A_746, %and3A_752 : vector<16xi32>
        %bitcast3A_754 = vector.bitcast %and3A_753 : vector<16xi32> to vector<16xf32>
        %mul3A_755 = arith.mulf %gather3A_743, %bitcast3A_750 : vector<16xf32>
        %add3A_756 = arith.addf %add3A_720, %mul3A_755 : vector<16xf32>
        %mul3A_757 = arith.mulf %gather3A_743, %bitcast3A_754 : vector<16xf32>
        %add3A_758 = arith.addf %add3A_722, %mul3A_757 : vector<16xf32>
        scf.yield %add3A_756, %add3A_758 : vector<16xf32>, vector<16xf32>
      }
      %scan3A_530 = arith.constant 64 : i32
      %mul3A_531 = arith.constant 256 : i32
      %mul3A_532 = arith.muli %select_n3A_276, %mul3A_531 : i32
      %add3A_533 = arith.constant 160 : i32
      %add3A_534 = arith.addi %mul3A_532, %add3A_533 : i32
      %swap3A_535 = arith.index_cast %add3A_534 : i32 to index
      %swap3A_536 = tpu.vector_load %arg9[%swap3A_535] {strides = array<i32>} : memref<512xf32, #tpu.memory_space<vmem>>, vector<16xf32>,
      tpu.vector_store %arg9[%swap3A_535], %scan3A_529#0 {strides = array<i32>} : memref<512xf32, #tpu.memory_space<vmem>>, vector<16xf32>,
      %mul3A_537 = arith.constant 256 : i32
      %mul3A_538 = arith.muli %select_n3A_276, %mul3A_537 : i32
      %add3A_539 = arith.constant 160 : i32
      %add3A_540 = arith.addi %mul3A_538, %add3A_539 : i32
      %add3A_541 = arith.constant 16 : i32
      %add3A_542 = arith.addi %add3A_540, %add3A_541 : i32
      %swap3A_543 = arith.index_cast %add3A_542 : i32 to index
      %swap3A_544 = tpu.vector_load %arg9[%swap3A_543] {strides = array<i32>} : memref<512xf32, #tpu.memory_space<vmem>>, vector<16xf32>,
      tpu.vector_store %arg9[%swap3A_543], %scan3A_529#1 {strides = array<i32>} : memref<512xf32, #tpu.memory_space<vmem>>, vector<16xf32>,
      %broadcast_in_dim3A_545 = arith.constant 0.000000e+00 : f32
      %broadcast_in_dim3A_546 = vector.broadcast %broadcast_in_dim3A_545 : f32 to vector<16xf32>
      %scan3A_547 = arith.constant 0 : i32
      %scan3A_548 = arith.constant 64 : i32
      %scan3A_549 = arith.addi %scan3A_547, %scan3A_548 : i32
      %scan3A_550 = arith.constant 4 : i32
      %scan3A_551:2 = scf.for %scan3A_619 = %scan3A_547 to %scan3A_549 step %scan3A_550 iter_args(%scan3A_620 = %broadcast_in_dim3A_546, %scan3A_621 = %broadcast_in_dim3A_546) -> (vector<16xf32>, vector<16xf32>)  : i32 {
        %shift_right_arithmetic3A = arith.constant 4 : i32
        %shift_right_arithmetic3A_622 = arith.shrsi %scan3A_619, %shift_right_arithmetic3A : i32
        %shift_left3A = arith.constant 7 : i32
        %shift_left3A_623 = arith.shli %shift_right_arithmetic3A_622, %shift_left3A : i32
        %or3A = arith.constant 96 : i32
        %or3A_624 = arith.ori %shift_left3A_623, %or3A : i32
        %and3A_625 = arith.constant 15 : i32
        %and3A_626 = arith.andi %scan3A_619, %and3A_625 : i32
        %or3A_627 = arith.ori %or3A_624, %and3A_626 : i32
        %broadcast_in_dim3A_628 = vector.broadcast %select_n3A_260 : i32 to vector<16xi32>
        %shift_right_arithmetic3A_629 = arith.constant 4 : i32
        %shift_right_arithmetic3A_630 = arith.shrsi %scan3A_619, %shift_right_arithmetic3A_629 : i32
        %broadcast_in_dim3A_631 = vector.broadcast %shift_right_arithmetic3A_630 : i32 to vector<16xi32>
        %and3A_632 = arith.constant 15 : i32
        %and3A_633 = arith.andi %scan3A_619, %and3A_632 : i32
        %or3A_634 = arith.constant 96 : i32
        %or3A_635 = arith.ori %or3A_634, %and3A_633 : i32
        %broadcast_in_dim3A_636 = vector.broadcast %or3A_635 : i32 to vector<16xi32>
        %gather3A = tpu.vector_load_idx %arg7[%broadcast_in_dim3A_628, %broadcast_in_dim3A_631, %broadcast_in_dim3A_636] : memref<3x4x128xf32, #tpu.memory_space<vmem>>[vector<16xi32>, vector<16xi32>, vector<16xi32>], vector<16xf32>,
        %add3A_637 = arith.addi %mul3A_414, %or3A_627 : i32
        %broadcast_in_dim3A_638 = vector.broadcast %add3A_637 : i32 to vector<16xi32>
        %gather3A_639 = tpu.vector_load_idx %arg8[%broadcast_in_dim3A_638, %iota3A] : memref<1024x16xi32, #tpu.memory_space<vmem>>[vector<16xi32>, vector<16xi32>], vector<16xi32>,
        %shift_left3A_640 = arith.constant 16 : i32
        %shift_left3A_641 = vector.broadcast %shift_left3A_640 : i32 to vector<16xi32>
        %shift_left3A_642 = arith.shli %gather3A_639, %shift_left3A_641 : vector<16xi32>
        %bitcast3A = vector.bitcast %shift_left3A_642 : vector<16xi32> to vector<16xf32>
        %and3A_643 = arith.constant -65536 : i32
        %and3A_644 = vector.broadcast %and3A_643 : i32 to vector<16xi32>
        %and3A_645 = arith.andi %gather3A_639, %and3A_644 : vector<16xi32>
        %bitcast3A_646 = vector.bitcast %and3A_645 : vector<16xi32> to vector<16xf32>
        %mul3A_647 = arith.mulf %gather3A, %bitcast3A : vector<16xf32>
        %add3A_648 = arith.addf %scan3A_620, %mul3A_647 : vector<16xf32>
        %mul3A_649 = arith.mulf %gather3A, %bitcast3A_646 : vector<16xf32>
        %add3A_650 = arith.addf %scan3A_621, %mul3A_649 : vector<16xf32>
        %scan3A_651 = arith.constant 1 : i32
        %scan3A_652 = arith.addi %scan3A_619, %scan3A_651 : i32
        %shift_right_arithmetic3A_653 = arith.constant 4 : i32
        %shift_right_arithmetic3A_654 = arith.shrsi %scan3A_652, %shift_right_arithmetic3A_653 : i32
        %shift_left3A_655 = arith.constant 7 : i32
        %shift_left3A_656 = arith.shli %shift_right_arithmetic3A_654, %shift_left3A_655 : i32
        %or3A_657 = arith.constant 96 : i32
        %or3A_658 = arith.ori %shift_left3A_656, %or3A_657 : i32
        %and3A_659 = arith.constant 15 : i32
        %and3A_660 = arith.andi %scan3A_652, %and3A_659 : i32
        %or3A_661 = arith.ori %or3A_658, %and3A_660 : i32
        %broadcast_in_dim3A_662 = vector.broadcast %select_n3A_260 : i32 to vector<16xi32>
        %shift_right_arithmetic3A_663 = arith.constant 4 : i32
        %shift_right_arithmetic3A_664 = arith.shrsi %scan3A_652, %shift_right_arithmetic3A_663 : i32
        %broadcast_in_dim3A_665 = vector.broadcast %shift_right_arithmetic3A_664 : i32 to vector<16xi32>
        %and3A_666 = arith.constant 15 : i32
        %and3A_667 = arith.andi %scan3A_652, %and3A_666 : i32
        %or3A_668 = arith.constant 96 : i32
        %or3A_669 = arith.ori %or3A_668, %and3A_667 : i32
        %broadcast_in_dim3A_670 = vector.broadcast %or3A_669 : i32 to vector<16xi32>
        %gather3A_671 = tpu.vector_load_idx %arg7[%broadcast_in_dim3A_662, %broadcast_in_dim3A_665, %broadcast_in_dim3A_670] : memref<3x4x128xf32, #tpu.memory_space<vmem>>[vector<16xi32>, vector<16xi32>, vector<16xi32>], vector<16xf32>,
        %add3A_672 = arith.addi %mul3A_414, %or3A_661 : i32
        %broadcast_in_dim3A_673 = vector.broadcast %add3A_672 : i32 to vector<16xi32>
        %gather3A_674 = tpu.vector_load_idx %arg8[%broadcast_in_dim3A_673, %iota3A] : memref<1024x16xi32, #tpu.memory_space<vmem>>[vector<16xi32>, vector<16xi32>], vector<16xi32>,
        %shift_left3A_675 = arith.constant 16 : i32
        %shift_left3A_676 = vector.broadcast %shift_left3A_675 : i32 to vector<16xi32>
        %shift_left3A_677 = arith.shli %gather3A_674, %shift_left3A_676 : vector<16xi32>
        %bitcast3A_678 = vector.bitcast %shift_left3A_677 : vector<16xi32> to vector<16xf32>
        %and3A_679 = arith.constant -65536 : i32
        %and3A_680 = vector.broadcast %and3A_679 : i32 to vector<16xi32>
        %and3A_681 = arith.andi %gather3A_674, %and3A_680 : vector<16xi32>
        %bitcast3A_682 = vector.bitcast %and3A_681 : vector<16xi32> to vector<16xf32>
        %mul3A_683 = arith.mulf %gather3A_671, %bitcast3A_678 : vector<16xf32>
        %add3A_684 = arith.addf %add3A_648, %mul3A_683 : vector<16xf32>
        %mul3A_685 = arith.mulf %gather3A_671, %bitcast3A_682 : vector<16xf32>
        %add3A_686 = arith.addf %add3A_650, %mul3A_685 : vector<16xf32>
        %scan3A_687 = arith.constant 2 : i32
        %scan3A_688 = arith.addi %scan3A_619, %scan3A_687 : i32
        %shift_right_arithmetic3A_689 = arith.constant 4 : i32
        %shift_right_arithmetic3A_690 = arith.shrsi %scan3A_688, %shift_right_arithmetic3A_689 : i32
        %shift_left3A_691 = arith.constant 7 : i32
        %shift_left3A_692 = arith.shli %shift_right_arithmetic3A_690, %shift_left3A_691 : i32
        %or3A_693 = arith.constant 96 : i32
        %or3A_694 = arith.ori %shift_left3A_692, %or3A_693 : i32
        %and3A_695 = arith.constant 15 : i32
        %and3A_696 = arith.andi %scan3A_688, %and3A_695 : i32
        %or3A_697 = arith.ori %or3A_694, %and3A_696 : i32
        %broadcast_in_dim3A_698 = vector.broadcast %select_n3A_260 : i32 to vector<16xi32>
        %shift_right_arithmetic3A_699 = arith.constant 4 : i32
        %shift_right_arithmetic3A_700 = arith.shrsi %scan3A_688, %shift_right_arithmetic3A_699 : i32
        %broadcast_in_dim3A_701 = vector.broadcast %shift_right_arithmetic3A_700 : i32 to vector<16xi32>
        %and3A_702 = arith.constant 15 : i32
        %and3A_703 = arith.andi %scan3A_688, %and3A_702 : i32
        %or3A_704 = arith.constant 96 : i32
        %or3A_705 = arith.ori %or3A_704, %and3A_703 : i32
        %broadcast_in_dim3A_706 = vector.broadcast %or3A_705 : i32 to vector<16xi32>
        %gather3A_707 = tpu.vector_load_idx %arg7[%broadcast_in_dim3A_698, %broadcast_in_dim3A_701, %broadcast_in_dim3A_706] : memref<3x4x128xf32, #tpu.memory_space<vmem>>[vector<16xi32>, vector<16xi32>, vector<16xi32>], vector<16xf32>,
        %add3A_708 = arith.addi %mul3A_414, %or3A_697 : i32
        %broadcast_in_dim3A_709 = vector.broadcast %add3A_708 : i32 to vector<16xi32>
        %gather3A_710 = tpu.vector_load_idx %arg8[%broadcast_in_dim3A_709, %iota3A] : memref<1024x16xi32, #tpu.memory_space<vmem>>[vector<16xi32>, vector<16xi32>], vector<16xi32>,
        %shift_left3A_711 = arith.constant 16 : i32
        %shift_left3A_712 = vector.broadcast %shift_left3A_711 : i32 to vector<16xi32>
        %shift_left3A_713 = arith.shli %gather3A_710, %shift_left3A_712 : vector<16xi32>
        %bitcast3A_714 = vector.bitcast %shift_left3A_713 : vector<16xi32> to vector<16xf32>
        %and3A_715 = arith.constant -65536 : i32
        %and3A_716 = vector.broadcast %and3A_715 : i32 to vector<16xi32>
        %and3A_717 = arith.andi %gather3A_710, %and3A_716 : vector<16xi32>
        %bitcast3A_718 = vector.bitcast %and3A_717 : vector<16xi32> to vector<16xf32>
        %mul3A_719 = arith.mulf %gather3A_707, %bitcast3A_714 : vector<16xf32>
        %add3A_720 = arith.addf %add3A_684, %mul3A_719 : vector<16xf32>
        %mul3A_721 = arith.mulf %gather3A_707, %bitcast3A_718 : vector<16xf32>
        %add3A_722 = arith.addf %add3A_686, %mul3A_721 : vector<16xf32>
        %scan3A_723 = arith.constant 3 : i32
        %scan3A_724 = arith.addi %scan3A_619, %scan3A_723 : i32
        %shift_right_arithmetic3A_725 = arith.constant 4 : i32
        %shift_right_arithmetic3A_726 = arith.shrsi %scan3A_724, %shift_right_arithmetic3A_725 : i32
        %shift_left3A_727 = arith.constant 7 : i32
        %shift_left3A_728 = arith.shli %shift_right_arithmetic3A_726, %shift_left3A_727 : i32
        %or3A_729 = arith.constant 96 : i32
        %or3A_730 = arith.ori %shift_left3A_728, %or3A_729 : i32
        %and3A_731 = arith.constant 15 : i32
        %and3A_732 = arith.andi %scan3A_724, %and3A_731 : i32
        %or3A_733 = arith.ori %or3A_730, %and3A_732 : i32
        %broadcast_in_dim3A_734 = vector.broadcast %select_n3A_260 : i32 to vector<16xi32>
        %shift_right_arithmetic3A_735 = arith.constant 4 : i32
        %shift_right_arithmetic3A_736 = arith.shrsi %scan3A_724, %shift_right_arithmetic3A_735 : i32
        %broadcast_in_dim3A_737 = vector.broadcast %shift_right_arithmetic3A_736 : i32 to vector<16xi32>
        %and3A_738 = arith.constant 15 : i32
        %and3A_739 = arith.andi %scan3A_724, %and3A_738 : i32
        %or3A_740 = arith.constant 96 : i32
        %or3A_741 = arith.ori %or3A_740, %and3A_739 : i32
        %broadcast_in_dim3A_742 = vector.broadcast %or3A_741 : i32 to vector<16xi32>
        %gather3A_743 = tpu.vector_load_idx %arg7[%broadcast_in_dim3A_734, %broadcast_in_dim3A_737, %broadcast_in_dim3A_742] : memref<3x4x128xf32, #tpu.memory_space<vmem>>[vector<16xi32>, vector<16xi32>, vector<16xi32>], vector<16xf32>,
        %add3A_744 = arith.addi %mul3A_414, %or3A_733 : i32
        %broadcast_in_dim3A_745 = vector.broadcast %add3A_744 : i32 to vector<16xi32>
        %gather3A_746 = tpu.vector_load_idx %arg8[%broadcast_in_dim3A_745, %iota3A] : memref<1024x16xi32, #tpu.memory_space<vmem>>[vector<16xi32>, vector<16xi32>], vector<16xi32>,
        %shift_left3A_747 = arith.constant 16 : i32
        %shift_left3A_748 = vector.broadcast %shift_left3A_747 : i32 to vector<16xi32>
        %shift_left3A_749 = arith.shli %gather3A_746, %shift_left3A_748 : vector<16xi32>
        %bitcast3A_750 = vector.bitcast %shift_left3A_749 : vector<16xi32> to vector<16xf32>
        %and3A_751 = arith.constant -65536 : i32
        %and3A_752 = vector.broadcast %and3A_751 : i32 to vector<16xi32>
        %and3A_753 = arith.andi %gather3A_746, %and3A_752 : vector<16xi32>
        %bitcast3A_754 = vector.bitcast %and3A_753 : vector<16xi32> to vector<16xf32>
        %mul3A_755 = arith.mulf %gather3A_743, %bitcast3A_750 : vector<16xf32>
        %add3A_756 = arith.addf %add3A_720, %mul3A_755 : vector<16xf32>
        %mul3A_757 = arith.mulf %gather3A_743, %bitcast3A_754 : vector<16xf32>
        %add3A_758 = arith.addf %add3A_722, %mul3A_757 : vector<16xf32>
        scf.yield %add3A_756, %add3A_758 : vector<16xf32>, vector<16xf32>
      }
      %scan3A_552 = arith.constant 64 : i32
      %mul3A_553 = arith.constant 256 : i32
      %mul3A_554 = arith.muli %select_n3A_276, %mul3A_553 : i32
      %add3A_555 = arith.constant 192 : i32
      %add3A_556 = arith.addi %mul3A_554, %add3A_555 : i32
      %swap3A_557 = arith.index_cast %add3A_556 : i32 to index
      %swap3A_558 = tpu.vector_load %arg9[%swap3A_557] {strides = array<i32>} : memref<512xf32, #tpu.memory_space<vmem>>, vector<16xf32>,
      tpu.vector_store %arg9[%swap3A_557], %scan3A_551#0 {strides = array<i32>} : memref<512xf32, #tpu.memory_space<vmem>>, vector<16xf32>,
      %mul3A_559 = arith.constant 256 : i32
      %mul3A_560 = arith.muli %select_n3A_276, %mul3A_559 : i32
      %add3A_561 = arith.constant 192 : i32
      %add3A_562 = arith.addi %mul3A_560, %add3A_561 : i32
      %add3A_563 = arith.constant 16 : i32
      %add3A_564 = arith.addi %add3A_562, %add3A_563 : i32
      %swap3A_565 = arith.index_cast %add3A_564 : i32 to index
      %swap3A_566 = tpu.vector_load %arg9[%swap3A_565] {strides = array<i32>} : memref<512xf32, #tpu.memory_space<vmem>>, vector<16xf32>,
      tpu.vector_store %arg9[%swap3A_565], %scan3A_551#1 {strides = array<i32>} : memref<512xf32, #tpu.memory_space<vmem>>, vector<16xf32>,
      %broadcast_in_dim3A_567 = arith.constant 0.000000e+00 : f32
      %broadcast_in_dim3A_568 = vector.broadcast %broadcast_in_dim3A_567 : f32 to vector<16xf32>
      %scan3A_569 = arith.constant 0 : i32
      %scan3A_570 = arith.constant 64 : i32
      %scan3A_571 = arith.addi %scan3A_569, %scan3A_570 : i32
      %scan3A_572 = arith.constant 4 : i32
      %scan3A_573:2 = scf.for %scan3A_619 = %scan3A_569 to %scan3A_571 step %scan3A_572 iter_args(%scan3A_620 = %broadcast_in_dim3A_568, %scan3A_621 = %broadcast_in_dim3A_568) -> (vector<16xf32>, vector<16xf32>)  : i32 {
        %shift_right_arithmetic3A = arith.constant 4 : i32
        %shift_right_arithmetic3A_622 = arith.shrsi %scan3A_619, %shift_right_arithmetic3A : i32
        %shift_left3A = arith.constant 7 : i32
        %shift_left3A_623 = arith.shli %shift_right_arithmetic3A_622, %shift_left3A : i32
        %or3A = arith.constant 112 : i32
        %or3A_624 = arith.ori %shift_left3A_623, %or3A : i32
        %and3A_625 = arith.constant 15 : i32
        %and3A_626 = arith.andi %scan3A_619, %and3A_625 : i32
        %or3A_627 = arith.ori %or3A_624, %and3A_626 : i32
        %broadcast_in_dim3A_628 = vector.broadcast %select_n3A_260 : i32 to vector<16xi32>
        %shift_right_arithmetic3A_629 = arith.constant 4 : i32
        %shift_right_arithmetic3A_630 = arith.shrsi %scan3A_619, %shift_right_arithmetic3A_629 : i32
        %broadcast_in_dim3A_631 = vector.broadcast %shift_right_arithmetic3A_630 : i32 to vector<16xi32>
        %and3A_632 = arith.constant 15 : i32
        %and3A_633 = arith.andi %scan3A_619, %and3A_632 : i32
        %or3A_634 = arith.constant 112 : i32
        %or3A_635 = arith.ori %or3A_634, %and3A_633 : i32
        %broadcast_in_dim3A_636 = vector.broadcast %or3A_635 : i32 to vector<16xi32>
        %gather3A = tpu.vector_load_idx %arg7[%broadcast_in_dim3A_628, %broadcast_in_dim3A_631, %broadcast_in_dim3A_636] : memref<3x4x128xf32, #tpu.memory_space<vmem>>[vector<16xi32>, vector<16xi32>, vector<16xi32>], vector<16xf32>,
        %add3A_637 = arith.addi %mul3A_414, %or3A_627 : i32
        %broadcast_in_dim3A_638 = vector.broadcast %add3A_637 : i32 to vector<16xi32>
        %gather3A_639 = tpu.vector_load_idx %arg8[%broadcast_in_dim3A_638, %iota3A] : memref<1024x16xi32, #tpu.memory_space<vmem>>[vector<16xi32>, vector<16xi32>], vector<16xi32>,
        %shift_left3A_640 = arith.constant 16 : i32
        %shift_left3A_641 = vector.broadcast %shift_left3A_640 : i32 to vector<16xi32>
        %shift_left3A_642 = arith.shli %gather3A_639, %shift_left3A_641 : vector<16xi32>
        %bitcast3A = vector.bitcast %shift_left3A_642 : vector<16xi32> to vector<16xf32>
        %and3A_643 = arith.constant -65536 : i32
        %and3A_644 = vector.broadcast %and3A_643 : i32 to vector<16xi32>
        %and3A_645 = arith.andi %gather3A_639, %and3A_644 : vector<16xi32>
        %bitcast3A_646 = vector.bitcast %and3A_645 : vector<16xi32> to vector<16xf32>
        %mul3A_647 = arith.mulf %gather3A, %bitcast3A : vector<16xf32>
        %add3A_648 = arith.addf %scan3A_620, %mul3A_647 : vector<16xf32>
        %mul3A_649 = arith.mulf %gather3A, %bitcast3A_646 : vector<16xf32>
        %add3A_650 = arith.addf %scan3A_621, %mul3A_649 : vector<16xf32>
        %scan3A_651 = arith.constant 1 : i32
        %scan3A_652 = arith.addi %scan3A_619, %scan3A_651 : i32
        %shift_right_arithmetic3A_653 = arith.constant 4 : i32
        %shift_right_arithmetic3A_654 = arith.shrsi %scan3A_652, %shift_right_arithmetic3A_653 : i32
        %shift_left3A_655 = arith.constant 7 : i32
        %shift_left3A_656 = arith.shli %shift_right_arithmetic3A_654, %shift_left3A_655 : i32
        %or3A_657 = arith.constant 112 : i32
        %or3A_658 = arith.ori %shift_left3A_656, %or3A_657 : i32
        %and3A_659 = arith.constant 15 : i32
        %and3A_660 = arith.andi %scan3A_652, %and3A_659 : i32
        %or3A_661 = arith.ori %or3A_658, %and3A_660 : i32
        %broadcast_in_dim3A_662 = vector.broadcast %select_n3A_260 : i32 to vector<16xi32>
        %shift_right_arithmetic3A_663 = arith.constant 4 : i32
        %shift_right_arithmetic3A_664 = arith.shrsi %scan3A_652, %shift_right_arithmetic3A_663 : i32
        %broadcast_in_dim3A_665 = vector.broadcast %shift_right_arithmetic3A_664 : i32 to vector<16xi32>
        %and3A_666 = arith.constant 15 : i32
        %and3A_667 = arith.andi %scan3A_652, %and3A_666 : i32
        %or3A_668 = arith.constant 112 : i32
        %or3A_669 = arith.ori %or3A_668, %and3A_667 : i32
        %broadcast_in_dim3A_670 = vector.broadcast %or3A_669 : i32 to vector<16xi32>
        %gather3A_671 = tpu.vector_load_idx %arg7[%broadcast_in_dim3A_662, %broadcast_in_dim3A_665, %broadcast_in_dim3A_670] : memref<3x4x128xf32, #tpu.memory_space<vmem>>[vector<16xi32>, vector<16xi32>, vector<16xi32>], vector<16xf32>,
        %add3A_672 = arith.addi %mul3A_414, %or3A_661 : i32
        %broadcast_in_dim3A_673 = vector.broadcast %add3A_672 : i32 to vector<16xi32>
        %gather3A_674 = tpu.vector_load_idx %arg8[%broadcast_in_dim3A_673, %iota3A] : memref<1024x16xi32, #tpu.memory_space<vmem>>[vector<16xi32>, vector<16xi32>], vector<16xi32>,
        %shift_left3A_675 = arith.constant 16 : i32
        %shift_left3A_676 = vector.broadcast %shift_left3A_675 : i32 to vector<16xi32>
        %shift_left3A_677 = arith.shli %gather3A_674, %shift_left3A_676 : vector<16xi32>
        %bitcast3A_678 = vector.bitcast %shift_left3A_677 : vector<16xi32> to vector<16xf32>
        %and3A_679 = arith.constant -65536 : i32
        %and3A_680 = vector.broadcast %and3A_679 : i32 to vector<16xi32>
        %and3A_681 = arith.andi %gather3A_674, %and3A_680 : vector<16xi32>
        %bitcast3A_682 = vector.bitcast %and3A_681 : vector<16xi32> to vector<16xf32>
        %mul3A_683 = arith.mulf %gather3A_671, %bitcast3A_678 : vector<16xf32>
        %add3A_684 = arith.addf %add3A_648, %mul3A_683 : vector<16xf32>
        %mul3A_685 = arith.mulf %gather3A_671, %bitcast3A_682 : vector<16xf32>
        %add3A_686 = arith.addf %add3A_650, %mul3A_685 : vector<16xf32>
        %scan3A_687 = arith.constant 2 : i32
        %scan3A_688 = arith.addi %scan3A_619, %scan3A_687 : i32
        %shift_right_arithmetic3A_689 = arith.constant 4 : i32
        %shift_right_arithmetic3A_690 = arith.shrsi %scan3A_688, %shift_right_arithmetic3A_689 : i32
        %shift_left3A_691 = arith.constant 7 : i32
        %shift_left3A_692 = arith.shli %shift_right_arithmetic3A_690, %shift_left3A_691 : i32
        %or3A_693 = arith.constant 112 : i32
        %or3A_694 = arith.ori %shift_left3A_692, %or3A_693 : i32
        %and3A_695 = arith.constant 15 : i32
        %and3A_696 = arith.andi %scan3A_688, %and3A_695 : i32
        %or3A_697 = arith.ori %or3A_694, %and3A_696 : i32
        %broadcast_in_dim3A_698 = vector.broadcast %select_n3A_260 : i32 to vector<16xi32>
        %shift_right_arithmetic3A_699 = arith.constant 4 : i32
        %shift_right_arithmetic3A_700 = arith.shrsi %scan3A_688, %shift_right_arithmetic3A_699 : i32
        %broadcast_in_dim3A_701 = vector.broadcast %shift_right_arithmetic3A_700 : i32 to vector<16xi32>
        %and3A_702 = arith.constant 15 : i32
        %and3A_703 = arith.andi %scan3A_688, %and3A_702 : i32
        %or3A_704 = arith.constant 112 : i32
        %or3A_705 = arith.ori %or3A_704, %and3A_703 : i32
        %broadcast_in_dim3A_706 = vector.broadcast %or3A_705 : i32 to vector<16xi32>
        %gather3A_707 = tpu.vector_load_idx %arg7[%broadcast_in_dim3A_698, %broadcast_in_dim3A_701, %broadcast_in_dim3A_706] : memref<3x4x128xf32, #tpu.memory_space<vmem>>[vector<16xi32>, vector<16xi32>, vector<16xi32>], vector<16xf32>,
        %add3A_708 = arith.addi %mul3A_414, %or3A_697 : i32
        %broadcast_in_dim3A_709 = vector.broadcast %add3A_708 : i32 to vector<16xi32>
        %gather3A_710 = tpu.vector_load_idx %arg8[%broadcast_in_dim3A_709, %iota3A] : memref<1024x16xi32, #tpu.memory_space<vmem>>[vector<16xi32>, vector<16xi32>], vector<16xi32>,
        %shift_left3A_711 = arith.constant 16 : i32
        %shift_left3A_712 = vector.broadcast %shift_left3A_711 : i32 to vector<16xi32>
        %shift_left3A_713 = arith.shli %gather3A_710, %shift_left3A_712 : vector<16xi32>
        %bitcast3A_714 = vector.bitcast %shift_left3A_713 : vector<16xi32> to vector<16xf32>
        %and3A_715 = arith.constant -65536 : i32
        %and3A_716 = vector.broadcast %and3A_715 : i32 to vector<16xi32>
        %and3A_717 = arith.andi %gather3A_710, %and3A_716 : vector<16xi32>
        %bitcast3A_718 = vector.bitcast %and3A_717 : vector<16xi32> to vector<16xf32>
        %mul3A_719 = arith.mulf %gather3A_707, %bitcast3A_714 : vector<16xf32>
        %add3A_720 = arith.addf %add3A_684, %mul3A_719 : vector<16xf32>
        %mul3A_721 = arith.mulf %gather3A_707, %bitcast3A_718 : vector<16xf32>
        %add3A_722 = arith.addf %add3A_686, %mul3A_721 : vector<16xf32>
        %scan3A_723 = arith.constant 3 : i32
        %scan3A_724 = arith.addi %scan3A_619, %scan3A_723 : i32
        %shift_right_arithmetic3A_725 = arith.constant 4 : i32
        %shift_right_arithmetic3A_726 = arith.shrsi %scan3A_724, %shift_right_arithmetic3A_725 : i32
        %shift_left3A_727 = arith.constant 7 : i32
        %shift_left3A_728 = arith.shli %shift_right_arithmetic3A_726, %shift_left3A_727 : i32
        %or3A_729 = arith.constant 112 : i32
        %or3A_730 = arith.ori %shift_left3A_728, %or3A_729 : i32
        %and3A_731 = arith.constant 15 : i32
        %and3A_732 = arith.andi %scan3A_724, %and3A_731 : i32
        %or3A_733 = arith.ori %or3A_730, %and3A_732 : i32
        %broadcast_in_dim3A_734 = vector.broadcast %select_n3A_260 : i32 to vector<16xi32>
        %shift_right_arithmetic3A_735 = arith.constant 4 : i32
        %shift_right_arithmetic3A_736 = arith.shrsi %scan3A_724, %shift_right_arithmetic3A_735 : i32
        %broadcast_in_dim3A_737 = vector.broadcast %shift_right_arithmetic3A_736 : i32 to vector<16xi32>
        %and3A_738 = arith.constant 15 : i32
        %and3A_739 = arith.andi %scan3A_724, %and3A_738 : i32
        %or3A_740 = arith.constant 112 : i32
        %or3A_741 = arith.ori %or3A_740, %and3A_739 : i32
        %broadcast_in_dim3A_742 = vector.broadcast %or3A_741 : i32 to vector<16xi32>
        %gather3A_743 = tpu.vector_load_idx %arg7[%broadcast_in_dim3A_734, %broadcast_in_dim3A_737, %broadcast_in_dim3A_742] : memref<3x4x128xf32, #tpu.memory_space<vmem>>[vector<16xi32>, vector<16xi32>, vector<16xi32>], vector<16xf32>,
        %add3A_744 = arith.addi %mul3A_414, %or3A_733 : i32
        %broadcast_in_dim3A_745 = vector.broadcast %add3A_744 : i32 to vector<16xi32>
        %gather3A_746 = tpu.vector_load_idx %arg8[%broadcast_in_dim3A_745, %iota3A] : memref<1024x16xi32, #tpu.memory_space<vmem>>[vector<16xi32>, vector<16xi32>], vector<16xi32>,
        %shift_left3A_747 = arith.constant 16 : i32
        %shift_left3A_748 = vector.broadcast %shift_left3A_747 : i32 to vector<16xi32>
        %shift_left3A_749 = arith.shli %gather3A_746, %shift_left3A_748 : vector<16xi32>
        %bitcast3A_750 = vector.bitcast %shift_left3A_749 : vector<16xi32> to vector<16xf32>
        %and3A_751 = arith.constant -65536 : i32
        %and3A_752 = vector.broadcast %and3A_751 : i32 to vector<16xi32>
        %and3A_753 = arith.andi %gather3A_746, %and3A_752 : vector<16xi32>
        %bitcast3A_754 = vector.bitcast %and3A_753 : vector<16xi32> to vector<16xf32>
        %mul3A_755 = arith.mulf %gather3A_743, %bitcast3A_750 : vector<16xf32>
        %add3A_756 = arith.addf %add3A_720, %mul3A_755 : vector<16xf32>
        %mul3A_757 = arith.mulf %gather3A_743, %bitcast3A_754 : vector<16xf32>
        %add3A_758 = arith.addf %add3A_722, %mul3A_757 : vector<16xf32>
        scf.yield %add3A_756, %add3A_758 : vector<16xf32>, vector<16xf32>
      }
      %scan3A_574 = arith.constant 64 : i32
      %mul3A_575 = arith.constant 256 : i32
      %mul3A_576 = arith.muli %select_n3A_276, %mul3A_575 : i32
      %add3A_577 = arith.constant 224 : i32
      %add3A_578 = arith.addi %mul3A_576, %add3A_577 : i32
      %swap3A_579 = arith.index_cast %add3A_578 : i32 to index
      %swap3A_580 = tpu.vector_load %arg9[%swap3A_579] {strides = array<i32>} : memref<512xf32, #tpu.memory_space<vmem>>, vector<16xf32>,
      tpu.vector_store %arg9[%swap3A_579], %scan3A_573#0 {strides = array<i32>} : memref<512xf32, #tpu.memory_space<vmem>>, vector<16xf32>,
      %mul3A_581 = arith.constant 256 : i32
      %mul3A_582 = arith.muli %select_n3A_276, %mul3A_581 : i32
      %add3A_583 = arith.constant 224 : i32
      %add3A_584 = arith.addi %mul3A_582, %add3A_583 : i32
      %add3A_585 = arith.constant 16 : i32
      %add3A_586 = arith.addi %add3A_584, %add3A_585 : i32
      %swap3A_587 = arith.index_cast %add3A_586 : i32 to index
      %swap3A_588 = tpu.vector_load %arg9[%swap3A_587] {strides = array<i32>} : memref<512xf32, #tpu.memory_space<vmem>>, vector<16xf32>,
      tpu.vector_store %arg9[%swap3A_587], %scan3A_573#1 {strides = array<i32>} : memref<512xf32, #tpu.memory_space<vmem>>, vector<16xf32>,
      %mul3A_589 = arith.constant 256 : i32
      %mul3A_590 = arith.muli %select_n3A_276, %mul3A_589 : i32
      %add3A_591 = arith.constant 0 : i32
      %add3A_592 = arith.addi %mul3A_590, %add3A_591 : i32
      %dma_start3A_593 = arith.constant 0 : i32
      %dma_start3A_594 = tpu.memref_slice %arg9[%add3A_592] : memref<512xf32, #tpu.memory_space<vmem>> -> memref<128xf32, #tpu.memory_space<vmem>>
      %dma_start3A_595 = arith.constant 0 : i32
      %dma_start3A_596 = tpu.memref_slice %arg5[%dma_start3A_593, %add3A_251, %dma_start3A_595] : memref<2x21760x128xf32, #tpu.memory_space<hbm>> -> memref<1x1x128xf32, #tpu.memory_space<hbm>>
      %dma_start3A_597 = tpu.memref_squeeze %dma_start3A_596 : memref<1x1x128xf32, #tpu.memory_space<hbm>> -> memref<128xf32, #tpu.memory_space<hbm>>
      %dma_start3A_598 = tpu.memref_slice %arg12[%select_n3A_276] : memref<2x!tpu.dma_semaphore, #tpu.memory_space<semaphore_mem>> -> memref<1x!tpu.dma_semaphore, #tpu.memory_space<semaphore_mem>>
      %dma_start3A_599 = tpu.memref_squeeze %dma_start3A_598 : memref<1x!tpu.dma_semaphore, #tpu.memory_space<semaphore_mem>> -> memref<!tpu.dma_semaphore, #tpu.memory_space<semaphore_mem>>
      %dma_start3A_600 = arith.constant 0 : i32
      %dma_start3A_601 = tpu.memref_slice %arg5[%dma_start3A_593, %add3A_251, %dma_start3A_600] : memref<2x21760x128xf32, #tpu.memory_space<hbm>> -> memref<1x1x128xf32, #tpu.memory_space<hbm>>
      %dma_start3A_602 = tpu.memref_squeeze %dma_start3A_601 : memref<1x1x128xf32, #tpu.memory_space<hbm>> -> memref<128xf32, #tpu.memory_space<hbm>>
      %dma_start3A_603 = tpu.memref_slice %arg9[%add3A_592] : memref<512xf32, #tpu.memory_space<vmem>> -> memref<128xf32, #tpu.memory_space<vmem>>
      tpu.enqueue_dma source(%dma_start3A_603 : memref<128xf32, #tpu.memory_space<vmem>>) target(%dma_start3A_602 : memref<128xf32, #tpu.memory_space<hbm>>) target_semaphore(%dma_start3A_599 : memref<!tpu.dma_semaphore, #tpu.memory_space<semaphore_mem>>)
      %mul3A_604 = arith.constant 256 : i32
      %mul3A_605 = arith.muli %select_n3A_276, %mul3A_604 : i32
      %add3A_606 = arith.constant 128 : i32
      %add3A_607 = arith.addi %mul3A_605, %add3A_606 : i32
      %dma_start3A_608 = arith.constant 1 : i32
      %dma_start3A_609 = tpu.memref_slice %arg9[%add3A_607] : memref<512xf32, #tpu.memory_space<vmem>> -> memref<128xf32, #tpu.memory_space<vmem>>
      %dma_start3A_610 = arith.constant 0 : i32
      %dma_start3A_611 = tpu.memref_slice %arg5[%dma_start3A_608, %add3A_251, %dma_start3A_610] : memref<2x21760x128xf32, #tpu.memory_space<hbm>> -> memref<1x1x128xf32, #tpu.memory_space<hbm>>
      %dma_start3A_612 = tpu.memref_squeeze %dma_start3A_611 : memref<1x1x128xf32, #tpu.memory_space<hbm>> -> memref<128xf32, #tpu.memory_space<hbm>>
      %dma_start3A_613 = tpu.memref_slice %arg12[%select_n3A_276] : memref<2x!tpu.dma_semaphore, #tpu.memory_space<semaphore_mem>> -> memref<1x!tpu.dma_semaphore, #tpu.memory_space<semaphore_mem>>
      %dma_start3A_614 = tpu.memref_squeeze %dma_start3A_613 : memref<1x!tpu.dma_semaphore, #tpu.memory_space<semaphore_mem>> -> memref<!tpu.dma_semaphore, #tpu.memory_space<semaphore_mem>>
      %dma_start3A_615 = arith.constant 0 : i32
      %dma_start3A_616 = tpu.memref_slice %arg5[%dma_start3A_608, %add3A_251, %dma_start3A_615] : memref<2x21760x128xf32, #tpu.memory_space<hbm>> -> memref<1x1x128xf32, #tpu.memory_space<hbm>>
      %dma_start3A_617 = tpu.memref_squeeze %dma_start3A_616 : memref<1x1x128xf32, #tpu.memory_space<hbm>> -> memref<128xf32, #tpu.memory_space<hbm>>
      %dma_start3A_618 = tpu.memref_slice %arg9[%add3A_607] : memref<512xf32, #tpu.memory_space<vmem>> -> memref<128xf32, #tpu.memory_space<vmem>>
      tpu.enqueue_dma source(%dma_start3A_618 : memref<128xf32, #tpu.memory_space<vmem>>) target(%dma_start3A_617 : memref<128xf32, #tpu.memory_space<hbm>>) target_semaphore(%dma_start3A_614 : memref<!tpu.dma_semaphore, #tpu.memory_space<semaphore_mem>>)
    }
    %scan3A_185 = arith.constant 680 : i32
    %add3A_186 = arith.constant 678 : i32
    %add3A_187 = arith.addi %mul3A_2, %add3A_186 : i32
    %dma_wait3A_188 = arith.constant 0 : i32
    %dma_wait3A_189 = arith.constant 0 : i32
    %dma_wait3A_190 = arith.constant 0 : i32
    %dma_wait3A_191 = tpu.memref_slice %arg9[%dma_wait3A_190] : memref<512xf32, #tpu.memory_space<vmem>> -> memref<128xf32, #tpu.memory_space<vmem>>
    %dma_wait3A_192 = arith.constant 0 : i32
    %dma_wait3A_193 = tpu.memref_slice %arg5[%dma_wait3A_188, %add3A_187, %dma_wait3A_192] : memref<2x21760x128xf32, #tpu.memory_space<hbm>> -> memref<1x1x128xf32, #tpu.memory_space<hbm>>
    %dma_wait3A_194 = tpu.memref_squeeze %dma_wait3A_193 : memref<1x1x128xf32, #tpu.memory_space<hbm>> -> memref<128xf32, #tpu.memory_space<hbm>>
    %dma_wait3A_195 = tpu.memref_slice %arg12[%dma_wait3A_189] : memref<2x!tpu.dma_semaphore, #tpu.memory_space<semaphore_mem>> -> memref<1x!tpu.dma_semaphore, #tpu.memory_space<semaphore_mem>>
    %dma_wait3A_196 = tpu.memref_squeeze %dma_wait3A_195 : memref<1x!tpu.dma_semaphore, #tpu.memory_space<semaphore_mem>> -> memref<!tpu.dma_semaphore, #tpu.memory_space<semaphore_mem>>
    %dma_wait3A_197 = arith.constant 0 : i32
    %dma_wait3A_198 = tpu.memref_slice %arg5[%dma_wait3A_188, %add3A_187, %dma_wait3A_197] : memref<2x21760x128xf32, #tpu.memory_space<hbm>> -> memref<1x1x128xf32, #tpu.memory_space<hbm>>
    %dma_wait3A_199 = tpu.memref_squeeze %dma_wait3A_198 : memref<1x1x128xf32, #tpu.memory_space<hbm>> -> memref<128xf32, #tpu.memory_space<hbm>>
    %dma_wait3A_200 = arith.constant 0 : i32
    %dma_wait3A_201 = tpu.memref_slice %arg9[%dma_wait3A_200] : memref<512xf32, #tpu.memory_space<vmem>> -> memref<128xf32, #tpu.memory_space<vmem>>
    tpu.wait_dma2 semaphore(%dma_wait3A_196 : memref<!tpu.dma_semaphore, #tpu.memory_space<semaphore_mem>>) src(%dma_wait3A_201 : memref<128xf32, #tpu.memory_space<vmem>>) dst(%dma_wait3A_199 : memref<128xf32, #tpu.memory_space<hbm>>)
    %add3A_202 = arith.constant 678 : i32
    %add3A_203 = arith.addi %mul3A_2, %add3A_202 : i32
    %dma_wait3A_204 = arith.constant 1 : i32
    %dma_wait3A_205 = arith.constant 0 : i32
    %dma_wait3A_206 = arith.constant 128 : i32
    %dma_wait3A_207 = tpu.memref_slice %arg9[%dma_wait3A_206] : memref<512xf32, #tpu.memory_space<vmem>> -> memref<128xf32, #tpu.memory_space<vmem>>
    %dma_wait3A_208 = arith.constant 0 : i32
    %dma_wait3A_209 = tpu.memref_slice %arg5[%dma_wait3A_204, %add3A_203, %dma_wait3A_208] : memref<2x21760x128xf32, #tpu.memory_space<hbm>> -> memref<1x1x128xf32, #tpu.memory_space<hbm>>
    %dma_wait3A_210 = tpu.memref_squeeze %dma_wait3A_209 : memref<1x1x128xf32, #tpu.memory_space<hbm>> -> memref<128xf32, #tpu.memory_space<hbm>>
    %dma_wait3A_211 = tpu.memref_slice %arg12[%dma_wait3A_205] : memref<2x!tpu.dma_semaphore, #tpu.memory_space<semaphore_mem>> -> memref<1x!tpu.dma_semaphore, #tpu.memory_space<semaphore_mem>>
    %dma_wait3A_212 = tpu.memref_squeeze %dma_wait3A_211 : memref<1x!tpu.dma_semaphore, #tpu.memory_space<semaphore_mem>> -> memref<!tpu.dma_semaphore, #tpu.memory_space<semaphore_mem>>
    %dma_wait3A_213 = arith.constant 0 : i32
    %dma_wait3A_214 = tpu.memref_slice %arg5[%dma_wait3A_204, %add3A_203, %dma_wait3A_213] : memref<2x21760x128xf32, #tpu.memory_space<hbm>> -> memref<1x1x128xf32, #tpu.memory_space<hbm>>
    %dma_wait3A_215 = tpu.memref_squeeze %dma_wait3A_214 : memref<1x1x128xf32, #tpu.memory_space<hbm>> -> memref<128xf32, #tpu.memory_space<hbm>>
    %dma_wait3A_216 = arith.constant 128 : i32
    %dma_wait3A_217 = tpu.memref_slice %arg9[%dma_wait3A_216] : memref<512xf32, #tpu.memory_space<vmem>> -> memref<128xf32, #tpu.memory_space<vmem>>
    tpu.wait_dma2 semaphore(%dma_wait3A_212 : memref<!tpu.dma_semaphore, #tpu.memory_space<semaphore_mem>>) src(%dma_wait3A_217 : memref<128xf32, #tpu.memory_space<vmem>>) dst(%dma_wait3A_215 : memref<128xf32, #tpu.memory_space<hbm>>)
    %add3A_218 = arith.constant 679 : i32
    %add3A_219 = arith.addi %mul3A_2, %add3A_218 : i32
    %dma_wait3A_220 = arith.constant 0 : i32
    %dma_wait3A_221 = arith.constant 1 : i32
    %dma_wait3A_222 = arith.constant 256 : i32
    %dma_wait3A_223 = tpu.memref_slice %arg9[%dma_wait3A_222] : memref<512xf32, #tpu.memory_space<vmem>> -> memref<128xf32, #tpu.memory_space<vmem>>
    %dma_wait3A_224 = arith.constant 0 : i32
    %dma_wait3A_225 = tpu.memref_slice %arg5[%dma_wait3A_220, %add3A_219, %dma_wait3A_224] : memref<2x21760x128xf32, #tpu.memory_space<hbm>> -> memref<1x1x128xf32, #tpu.memory_space<hbm>>
    %dma_wait3A_226 = tpu.memref_squeeze %dma_wait3A_225 : memref<1x1x128xf32, #tpu.memory_space<hbm>> -> memref<128xf32, #tpu.memory_space<hbm>>
    %dma_wait3A_227 = tpu.memref_slice %arg12[%dma_wait3A_221] : memref<2x!tpu.dma_semaphore, #tpu.memory_space<semaphore_mem>> -> memref<1x!tpu.dma_semaphore, #tpu.memory_space<semaphore_mem>>
    %dma_wait3A_228 = tpu.memref_squeeze %dma_wait3A_227 : memref<1x!tpu.dma_semaphore, #tpu.memory_space<semaphore_mem>> -> memref<!tpu.dma_semaphore, #tpu.memory_space<semaphore_mem>>
    %dma_wait3A_229 = arith.constant 0 : i32
    %dma_wait3A_230 = tpu.memref_slice %arg5[%dma_wait3A_220, %add3A_219, %dma_wait3A_229] : memref<2x21760x128xf32, #tpu.memory_space<hbm>> -> memref<1x1x128xf32, #tpu.memory_space<hbm>>
    %dma_wait3A_231 = tpu.memref_squeeze %dma_wait3A_230 : memref<1x1x128xf32, #tpu.memory_space<hbm>> -> memref<128xf32, #tpu.memory_space<hbm>>
    %dma_wait3A_232 = arith.constant 256 : i32
    %dma_wait3A_233 = tpu.memref_slice %arg9[%dma_wait3A_232] : memref<512xf32, #tpu.memory_space<vmem>> -> memref<128xf32, #tpu.memory_space<vmem>>
    tpu.wait_dma2 semaphore(%dma_wait3A_228 : memref<!tpu.dma_semaphore, #tpu.memory_space<semaphore_mem>>) src(%dma_wait3A_233 : memref<128xf32, #tpu.memory_space<vmem>>) dst(%dma_wait3A_231 : memref<128xf32, #tpu.memory_space<hbm>>)
    %add3A_234 = arith.constant 679 : i32
    %add3A_235 = arith.addi %mul3A_2, %add3A_234 : i32
    %dma_wait3A_236 = arith.constant 1 : i32
    %dma_wait3A_237 = arith.constant 1 : i32
    %dma_wait3A_238 = arith.constant 384 : i32
    %dma_wait3A_239 = tpu.memref_slice %arg9[%dma_wait3A_238] : memref<512xf32, #tpu.memory_space<vmem>> -> memref<128xf32, #tpu.memory_space<vmem>>
    %dma_wait3A_240 = arith.constant 0 : i32
    %dma_wait3A_241 = tpu.memref_slice %arg5[%dma_wait3A_236, %add3A_235, %dma_wait3A_240] : memref<2x21760x128xf32, #tpu.memory_space<hbm>> -> memref<1x1x128xf32, #tpu.memory_space<hbm>>
    %dma_wait3A_242 = tpu.memref_squeeze %dma_wait3A_241 : memref<1x1x128xf32, #tpu.memory_space<hbm>> -> memref<128xf32, #tpu.memory_space<hbm>>
    %dma_wait3A_243 = tpu.memref_slice %arg12[%dma_wait3A_237] : memref<2x!tpu.dma_semaphore, #tpu.memory_space<semaphore_mem>> -> memref<1x!tpu.dma_semaphore, #tpu.memory_space<semaphore_mem>>
    %dma_wait3A_244 = tpu.memref_squeeze %dma_wait3A_243 : memref<1x!tpu.dma_semaphore, #tpu.memory_space<semaphore_mem>> -> memref<!tpu.dma_semaphore, #tpu.memory_space<semaphore_mem>>
    %dma_wait3A_245 = arith.constant 0 : i32
    %dma_wait3A_246 = tpu.memref_slice %arg5[%dma_wait3A_236, %add3A_235, %dma_wait3A_245] : memref<2x21760x128xf32, #tpu.memory_space<hbm>> -> memref<1x1x128xf32, #tpu.memory_space<hbm>>
    %dma_wait3A_247 = tpu.memref_squeeze %dma_wait3A_246 : memref<1x1x128xf32, #tpu.memory_space<hbm>> -> memref<128xf32, #tpu.memory_space<hbm>>
    %dma_wait3A_248 = arith.constant 384 : i32
    %dma_wait3A_249 = tpu.memref_slice %arg9[%dma_wait3A_248] : memref<512xf32, #tpu.memory_space<vmem>> -> memref<128xf32, #tpu.memory_space<vmem>>
    tpu.wait_dma2 semaphore(%dma_wait3A_244 : memref<!tpu.dma_semaphore, #tpu.memory_space<semaphore_mem>>) src(%dma_wait3A_249 : memref<128xf32, #tpu.memory_space<vmem>>) dst(%dma_wait3A_247 : memref<128xf32, #tpu.memory_space<hbm>>)
    return
  }
}

module attributes {stable_mosaic.version = 14 : i64} {
  func.func @_vproj_body(%arg0: i32, %arg1: i32, %arg2: memref<1x680x256xf32, #tpu.memory_space<vmem>>, %arg3: memref<256x256xf32, #tpu.memory_space<vmem>>, %arg4: memref<1x256xf32, #tpu.memory_space<vmem>>, %arg5: memref<1x8x680x16xi32, #tpu.memory_space<vmem>>) attributes {dimension_semantics = [#tpu.dimension_semantics<arbitrary>, #tpu.dimension_semantics<arbitrary>], iteration_bounds = array<i64: 4, 8>, scalar_prefetch = 0 : i64, scratch_operands = 0 : i64, tpu.core_type = #tpu.core_type<tc>, window_params = [{transform_indices = @transform_0, window_bounds = array<i64: 1, 680, 256>}, {pipeline_mode = #tpu.pipeline_mode<synchronous>, transform_indices = @transform_1, window_bounds = array<i64: 256, 256>}, {pipeline_mode = #tpu.pipeline_mode<synchronous>, transform_indices = @transform_2, window_bounds = array<i64: 1, 256>}, {transform_indices = @transform_3, window_bounds = array<i64: 1, 8, 680, 16>}]} {
    %get3A = arith.constant 0 : index
    %get3A_0 = arith.constant 0 : index
    %get3A_1 = arith.constant 0 : index
    %get3A_2 = vector.load %arg2[%get3A, %get3A_0, %get3A_1] : memref<1x680x256xf32, #tpu.memory_space<vmem>>, vector<1x680x256xf32>
    %get3A_3 = vector.shape_cast %get3A_2 : vector<1x680x256xf32> to vector<680x256xf32>
    %get3A_4 = arith.constant 0 : index
    %get3A_5 = arith.constant 0 : index
    %get3A_6 = vector.load %arg3[%get3A_4, %get3A_5] : memref<256x256xf32, #tpu.memory_space<vmem>>, vector<256x256xf32>
    %dot_general3A = arith.constant dense<0.000000e+00> : vector<680x256xf32>
    %dot_general3A_7 = tpu.matmul %get3A_3, %get3A_6, %dot_general3A {dimension_numbers = #tpu.dot_dimension_numbers<[1], [0], [0], [1], [0, 0, 1, 1], [], []>, precision = #tpu.contract_precision<fp32>, transpose_lhs_hint = false} : vector<680x256xf32>, vector<256x256xf32>, vector<680x256xf32> -> vector<680x256xf32>
    %get3A_8 = arith.constant 0 : index
    %get3A_9 = arith.constant 0 : index
    %get3A_10 = vector.load %arg4[%get3A_8, %get3A_9] : memref<1x256xf32, #tpu.memory_space<vmem>>, vector<1x256xf32>
    %get3A_11 = vector.shape_cast %get3A_10 : vector<1x256xf32> to vector<256xf32>
    %broadcast_in_dim3A = vector.shape_cast %get3A_11 : vector<256xf32> to vector<1x256xf32>
    %add3A = vector.broadcast %broadcast_in_dim3A : vector<1x256xf32> to vector<680x256xf32>
    %add3A_12 = arith.addf %dot_general3A_7, %add3A : vector<680x256xf32>
    %slice3A = vector.extract_strided_slice %add3A_12 {offsets = [0, 0], sizes = [680, 16], strides = [1, 1]} : vector<680x256xf32> to vector<680x16xf32>
    %bitcast_convert_type3A = tpu.bitcast %slice3A : vector<680x16xf32> -> vector<680x16xi32>
    %slice3A_13 = vector.extract_strided_slice %add3A_12 {offsets = [0, 16], sizes = [680, 16], strides = [1, 1]} : vector<680x256xf32> to vector<680x16xf32>
    %bitcast_convert_type3A_14 = tpu.bitcast %slice3A_13 : vector<680x16xf32> -> vector<680x16xi32>
    %add3A_15 = arith.constant 32767 : i32
    %add3A_16 = vector.broadcast %add3A_15 : i32 to vector<680x16xi32>
    %add3A_17 = arith.addi %bitcast_convert_type3A, %add3A_16 : vector<680x16xi32>
    %shift_right_arithmetic3A = arith.constant 16 : i32
    %shift_right_arithmetic3A_18 = vector.broadcast %shift_right_arithmetic3A : i32 to vector<680x16xi32>
    %shift_right_arithmetic3A_19 = arith.shrsi %bitcast_convert_type3A, %shift_right_arithmetic3A_18 : vector<680x16xi32>
    %and3A = arith.constant 1 : i32
    %and3A_20 = vector.broadcast %and3A : i32 to vector<680x16xi32>
    %and3A_21 = arith.andi %shift_right_arithmetic3A_19, %and3A_20 : vector<680x16xi32>
    %add3A_22 = arith.addi %add3A_17, %and3A_21 : vector<680x16xi32>
    %add3A_23 = arith.constant 32767 : i32
    %add3A_24 = vector.broadcast %add3A_23 : i32 to vector<680x16xi32>
    %add3A_25 = arith.addi %bitcast_convert_type3A_14, %add3A_24 : vector<680x16xi32>
    %shift_right_arithmetic3A_26 = arith.constant 16 : i32
    %shift_right_arithmetic3A_27 = vector.broadcast %shift_right_arithmetic3A_26 : i32 to vector<680x16xi32>
    %shift_right_arithmetic3A_28 = arith.shrsi %bitcast_convert_type3A_14, %shift_right_arithmetic3A_27 : vector<680x16xi32>
    %and3A_29 = arith.constant 1 : i32
    %and3A_30 = vector.broadcast %and3A_29 : i32 to vector<680x16xi32>
    %and3A_31 = arith.andi %shift_right_arithmetic3A_28, %and3A_30 : vector<680x16xi32>
    %add3A_32 = arith.addi %add3A_25, %and3A_31 : vector<680x16xi32>
    %shift_right_arithmetic3A_33 = arith.constant 16 : i32
    %shift_right_arithmetic3A_34 = vector.broadcast %shift_right_arithmetic3A_33 : i32 to vector<680x16xi32>
    %shift_right_arithmetic3A_35 = arith.shrsi %add3A_22, %shift_right_arithmetic3A_34 : vector<680x16xi32>
    %and3A_36 = arith.constant 65535 : i32
    %and3A_37 = vector.broadcast %and3A_36 : i32 to vector<680x16xi32>
    %and3A_38 = arith.andi %shift_right_arithmetic3A_35, %and3A_37 : vector<680x16xi32>
    %and3A_39 = arith.constant -65536 : i32
    %and3A_40 = vector.broadcast %and3A_39 : i32 to vector<680x16xi32>
    %and3A_41 = arith.andi %add3A_32, %and3A_40 : vector<680x16xi32>
    %or3A = arith.ori %and3A_38, %and3A_41 : vector<680x16xi32>
    %swap3A = arith.constant 0 : index
    %swap3A_42 = arith.constant 0 : index
    %swap3A_43 = arith.constant 0 : index
    %swap3A_44 = arith.constant 0 : index
    %swap3A_45 = vector.load %arg5[%swap3A, %swap3A_42, %swap3A_43, %swap3A_44] : memref<1x8x680x16xi32, #tpu.memory_space<vmem>>, vector<1x1x680x16xi32>
    %swap3A_46 = vector.shape_cast %swap3A_45 : vector<1x1x680x16xi32> to vector<680x16xi32>
    %swap3A_47 = vector.shape_cast %or3A : vector<680x16xi32> to vector<1x1x680x16xi32>
    tpu.vector_store %arg5[%swap3A, %swap3A_42, %swap3A_43, %swap3A_44], %swap3A_47 {strides = array<i32>} : memref<1x8x680x16xi32, #tpu.memory_space<vmem>>, vector<1x1x680x16xi32>,
    %slice3A_48 = vector.extract_strided_slice %add3A_12 {offsets = [0, 32], sizes = [680, 16], strides = [1, 1]} : vector<680x256xf32> to vector<680x16xf32>
    %bitcast_convert_type3A_49 = tpu.bitcast %slice3A_48 : vector<680x16xf32> -> vector<680x16xi32>
    %slice3A_50 = vector.extract_strided_slice %add3A_12 {offsets = [0, 48], sizes = [680, 16], strides = [1, 1]} : vector<680x256xf32> to vector<680x16xf32>
    %bitcast_convert_type3A_51 = tpu.bitcast %slice3A_50 : vector<680x16xf32> -> vector<680x16xi32>
    %add3A_52 = arith.constant 32767 : i32
    %add3A_53 = vector.broadcast %add3A_52 : i32 to vector<680x16xi32>
    %add3A_54 = arith.addi %bitcast_convert_type3A_49, %add3A_53 : vector<680x16xi32>
    %shift_right_arithmetic3A_55 = arith.constant 16 : i32
    %shift_right_arithmetic3A_56 = vector.broadcast %shift_right_arithmetic3A_55 : i32 to vector<680x16xi32>
    %shift_right_arithmetic3A_57 = arith.shrsi %bitcast_convert_type3A_49, %shift_right_arithmetic3A_56 : vector<680x16xi32>
    %and3A_58 = arith.constant 1 : i32
    %and3A_59 = vector.broadcast %and3A_58 : i32 to vector<680x16xi32>
    %and3A_60 = arith.andi %shift_right_arithmetic3A_57, %and3A_59 : vector<680x16xi32>
    %add3A_61 = arith.addi %add3A_54, %and3A_60 : vector<680x16xi32>
    %add3A_62 = arith.constant 32767 : i32
    %add3A_63 = vector.broadcast %add3A_62 : i32 to vector<680x16xi32>
    %add3A_64 = arith.addi %bitcast_convert_type3A_51, %add3A_63 : vector<680x16xi32>
    %shift_right_arithmetic3A_65 = arith.constant 16 : i32
    %shift_right_arithmetic3A_66 = vector.broadcast %shift_right_arithmetic3A_65 : i32 to vector<680x16xi32>
    %shift_right_arithmetic3A_67 = arith.shrsi %bitcast_convert_type3A_51, %shift_right_arithmetic3A_66 : vector<680x16xi32>
    %and3A_68 = arith.constant 1 : i32
    %and3A_69 = vector.broadcast %and3A_68 : i32 to vector<680x16xi32>
    %and3A_70 = arith.andi %shift_right_arithmetic3A_67, %and3A_69 : vector<680x16xi32>
    %add3A_71 = arith.addi %add3A_64, %and3A_70 : vector<680x16xi32>
    %shift_right_arithmetic3A_72 = arith.constant 16 : i32
    %shift_right_arithmetic3A_73 = vector.broadcast %shift_right_arithmetic3A_72 : i32 to vector<680x16xi32>
    %shift_right_arithmetic3A_74 = arith.shrsi %add3A_61, %shift_right_arithmetic3A_73 : vector<680x16xi32>
    %and3A_75 = arith.constant 65535 : i32
    %and3A_76 = vector.broadcast %and3A_75 : i32 to vector<680x16xi32>
    %and3A_77 = arith.andi %shift_right_arithmetic3A_74, %and3A_76 : vector<680x16xi32>
    %and3A_78 = arith.constant -65536 : i32
    %and3A_79 = vector.broadcast %and3A_78 : i32 to vector<680x16xi32>
    %and3A_80 = arith.andi %add3A_71, %and3A_79 : vector<680x16xi32>
    %or3A_81 = arith.ori %and3A_77, %and3A_80 : vector<680x16xi32>
    %swap3A_82 = arith.constant 0 : index
    %swap3A_83 = arith.constant 1 : index
    %swap3A_84 = arith.constant 0 : index
    %swap3A_85 = arith.constant 0 : index
    %swap3A_86 = vector.load %arg5[%swap3A_82, %swap3A_83, %swap3A_84, %swap3A_85] : memref<1x8x680x16xi32, #tpu.memory_space<vmem>>, vector<1x1x680x16xi32>
    %swap3A_87 = vector.shape_cast %swap3A_86 : vector<1x1x680x16xi32> to vector<680x16xi32>
    %swap3A_88 = vector.shape_cast %or3A_81 : vector<680x16xi32> to vector<1x1x680x16xi32>
    tpu.vector_store %arg5[%swap3A_82, %swap3A_83, %swap3A_84, %swap3A_85], %swap3A_88 {strides = array<i32>} : memref<1x8x680x16xi32, #tpu.memory_space<vmem>>, vector<1x1x680x16xi32>,
    %slice3A_89 = vector.extract_strided_slice %add3A_12 {offsets = [0, 64], sizes = [680, 16], strides = [1, 1]} : vector<680x256xf32> to vector<680x16xf32>
    %bitcast_convert_type3A_90 = tpu.bitcast %slice3A_89 : vector<680x16xf32> -> vector<680x16xi32>
    %slice3A_91 = vector.extract_strided_slice %add3A_12 {offsets = [0, 80], sizes = [680, 16], strides = [1, 1]} : vector<680x256xf32> to vector<680x16xf32>
    %bitcast_convert_type3A_92 = tpu.bitcast %slice3A_91 : vector<680x16xf32> -> vector<680x16xi32>
    %add3A_93 = arith.constant 32767 : i32
    %add3A_94 = vector.broadcast %add3A_93 : i32 to vector<680x16xi32>
    %add3A_95 = arith.addi %bitcast_convert_type3A_90, %add3A_94 : vector<680x16xi32>
    %shift_right_arithmetic3A_96 = arith.constant 16 : i32
    %shift_right_arithmetic3A_97 = vector.broadcast %shift_right_arithmetic3A_96 : i32 to vector<680x16xi32>
    %shift_right_arithmetic3A_98 = arith.shrsi %bitcast_convert_type3A_90, %shift_right_arithmetic3A_97 : vector<680x16xi32>
    %and3A_99 = arith.constant 1 : i32
    %and3A_100 = vector.broadcast %and3A_99 : i32 to vector<680x16xi32>
    %and3A_101 = arith.andi %shift_right_arithmetic3A_98, %and3A_100 : vector<680x16xi32>
    %add3A_102 = arith.addi %add3A_95, %and3A_101 : vector<680x16xi32>
    %add3A_103 = arith.constant 32767 : i32
    %add3A_104 = vector.broadcast %add3A_103 : i32 to vector<680x16xi32>
    %add3A_105 = arith.addi %bitcast_convert_type3A_92, %add3A_104 : vector<680x16xi32>
    %shift_right_arithmetic3A_106 = arith.constant 16 : i32
    %shift_right_arithmetic3A_107 = vector.broadcast %shift_right_arithmetic3A_106 : i32 to vector<680x16xi32>
    %shift_right_arithmetic3A_108 = arith.shrsi %bitcast_convert_type3A_92, %shift_right_arithmetic3A_107 : vector<680x16xi32>
    %and3A_109 = arith.constant 1 : i32
    %and3A_110 = vector.broadcast %and3A_109 : i32 to vector<680x16xi32>
    %and3A_111 = arith.andi %shift_right_arithmetic3A_108, %and3A_110 : vector<680x16xi32>
    %add3A_112 = arith.addi %add3A_105, %and3A_111 : vector<680x16xi32>
    %shift_right_arithmetic3A_113 = arith.constant 16 : i32
    %shift_right_arithmetic3A_114 = vector.broadcast %shift_right_arithmetic3A_113 : i32 to vector<680x16xi32>
    %shift_right_arithmetic3A_115 = arith.shrsi %add3A_102, %shift_right_arithmetic3A_114 : vector<680x16xi32>
    %and3A_116 = arith.constant 65535 : i32
    %and3A_117 = vector.broadcast %and3A_116 : i32 to vector<680x16xi32>
    %and3A_118 = arith.andi %shift_right_arithmetic3A_115, %and3A_117 : vector<680x16xi32>
    %and3A_119 = arith.constant -65536 : i32
    %and3A_120 = vector.broadcast %and3A_119 : i32 to vector<680x16xi32>
    %and3A_121 = arith.andi %add3A_112, %and3A_120 : vector<680x16xi32>
    %or3A_122 = arith.ori %and3A_118, %and3A_121 : vector<680x16xi32>
    %swap3A_123 = arith.constant 0 : index
    %swap3A_124 = arith.constant 2 : index
    %swap3A_125 = arith.constant 0 : index
    %swap3A_126 = arith.constant 0 : index
    %swap3A_127 = vector.load %arg5[%swap3A_123, %swap3A_124, %swap3A_125, %swap3A_126] : memref<1x8x680x16xi32, #tpu.memory_space<vmem>>, vector<1x1x680x16xi32>
    %swap3A_128 = vector.shape_cast %swap3A_127 : vector<1x1x680x16xi32> to vector<680x16xi32>
    %swap3A_129 = vector.shape_cast %or3A_122 : vector<680x16xi32> to vector<1x1x680x16xi32>
    tpu.vector_store %arg5[%swap3A_123, %swap3A_124, %swap3A_125, %swap3A_126], %swap3A_129 {strides = array<i32>} : memref<1x8x680x16xi32, #tpu.memory_space<vmem>>, vector<1x1x680x16xi32>,
    %slice3A_130 = vector.extract_strided_slice %add3A_12 {offsets = [0, 96], sizes = [680, 16], strides = [1, 1]} : vector<680x256xf32> to vector<680x16xf32>
    %bitcast_convert_type3A_131 = tpu.bitcast %slice3A_130 : vector<680x16xf32> -> vector<680x16xi32>
    %slice3A_132 = vector.extract_strided_slice %add3A_12 {offsets = [0, 112], sizes = [680, 16], strides = [1, 1]} : vector<680x256xf32> to vector<680x16xf32>
    %bitcast_convert_type3A_133 = tpu.bitcast %slice3A_132 : vector<680x16xf32> -> vector<680x16xi32>
    %add3A_134 = arith.constant 32767 : i32
    %add3A_135 = vector.broadcast %add3A_134 : i32 to vector<680x16xi32>
    %add3A_136 = arith.addi %bitcast_convert_type3A_131, %add3A_135 : vector<680x16xi32>
    %shift_right_arithmetic3A_137 = arith.constant 16 : i32
    %shift_right_arithmetic3A_138 = vector.broadcast %shift_right_arithmetic3A_137 : i32 to vector<680x16xi32>
    %shift_right_arithmetic3A_139 = arith.shrsi %bitcast_convert_type3A_131, %shift_right_arithmetic3A_138 : vector<680x16xi32>
    %and3A_140 = arith.constant 1 : i32
    %and3A_141 = vector.broadcast %and3A_140 : i32 to vector<680x16xi32>
    %and3A_142 = arith.andi %shift_right_arithmetic3A_139, %and3A_141 : vector<680x16xi32>
    %add3A_143 = arith.addi %add3A_136, %and3A_142 : vector<680x16xi32>
    %add3A_144 = arith.constant 32767 : i32
    %add3A_145 = vector.broadcast %add3A_144 : i32 to vector<680x16xi32>
    %add3A_146 = arith.addi %bitcast_convert_type3A_133, %add3A_145 : vector<680x16xi32>
    %shift_right_arithmetic3A_147 = arith.constant 16 : i32
    %shift_right_arithmetic3A_148 = vector.broadcast %shift_right_arithmetic3A_147 : i32 to vector<680x16xi32>
    %shift_right_arithmetic3A_149 = arith.shrsi %bitcast_convert_type3A_133, %shift_right_arithmetic3A_148 : vector<680x16xi32>
    %and3A_150 = arith.constant 1 : i32
    %and3A_151 = vector.broadcast %and3A_150 : i32 to vector<680x16xi32>
    %and3A_152 = arith.andi %shift_right_arithmetic3A_149, %and3A_151 : vector<680x16xi32>
    %add3A_153 = arith.addi %add3A_146, %and3A_152 : vector<680x16xi32>
    %shift_right_arithmetic3A_154 = arith.constant 16 : i32
    %shift_right_arithmetic3A_155 = vector.broadcast %shift_right_arithmetic3A_154 : i32 to vector<680x16xi32>
    %shift_right_arithmetic3A_156 = arith.shrsi %add3A_143, %shift_right_arithmetic3A_155 : vector<680x16xi32>
    %and3A_157 = arith.constant 65535 : i32
    %and3A_158 = vector.broadcast %and3A_157 : i32 to vector<680x16xi32>
    %and3A_159 = arith.andi %shift_right_arithmetic3A_156, %and3A_158 : vector<680x16xi32>
    %and3A_160 = arith.constant -65536 : i32
    %and3A_161 = vector.broadcast %and3A_160 : i32 to vector<680x16xi32>
    %and3A_162 = arith.andi %add3A_153, %and3A_161 : vector<680x16xi32>
    %or3A_163 = arith.ori %and3A_159, %and3A_162 : vector<680x16xi32>
    %swap3A_164 = arith.constant 0 : index
    %swap3A_165 = arith.constant 3 : index
    %swap3A_166 = arith.constant 0 : index
    %swap3A_167 = arith.constant 0 : index
    %swap3A_168 = vector.load %arg5[%swap3A_164, %swap3A_165, %swap3A_166, %swap3A_167] : memref<1x8x680x16xi32, #tpu.memory_space<vmem>>, vector<1x1x680x16xi32>
    %swap3A_169 = vector.shape_cast %swap3A_168 : vector<1x1x680x16xi32> to vector<680x16xi32>
    %swap3A_170 = vector.shape_cast %or3A_163 : vector<680x16xi32> to vector<1x1x680x16xi32>
    tpu.vector_store %arg5[%swap3A_164, %swap3A_165, %swap3A_166, %swap3A_167], %swap3A_170 {strides = array<i32>} : memref<1x8x680x16xi32, #tpu.memory_space<vmem>>, vector<1x1x680x16xi32>,
    %slice3A_171 = vector.extract_strided_slice %add3A_12 {offsets = [0, 128], sizes = [680, 16], strides = [1, 1]} : vector<680x256xf32> to vector<680x16xf32>
    %bitcast_convert_type3A_172 = tpu.bitcast %slice3A_171 : vector<680x16xf32> -> vector<680x16xi32>
    %slice3A_173 = vector.extract_strided_slice %add3A_12 {offsets = [0, 144], sizes = [680, 16], strides = [1, 1]} : vector<680x256xf32> to vector<680x16xf32>
    %bitcast_convert_type3A_174 = tpu.bitcast %slice3A_173 : vector<680x16xf32> -> vector<680x16xi32>
    %add3A_175 = arith.constant 32767 : i32
    %add3A_176 = vector.broadcast %add3A_175 : i32 to vector<680x16xi32>
    %add3A_177 = arith.addi %bitcast_convert_type3A_172, %add3A_176 : vector<680x16xi32>
    %shift_right_arithmetic3A_178 = arith.constant 16 : i32
    %shift_right_arithmetic3A_179 = vector.broadcast %shift_right_arithmetic3A_178 : i32 to vector<680x16xi32>
    %shift_right_arithmetic3A_180 = arith.shrsi %bitcast_convert_type3A_172, %shift_right_arithmetic3A_179 : vector<680x16xi32>
    %and3A_181 = arith.constant 1 : i32
    %and3A_182 = vector.broadcast %and3A_181 : i32 to vector<680x16xi32>
    %and3A_183 = arith.andi %shift_right_arithmetic3A_180, %and3A_182 : vector<680x16xi32>
    %add3A_184 = arith.addi %add3A_177, %and3A_183 : vector<680x16xi32>
    %add3A_185 = arith.constant 32767 : i32
    %add3A_186 = vector.broadcast %add3A_185 : i32 to vector<680x16xi32>
    %add3A_187 = arith.addi %bitcast_convert_type3A_174, %add3A_186 : vector<680x16xi32>
    %shift_right_arithmetic3A_188 = arith.constant 16 : i32
    %shift_right_arithmetic3A_189 = vector.broadcast %shift_right_arithmetic3A_188 : i32 to vector<680x16xi32>
    %shift_right_arithmetic3A_190 = arith.shrsi %bitcast_convert_type3A_174, %shift_right_arithmetic3A_189 : vector<680x16xi32>
    %and3A_191 = arith.constant 1 : i32
    %and3A_192 = vector.broadcast %and3A_191 : i32 to vector<680x16xi32>
    %and3A_193 = arith.andi %shift_right_arithmetic3A_190, %and3A_192 : vector<680x16xi32>
    %add3A_194 = arith.addi %add3A_187, %and3A_193 : vector<680x16xi32>
    %shift_right_arithmetic3A_195 = arith.constant 16 : i32
    %shift_right_arithmetic3A_196 = vector.broadcast %shift_right_arithmetic3A_195 : i32 to vector<680x16xi32>
    %shift_right_arithmetic3A_197 = arith.shrsi %add3A_184, %shift_right_arithmetic3A_196 : vector<680x16xi32>
    %and3A_198 = arith.constant 65535 : i32
    %and3A_199 = vector.broadcast %and3A_198 : i32 to vector<680x16xi32>
    %and3A_200 = arith.andi %shift_right_arithmetic3A_197, %and3A_199 : vector<680x16xi32>
    %and3A_201 = arith.constant -65536 : i32
    %and3A_202 = vector.broadcast %and3A_201 : i32 to vector<680x16xi32>
    %and3A_203 = arith.andi %add3A_194, %and3A_202 : vector<680x16xi32>
    %or3A_204 = arith.ori %and3A_200, %and3A_203 : vector<680x16xi32>
    %swap3A_205 = arith.constant 0 : index
    %swap3A_206 = arith.constant 4 : index
    %swap3A_207 = arith.constant 0 : index
    %swap3A_208 = arith.constant 0 : index
    %swap3A_209 = vector.load %arg5[%swap3A_205, %swap3A_206, %swap3A_207, %swap3A_208] : memref<1x8x680x16xi32, #tpu.memory_space<vmem>>, vector<1x1x680x16xi32>
    %swap3A_210 = vector.shape_cast %swap3A_209 : vector<1x1x680x16xi32> to vector<680x16xi32>
    %swap3A_211 = vector.shape_cast %or3A_204 : vector<680x16xi32> to vector<1x1x680x16xi32>
    tpu.vector_store %arg5[%swap3A_205, %swap3A_206, %swap3A_207, %swap3A_208], %swap3A_211 {strides = array<i32>} : memref<1x8x680x16xi32, #tpu.memory_space<vmem>>, vector<1x1x680x16xi32>,
    %slice3A_212 = vector.extract_strided_slice %add3A_12 {offsets = [0, 160], sizes = [680, 16], strides = [1, 1]} : vector<680x256xf32> to vector<680x16xf32>
    %bitcast_convert_type3A_213 = tpu.bitcast %slice3A_212 : vector<680x16xf32> -> vector<680x16xi32>
    %slice3A_214 = vector.extract_strided_slice %add3A_12 {offsets = [0, 176], sizes = [680, 16], strides = [1, 1]} : vector<680x256xf32> to vector<680x16xf32>
    %bitcast_convert_type3A_215 = tpu.bitcast %slice3A_214 : vector<680x16xf32> -> vector<680x16xi32>
    %add3A_216 = arith.constant 32767 : i32
    %add3A_217 = vector.broadcast %add3A_216 : i32 to vector<680x16xi32>
    %add3A_218 = arith.addi %bitcast_convert_type3A_213, %add3A_217 : vector<680x16xi32>
    %shift_right_arithmetic3A_219 = arith.constant 16 : i32
    %shift_right_arithmetic3A_220 = vector.broadcast %shift_right_arithmetic3A_219 : i32 to vector<680x16xi32>
    %shift_right_arithmetic3A_221 = arith.shrsi %bitcast_convert_type3A_213, %shift_right_arithmetic3A_220 : vector<680x16xi32>
    %and3A_222 = arith.constant 1 : i32
    %and3A_223 = vector.broadcast %and3A_222 : i32 to vector<680x16xi32>
    %and3A_224 = arith.andi %shift_right_arithmetic3A_221, %and3A_223 : vector<680x16xi32>
    %add3A_225 = arith.addi %add3A_218, %and3A_224 : vector<680x16xi32>
    %add3A_226 = arith.constant 32767 : i32
    %add3A_227 = vector.broadcast %add3A_226 : i32 to vector<680x16xi32>
    %add3A_228 = arith.addi %bitcast_convert_type3A_215, %add3A_227 : vector<680x16xi32>
    %shift_right_arithmetic3A_229 = arith.constant 16 : i32
    %shift_right_arithmetic3A_230 = vector.broadcast %shift_right_arithmetic3A_229 : i32 to vector<680x16xi32>
    %shift_right_arithmetic3A_231 = arith.shrsi %bitcast_convert_type3A_215, %shift_right_arithmetic3A_230 : vector<680x16xi32>
    %and3A_232 = arith.constant 1 : i32
    %and3A_233 = vector.broadcast %and3A_232 : i32 to vector<680x16xi32>
    %and3A_234 = arith.andi %shift_right_arithmetic3A_231, %and3A_233 : vector<680x16xi32>
    %add3A_235 = arith.addi %add3A_228, %and3A_234 : vector<680x16xi32>
    %shift_right_arithmetic3A_236 = arith.constant 16 : i32
    %shift_right_arithmetic3A_237 = vector.broadcast %shift_right_arithmetic3A_236 : i32 to vector<680x16xi32>
    %shift_right_arithmetic3A_238 = arith.shrsi %add3A_225, %shift_right_arithmetic3A_237 : vector<680x16xi32>
    %and3A_239 = arith.constant 65535 : i32
    %and3A_240 = vector.broadcast %and3A_239 : i32 to vector<680x16xi32>
    %and3A_241 = arith.andi %shift_right_arithmetic3A_238, %and3A_240 : vector<680x16xi32>
    %and3A_242 = arith.constant -65536 : i32
    %and3A_243 = vector.broadcast %and3A_242 : i32 to vector<680x16xi32>
    %and3A_244 = arith.andi %add3A_235, %and3A_243 : vector<680x16xi32>
    %or3A_245 = arith.ori %and3A_241, %and3A_244 : vector<680x16xi32>
    %swap3A_246 = arith.constant 0 : index
    %swap3A_247 = arith.constant 5 : index
    %swap3A_248 = arith.constant 0 : index
    %swap3A_249 = arith.constant 0 : index
    %swap3A_250 = vector.load %arg5[%swap3A_246, %swap3A_247, %swap3A_248, %swap3A_249] : memref<1x8x680x16xi32, #tpu.memory_space<vmem>>, vector<1x1x680x16xi32>
    %swap3A_251 = vector.shape_cast %swap3A_250 : vector<1x1x680x16xi32> to vector<680x16xi32>
    %swap3A_252 = vector.shape_cast %or3A_245 : vector<680x16xi32> to vector<1x1x680x16xi32>
    tpu.vector_store %arg5[%swap3A_246, %swap3A_247, %swap3A_248, %swap3A_249], %swap3A_252 {strides = array<i32>} : memref<1x8x680x16xi32, #tpu.memory_space<vmem>>, vector<1x1x680x16xi32>,
    %slice3A_253 = vector.extract_strided_slice %add3A_12 {offsets = [0, 192], sizes = [680, 16], strides = [1, 1]} : vector<680x256xf32> to vector<680x16xf32>
    %bitcast_convert_type3A_254 = tpu.bitcast %slice3A_253 : vector<680x16xf32> -> vector<680x16xi32>
    %slice3A_255 = vector.extract_strided_slice %add3A_12 {offsets = [0, 208], sizes = [680, 16], strides = [1, 1]} : vector<680x256xf32> to vector<680x16xf32>
    %bitcast_convert_type3A_256 = tpu.bitcast %slice3A_255 : vector<680x16xf32> -> vector<680x16xi32>
    %add3A_257 = arith.constant 32767 : i32
    %add3A_258 = vector.broadcast %add3A_257 : i32 to vector<680x16xi32>
    %add3A_259 = arith.addi %bitcast_convert_type3A_254, %add3A_258 : vector<680x16xi32>
    %shift_right_arithmetic3A_260 = arith.constant 16 : i32
    %shift_right_arithmetic3A_261 = vector.broadcast %shift_right_arithmetic3A_260 : i32 to vector<680x16xi32>
    %shift_right_arithmetic3A_262 = arith.shrsi %bitcast_convert_type3A_254, %shift_right_arithmetic3A_261 : vector<680x16xi32>
    %and3A_263 = arith.constant 1 : i32
    %and3A_264 = vector.broadcast %and3A_263 : i32 to vector<680x16xi32>
    %and3A_265 = arith.andi %shift_right_arithmetic3A_262, %and3A_264 : vector<680x16xi32>
    %add3A_266 = arith.addi %add3A_259, %and3A_265 : vector<680x16xi32>
    %add3A_267 = arith.constant 32767 : i32
    %add3A_268 = vector.broadcast %add3A_267 : i32 to vector<680x16xi32>
    %add3A_269 = arith.addi %bitcast_convert_type3A_256, %add3A_268 : vector<680x16xi32>
    %shift_right_arithmetic3A_270 = arith.constant 16 : i32
    %shift_right_arithmetic3A_271 = vector.broadcast %shift_right_arithmetic3A_270 : i32 to vector<680x16xi32>
    %shift_right_arithmetic3A_272 = arith.shrsi %bitcast_convert_type3A_256, %shift_right_arithmetic3A_271 : vector<680x16xi32>
    %and3A_273 = arith.constant 1 : i32
    %and3A_274 = vector.broadcast %and3A_273 : i32 to vector<680x16xi32>
    %and3A_275 = arith.andi %shift_right_arithmetic3A_272, %and3A_274 : vector<680x16xi32>
    %add3A_276 = arith.addi %add3A_269, %and3A_275 : vector<680x16xi32>
    %shift_right_arithmetic3A_277 = arith.constant 16 : i32
    %shift_right_arithmetic3A_278 = vector.broadcast %shift_right_arithmetic3A_277 : i32 to vector<680x16xi32>
    %shift_right_arithmetic3A_279 = arith.shrsi %add3A_266, %shift_right_arithmetic3A_278 : vector<680x16xi32>
    %and3A_280 = arith.constant 65535 : i32
    %and3A_281 = vector.broadcast %and3A_280 : i32 to vector<680x16xi32>
    %and3A_282 = arith.andi %shift_right_arithmetic3A_279, %and3A_281 : vector<680x16xi32>
    %and3A_283 = arith.constant -65536 : i32
    %and3A_284 = vector.broadcast %and3A_283 : i32 to vector<680x16xi32>
    %and3A_285 = arith.andi %add3A_276, %and3A_284 : vector<680x16xi32>
    %or3A_286 = arith.ori %and3A_282, %and3A_285 : vector<680x16xi32>
    %swap3A_287 = arith.constant 0 : index
    %swap3A_288 = arith.constant 6 : index
    %swap3A_289 = arith.constant 0 : index
    %swap3A_290 = arith.constant 0 : index
    %swap3A_291 = vector.load %arg5[%swap3A_287, %swap3A_288, %swap3A_289, %swap3A_290] : memref<1x8x680x16xi32, #tpu.memory_space<vmem>>, vector<1x1x680x16xi32>
    %swap3A_292 = vector.shape_cast %swap3A_291 : vector<1x1x680x16xi32> to vector<680x16xi32>
    %swap3A_293 = vector.shape_cast %or3A_286 : vector<680x16xi32> to vector<1x1x680x16xi32>
    tpu.vector_store %arg5[%swap3A_287, %swap3A_288, %swap3A_289, %swap3A_290], %swap3A_293 {strides = array<i32>} : memref<1x8x680x16xi32, #tpu.memory_space<vmem>>, vector<1x1x680x16xi32>,
    %slice3A_294 = vector.extract_strided_slice %add3A_12 {offsets = [0, 224], sizes = [680, 16], strides = [1, 1]} : vector<680x256xf32> to vector<680x16xf32>
    %bitcast_convert_type3A_295 = tpu.bitcast %slice3A_294 : vector<680x16xf32> -> vector<680x16xi32>
    %slice3A_296 = vector.extract_strided_slice %add3A_12 {offsets = [0, 240], sizes = [680, 16], strides = [1, 1]} : vector<680x256xf32> to vector<680x16xf32>
    %bitcast_convert_type3A_297 = tpu.bitcast %slice3A_296 : vector<680x16xf32> -> vector<680x16xi32>
    %add3A_298 = arith.constant 32767 : i32
    %add3A_299 = vector.broadcast %add3A_298 : i32 to vector<680x16xi32>
    %add3A_300 = arith.addi %bitcast_convert_type3A_295, %add3A_299 : vector<680x16xi32>
    %shift_right_arithmetic3A_301 = arith.constant 16 : i32
    %shift_right_arithmetic3A_302 = vector.broadcast %shift_right_arithmetic3A_301 : i32 to vector<680x16xi32>
    %shift_right_arithmetic3A_303 = arith.shrsi %bitcast_convert_type3A_295, %shift_right_arithmetic3A_302 : vector<680x16xi32>
    %and3A_304 = arith.constant 1 : i32
    %and3A_305 = vector.broadcast %and3A_304 : i32 to vector<680x16xi32>
    %and3A_306 = arith.andi %shift_right_arithmetic3A_303, %and3A_305 : vector<680x16xi32>
    %add3A_307 = arith.addi %add3A_300, %and3A_306 : vector<680x16xi32>
    %add3A_308 = arith.constant 32767 : i32
    %add3A_309 = vector.broadcast %add3A_308 : i32 to vector<680x16xi32>
    %add3A_310 = arith.addi %bitcast_convert_type3A_297, %add3A_309 : vector<680x16xi32>
    %shift_right_arithmetic3A_311 = arith.constant 16 : i32
    %shift_right_arithmetic3A_312 = vector.broadcast %shift_right_arithmetic3A_311 : i32 to vector<680x16xi32>
    %shift_right_arithmetic3A_313 = arith.shrsi %bitcast_convert_type3A_297, %shift_right_arithmetic3A_312 : vector<680x16xi32>
    %and3A_314 = arith.constant 1 : i32
    %and3A_315 = vector.broadcast %and3A_314 : i32 to vector<680x16xi32>
    %and3A_316 = arith.andi %shift_right_arithmetic3A_313, %and3A_315 : vector<680x16xi32>
    %add3A_317 = arith.addi %add3A_310, %and3A_316 : vector<680x16xi32>
    %shift_right_arithmetic3A_318 = arith.constant 16 : i32
    %shift_right_arithmetic3A_319 = vector.broadcast %shift_right_arithmetic3A_318 : i32 to vector<680x16xi32>
    %shift_right_arithmetic3A_320 = arith.shrsi %add3A_307, %shift_right_arithmetic3A_319 : vector<680x16xi32>
    %and3A_321 = arith.constant 65535 : i32
    %and3A_322 = vector.broadcast %and3A_321 : i32 to vector<680x16xi32>
    %and3A_323 = arith.andi %shift_right_arithmetic3A_320, %and3A_322 : vector<680x16xi32>
    %and3A_324 = arith.constant -65536 : i32
    %and3A_325 = vector.broadcast %and3A_324 : i32 to vector<680x16xi32>
    %and3A_326 = arith.andi %add3A_317, %and3A_325 : vector<680x16xi32>
    %or3A_327 = arith.ori %and3A_323, %and3A_326 : vector<680x16xi32>
    %swap3A_328 = arith.constant 0 : index
    %swap3A_329 = arith.constant 7 : index
    %swap3A_330 = arith.constant 0 : index
    %swap3A_331 = arith.constant 0 : index
    %swap3A_332 = vector.load %arg5[%swap3A_328, %swap3A_329, %swap3A_330, %swap3A_331] : memref<1x8x680x16xi32, #tpu.memory_space<vmem>>, vector<1x1x680x16xi32>
    %swap3A_333 = vector.shape_cast %swap3A_332 : vector<1x1x680x16xi32> to vector<680x16xi32>
    %swap3A_334 = vector.shape_cast %or3A_327 : vector<680x16xi32> to vector<1x1x680x16xi32>
    tpu.vector_store %arg5[%swap3A_328, %swap3A_329, %swap3A_330, %swap3A_331], %swap3A_334 {strides = array<i32>} : memref<1x8x680x16xi32, #tpu.memory_space<vmem>>, vector<1x1x680x16xi32>,
    return
  }
  func.func @transform_0(%arg0: i32, %arg1: i32) -> (i32, i32, i32) {
    %c0_i32 = arith.constant 0 : i32
    %c0_i32_0 = arith.constant 0 : i32
    return %arg0, %arg1, %c0_i32 : i32, i32, i32
  }
  func.func @transform_1(%arg0: i32, %arg1: i32) -> (i32, i32) {
    %c0_i32 = arith.constant 0 : i32
    %c0_i32_0 = arith.constant 0 : i32
    %c0_i32_1 = arith.constant 0 : i32
    return %c0_i32, %c0_i32_0 : i32, i32
  }
  func.func @transform_2(%arg0: i32, %arg1: i32) -> (i32, i32) {
    %c0_i32 = arith.constant 0 : i32
    %c0_i32_0 = arith.constant 0 : i32
    %c0_i32_1 = arith.constant 0 : i32
    return %c0_i32, %c0_i32_0 : i32, i32
  }
  func.func @transform_3(%arg0: i32, %arg1: i32) -> (i32, i32, i32, i32) {
    %c0_i32 = arith.constant 0 : i32
    %c0_i32_0 = arith.constant 0 : i32
    %c0_i32_1 = arith.constant 0 : i32
    return %arg0, %c0_i32, %arg1, %c0_i32_0 : i32, i32, i32, i32
  }
}

module attributes {stable_mosaic.version = 14 : i64} {
  func.func @_prep_body(%arg0: i32, %arg1: i32, %arg2: memref<1x680x256xf32, #tpu.memory_space<vmem>>, %arg3: memref<1x680x8xf32, #tpu.memory_space<vmem>>, %arg4: memref<256x256xf32, #tpu.memory_space<vmem>>, %arg5: memref<1x256xf32, #tpu.memory_space<vmem>>, %arg6: memref<256x128xf32, #tpu.memory_space<vmem>>, %arg7: memref<1x128xf32, #tpu.memory_space<vmem>>, %arg8: memref<8x256xf32, #tpu.memory_space<vmem>>, %arg9: memref<128x128xf32, #tpu.memory_space<vmem>>, %arg10: memref<1x128xf32, #tpu.memory_space<vmem>>, %arg11: memref<1x128xi32, #tpu.memory_space<vmem>>, %arg12: memref<1x128xi32, #tpu.memory_space<vmem>>, %arg13: memref<4x680x128xi32, #tpu.memory_space<vmem>>, %arg14: memref<4x680x128xf32, #tpu.memory_space<vmem>>) attributes {dimension_semantics = [#tpu.dimension_semantics<arbitrary>, #tpu.dimension_semantics<arbitrary>], iteration_bounds = array<i64: 4, 8>, scalar_prefetch = 0 : i64, scratch_operands = 0 : i64, tpu.core_type = #tpu.core_type<tc>, window_params = [{transform_indices = @transform_0, window_bounds = array<i64: 1, 680, 256>}, {transform_indices = @transform_1, window_bounds = array<i64: 1, 680, 8>}, {pipeline_mode = #tpu.pipeline_mode<synchronous>, transform_indices = @transform_2, window_bounds = array<i64: 256, 256>}, {pipeline_mode = #tpu.pipeline_mode<synchronous>, transform_indices = @transform_3, window_bounds = array<i64: 1, 256>}, {pipeline_mode = #tpu.pipeline_mode<synchronous>, transform_indices = @transform_4, window_bounds = array<i64: 256, 128>}, {pipeline_mode = #tpu.pipeline_mode<synchronous>, transform_indices = @transform_5, window_bounds = array<i64: 1, 128>}, {pipeline_mode = #tpu.pipeline_mode<synchronous>, transform_indices = @transform_6, window_bounds = array<i64: 8, 256>}, {pipeline_mode = #tpu.pipeline_mode<synchronous>, transform_indices = @transform_7, window_bounds = array<i64: 128, 128>}, {pipeline_mode = #tpu.pipeline_mode<synchronous>, transform_indices = @transform_8, window_bounds = array<i64: 1, 128>}, {pipeline_mode = #tpu.pipeline_mode<synchronous>, transform_indices = @transform_9, window_bounds = array<i64: 1, 128>}, {pipeline_mode = #tpu.pipeline_mode<synchronous>, transform_indices = @transform_10, window_bounds = array<i64: 1, 128>}, {transform_indices = @transform_11, window_bounds = array<i64: 4, 680, 128>}, {transform_indices = @transform_12, window_bounds = array<i64: 4, 680, 128>}]} {
    %get3A = arith.constant 0 : index
    %get3A_0 = arith.constant 0 : index
    %get3A_1 = arith.constant 0 : index
    %get3A_2 = vector.load %arg2[%get3A, %get3A_0, %get3A_1] : memref<1x680x256xf32, #tpu.memory_space<vmem>>, vector<1x680x256xf32>
    %get3A_3 = vector.shape_cast %get3A_2 : vector<1x680x256xf32> to vector<680x256xf32>
    %get3A_4 = arith.constant 0 : index
    %get3A_5 = arith.constant 0 : index
    %get3A_6 = arith.constant 0 : index
    %get3A_7 = vector.load %arg3[%get3A_4, %get3A_5, %get3A_6] : memref<1x680x8xf32, #tpu.memory_space<vmem>>, vector<1x680x8xf32>
    %get3A_8 = vector.shape_cast %get3A_7 : vector<1x680x8xf32> to vector<680x8xf32>
    %get3A_9 = arith.constant 0 : index
    %get3A_10 = arith.constant 0 : index
    %get3A_11 = vector.load %arg4[%get3A_9, %get3A_10] : memref<256x256xf32, #tpu.memory_space<vmem>>, vector<256x256xf32>
    %dot_general3A = arith.constant dense<0.000000e+00> : vector<680x256xf32>
    %dot_general3A_12 = tpu.matmul %get3A_3, %get3A_11, %dot_general3A {dimension_numbers = #tpu.dot_dimension_numbers<[1], [0], [0], [1], [0, 0, 1, 1], [], []>, precision = #tpu.contract_precision<fp32>, transpose_lhs_hint = false} : vector<680x256xf32>, vector<256x256xf32>, vector<680x256xf32> -> vector<680x256xf32>
    %get3A_13 = arith.constant 0 : index
    %get3A_14 = arith.constant 0 : index
    %get3A_15 = vector.load %arg5[%get3A_13, %get3A_14] : memref<1x256xf32, #tpu.memory_space<vmem>>, vector<1x256xf32>
    %get3A_16 = vector.shape_cast %get3A_15 : vector<1x256xf32> to vector<256xf32>
    %broadcast_in_dim3A = vector.shape_cast %get3A_16 : vector<256xf32> to vector<1x256xf32>
    %add3A = vector.broadcast %broadcast_in_dim3A : vector<1x256xf32> to vector<680x256xf32>
    %add3A_17 = arith.addf %dot_general3A_12, %add3A : vector<680x256xf32>
    %get3A_18 = arith.constant 0 : index
    %get3A_19 = arith.constant 0 : index
    %get3A_20 = vector.load %arg6[%get3A_18, %get3A_19] : memref<256x128xf32, #tpu.memory_space<vmem>>, vector<256x128xf32>
    %dot_general3A_21 = arith.constant dense<0.000000e+00> : vector<680x128xf32>
    %dot_general3A_22 = tpu.matmul %get3A_3, %get3A_20, %dot_general3A_21 {dimension_numbers = #tpu.dot_dimension_numbers<[1], [0], [0], [1], [0, 0, 1, 1], [], []>, precision = #tpu.contract_precision<fp32>, transpose_lhs_hint = false} : vector<680x256xf32>, vector<256x128xf32>, vector<680x128xf32> -> vector<680x128xf32>
    %get3A_23 = arith.constant 0 : index
    %get3A_24 = arith.constant 0 : index
    %get3A_25 = vector.load %arg7[%get3A_23, %get3A_24] : memref<1x128xf32, #tpu.memory_space<vmem>>, vector<1x128xf32>
    %get3A_26 = vector.shape_cast %get3A_25 : vector<1x128xf32> to vector<128xf32>
    %broadcast_in_dim3A_27 = vector.shape_cast %get3A_26 : vector<128xf32> to vector<1x128xf32>
    %add3A_28 = vector.broadcast %broadcast_in_dim3A_27 : vector<1x128xf32> to vector<680x128xf32>
    %add3A_29 = arith.addf %dot_general3A_22, %add3A_28 : vector<680x128xf32>
    %reduce_max3A = arith.constant dense<0xFF800000> : vector<680xf32>
    %reduce_max3A_30 = vector.multi_reduction <maximumf>, %add3A_29, %reduce_max3A [1] : vector<680x128xf32> to vector<680xf32>
    %broadcast_in_dim3A_31 = vector.shape_cast %reduce_max3A_30 : vector<680xf32> to vector<680x1xf32>
    %sub3A = vector.broadcast %broadcast_in_dim3A_31 : vector<680x1xf32> to vector<680x128xf32>
    %sub3A_32 = arith.subf %add3A_29, %sub3A : vector<680x128xf32>
    %exp3A = math.exp %sub3A_32 : vector<680x128xf32>
    %get3A_33 = arith.constant 0 : index
    %get3A_34 = arith.constant 0 : index
    %get3A_35 = vector.load %arg9[%get3A_33, %get3A_34] : memref<128x128xf32, #tpu.memory_space<vmem>>, vector<128x128xf32>
    %dot_general3A_36 = arith.constant dense<0.000000e+00> : vector<680x128xf32>
    %dot_general3A_37 = tpu.matmul %exp3A, %get3A_35, %dot_general3A_36 {dimension_numbers = #tpu.dot_dimension_numbers<[1], [0], [0], [1], [0, 0, 1, 1], [], []>, precision = #tpu.contract_precision<fp32>, transpose_lhs_hint = false} : vector<680x128xf32>, vector<128x128xf32>, vector<680x128xf32> -> vector<680x128xf32>
    %div3A = arith.divf %exp3A, %dot_general3A_37 : vector<680x128xf32>
    %get3A_38 = arith.constant 0 : index
    %get3A_39 = arith.constant 0 : index
    %get3A_40 = vector.load %arg8[%get3A_38, %get3A_39] : memref<8x256xf32, #tpu.memory_space<vmem>>, vector<8x256xf32>
    %dot_general3A_41 = arith.constant dense<0.000000e+00> : vector<680x256xf32>
    %dot_general3A_42 = tpu.matmul %get3A_8, %get3A_40, %dot_general3A_41 {dimension_numbers = #tpu.dot_dimension_numbers<[1], [0], [0], [1], [0, 0, 1, 1], [], []>, precision = #tpu.contract_precision<fp32>, transpose_lhs_hint = false} : vector<680x8xf32>, vector<8x256xf32>, vector<680x256xf32> -> vector<680x256xf32>
    %get3A_43 = arith.constant 0 : index
    %get3A_44 = arith.constant 0 : index
    %get3A_45 = vector.load %arg10[%get3A_43, %get3A_44] : memref<1x128xf32, #tpu.memory_space<vmem>>, vector<1x128xf32>
    %get3A_46 = vector.shape_cast %get3A_45 : vector<1x128xf32> to vector<128xf32>
    %get3A_47 = arith.constant 0 : index
    %get3A_48 = arith.constant 0 : index
    %get3A_49 = vector.load %arg11[%get3A_47, %get3A_48] : memref<1x128xi32, #tpu.memory_space<vmem>>, vector<1x128xi32>
    %get3A_50 = vector.shape_cast %get3A_49 : vector<1x128xi32> to vector<128xi32>
    %slice3A = vector.extract_strided_slice %dot_general3A_42 {offsets = [0, 0], sizes = [680, 128], strides = [1, 1]} : vector<680x256xf32> to vector<680x128xf32>
    %broadcast_in_dim3A_51 = vector.shape_cast %get3A_46 : vector<128xf32> to vector<1x128xf32>
    %mul3A = vector.broadcast %broadcast_in_dim3A_51 : vector<1x128xf32> to vector<680x128xf32>
    %mul3A_52 = arith.mulf %slice3A, %mul3A : vector<680x128xf32>
    %slice3A_53 = vector.extract_strided_slice %add3A_17 {offsets = [0, 0], sizes = [680, 128], strides = [1, 1]} : vector<680x256xf32> to vector<680x128xf32>
    %add3A_54 = arith.addf %mul3A_52, %slice3A_53 : vector<680x128xf32>
    %sub3A_55 = arith.constant 5.000000e-01 : f32
    %sub3A_56 = vector.broadcast %sub3A_55 : f32 to vector<680x128xf32>
    %sub3A_57 = arith.subf %add3A_54, %sub3A_56 : vector<680x128xf32>
    %slice3A_58 = vector.extract_strided_slice %dot_general3A_42 {offsets = [0, 128], sizes = [680, 128], strides = [1, 1]} : vector<680x256xf32> to vector<680x128xf32>
    %broadcast_in_dim3A_59 = vector.shape_cast %get3A_46 : vector<128xf32> to vector<1x128xf32>
    %mul3A_60 = vector.broadcast %broadcast_in_dim3A_59 : vector<1x128xf32> to vector<680x128xf32>
    %mul3A_61 = arith.mulf %slice3A_58, %mul3A_60 : vector<680x128xf32>
    %slice3A_62 = vector.extract_strided_slice %add3A_17 {offsets = [0, 128], sizes = [680, 128], strides = [1, 1]} : vector<680x256xf32> to vector<680x128xf32>
    %add3A_63 = arith.addf %mul3A_61, %slice3A_62 : vector<680x128xf32>
    %sub3A_64 = arith.constant 5.000000e-01 : f32
    %sub3A_65 = vector.broadcast %sub3A_64 : f32 to vector<680x128xf32>
    %sub3A_66 = arith.subf %add3A_63, %sub3A_65 : vector<680x128xf32>
    %floor3A = math.floor %sub3A_57 : vector<680x128xf32>
    %floor3A_67 = math.floor %sub3A_66 : vector<680x128xf32>
    %sub3A_68 = arith.subf %sub3A_57, %floor3A : vector<680x128xf32>
    %sub3A_69 = arith.subf %sub3A_66, %floor3A_67 : vector<680x128xf32>
    %mul3A_70 = arith.constant 43520 : i32
    %mul3A_71 = arith.muli %arg0, %mul3A_70 : i32
    %get3A_72 = arith.constant 0 : index
    %get3A_73 = arith.constant 0 : index
    %get3A_74 = vector.load %arg12[%get3A_72, %get3A_73] : memref<1x128xi32, #tpu.memory_space<vmem>>, vector<1x128xi32>
    %get3A_75 = vector.shape_cast %get3A_74 : vector<1x128xi32> to vector<128xi32>
    %add3A_76 = vector.broadcast %mul3A_71 : i32 to vector<128xi32>
    %add3A_77 = arith.addi %add3A_76, %get3A_75 : vector<128xi32>
    %add3A_78 = arith.constant 0.000000e+00 : f32
    %add3A_79 = vector.broadcast %add3A_78 : f32 to vector<680x128xf32>
    %add3A_80 = arith.addf %floor3A, %add3A_79 : vector<680x128xf32>
    %add3A_81 = arith.constant 0.000000e+00 : f32
    %add3A_82 = vector.broadcast %add3A_81 : f32 to vector<680x128xf32>
    %add3A_83 = arith.addf %floor3A_67, %add3A_82 : vector<680x128xf32>
    %ge3A = arith.constant 0.000000e+00 : f32
    %ge3A_84 = vector.broadcast %ge3A : f32 to vector<680x128xf32>
    %ge3A_85 = arith.cmpf oge, %add3A_80, %ge3A_84 : vector<680x128xf32>
    %sub3A_86 = arith.constant 1.000000e+00 : f32
    %sub3A_87 = vector.broadcast %sub3A_86 : f32 to vector<128xf32>
    %sub3A_88 = arith.subf %get3A_46, %sub3A_87 : vector<128xf32>
    %broadcast_in_dim3A_89 = vector.shape_cast %sub3A_88 : vector<128xf32> to vector<1x128xf32>
    %le3A = vector.broadcast %broadcast_in_dim3A_89 : vector<1x128xf32> to vector<680x128xf32>
    %le3A_90 = arith.cmpf ole, %add3A_80, %le3A : vector<680x128xf32>
    %and3A = arith.andi %ge3A_85, %le3A_90 : vector<680x128xi1>
    %ge3A_91 = arith.constant 0.000000e+00 : f32
    %ge3A_92 = vector.broadcast %ge3A_91 : f32 to vector<680x128xf32>
    %ge3A_93 = arith.cmpf oge, %add3A_83, %ge3A_92 : vector<680x128xf32>
    %and3A_94 = arith.andi %and3A, %ge3A_93 : vector<680x128xi1>
    %sub3A_95 = arith.constant 1.000000e+00 : f32
    %sub3A_96 = vector.broadcast %sub3A_95 : f32 to vector<128xf32>
    %sub3A_97 = arith.subf %get3A_46, %sub3A_96 : vector<128xf32>
    %broadcast_in_dim3A_98 = vector.shape_cast %sub3A_97 : vector<128xf32> to vector<1x128xf32>
    %le3A_99 = vector.broadcast %broadcast_in_dim3A_98 : vector<1x128xf32> to vector<680x128xf32>
    %le3A_100 = arith.cmpf ole, %add3A_83, %le3A_99 : vector<680x128xf32>
    %and3A_101 = arith.andi %and3A_94, %le3A_100 : vector<680x128xi1>
    %sub3A_102 = arith.constant 1.000000e+00 : f32
    %sub3A_103 = vector.broadcast %sub3A_102 : f32 to vector<680x128xf32>
    %sub3A_104 = arith.subf %sub3A_103, %sub3A_68 : vector<680x128xf32>
    %sub3A_105 = arith.constant 1.000000e+00 : f32
    %sub3A_106 = vector.broadcast %sub3A_105 : f32 to vector<680x128xf32>
    %sub3A_107 = arith.subf %sub3A_106, %sub3A_69 : vector<680x128xf32>
    %mul3A_108 = arith.mulf %div3A, %sub3A_104 : vector<680x128xf32>
    %mul3A_109 = arith.mulf %mul3A_108, %sub3A_107 : vector<680x128xf32>
    %convert_element_type3A = arith.extui %and3A_101 : vector<680x128xi1> to vector<680x128xi32>
    %convert_element_type3A_110 = arith.sitofp %convert_element_type3A : vector<680x128xi32> to vector<680x128xf32>
    %mul3A_111 = arith.mulf %mul3A_109, %convert_element_type3A_110 : vector<680x128xf32>
    %sub3A_112 = arith.constant 1.000000e+00 : f32
    %sub3A_113 = vector.broadcast %sub3A_112 : f32 to vector<128xf32>
    %sub3A_114 = arith.subf %get3A_46, %sub3A_113 : vector<128xf32>
    %jit3A = arith.constant 0.000000e+00 : f32
    %max3A = vector.broadcast %jit3A : f32 to vector<680x128xf32>
    %max3A_115 = arith.maximumf %max3A, %add3A_80 : vector<680x128xf32>
    %broadcast_in_dim3A_116 = vector.shape_cast %sub3A_114 : vector<128xf32> to vector<1x128xf32>
    %min3A = vector.broadcast %broadcast_in_dim3A_116 : vector<1x128xf32> to vector<680x128xf32>
    %min3A_117 = arith.minimumf %min3A, %max3A_115 : vector<680x128xf32>
    %convert_element_type3A_118 = arith.fptosi %min3A_117 : vector<680x128xf32> to vector<680x128xi32>
    %sub3A_119 = arith.constant 1.000000e+00 : f32
    %sub3A_120 = vector.broadcast %sub3A_119 : f32 to vector<128xf32>
    %sub3A_121 = arith.subf %get3A_46, %sub3A_120 : vector<128xf32>
    %jit3A_122 = arith.constant 0.000000e+00 : f32
    %max3A_123 = vector.broadcast %jit3A_122 : f32 to vector<680x128xf32>
    %max3A_124 = arith.maximumf %max3A_123, %add3A_83 : vector<680x128xf32>
    %broadcast_in_dim3A_125 = vector.shape_cast %sub3A_121 : vector<128xf32> to vector<1x128xf32>
    %min3A_126 = vector.broadcast %broadcast_in_dim3A_125 : vector<1x128xf32> to vector<680x128xf32>
    %min3A_127 = arith.minimumf %min3A_126, %max3A_124 : vector<680x128xf32>
    %convert_element_type3A_128 = arith.fptosi %min3A_127 : vector<680x128xf32> to vector<680x128xi32>
    %broadcast_in_dim3A_129 = vector.shape_cast %get3A_50 : vector<128xi32> to vector<1x128xi32>
    %mul3A_130 = vector.broadcast %broadcast_in_dim3A_129 : vector<1x128xi32> to vector<680x128xi32>
    %mul3A_131 = arith.muli %convert_element_type3A_128, %mul3A_130 : vector<680x128xi32>
    %broadcast_in_dim3A_132 = vector.shape_cast %add3A_77 : vector<128xi32> to vector<1x128xi32>
    %add3A_133 = vector.broadcast %broadcast_in_dim3A_132 : vector<1x128xi32> to vector<680x128xi32>
    %add3A_134 = arith.addi %add3A_133, %mul3A_131 : vector<680x128xi32>
    %add3A_135 = arith.addi %add3A_134, %convert_element_type3A_118 : vector<680x128xi32>
    %swap3A = arith.constant 0 : index
    %swap3A_136 = arith.constant 0 : index
    %swap3A_137 = arith.constant 0 : index
    %swap3A_138 = vector.load %arg13[%swap3A, %swap3A_136, %swap3A_137] : memref<4x680x128xi32, #tpu.memory_space<vmem>>, vector<1x680x128xi32>
    %swap3A_139 = vector.shape_cast %swap3A_138 : vector<1x680x128xi32> to vector<680x128xi32>
    %swap3A_140 = vector.shape_cast %add3A_135 : vector<680x128xi32> to vector<1x680x128xi32>
    tpu.vector_store %arg13[%swap3A, %swap3A_136, %swap3A_137], %swap3A_140 {strides = array<i32>} : memref<4x680x128xi32, #tpu.memory_space<vmem>>, vector<1x680x128xi32>,
    %swap3A_141 = arith.constant 0 : index
    %swap3A_142 = arith.constant 0 : index
    %swap3A_143 = arith.constant 0 : index
    %swap3A_144 = vector.load %arg14[%swap3A_141, %swap3A_142, %swap3A_143] : memref<4x680x128xf32, #tpu.memory_space<vmem>>, vector<1x680x128xf32>
    %swap3A_145 = vector.shape_cast %swap3A_144 : vector<1x680x128xf32> to vector<680x128xf32>
    %swap3A_146 = vector.shape_cast %mul3A_111 : vector<680x128xf32> to vector<1x680x128xf32>
    tpu.vector_store %arg14[%swap3A_141, %swap3A_142, %swap3A_143], %swap3A_146 {strides = array<i32>} : memref<4x680x128xf32, #tpu.memory_space<vmem>>, vector<1x680x128xf32>,
    %add3A_147 = arith.constant 1.000000e+00 : f32
    %add3A_148 = vector.broadcast %add3A_147 : f32 to vector<680x128xf32>
    %add3A_149 = arith.addf %floor3A, %add3A_148 : vector<680x128xf32>
    %add3A_150 = arith.constant 0.000000e+00 : f32
    %add3A_151 = vector.broadcast %add3A_150 : f32 to vector<680x128xf32>
    %add3A_152 = arith.addf %floor3A_67, %add3A_151 : vector<680x128xf32>
    %ge3A_153 = arith.constant 0.000000e+00 : f32
    %ge3A_154 = vector.broadcast %ge3A_153 : f32 to vector<680x128xf32>
    %ge3A_155 = arith.cmpf oge, %add3A_149, %ge3A_154 : vector<680x128xf32>
    %sub3A_156 = arith.constant 1.000000e+00 : f32
    %sub3A_157 = vector.broadcast %sub3A_156 : f32 to vector<128xf32>
    %sub3A_158 = arith.subf %get3A_46, %sub3A_157 : vector<128xf32>
    %broadcast_in_dim3A_159 = vector.shape_cast %sub3A_158 : vector<128xf32> to vector<1x128xf32>
    %le3A_160 = vector.broadcast %broadcast_in_dim3A_159 : vector<1x128xf32> to vector<680x128xf32>
    %le3A_161 = arith.cmpf ole, %add3A_149, %le3A_160 : vector<680x128xf32>
    %and3A_162 = arith.andi %ge3A_155, %le3A_161 : vector<680x128xi1>
    %ge3A_163 = arith.constant 0.000000e+00 : f32
    %ge3A_164 = vector.broadcast %ge3A_163 : f32 to vector<680x128xf32>
    %ge3A_165 = arith.cmpf oge, %add3A_152, %ge3A_164 : vector<680x128xf32>
    %and3A_166 = arith.andi %and3A_162, %ge3A_165 : vector<680x128xi1>
    %sub3A_167 = arith.constant 1.000000e+00 : f32
    %sub3A_168 = vector.broadcast %sub3A_167 : f32 to vector<128xf32>
    %sub3A_169 = arith.subf %get3A_46, %sub3A_168 : vector<128xf32>
    %broadcast_in_dim3A_170 = vector.shape_cast %sub3A_169 : vector<128xf32> to vector<1x128xf32>
    %le3A_171 = vector.broadcast %broadcast_in_dim3A_170 : vector<1x128xf32> to vector<680x128xf32>
    %le3A_172 = arith.cmpf ole, %add3A_152, %le3A_171 : vector<680x128xf32>
    %and3A_173 = arith.andi %and3A_166, %le3A_172 : vector<680x128xi1>
    %sub3A_174 = arith.constant 1.000000e+00 : f32
    %sub3A_175 = vector.broadcast %sub3A_174 : f32 to vector<680x128xf32>
    %sub3A_176 = arith.subf %sub3A_175, %sub3A_69 : vector<680x128xf32>
    %mul3A_177 = arith.mulf %div3A, %sub3A_68 : vector<680x128xf32>
    %mul3A_178 = arith.mulf %mul3A_177, %sub3A_176 : vector<680x128xf32>
    %convert_element_type3A_179 = arith.extui %and3A_173 : vector<680x128xi1> to vector<680x128xi32>
    %convert_element_type3A_180 = arith.sitofp %convert_element_type3A_179 : vector<680x128xi32> to vector<680x128xf32>
    %mul3A_181 = arith.mulf %mul3A_178, %convert_element_type3A_180 : vector<680x128xf32>
    %sub3A_182 = arith.constant 1.000000e+00 : f32
    %sub3A_183 = vector.broadcast %sub3A_182 : f32 to vector<128xf32>
    %sub3A_184 = arith.subf %get3A_46, %sub3A_183 : vector<128xf32>
    %jit3A_185 = arith.constant 0.000000e+00 : f32
    %max3A_186 = vector.broadcast %jit3A_185 : f32 to vector<680x128xf32>
    %max3A_187 = arith.maximumf %max3A_186, %add3A_149 : vector<680x128xf32>
    %broadcast_in_dim3A_188 = vector.shape_cast %sub3A_184 : vector<128xf32> to vector<1x128xf32>
    %min3A_189 = vector.broadcast %broadcast_in_dim3A_188 : vector<1x128xf32> to vector<680x128xf32>
    %min3A_190 = arith.minimumf %min3A_189, %max3A_187 : vector<680x128xf32>
    %convert_element_type3A_191 = arith.fptosi %min3A_190 : vector<680x128xf32> to vector<680x128xi32>
    %sub3A_192 = arith.constant 1.000000e+00 : f32
    %sub3A_193 = vector.broadcast %sub3A_192 : f32 to vector<128xf32>
    %sub3A_194 = arith.subf %get3A_46, %sub3A_193 : vector<128xf32>
    %jit3A_195 = arith.constant 0.000000e+00 : f32
    %max3A_196 = vector.broadcast %jit3A_195 : f32 to vector<680x128xf32>
    %max3A_197 = arith.maximumf %max3A_196, %add3A_152 : vector<680x128xf32>
    %broadcast_in_dim3A_198 = vector.shape_cast %sub3A_194 : vector<128xf32> to vector<1x128xf32>
    %min3A_199 = vector.broadcast %broadcast_in_dim3A_198 : vector<1x128xf32> to vector<680x128xf32>
    %min3A_200 = arith.minimumf %min3A_199, %max3A_197 : vector<680x128xf32>
    %convert_element_type3A_201 = arith.fptosi %min3A_200 : vector<680x128xf32> to vector<680x128xi32>
    %broadcast_in_dim3A_202 = vector.shape_cast %get3A_50 : vector<128xi32> to vector<1x128xi32>
    %mul3A_203 = vector.broadcast %broadcast_in_dim3A_202 : vector<1x128xi32> to vector<680x128xi32>
    %mul3A_204 = arith.muli %convert_element_type3A_201, %mul3A_203 : vector<680x128xi32>
    %broadcast_in_dim3A_205 = vector.shape_cast %add3A_77 : vector<128xi32> to vector<1x128xi32>
    %add3A_206 = vector.broadcast %broadcast_in_dim3A_205 : vector<1x128xi32> to vector<680x128xi32>
    %add3A_207 = arith.addi %add3A_206, %mul3A_204 : vector<680x128xi32>
    %add3A_208 = arith.addi %add3A_207, %convert_element_type3A_191 : vector<680x128xi32>
    %swap3A_209 = arith.constant 1 : index
    %swap3A_210 = arith.constant 0 : index
    %swap3A_211 = arith.constant 0 : index
    %swap3A_212 = vector.load %arg13[%swap3A_209, %swap3A_210, %swap3A_211] : memref<4x680x128xi32, #tpu.memory_space<vmem>>, vector<1x680x128xi32>
    %swap3A_213 = vector.shape_cast %swap3A_212 : vector<1x680x128xi32> to vector<680x128xi32>
    %swap3A_214 = vector.shape_cast %add3A_208 : vector<680x128xi32> to vector<1x680x128xi32>
    tpu.vector_store %arg13[%swap3A_209, %swap3A_210, %swap3A_211], %swap3A_214 {strides = array<i32>} : memref<4x680x128xi32, #tpu.memory_space<vmem>>, vector<1x680x128xi32>,
    %swap3A_215 = arith.constant 1 : index
    %swap3A_216 = arith.constant 0 : index
    %swap3A_217 = arith.constant 0 : index
    %swap3A_218 = vector.load %arg14[%swap3A_215, %swap3A_216, %swap3A_217] : memref<4x680x128xf32, #tpu.memory_space<vmem>>, vector<1x680x128xf32>
    %swap3A_219 = vector.shape_cast %swap3A_218 : vector<1x680x128xf32> to vector<680x128xf32>
    %swap3A_220 = vector.shape_cast %mul3A_181 : vector<680x128xf32> to vector<1x680x128xf32>
    tpu.vector_store %arg14[%swap3A_215, %swap3A_216, %swap3A_217], %swap3A_220 {strides = array<i32>} : memref<4x680x128xf32, #tpu.memory_space<vmem>>, vector<1x680x128xf32>,
    %add3A_221 = arith.constant 0.000000e+00 : f32
    %add3A_222 = vector.broadcast %add3A_221 : f32 to vector<680x128xf32>
    %add3A_223 = arith.addf %floor3A, %add3A_222 : vector<680x128xf32>
    %add3A_224 = arith.constant 1.000000e+00 : f32
    %add3A_225 = vector.broadcast %add3A_224 : f32 to vector<680x128xf32>
    %add3A_226 = arith.addf %floor3A_67, %add3A_225 : vector<680x128xf32>
    %ge3A_227 = arith.constant 0.000000e+00 : f32
    %ge3A_228 = vector.broadcast %ge3A_227 : f32 to vector<680x128xf32>
    %ge3A_229 = arith.cmpf oge, %add3A_223, %ge3A_228 : vector<680x128xf32>
    %sub3A_230 = arith.constant 1.000000e+00 : f32
    %sub3A_231 = vector.broadcast %sub3A_230 : f32 to vector<128xf32>
    %sub3A_232 = arith.subf %get3A_46, %sub3A_231 : vector<128xf32>
    %broadcast_in_dim3A_233 = vector.shape_cast %sub3A_232 : vector<128xf32> to vector<1x128xf32>
    %le3A_234 = vector.broadcast %broadcast_in_dim3A_233 : vector<1x128xf32> to vector<680x128xf32>
    %le3A_235 = arith.cmpf ole, %add3A_223, %le3A_234 : vector<680x128xf32>
    %and3A_236 = arith.andi %ge3A_229, %le3A_235 : vector<680x128xi1>
    %ge3A_237 = arith.constant 0.000000e+00 : f32
    %ge3A_238 = vector.broadcast %ge3A_237 : f32 to vector<680x128xf32>
    %ge3A_239 = arith.cmpf oge, %add3A_226, %ge3A_238 : vector<680x128xf32>
    %and3A_240 = arith.andi %and3A_236, %ge3A_239 : vector<680x128xi1>
    %sub3A_241 = arith.constant 1.000000e+00 : f32
    %sub3A_242 = vector.broadcast %sub3A_241 : f32 to vector<128xf32>
    %sub3A_243 = arith.subf %get3A_46, %sub3A_242 : vector<128xf32>
    %broadcast_in_dim3A_244 = vector.shape_cast %sub3A_243 : vector<128xf32> to vector<1x128xf32>
    %le3A_245 = vector.broadcast %broadcast_in_dim3A_244 : vector<1x128xf32> to vector<680x128xf32>
    %le3A_246 = arith.cmpf ole, %add3A_226, %le3A_245 : vector<680x128xf32>
    %and3A_247 = arith.andi %and3A_240, %le3A_246 : vector<680x128xi1>
    %sub3A_248 = arith.constant 1.000000e+00 : f32
    %sub3A_249 = vector.broadcast %sub3A_248 : f32 to vector<680x128xf32>
    %sub3A_250 = arith.subf %sub3A_249, %sub3A_68 : vector<680x128xf32>
    %mul3A_251 = arith.mulf %div3A, %sub3A_250 : vector<680x128xf32>
    %mul3A_252 = arith.mulf %mul3A_251, %sub3A_69 : vector<680x128xf32>
    %convert_element_type3A_253 = arith.extui %and3A_247 : vector<680x128xi1> to vector<680x128xi32>
    %convert_element_type3A_254 = arith.sitofp %convert_element_type3A_253 : vector<680x128xi32> to vector<680x128xf32>
    %mul3A_255 = arith.mulf %mul3A_252, %convert_element_type3A_254 : vector<680x128xf32>
    %sub3A_256 = arith.constant 1.000000e+00 : f32
    %sub3A_257 = vector.broadcast %sub3A_256 : f32 to vector<128xf32>
    %sub3A_258 = arith.subf %get3A_46, %sub3A_257 : vector<128xf32>
    %jit3A_259 = arith.constant 0.000000e+00 : f32
    %max3A_260 = vector.broadcast %jit3A_259 : f32 to vector<680x128xf32>
    %max3A_261 = arith.maximumf %max3A_260, %add3A_223 : vector<680x128xf32>
    %broadcast_in_dim3A_262 = vector.shape_cast %sub3A_258 : vector<128xf32> to vector<1x128xf32>
    %min3A_263 = vector.broadcast %broadcast_in_dim3A_262 : vector<1x128xf32> to vector<680x128xf32>
    %min3A_264 = arith.minimumf %min3A_263, %max3A_261 : vector<680x128xf32>
    %convert_element_type3A_265 = arith.fptosi %min3A_264 : vector<680x128xf32> to vector<680x128xi32>
    %sub3A_266 = arith.constant 1.000000e+00 : f32
    %sub3A_267 = vector.broadcast %sub3A_266 : f32 to vector<128xf32>
    %sub3A_268 = arith.subf %get3A_46, %sub3A_267 : vector<128xf32>
    %jit3A_269 = arith.constant 0.000000e+00 : f32
    %max3A_270 = vector.broadcast %jit3A_269 : f32 to vector<680x128xf32>
    %max3A_271 = arith.maximumf %max3A_270, %add3A_226 : vector<680x128xf32>
    %broadcast_in_dim3A_272 = vector.shape_cast %sub3A_268 : vector<128xf32> to vector<1x128xf32>
    %min3A_273 = vector.broadcast %broadcast_in_dim3A_272 : vector<1x128xf32> to vector<680x128xf32>
    %min3A_274 = arith.minimumf %min3A_273, %max3A_271 : vector<680x128xf32>
    %convert_element_type3A_275 = arith.fptosi %min3A_274 : vector<680x128xf32> to vector<680x128xi32>
    %broadcast_in_dim3A_276 = vector.shape_cast %get3A_50 : vector<128xi32> to vector<1x128xi32>
    %mul3A_277 = vector.broadcast %broadcast_in_dim3A_276 : vector<1x128xi32> to vector<680x128xi32>
    %mul3A_278 = arith.muli %convert_element_type3A_275, %mul3A_277 : vector<680x128xi32>
    %broadcast_in_dim3A_279 = vector.shape_cast %add3A_77 : vector<128xi32> to vector<1x128xi32>
    %add3A_280 = vector.broadcast %broadcast_in_dim3A_279 : vector<1x128xi32> to vector<680x128xi32>
    %add3A_281 = arith.addi %add3A_280, %mul3A_278 : vector<680x128xi32>
    %add3A_282 = arith.addi %add3A_281, %convert_element_type3A_265 : vector<680x128xi32>
    %swap3A_283 = arith.constant 2 : index
    %swap3A_284 = arith.constant 0 : index
    %swap3A_285 = arith.constant 0 : index
    %swap3A_286 = vector.load %arg13[%swap3A_283, %swap3A_284, %swap3A_285] : memref<4x680x128xi32, #tpu.memory_space<vmem>>, vector<1x680x128xi32>
    %swap3A_287 = vector.shape_cast %swap3A_286 : vector<1x680x128xi32> to vector<680x128xi32>
    %swap3A_288 = vector.shape_cast %add3A_282 : vector<680x128xi32> to vector<1x680x128xi32>
    tpu.vector_store %arg13[%swap3A_283, %swap3A_284, %swap3A_285], %swap3A_288 {strides = array<i32>} : memref<4x680x128xi32, #tpu.memory_space<vmem>>, vector<1x680x128xi32>,
    %swap3A_289 = arith.constant 2 : index
    %swap3A_290 = arith.constant 0 : index
    %swap3A_291 = arith.constant 0 : index
    %swap3A_292 = vector.load %arg14[%swap3A_289, %swap3A_290, %swap3A_291] : memref<4x680x128xf32, #tpu.memory_space<vmem>>, vector<1x680x128xf32>
    %swap3A_293 = vector.shape_cast %swap3A_292 : vector<1x680x128xf32> to vector<680x128xf32>
    %swap3A_294 = vector.shape_cast %mul3A_255 : vector<680x128xf32> to vector<1x680x128xf32>
    tpu.vector_store %arg14[%swap3A_289, %swap3A_290, %swap3A_291], %swap3A_294 {strides = array<i32>} : memref<4x680x128xf32, #tpu.memory_space<vmem>>, vector<1x680x128xf32>,
    %add3A_295 = arith.constant 1.000000e+00 : f32
    %add3A_296 = vector.broadcast %add3A_295 : f32 to vector<680x128xf32>
    %add3A_297 = arith.addf %floor3A, %add3A_296 : vector<680x128xf32>
    %add3A_298 = arith.constant 1.000000e+00 : f32
    %add3A_299 = vector.broadcast %add3A_298 : f32 to vector<680x128xf32>
    %add3A_300 = arith.addf %floor3A_67, %add3A_299 : vector<680x128xf32>
    %ge3A_301 = arith.constant 0.000000e+00 : f32
    %ge3A_302 = vector.broadcast %ge3A_301 : f32 to vector<680x128xf32>
    %ge3A_303 = arith.cmpf oge, %add3A_297, %ge3A_302 : vector<680x128xf32>
    %sub3A_304 = arith.constant 1.000000e+00 : f32
    %sub3A_305 = vector.broadcast %sub3A_304 : f32 to vector<128xf32>
    %sub3A_306 = arith.subf %get3A_46, %sub3A_305 : vector<128xf32>
    %broadcast_in_dim3A_307 = vector.shape_cast %sub3A_306 : vector<128xf32> to vector<1x128xf32>
    %le3A_308 = vector.broadcast %broadcast_in_dim3A_307 : vector<1x128xf32> to vector<680x128xf32>
    %le3A_309 = arith.cmpf ole, %add3A_297, %le3A_308 : vector<680x128xf32>
    %and3A_310 = arith.andi %ge3A_303, %le3A_309 : vector<680x128xi1>
    %ge3A_311 = arith.constant 0.000000e+00 : f32
    %ge3A_312 = vector.broadcast %ge3A_311 : f32 to vector<680x128xf32>
    %ge3A_313 = arith.cmpf oge, %add3A_300, %ge3A_312 : vector<680x128xf32>
    %and3A_314 = arith.andi %and3A_310, %ge3A_313 : vector<680x128xi1>
    %sub3A_315 = arith.constant 1.000000e+00 : f32
    %sub3A_316 = vector.broadcast %sub3A_315 : f32 to vector<128xf32>
    %sub3A_317 = arith.subf %get3A_46, %sub3A_316 : vector<128xf32>
    %broadcast_in_dim3A_318 = vector.shape_cast %sub3A_317 : vector<128xf32> to vector<1x128xf32>
    %le3A_319 = vector.broadcast %broadcast_in_dim3A_318 : vector<1x128xf32> to vector<680x128xf32>
    %le3A_320 = arith.cmpf ole, %add3A_300, %le3A_319 : vector<680x128xf32>
    %and3A_321 = arith.andi %and3A_314, %le3A_320 : vector<680x128xi1>
    %mul3A_322 = arith.mulf %div3A, %sub3A_68 : vector<680x128xf32>
    %mul3A_323 = arith.mulf %mul3A_322, %sub3A_69 : vector<680x128xf32>
    %convert_element_type3A_324 = arith.extui %and3A_321 : vector<680x128xi1> to vector<680x128xi32>
    %convert_element_type3A_325 = arith.sitofp %convert_element_type3A_324 : vector<680x128xi32> to vector<680x128xf32>
    %mul3A_326 = arith.mulf %mul3A_323, %convert_element_type3A_325 : vector<680x128xf32>
    %sub3A_327 = arith.constant 1.000000e+00 : f32
    %sub3A_328 = vector.broadcast %sub3A_327 : f32 to vector<128xf32>
    %sub3A_329 = arith.subf %get3A_46, %sub3A_328 : vector<128xf32>
    %jit3A_330 = arith.constant 0.000000e+00 : f32
    %max3A_331 = vector.broadcast %jit3A_330 : f32 to vector<680x128xf32>
    %max3A_332 = arith.maximumf %max3A_331, %add3A_297 : vector<680x128xf32>
    %broadcast_in_dim3A_333 = vector.shape_cast %sub3A_329 : vector<128xf32> to vector<1x128xf32>
    %min3A_334 = vector.broadcast %broadcast_in_dim3A_333 : vector<1x128xf32> to vector<680x128xf32>
    %min3A_335 = arith.minimumf %min3A_334, %max3A_332 : vector<680x128xf32>
    %convert_element_type3A_336 = arith.fptosi %min3A_335 : vector<680x128xf32> to vector<680x128xi32>
    %sub3A_337 = arith.constant 1.000000e+00 : f32
    %sub3A_338 = vector.broadcast %sub3A_337 : f32 to vector<128xf32>
    %sub3A_339 = arith.subf %get3A_46, %sub3A_338 : vector<128xf32>
    %jit3A_340 = arith.constant 0.000000e+00 : f32
    %max3A_341 = vector.broadcast %jit3A_340 : f32 to vector<680x128xf32>
    %max3A_342 = arith.maximumf %max3A_341, %add3A_300 : vector<680x128xf32>
    %broadcast_in_dim3A_343 = vector.shape_cast %sub3A_339 : vector<128xf32> to vector<1x128xf32>
    %min3A_344 = vector.broadcast %broadcast_in_dim3A_343 : vector<1x128xf32> to vector<680x128xf32>
    %min3A_345 = arith.minimumf %min3A_344, %max3A_342 : vector<680x128xf32>
    %convert_element_type3A_346 = arith.fptosi %min3A_345 : vector<680x128xf32> to vector<680x128xi32>
    %broadcast_in_dim3A_347 = vector.shape_cast %get3A_50 : vector<128xi32> to vector<1x128xi32>
    %mul3A_348 = vector.broadcast %broadcast_in_dim3A_347 : vector<1x128xi32> to vector<680x128xi32>
    %mul3A_349 = arith.muli %convert_element_type3A_346, %mul3A_348 : vector<680x128xi32>
    %broadcast_in_dim3A_350 = vector.shape_cast %add3A_77 : vector<128xi32> to vector<1x128xi32>
    %add3A_351 = vector.broadcast %broadcast_in_dim3A_350 : vector<1x128xi32> to vector<680x128xi32>
    %add3A_352 = arith.addi %add3A_351, %mul3A_349 : vector<680x128xi32>
    %add3A_353 = arith.addi %add3A_352, %convert_element_type3A_336 : vector<680x128xi32>
    %swap3A_354 = arith.constant 3 : index
    %swap3A_355 = arith.constant 0 : index
    %swap3A_356 = arith.constant 0 : index
    %swap3A_357 = vector.load %arg13[%swap3A_354, %swap3A_355, %swap3A_356] : memref<4x680x128xi32, #tpu.memory_space<vmem>>, vector<1x680x128xi32>
    %swap3A_358 = vector.shape_cast %swap3A_357 : vector<1x680x128xi32> to vector<680x128xi32>
    %swap3A_359 = vector.shape_cast %add3A_353 : vector<680x128xi32> to vector<1x680x128xi32>
    tpu.vector_store %arg13[%swap3A_354, %swap3A_355, %swap3A_356], %swap3A_359 {strides = array<i32>} : memref<4x680x128xi32, #tpu.memory_space<vmem>>, vector<1x680x128xi32>,
    %swap3A_360 = arith.constant 3 : index
    %swap3A_361 = arith.constant 0 : index
    %swap3A_362 = arith.constant 0 : index
    %swap3A_363 = vector.load %arg14[%swap3A_360, %swap3A_361, %swap3A_362] : memref<4x680x128xf32, #tpu.memory_space<vmem>>, vector<1x680x128xf32>
    %swap3A_364 = vector.shape_cast %swap3A_363 : vector<1x680x128xf32> to vector<680x128xf32>
    %swap3A_365 = vector.shape_cast %mul3A_326 : vector<680x128xf32> to vector<1x680x128xf32>
    tpu.vector_store %arg14[%swap3A_360, %swap3A_361, %swap3A_362], %swap3A_365 {strides = array<i32>} : memref<4x680x128xf32, #tpu.memory_space<vmem>>, vector<1x680x128xf32>,
    return
  }
  func.func @transform_0(%arg0: i32, %arg1: i32) -> (i32, i32, i32) {
    %c0_i32 = arith.constant 0 : i32
    %c0_i32_0 = arith.constant 0 : i32
    return %arg0, %arg1, %c0_i32 : i32, i32, i32
  }
  func.func @transform_1(%arg0: i32, %arg1: i32) -> (i32, i32, i32) {
    %c0_i32 = arith.constant 0 : i32
    %c0_i32_0 = arith.constant 0 : i32
    return %arg0, %arg1, %c0_i32 : i32, i32, i32
  }
  func.func @transform_2(%arg0: i32, %arg1: i32) -> (i32, i32) {
    %c0_i32 = arith.constant 0 : i32
    %c0_i32_0 = arith.constant 0 : i32
    %c0_i32_1 = arith.constant 0 : i32
    return %c0_i32, %c0_i32_0 : i32, i32
  }
  func.func @transform_3(%arg0: i32, %arg1: i32) -> (i32, i32) {
    %c0_i32 = arith.constant 0 : i32
    %c0_i32_0 = arith.constant 0 : i32
    %c0_i32_1 = arith.constant 0 : i32
    return %c0_i32, %c0_i32_0 : i32, i32
  }
  func.func @transform_4(%arg0: i32, %arg1: i32) -> (i32, i32) {
    %c0_i32 = arith.constant 0 : i32
    %c0_i32_0 = arith.constant 0 : i32
    %c0_i32_1 = arith.constant 0 : i32
    return %c0_i32, %c0_i32_0 : i32, i32
  }
  func.func @transform_5(%arg0: i32, %arg1: i32) -> (i32, i32) {
    %c0_i32 = arith.constant 0 : i32
    %c0_i32_0 = arith.constant 0 : i32
    %c0_i32_1 = arith.constant 0 : i32
    return %c0_i32, %c0_i32_0 : i32, i32
  }
  func.func @transform_6(%arg0: i32, %arg1: i32) -> (i32, i32) {
    %c0_i32 = arith.constant 0 : i32
    %c0_i32_0 = arith.constant 0 : i32
    %c0_i32_1 = arith.constant 0 : i32
    return %c0_i32, %c0_i32_0 : i32, i32
  }
  func.func @transform_7(%arg0: i32, %arg1: i32) -> (i32, i32) {
    %c0_i32 = arith.constant 0 : i32
    %c0_i32_0 = arith.constant 0 : i32
    %c0_i32_1 = arith.constant 0 : i32
    return %c0_i32, %c0_i32_0 : i32, i32
  }
  func.func @transform_8(%arg0: i32, %arg1: i32) -> (i32, i32) {
    %c0_i32 = arith.constant 0 : i32
    %c0_i32_0 = arith.constant 0 : i32
    %c0_i32_1 = arith.constant 0 : i32
    return %c0_i32, %c0_i32_0 : i32, i32
  }
  func.func @transform_9(%arg0: i32, %arg1: i32) -> (i32, i32) {
    %c0_i32 = arith.constant 0 : i32
    %c0_i32_0 = arith.constant 0 : i32
    %c0_i32_1 = arith.constant 0 : i32
    return %c0_i32, %c0_i32_0 : i32, i32
  }
  func.func @transform_10(%arg0: i32, %arg1: i32) -> (i32, i32) {
    %c0_i32 = arith.constant 0 : i32
    %c0_i32_0 = arith.constant 0 : i32
    %c0_i32_1 = arith.constant 0 : i32
    return %c0_i32, %c0_i32_0 : i32, i32
  }
  func.func @transform_11(%arg0: i32, %arg1: i32) -> (i32, i32, i32) {
    %mul3A = arith.constant 8 : i32
    %mul3A_0 = arith.muli %arg0, %mul3A : i32
    %add3A = arith.addi %mul3A_0, %arg1 : i32
    %c0_i32 = arith.constant 0 : i32
    %c0_i32_1 = arith.constant 0 : i32
    %c0_i32_2 = arith.constant 0 : i32
    return %c0_i32, %add3A, %c0_i32_1 : i32, i32, i32
  }
  func.func @transform_12(%arg0: i32, %arg1: i32) -> (i32, i32, i32) {
    %mul3A = arith.constant 8 : i32
    %mul3A_0 = arith.muli %arg0, %mul3A : i32
    %add3A = arith.addi %mul3A_0, %arg1 : i32
    %c0_i32 = arith.constant 0 : i32
    %c0_i32_1 = arith.constant 0 : i32
    %c0_i32_2 = arith.constant 0 : i32
    return %c0_i32, %add3A, %c0_i32_1 : i32, i32, i32
  }
}

module attributes {stable_mosaic.version = 14 : i64} {
  func.func @_outproj_body(%arg0: i32, %arg1: i32, %arg2: memref<2x680x128xf32, #tpu.memory_space<vmem>>, %arg3: memref<256x256xf32, #tpu.memory_space<vmem>>, %arg4: memref<1x256xf32, #tpu.memory_space<vmem>>, %arg5: memref<1x680x256xf32, #tpu.memory_space<vmem>>) attributes {dimension_semantics = [#tpu.dimension_semantics<arbitrary>, #tpu.dimension_semantics<arbitrary>], iteration_bounds = array<i64: 4, 8>, scalar_prefetch = 0 : i64, scratch_operands = 0 : i64, tpu.core_type = #tpu.core_type<tc>, window_params = [{transform_indices = @transform_0, window_bounds = array<i64: 2, 680, 128>}, {pipeline_mode = #tpu.pipeline_mode<synchronous>, transform_indices = @transform_1, window_bounds = array<i64: 256, 256>}, {pipeline_mode = #tpu.pipeline_mode<synchronous>, transform_indices = @transform_2, window_bounds = array<i64: 1, 256>}, {transform_indices = @transform_3, window_bounds = array<i64: 1, 680, 256>}]} {
    %get3A = arith.constant 0 : index
    %get3A_0 = arith.constant 0 : index
    %get3A_1 = arith.constant 0 : index
    %get3A_2 = vector.load %arg2[%get3A, %get3A_0, %get3A_1] : memref<2x680x128xf32, #tpu.memory_space<vmem>>, vector<1x680x128xf32>
    %get3A_3 = vector.shape_cast %get3A_2 : vector<1x680x128xf32> to vector<680x128xf32>
    %get3A_4 = arith.constant 1 : index
    %get3A_5 = arith.constant 0 : index
    %get3A_6 = arith.constant 0 : index
    %get3A_7 = vector.load %arg2[%get3A_4, %get3A_5, %get3A_6] : memref<2x680x128xf32, #tpu.memory_space<vmem>>, vector<1x680x128xf32>
    %get3A_8 = vector.shape_cast %get3A_7 : vector<1x680x128xf32> to vector<680x128xf32>
    %concatenate3A = tpu.concatenate %get3A_3, %get3A_8 in 1 : vector<680x128xf32>, vector<680x128xf32> -> vector<680x256xf32>
    %get3A_9 = arith.constant 0 : index
    %get3A_10 = arith.constant 0 : index
    %get3A_11 = vector.load %arg3[%get3A_9, %get3A_10] : memref<256x256xf32, #tpu.memory_space<vmem>>, vector<256x256xf32>
    %dot_general3A = arith.constant dense<0.000000e+00> : vector<680x256xf32>
    %dot_general3A_12 = tpu.matmul %concatenate3A, %get3A_11, %dot_general3A {dimension_numbers = #tpu.dot_dimension_numbers<[1], [0], [0], [1], [0, 0, 1, 1], [], []>, precision = #tpu.contract_precision<fp32>, transpose_lhs_hint = false} : vector<680x256xf32>, vector<256x256xf32>, vector<680x256xf32> -> vector<680x256xf32>
    %get3A_13 = arith.constant 0 : index
    %get3A_14 = arith.constant 0 : index
    %get3A_15 = vector.load %arg4[%get3A_13, %get3A_14] : memref<1x256xf32, #tpu.memory_space<vmem>>, vector<1x256xf32>
    %get3A_16 = vector.shape_cast %get3A_15 : vector<1x256xf32> to vector<256xf32>
    %broadcast_in_dim3A = vector.shape_cast %get3A_16 : vector<256xf32> to vector<1x256xf32>
    %add3A = vector.broadcast %broadcast_in_dim3A : vector<1x256xf32> to vector<680x256xf32>
    %add3A_17 = arith.addf %dot_general3A_12, %add3A : vector<680x256xf32>
    %swap3A = arith.constant 0 : index
    %swap3A_18 = arith.constant 0 : index
    %swap3A_19 = arith.constant 0 : index
    %swap3A_20 = vector.load %arg5[%swap3A, %swap3A_18, %swap3A_19] : memref<1x680x256xf32, #tpu.memory_space<vmem>>, vector<1x680x256xf32>
    %swap3A_21 = vector.shape_cast %swap3A_20 : vector<1x680x256xf32> to vector<680x256xf32>
    %swap3A_22 = vector.shape_cast %add3A_17 : vector<680x256xf32> to vector<1x680x256xf32>
    tpu.vector_store %arg5[%swap3A, %swap3A_18, %swap3A_19], %swap3A_22 {strides = array<i32>} : memref<1x680x256xf32, #tpu.memory_space<vmem>>, vector<1x680x256xf32>,
    return
  }
  func.func @transform_0(%arg0: i32, %arg1: i32) -> (i32, i32, i32) {
    %mul3A = arith.constant 8 : i32
    %mul3A_0 = arith.muli %arg0, %mul3A : i32
    %add3A = arith.addi %mul3A_0, %arg1 : i32
    %c0_i32 = arith.constant 0 : i32
    %c0_i32_1 = arith.constant 0 : i32
    %c0_i32_2 = arith.constant 0 : i32
    return %c0_i32, %add3A, %c0_i32_1 : i32, i32, i32
  }
  func.func @transform_1(%arg0: i32, %arg1: i32) -> (i32, i32) {
    %c0_i32 = arith.constant 0 : i32
    %c0_i32_0 = arith.constant 0 : i32
    %c0_i32_1 = arith.constant 0 : i32
    return %c0_i32, %c0_i32_0 : i32, i32
  }
  func.func @transform_2(%arg0: i32, %arg1: i32) -> (i32, i32) {
    %c0_i32 = arith.constant 0 : i32
    %c0_i32_0 = arith.constant 0 : i32
    %c0_i32_1 = arith.constant 0 : i32
    return %c0_i32, %c0_i32_0 : i32, i32
  }
  func.func @transform_3(%arg0: i32, %arg1: i32) -> (i32, i32, i32) {
    %c0_i32 = arith.constant 0 : i32
    %c0_i32_0 = arith.constant 0 : i32
    return %arg0, %arg1, %c0_i32 : i32, i32, i32
  }
}

</mosaic_0001>

<sc_bundles>
// kernel: kernel.6.cloned.1.call-start
scs
__scs_entry_jumppad:
0x0: {  	(pc) =	sbr.rel $0x88, $3  }
0x1: {  	(tag) =	ssettag $0x0;
	lr =	simm.s32 $0x1  }
0x2: {  	[smem:$0x3F96] =	sst lr;
	_ =	strace $0xD0000000  }
0x3: {  	_ = 	snop  }
0x4: {  	_ = 	snop  }
0x5: {  	_ = 	snop  }
0x6: {  	_ = 	snop  }
0x7: {  	_ = 	snop  }
__scs_overlays_trampoline_lowered:
0x8: {  	[smem:$0x3FA5] =	sst s0  }
0x9: {  	[smem:$0x3FA6] =	sst s1  }
0xa: {  	[smem:$0x3FA7] =	sst s2  }
0xb: {  	[smem:$0x3FA8] =	sst s3  }
0xc: {  	[smem:$0x3FA9] =	sst s4  }
0xd: {  	[smem:$0x3FAA] =	sst s5  }
0xe: {  	[smem:$0x3FAB] =	sst s6  }
0xf: {  	[smem:$0x3FAC] =	sst s7  }
0x10: {  	[smem:$0x3FAD] =	sst s8  }
0x11: {  	[smem:$0x3FAE] =	sst s9;
	s0 =	simm.s32 @!p0 $0x0  }
0x12: {  	s1 =	sld [smem:$0x3F94];
	s0 =	simm.s32 @p0 $0x1  }
0x13: {  	[smem:$0x3FAF] =	sst s0;
	s0 =	simm.s32 @!p1 $0x0  }
0x14: {  	s2 =	sld [smem:$0x3F93];
	s0 =	simm.s32 @p1 $0x1  }
0x15: {  	[smem:$0x3FB0] =	sst s0;
	s0 =	simm.s32 @!p2 $0x0  }
0x16: {  	s3 =	sld [smem:$0x3FDB];
	s0 =	simm.s32 @p2 $0x1  }
0x17: {  	s4 =	simm.s32 $0x1BF5;
	[smem:$0x3FB2] =	sst s0  }
0x18: {  	s0 =	sld [smem:$0x3F95];
	_ =	swait.ge [sflag:s4], $0x0  }
0x19: {  	s7 =	sld [smem:$0x3F96]  }
0x1a: {  	s8 =	sadd.s32 $0xFFFFE003, lr  }
0x1b: {  	s9 =	sadd.s32 $0xFFFFFEF7, lr;
	s5 =	simm.s32 $0xFFFFFFFF;
	p2 =	slt.u32 s8, $0xFFFFF086  }
0x1c: {  	p1 =	slt.u32 s9, $0xF7A;
	s5 =	simm.s32 @!p2 $0x0  }
0x1d: {  	s5 =	simm.s32 @p1 $0x1;
	p0 =	seq.s32 s7, s2  }
0x1e: {  	s7 =	smul.u32 @!p0 $0xF7A, s2;
	p2 =	seq.s32 @!p0 s5, $0x0  }
0x1f: {  	s9 =	smul.u32 $0xF7A, s1;
	s8 =	simm.s32 @!p0 $0x1BF5;
	p2 =	por !p2, p0  }
0x20: {  	[sflag:s8] =	ssyncset.s32 @!p0 $0xFFFFF086;
	s6 =	sadd.s32 @!p0 s3, s7;
	s7 =	simm.s32 @!p0 $0x108  }
0x21: {  	s3 =	sadd.s32 s3, s9;
	s6 =	sadd.s32 @!p0 $0x88, s6;
	s7 =	simm.s32 @p2 $0x1082  }
0x22: {  	[simem:s7], [sflag:s8] =	dma.local @!p0 [hbm:s6], $0xF7A  }
0x23: {  	s9 =	sor.u32 $0xD0000000, s2;
	s6 =	simm.s32 $0x108;
	_ =	swait.ge @!p0 [sflag:s8], $0x0  }
0x24: {  	s3 =	sadd.s32 $0x88, s3;
	s6 =	simm.s32 @!p1 $0x1082;
	[sflag:s4] =	ssyncset.s32 $0xFFFFF086  }
0x25: {  	[simem:s6], [sflag:s4] =	dma.local [hbm:s3], $0xF7A  }
0x26: {  	[smem:$0x3F96] =	sst s1;
	(tag) =	ssettag s2;
	_ =	strace s9  }
0x27: {  	s1 =	sld [smem:$0x3FA6]  }
0x28: {  	s2 =	sld [smem:$0x3FA7]  }
0x29: {  	s4 =	sld [smem:$0x3FA9]  }
0x2a: {  	p0 =	seq.s32 s5, $0x0;
	s5 =	sld [smem:$0x3FAA]  }
0x2b: {  	s6 =	sld [smem:$0x3FAB]  }
0x2c: {  	s7 =	sld [smem:$0x3FAC]  }
0x2d: {  	s3 =	simm.s32 $0x108;
	s8 =	sld [smem:$0x3FAD]  }
0x2e: {  	s3 =	simm.s32 @!p0 $0x1082;
	s9 =	sld [smem:$0x3FAE]  }
0x2f: {  	lr =	sadd.s32 s0, s3;
	s0 =	sld [smem:$0x3FA5]  }
0x30: {  	s3 =	sld [smem:$0x3FA8]  }
0x31: {  	[smem:$0x3FB1] =	sst s10  }
0x32: {  	s10 =	sld [smem:$0x3FAF];
	_ =	sdelay $0x3  }
0x33: {  	p0 =	seq.s32 s10, $0x1;
	s10 =	sld [smem:$0x3FB1];
	_ =	sdelay $0x3  }
0x34: {  	[smem:$0x3FB1] =	sst s10  }
0x35: {  	s10 =	sld [smem:$0x3FB0];
	_ =	sdelay $0x3  }
0x36: {  	p1 =	seq.s32 s10, $0x1;
	s10 =	sld [smem:$0x3FB1];
	_ =	sdelay $0x3  }
0x37: {  	[smem:$0x3FB1] =	sst s10  }
0x38: {  	s10 =	sld [smem:$0x3FB2]  }
0x39: {  	_ = 	snop;
	(pc) =	sbr.ind lr, $3  }
0x3a: {  	_ = 	snop  }
0x3b: {  	_ = 	snop  }
0x3c: {  	p2 =	seq.s32 s10, $0x1;
	s10 =	sld [smem:$0x3FB1]  }
0x3d: {  	_ =	shalt  }
0x3e: {  	_ =	shalt  }
0x3f: {  	_ =	shalt  }
0x40: {  	_ =	shalt  }
0x41: {  	_ =	shalt  }
0x42: {  	_ =	shalt  }
0x43: {  	_ =	shalt  }
0x44: {  	_ =	shalt  }
0x45: {  	_ =	shalt  }
0x46: {  	_ =	shalt  }
0x47: {  	_ =	shalt  }
0x48: {  	_ =	shalt  }
0x49: {  	_ =	shalt  }
0x4a: {  	_ =	shalt  }
0x4b: {  	_ =	shalt  }
0x4c: {  	_ =	shalt  }
0x4d: {  	_ =	shalt  }
0x4e: {  	_ =	shalt  }
0x4f: {  	_ =	shalt  }
0x50: {  	_ =	shalt  }
0x51: {  	_ =	shalt  }
0x52: {  	_ =	shalt  }
0x53: {  	_ =	shalt  }
0x54: {  	_ =	shalt  }
0x55: {  	_ =	shalt  }
0x56: {  	_ =	shalt  }
0x57: {  	_ =	shalt  }
0x58: {  	_ =	shalt  }
0x59: {  	_ =	shalt  }
0x5a: {  	_ =	shalt  }
0x5b: {  	_ =	shalt  }
0x5c: {  	_ =	shalt  }
0x5d: {  	_ =	shalt  }
0x5e: {  	_ =	shalt  }
0x5f: {  	_ =	shalt  }
0x60: {  	_ =	shalt  }
0x61: {  	_ =	shalt  }
0x62: {  	_ =	shalt  }
0x63: {  	_ =	shalt  }
0x64: {  	_ =	shalt  }
0x65: {  	_ =	shalt  }
0x66: {  	_ =	shalt  }
0x67: {  	_ =	shalt  }
0x68: {  	_ =	shalt  }
0x69: {  	_ =	shalt  }
0x6a: {  	_ =	shalt  }
0x6b: {  	_ =	shalt  }
0x6c: {  	_ =	shalt  }
0x6d: {  	_ =	shalt  }
0x6e: {  	_ =	shalt  }
0x6f: {  	_ =	shalt  }
0x70: {  	_ =	shalt  }
0x71: {  	_ =	shalt  }
0x72: {  	_ =	shalt  }
0x73: {  	_ =	shalt  }
0x74: {  	_ =	shalt  }
0x75: {  	_ =	shalt  }
0x76: {  	_ =	shalt  }
0x77: {  	_ =	shalt  }
0x78: {  	_ =	shalt  }
0x79: {  	_ =	shalt  }
0x7a: {  	_ =	shalt  }
0x7b: {  	_ =	shalt  }
0x7c: {  	_ =	shalt  }
0x7d: {  	_ =	shalt  }
0x7e: {  	_ =	shalt  }
0x7f: {  	_ =	shalt  }
0x80: {  	_ =	shalt  }
0x81: {  	_ =	shalt  }
0x82: {  	_ =	shalt  }
0x83: {  	_ =	shalt  }
0x84: {  	_ =	shalt  }
0x85: {  	_ =	shalt  }
0x86: {  	_ =	shalt  }
0x87: {  	_ =	shalt  }
.Lfunc_end0:
.L_simem_size_0:
called_computation_lowered:
.L_overlay_start_0:
0x88: {  	s2 =	sld [smem:$0x3FD9]  }
0x89: {  	s3 =	sld [smem:$0x3FFE];
	_ =	sdelay $0x1  }
0x8a: {  	s1 =	srdreg.scid  }
0x8b: {  	s0 =	sand.u32 $0x1, s1  }
0x8c: {  	s17 =	sshll.u32 s0, $0xA;
	s2 =	sadd.s32 s3, s2  }
0x8d: {  	s2 =	sadd.s32 s2, s17  }
0x8e: {  	[smem:$0x3FBD] =	sst s2  }
0x8f: {  	_ = 	snop  }
0x90: {  	s2 =	sld [smem:$0x3FD0];
	(tm) =	ssettm $0x1  }
0x91: {  	s18 =	sld [smem:$0x3FFB];
	_ =	sdelay $0x3  }
0x92: {  	_ =	strace s18  }
0x93: {  	s3 =	sld [smem:$0x3FFC];
	_ =	sdelay $0x3  }
0x94: {  	_ =	strace s3  }
0x95: {  	s3 =	sld [smem:$0x3FFD];
	_ =	sdelay $0x3  }
0x96: {  	_ =	strace s3  }
0x97: {  	_ =	strace $0x8FFFFFFF  }
0x98: {  	s19 =	sld [smem:$0x3FDB];
	_ =	sdelay $0x1  }
0x99: {  	s4 =	simm.s32 $_scs_section_size  }
0x9a: {  	s5 =	simm.s32 $_size__tile_overlayer_lowered;
	s6 =	simm.s32 $_tile_overlayer_lowered  }
0x9b: {  	s22 =	simm.s32 $0x1BFF;
	s21 =	sshll.u32 s6, $0x1;
	s3 =	sadd.s32 s4, s19  }
0x9c: {  	s7 =	simm.s32 $0x0;
	s20 =	sshll.u32 s5, $0x1;
	s5 =	sadd.s32 s21, s3  }
0x9d: {  	[timem:s7], [sflag:s22] =	dma.local [hbm:s5], s20  }
0x9e: {  	_ =	swait.ge [sflag:s22], s20  }
0x9f: {  	s4 =	ssub.s32 $0x0, s20;
	[sflag:s22] =	ssyncset.done $0x0  }
0xa0: {  	[sflag:s22] =	ssyncadd.s32 s4;
	_ =	sdelay $0x1  }
0xa1: {  	s23 =	simm.s32 $0x1B8B  }
0xa2: {  	_ =	swait.ge [sflag:s23], $0x1  }
0xa3: {  	[sflag:s23] =	ssyncset.done $0x0  }
0xa4: {  	s25 =	simm.s32 $0x1B8E;
	s24 =	sld [smem:$0x3FFE];
	[sflag:s23] =	ssyncadd.s32 $0xFFFFFFFF  }
0xa5: {  	s26 =	simm.s32 $execute0_lowered;
	[smem:$0x3FD2] =	sst s25  }
0xa6: {  	s5 =	sshll.u32 s26, $0x1;
	_ =	strace $0x80000046;
	[dreg:$0x1] =	wrdreg $0xFFFFFFFF  }
0xa7: {  	s28 =	simm.s32 $_size_execute0_lowered;
	s3 =	sadd.s32 s3, s5;
	[dreg:$0x0] =	wrdreg $0x0  }
0xa8: {  	s5 =	sshll.u32 s28, $0x1;
	[dreg:$0x2] =	wrdreg s3  }
0xa9: {  	[dreg:$0x3] =	wrdreg s5  }
0xaa: {  	[dreg:$0x4] =	wrdreg $0xC0  }
0xab: {  	_ =	task [dreg:s7], $0x5FFFF  }
0xac: {  	[dreg:$0x1] =	wrdreg $0xFFFFFFFF  }
0xad: {  	[dreg:$0x0] =	wrdreg $0x60  }
0xae: {  	[dreg:$0x2] =	wrdreg s24  }
0xaf: {  	[dreg:$0x3] =	wrdreg s2  }
0xb0: {  	[dreg:$0x4] =	wrdreg $0x9  }
0xb1: {  	_ =	task.clear_ibuf [dreg:s7], $0x5FFFF;
	_ =	strace $0x90000046  }
0xb2: {  	s29 =	simm.s32 $0x9;
	_ =	strace $0x80000048  }
0xb3: {  	_ =	swait.ge [sflag:s29], $0x1  }
0xb4: {  	[sflag:s29] =	ssyncadd.s32 $0xFFFFFFFF  }
0xb5: {  	_ =	strace $0x90000048  }
0xb6: {  	_ =	sfence  }
0xb7: {  	s30 =	sld [smem:$0x0];
	_ =	sdelay $0x2  }
0xb8: {  	s31 =	sshll.u32 s1, $0xD;
	s1 =	sshrl.u32 s1, $0x2  }
0xb9: {  	s3 =	sand.u32 $0x4000, s31;
	s1 =	sadd.s32 s1, s30  }
0xba: {  	s0 =	sor.u32 s3, s0;
	s1 =	sshll.u32 s1, $0x11  }
0xbb: {  	s0 =	sor.u32 s1, s0  }
0xbc: {  	s0 =	sadd.s32 $0x8F2B, s0  }
0xbd: {  	[sflag:s0] =	ssyncadd.remote.s32 $0x1  }
0xbe: {  	_ =	sfence.sel $0xFFFF  }
0xbf: {  	[dreg:$0x0] =	wrdreg $0xFFFFFFFF;
	(pc) =	sbr.abs _section_cstart, $3  }
0xc0: {  	[dreg:$0x1] =	wrdreg $0xFFFFFFFF  }
0xc1: {  	_ =	task.clear_ibuf [dreg:s7], $0x2FFFF;
	_ =	strace $0x9FFFFFFF  }
0xc2: {  	(tm) =	ssettm $0x7FFFFFFF  }
0xc3: {  	_ =	shalt  }
tec
execute0_lowered:
.L_overlay_start_1:
0x0: {  	(tag) =	ssettag $0x1  }
0x1: {  	s0 =	rddreg [dreg:$0x0]  }
0x2: {  	s2 =	rddreg [dreg:$0x1];
	s3 =	simm.s32 $0x0;
	s1 =	srdreg.scid  }
0x3: {  	s4 =	stileid.u32;
	s14 =	simm.s32 $0x80;
	s15 =	simm.s32 $0x2A8000  }
0x4: {  	s16 =	simm.s32 $0x600;
	s19 =	simm.s32 $0x1;
	s20 =	simm.s32 $0xC00  }
0x5: {  	s28 =	simm.s32 $0x7;
	s1 =	sand.u32 $0x1, s1;
	s4 =	sshll.u32 s4, $0x1  }
0x6: {  	s29 =	simm.s32 $0x0;
	[smem:$0x7FF] =	sst s3;
	s7 =	sor.u32 s1, s4  }
0x7: {  	s5 =	sadd.s32 $0x157000, s0;
	s6 =	sadd.s32 $0x2AB000, s0;
	s9 =	smul.u32 $0x2A80, s7  }
0x8: {  	s12 =	sadd.s32 $0x55000, s2;
	s4 =	sadd.s32 $0x3000, s0;
	s1 =	ssub.s32 $0x2, s1  }
0x9: {  	_ =	strace $0x80000047;
	s25 =	sshrl.u32 s1, $0x1;
	s8 =	sadd.s32 s4, s9  }
0xa: {  	s26 =	sor.u32 $0x10, s9;
	s30 =	sadd.s32 s5, s9;
	[dreg:$0x3] =	wrdreg s8  }
0xb: {  	s7 =	smul.u32 $0x2A8, s7;
	[dreg:$0x4] =	wrdreg s30;
	s31 =	sadd.s32 s4, s26  }
0xc: {  	s0 =	ssub.s32 s1, s25;
	s1 =	sadd.s32 s5, s26;
	[dreg:$0x5] =	wrdreg s31  }
0xd: {  	v0 =	vlaneseq.u32;
	s13 =	smax.u32 s0, $0x1;
	s26 =	simm.s32 $0x6;
	[dreg:$0x6] =	wrdreg s1  }
.LBB2_1:
0xe: {  	s0 =	rddreg [dreg:$0x3]  }
0xf: {  	[tilespmem:s3], [sflag:$0x1] =	stream.strided.gather [hbm4b:s0+s14], $0x200, s15, s14, $0x38;
	[tilespmem:$0x4E00] =	vst v63  }
0x10: {  	s17 =	rddreg [dreg:$0x4]  }
0x11: {  	[tilespmem:s16], [sflag:$0x1] =	stream.strided.gather [hbm4b:s17+s14], $0x200, s15, s14, $0x38;
	[tilespmem:$0x4E00] =	vst v63  }
0x12: {  	s18 =	rddreg [dreg:$0x5];
	s1 =	simm.s32 $0x200  }
0x13: {  	[tilespmem:s1], [sflag:$0x2] =	stream.strided.gather [hbm4b:s18+s14], $0x200, s15, s14, $0x38;
	[tilespmem:$0x4E00] =	vst v63  }
0x14: {  	s21 =	rddreg [dreg:$0x6];
	s22 =	simm.s32 $0x800  }
0x15: {  	[tilespmem:s22], [sflag:$0x2] =	stream.strided.gather [hbm4b:s21+s14], $0x200, s15, s14, $0x38;
	[tilespmem:$0x4E00] =	vst v63  }
0x16: {  	_ =	swait.ge [sflag:s19], $0x200  }
0x17: {  	[sflag:s19] =	ssyncset.done $0x0  }
0x18: {  	[sflag:s19] =	ssyncadd.s32 $0xFFFFFE00  }
0x19: {  	_ =	swait.ge [sflag:s19], $0x200  }
0x1a: {  	[sflag:s19] =	ssyncset.done $0x0  }
0x1b: {  	[sflag:s19] =	ssyncadd.s32 $0xFFFFFE00  }
0x1c: {  	[tilespmem:s20], [sflag:$0x4] =	stream.indirect.gather [hbm4b:s6+s14], $0x10, s3, s14, $0xb8;
	[tilespmem:$0x4E00] =	vst v63  }
0x1d: {  	s23 =	simm.s32 $0x1400  }
0x1e: {  	[tilespmem:s23], [sflag:$0x4] =	stream.indirect.gather [hbm4b:s6+s14], $0x10, s14, s14, $0xb8;
	[tilespmem:$0x4E00] =	vst v63  }
0x1f: {  	s24 =	simm.s32 $0x100;
	s25 =	simm.s32 $0x1C00  }
0x20: {  	[tilespmem:s25], [sflag:$0x4] =	stream.indirect.gather [hbm4b:s6+s14], $0x10, s24, s14, $0xb8;
	[tilespmem:$0x4E00] =	vst v63  }
0x21: {  	s30 =	simm.s32 $0x180;
	s31 =	simm.s32 $0x2400;
	s1 =	simm.s32 $0x0  }
0x22: {  	[tilespmem:s31], [sflag:$0x4] =	stream.indirect.gather [hbm4b:s6+s14], $0x10, s30, s14, $0xb8;
	[tilespmem:$0x4E00] =	vst v63  }
.LBB2_2:
0x23: {  	p0 =	sgt.u32 s1, $0x2A5  }
.Ltmp0:
0x24: {  	_ = 	snop;
	(pc) =	sbr.rel @p0 .LBB2_4-.Ltmp0, $2  }
0x25: {  	_ =	sdelay $0x2  }
0x26: {  	s31 =	sadd.s32 s7, s1;
	s17 =	smul.u32 $0xAAAB, s1;
	s30 =	sadd.s32 $0x1, s1  }
0x27: {  	s0 =	sadd.s32 $0x2, s1  }
0x28: {  	s18 =	sand.u32 $0xFFFF, s0  }
0x29: {  	s18 =	smul.u32 $0xAAAB, s18;
	_ =	sdelay $0x1  }
0x2a: {  	s18 =	sshrl.u32 s18, $0x11  }
0x2b: {  	s18 =	smul.u32 $0x3, s18;
	_ =	sdelay $0x1  }
0x2c: {  	s25 =	sshll.u32 s31, $0x4;
	s0 =	ssub.s32 s0, s18  }
.Ltmp1:
0x2d: {  	s18 =	sadd.s32 $0x20, s25;
	s0 =	sand.u32 $0xFFFF, s0;
	(pc) =	sbr.rel .LBB2_5-.Ltmp1, $4  }
0x2e: {  	s22 =	sadd.s32 s4, s18;
	s21 =	sadd.s32 $0x1, s0;
	s0 =	sshll.u32 s0, $0x9  }
0x2f: {  	[tilespmem:s0], [sflag:s21] =	stream.strided.gather [hbm4b:s22+s14], $0x200, s15, s14, $0x38;
	[tilespmem:$0x4E00] =	vst v63  }
0x30: {  	s18 =	sadd.s32 s5, s18;
	s0 =	sadd.s32 $0x600, s0  }
0x31: {  	[tilespmem:s0], [sflag:s21] =	stream.strided.gather [hbm4b:s18+s14], $0x200, s15, s14, $0x38;
	[tilespmem:$0x4E00] =	vst v63  }
.LBB2_4:
0x32: {  	p0 =	seq.s32 s1, $0x2A7  }
.Ltmp2:
0x33: {  	_ = 	snop;
	(pc) =	sbr.rel @p0 .LBB2_6-.Ltmp2, $1  }
0x34: {  	_ =	sdelay $0x3  }
.LBB2_5:
0x35: {  	s0 =	sadd.s32 $0xAAAB, s17  }
0x36: {  	s0 =	sshrl.u32 s0, $0x11  }
0x37: {  	s0 =	smul.u32 $0x3, s0;
	_ =	sdelay $0x1  }
0x38: {  	s0 =	ssub.s32 s30, s0  }
0x39: {  	s0 =	sand.u32 $0xFFFF, s0  }
0x3a: {  	s18 =	sadd.s32 $0x1, s0  }
0x3b: {  	_ =	swait.ge [sflag:s18], $0x200  }
0x3c: {  	[sflag:s18] =	ssyncset.done $0x0  }
0x3d: {  	[sflag:s18] =	ssyncadd.s32 $0xFFFFFE00  }
0x3e: {  	s21 =	sand.u32 $0x1, s30;
	_ =	swait.ge [sflag:s18], $0x200  }
0x3f: {  	s10 =	sshll.u32 s21, $0xD;
	s21 =	sor.u32 $0x4, s21;
	[sflag:s18] =	ssyncset.done $0x0  }
0x40: {  	s22 =	sor.u32 $0xC00, s10;
	s0 =	sshll.u32 s0, $0x9;
	[sflag:s18] =	ssyncadd.s32 $0xFFFFFE00  }
0x41: {  	[tilespmem:s22], [sflag:s21] =	stream.indirect.gather [hbm4b:s6+s14], $0x10, s0, s14, $0xb8;
	[tilespmem:$0x4E00] =	vst v63  }
0x42: {  	s11 =	sor.u32 $0x1400, s10;
	s23 =	sor.u32 $0x80, s0  }
0x43: {  	[tilespmem:s11], [sflag:s21] =	stream.indirect.gather [hbm4b:s6+s14], $0x10, s23, s14, $0xb8;
	[tilespmem:$0x4E00] =	vst v63  }
0x44: {  	s24 =	sor.u32 $0x1C00, s10;
	s25 =	sor.u32 $0x100, s0  }
0x45: {  	[tilespmem:s24], [sflag:s21] =	stream.indirect.gather [hbm4b:s6+s14], $0x10, s25, s14, $0xb8;
	[tilespmem:$0x4E00] =	vst v63  }
0x46: {  	s18 =	sadd.s32 $0x2400, s10;
	s0 =	sor.u32 $0x180, s0  }
0x47: {  	[tilespmem:s18], [sflag:s21] =	stream.indirect.gather [hbm4b:s6+s14], $0x10, s0, s14, $0xb8;
	[tilespmem:$0x4E00] =	vst v63  }
.LBB2_6:
0x48: {  	s0 =	sand.u32 $0x1, s1  }
0x49: {  	s18 =	sor.u32 $0x4, s0  }
0x4a: {  	_ =	swait.ge [sflag:s18], $0x800  }
0x4b: {  	[sflag:s18] =	ssyncset.done $0x0  }
0x4c: {  	s17 =	sshrl.u32 s17, $0x11;
	[sflag:s18] =	ssyncadd.s32 $0xFFFFF800  }
0x4d: {  	p0 =	slt.u32 s1, $0x2;
	s21 =	simm.s32 $0x0;
	_ =	swait.ge [sflag:s18], $0x800  }
0x4e: {  	s22 =	simm.s32 $0x0;
	s17 =	smul.u32 $0x3, s17;
	[sflag:s18] =	ssyncset.done $0x0  }
0x4f: {  	s22 =	sand.u32 $0xFFFFFF80, s22;
	s21 =	sand.u32 $0xC, s21;
	[sflag:s18] =	ssyncadd.s32 $0xFFFFF800  }
0x50: {  	s24 =	sor.u32 $0x2, s21;
	s25 =	sor.u32 $0x1, s21;
	_ =	swait.ge [sflag:s18], $0x800  }
0x51: {  	s17 =	ssub.s32 s1, s17;
	s1 =	sshll.u32 s0, $0x9;
	[sflag:s18] =	ssyncset.done $0x0  }
0x52: {  	s17 =	sand.u32 $0xFFFF, s17;
	s23 =	sor.u32 s1, s22;
	[sflag:s18] =	ssyncadd.s32 $0xFFFFF800  }
0x53: {  	s17 =	sshll.u32 s17, $0x9;
	s8 =	sor.u32 s24, s23;
	_ =	swait.ge [sflag:s18], $0x800  }
0x54: {  	s9 =	sor.u32 s25, s23;
	s22 =	sadd.s32 s17, s22;
	[sflag:s18] =	ssyncset.done $0x0  }
0x55: {  	s8 =	sshll.u32 s8, $0x4;
	[sflag:s18] =	ssyncadd.s32 $0xFFFFF800;
	s18 =	sor.u32 @!p0 $0x6, s0  }
0x56: {  	s9 =	sshll.u32 s9, $0x4;
	v2 =	vmov s22;
	s22 =	sor.u32 s21, s23;
	_ =	swait.ge @!p0 [sflag:s18], $0x80  }
0x57: {  	v1 =	vor.u32 s8, v0;
	v4 =	vor.u32 s9, v0;
	v3 =	vor.u32 s21, v2;
	s8 =	sshll.u32 s22, $0x4;
	[sflag:s18] =	ssyncset.done @!p0 $0x0  }
0x58: {  	v5 =	vor.u32 s25, v2;
	v3 =	vbroadcast v3, $0x0;
	v6 =	vor.u32 s8, v0;
	[sflag:s18] =	ssyncadd.s32 @!p0 $0xFFFFFF80  }
0x59: {  	v5 =	vbroadcast v5, $0x0;
	_ =	swait.ge @!p0 [sflag:s18], $0x80  }
0x5a: {  	s25 =	sor.u32 $0x3, s21;
	v7 =	vor.u32 s24, v2;
	[sflag:s18] =	ssyncset.done @!p0 $0x0  }
0x5b: {  	s10 =	simm.s32 $0x20;
	s21 =	sor.u32 s25, s23;
	v11 =	vbroadcast v7, $0x0;
	[sflag:s18] =	ssyncadd.s32 @!p0 $0xFFFFFF80  }
0x5c: {  	s9 =	sand.u32 $0xFFFFFF80, s10;
	s21 =	sshll.u32 s21, $0x4;
	s18 =	simm.s32 $0x4;
	v9 =	vld.idx.msk [tilespmem:v4+s20+$0x0], $0xffff  }
0x5d: {  	s11 =	sadd.s32 s17, s9;
	v2 =	vor.u32 s25, v2;
	v13 =	vor.u32 s21, v0;
	s22 =	sand.u32 $0xC, s18;
	v7 =	vld.idx.msk [tilespmem:v6+s20+$0x0], $0xffff  }
0x5e: {  	v15 =	vbroadcast v2, $0x0;
	v6 =	vmov s11;
	v16 =	vld.idx.msk [tilespmem:v3+s16+$0x0], $0xffff;
	s25 =	sor.u32 $0x3, s22  }
0x5f: {  	s8 =	sor.u32 s1, s9;
	v18 =	vld.idx.msk [tilespmem:v5+s16+$0x0], $0xffff;
	s24 =	sor.u32 $0x2, s22;
	s10 =	sor.u32 $0x1, s22;
	v5 =	vor.u32 s22, v6;
	v4 =	vor.u32 s25, v6  }
0x60: {  	v1 =	vld.idx.msk [tilespmem:v1+s20+$0x0], $0xffff;
	s11 =	sor.u32 s24, s8;
	v10 =	vor.u32 s10, v6;
	v2 =	vor.u32 s24, v6;
	v6 =	vbroadcast v5, $0x0  }
0x61: {  	v14 =	vimm.f32 $0.0e+00;
	v11 =	vld.idx.msk [tilespmem:v11+s16+$0x0], $0xffff;
	s23 =	sor.u32 s25, s8;
	s21 =	sor.u32 s10, s8;
	s25 =	sshll.u32 s11, $0x4;
	v2 =	vbroadcast v2, $0x0;
	v5 =	vbroadcast v10, $0x0  }
0x62: {  	s23 =	sshll.u32 s23, $0x4;
	s21 =	sshll.u32 s21, $0x4;
	v8 =	vor.u32 s25, v0;
	v17 =	vshll.u32 v7, $0x10;
	v19 =	vand.u32 $0xFFFF0000, v7;
	v7 =	vld.idx.msk [tilespmem:v13+s20+$0x0], $0xffff  }
0x63: {  	s8 =	sor.u32 s22, s8;
	v3 =	vor.u32 s23, v0;
	v10 =	vor.u32 s21, v0;
	v13 =	vshll.u32 v9, $0x10  }
0x64: {  	s8 =	sshll.u32 s8, $0x4;
	v20 =	vmul.f32 v17, v16;
	v16 =	vmul.f32 v19, v16;
	v19 =	vand.u32 $0xFFFF0000, v9;
	v9 =	vld.idx.msk [tilespmem:v15+s16+$0x0], $0xffff  }
0x65: {  	v12 =	vor.u32 s8, v0;
	v13 =	vmul.f32 v13, v18;
	v17 =	vshll.u32 v1, $0x10  }
0x66: {  	v15 =	vadd.f32 v20, v14;
	v14 =	vadd.f32 v16, v14;
	v16 =	vmul.f32 v19, v18  }
.LBB2_7:
0x67: {  	s18 =	sadd.s32 $0x4, s18;
	v18 =	vand.u32 $0xFFFF0000, v1;
	v17 =	vmul.f32 v17, v11;
	v19 =	vshll.u32 v7, $0x10  }
0x68: {  	s8 =	sshll.u32 s18, $0x3;
	v1 =	vld.idx.msk [tilespmem:v8+s20+$0x0], $0xffff;
	v8 =	vadd.f32 v13, v15;
	v13 =	vadd.f32 v16, v14;
	v11 =	vmul.f32 v18, v11  }
0x69: {  	v15 =	vbroadcast v4, $0x0;
	v4 =	vand.u32 $0xFFFF0000, v7;
	v7 =	vmul.f32 v19, v9;
	s8 =	sand.u32 $0xFFFFFF80, s8;
	v14 =	vld.idx.msk [tilespmem:v10+s20+$0x0], $0xffff  }
0x6a: {  	s9 =	sand.u32 $0xC, s18;
	v9 =	vmul.f32 v4, v9;
	s21 =	sadd.s32 s17, s8;
	v16 =	vld.idx.msk [tilespmem:v12+s20+$0x0], $0xffff;
	v8 =	vadd.f32 v17, v8;
	v10 =	vadd.f32 v11, v13  }
0x6b: {  	s22 =	sor.u32 $0x3, s9;
	s8 =	sor.u32 s1, s8;
	v11 =	vmov s21;
	s21 =	sor.u32 $0x2, s9;
	v13 =	vld.idx.msk [tilespmem:v6+s16+$0x0], $0xffff  }
0x6c: {  	s23 =	sor.u32 $0x1, s9;
	s24 =	sor.u32 s21, s8;
	v4 =	vor.u32 s22, v11;
	s22 =	sor.u32 s22, s8;
	v18 =	vld.idx.msk [tilespmem:v5+s16+$0x0], $0xffff;
	v19 =	vadd.f32 v7, v8;
	v20 =	vadd.f32 v9, v10  }
0x6d: {  	v5 =	vor.u32 s9, v11;
	v9 =	vor.u32 s23, v11;
	s23 =	sor.u32 s23, s8;
	v6 =	vor.u32 s21, v11;
	s21 =	sshll.u32 s24, $0x4;
	s22 =	sshll.u32 s22, $0x4;
	v7 =	vld.idx.msk [tilespmem:v3+s20+$0x0], $0xffff  }
0x6e: {  	p0 =	slt.u32 s18, $0x3C;
	s8 =	sor.u32 s9, s8;
	s9 =	sshll.u32 s23, $0x4;
	v8 =	vor.u32 s21, v0;
	v3 =	vor.u32 s22, v0;
	v11 =	vld.idx.msk [tilespmem:v2+s16+$0x0], $0xffff;
	v2 =	vbroadcast v6, $0x0  }
.Ltmp3:
0x6f: {  	s8 =	sshll.u32 s8, $0x4;
	v6 =	vbroadcast v5, $0x0;
	v5 =	vbroadcast v9, $0x0;
	v10 =	vor.u32 s9, v0;
	(pc) =	sbr.rel @p0 .LBB2_7-.Ltmp3, $4  }
0x70: {  	v12 =	vor.u32 s8, v0;
	v17 =	vshll.u32 v16, $0x10;
	v16 =	vand.u32 $0xFFFF0000, v16;
	v9 =	vld.idx.msk [tilespmem:v15+s16+$0x0], $0xffff  }
0x71: {  	v15 =	vmul.f32 v17, v13;
	v16 =	vmul.f32 v16, v13;
	v13 =	vshll.u32 v14, $0x10  }
0x72: {  	v21 =	vand.u32 $0xFFFF0000, v14;
	v17 =	vshll.u32 v1, $0x10;
	v13 =	vmul.f32 v13, v18  }
0x73: {  	v15 =	vadd.f32 v15, v19;
	v14 =	vadd.f32 v16, v20;
	v16 =	vmul.f32 v21, v18  }
0x74: {  	_ =	sdelay $0x3  }
0x75: {  	v12 =	vld.idx.msk [tilespmem:v12+s20+$0x0], $0xffff  }
0x76: {  	v4 =	vbroadcast v4, $0x0;
	v6 =	vld.idx.msk [tilespmem:v6+s16+$0x0], $0xffff  }
0x77: {  	v1 =	vand.u32 $0xFFFF0000, v1;
	v17 =	vmul.f32 v17, v11;
	v10 =	vld.idx.msk [tilespmem:v10+s20+$0x0], $0xffff;
	v13 =	vadd.f32 v13, v15  }
0x78: {  	v5 =	vld.idx.msk [tilespmem:v5+s16+$0x0], $0xffff;
	v15 =	vshll.u32 v7, $0x10;
	v14 =	vadd.f32 v16, v14;
	v1 =	vmul.f32 v1, v11  }
0x79: {  	v8 =	vld.idx.msk [tilespmem:v8+s20+$0x0], $0xffff;
	v7 =	vand.u32 $0xFFFF0000, v7;
	v11 =	vmul.f32 v15, v9;
	v13 =	vadd.f32 v17, v13  }
0x7a: {  	v2 =	vld.idx.msk [tilespmem:v2+s16+$0x0], $0xffff;
	v7 =	vmul.f32 v7, v9;
	v1 =	vadd.f32 v1, v14;
	v9 =	vshll.u32 v12, $0x10  }
0x7b: {  	v3 =	vld.idx.msk [tilespmem:v3+s20+$0x0], $0xffff;
	v11 =	vadd.f32 v11, v13;
	v12 =	vand.u32 $0xFFFF0000, v12;
	v9 =	vmul.f32 v9, v6  }
0x7c: {  	v1 =	vadd.f32 v7, v1;
	v7 =	vshll.u32 v10, $0x10;
	v4 =	vld.idx.msk [tilespmem:v4+s16+$0x0], $0xffff;
	v6 =	vmul.f32 v12, v6  }
0x7d: {  	s8 =	simm.s32 $0x0;
	s9 =	simm.s32 $0x0;
	v10 =	vand.u32 $0xFFFF0000, v10;
	v7 =	vmul.f32 v7, v5;
	v9 =	vadd.f32 v9, v11  }
0x7e: {  	s9 =	sand.u32 $0xFFFFFF80, s9;
	s8 =	sand.u32 $0xC, s8;
	v5 =	vmul.f32 v10, v5;
	v11 =	vshll.u32 v8, $0x10;
	v1 =	vadd.f32 v6, v1  }
0x7f: {  	s18 =	sor.u32 s9, s8;
	v6 =	vand.u32 $0xFFFF0000, v8;
	v8 =	vmul.f32 v11, v2;
	v7 =	vadd.f32 v7, v9  }
0x80: {  	s18 =	sor.u32 s1, s18;
	v2 =	vmul.f32 v6, v2;
	v9 =	vshll.u32 v3, $0x10;
	v1 =	vadd.f32 v5, v1  }
0x81: {  	s21 =	sshll.u32 s18, $0x4;
	v5 =	vmul.f32 v9, v4;
	v6 =	vadd.f32 v8, v7  }
0x82: {  	s18 =	sor.u32 $0x120, s21;
	v3 =	vand.u32 $0xFFFF0000, v3;
	v1 =	vadd.f32 v2, v1  }
0x83: {  	s22 =	sor.u32 $0x110, s21;
	v2 =	vmul.f32 v3, v4;
	v3 =	vadd.f32 v5, v6;
	v5 =	vor.u32 s18, v0  }
0x84: {  	s9 =	sadd.s32 s17, s9;
	s25 =	sor.u32 $0x100, s21;
	v6 =	vor.u32 s22, v0  }
0x85: {  	s24 =	sor.u32 $0x10, s8;
	v4 =	vmov s9;
	v8 =	vor.u32 s25, v0;
	v1 =	vadd.f32 v2, v1;
	s18 =	sshll.u32 s0, $0x8  }
0x86: {  	s23 =	sor.u32 $0x11, s8;
	v2 =	vor.u32 s24, v4;
	[tilespmem:s18+$0x4C00] =	vst v3  }
0x87: {  	v7 =	vor.u32 s23, v4;
	v2 =	vbroadcast v2, $0x0;
	[tilespmem:s18+$0x4C10] =	vst v1  }
0x88: {  	s10 =	simm.s32 $0x20;
	s11 =	sor.u32 $0x12, s8;
	s22 =	simm.s32 $0x4;
	v3 =	vbroadcast v7, $0x0;
	v1 =	vld.idx.msk [tilespmem:v5+s20+$0x0], $0xffff  }
0x89: {  	s21 =	sor.u32 $0x130, s21;
	s9 =	sand.u32 $0xFFFFFF80, s10;
	s23 =	sand.u32 $0xC, s22;
	v5 =	vor.u32 s11, v4;
	v10 =	vld.idx.msk [tilespmem:v6+s20+$0x0], $0xffff  }
0x8a: {  	s8 =	sor.u32 $0x13, s8;
	v13 =	vor.u32 s21, v0;
	s24 =	sadd.s32 s17, s9;
	s9 =	sor.u32 s9, s23;
	v6 =	vld.idx.msk [tilespmem:v8+s20+$0x0], $0xffff;
	v11 =	vbroadcast v5, $0x0  }
0x8b: {  	s9 =	sor.u32 s1, s9;
	v4 =	vor.u32 s8, v4  }
0x8c: {  	v7 =	vmov s24;
	s24 =	sor.u32 $0x12, s23;
	s10 =	sor.u32 $0x11, s23;
	s11 =	sshll.u32 s9, $0x4;
	v15 =	vbroadcast v4, $0x0  }
0x8d: {  	v14 =	vimm.f32 $0.0e+00;
	s25 =	sor.u32 $0x10, s23;
	s21 =	sor.u32 $0x13, s23;
	v4 =	vor.u32 s10, v7;
	s23 =	sor.u32 $0x110, s11;
	v16 =	vld.idx.msk [tilespmem:v2+s16+$0x0], $0xffff  }
0x8e: {  	s8 =	sor.u32 $0x100, s11;
	v2 =	vor.u32 s24, v7;
	v4 =	vbroadcast v4, $0x0;
	v8 =	vor.u32 s23, v0;
	v18 =	vld.idx.msk [tilespmem:v3+s16+$0x0], $0xffff  }
0x8f: {  	v12 =	vor.u32 s8, v0;
	v17 =	vshll.u32 v6, $0x10;
	v19 =	vand.u32 $0xFFFF0000, v6;
	v6 =	vld.idx.msk [tilespmem:v13+s20+$0x0], $0xffff  }
0x90: {  	s24 =	sor.u32 $0x120, s11;
	v3 =	vor.u32 s25, v7;
	v2 =	vbroadcast v2, $0x0;
	v7 =	vor.u32 s21, v7;
	v11 =	vld.idx.msk [tilespmem:v11+s16+$0x0], $0xffff  }
0x91: {  	v9 =	vor.u32 s24, v0;
	v5 =	vbroadcast v3, $0x0;
	v13 =	vshll.u32 v10, $0x10  }
0x92: {  	s25 =	sor.u32 $0x130, s11;
	v20 =	vmul.f32 v17, v16;
	v16 =	vmul.f32 v19, v16;
	v19 =	vand.u32 $0xFFFF0000, v10;
	v10 =	vld.idx.msk [tilespmem:v15+s16+$0x0], $0xffff  }
0x93: {  	v3 =	vor.u32 s25, v0;
	v17 =	vshll.u32 v1, $0x10;
	v13 =	vmul.f32 v13, v18  }
0x94: {  	s21 =	sor.u32 $0x4C00, s18;
	v15 =	vadd.f32 v20, v14;
	v14 =	vadd.f32 v16, v14;
	v16 =	vmul.f32 v19, v18  }
.LBB2_9:
0x95: {  	s22 =	sadd.s32 $0x4, s22;
	v18 =	vand.u32 $0xFFFF0000, v1;
	v17 =	vmul.f32 v17, v11;
	v19 =	vshll.u32 v6, $0x10  }
0x96: {  	s8 =	sshll.u32 s22, $0x3;
	v1 =	vld.idx.msk [tilespmem:v9+s20+$0x0], $0xffff;
	v9 =	vadd.f32 v13, v15;
	v13 =	vadd.f32 v16, v14;
	v11 =	vmul.f32 v18, v11  }
0x97: {  	v6 =	vand.u32 $0xFFFF0000, v6;
	v15 =	vbroadcast v7, $0x0;
	v7 =	vmul.f32 v19, v10;
	s8 =	sand.u32 $0xFFFFFF80, s8;
	v14 =	vld.idx.msk [tilespmem:v8+s20+$0x0], $0xffff  }
0x98: {  	s9 =	sand.u32 $0xC, s22;
	v6 =	vmul.f32 v6, v10;
	s23 =	sadd.s32 s17, s8;
	v16 =	vld.idx.msk [tilespmem:v12+s20+$0x0], $0xffff;
	v8 =	vadd.f32 v17, v9;
	v9 =	vadd.f32 v11, v13  }
0x99: {  	p0 =	slt.u32 s22, $0x3C;
	s8 =	sor.u32 s8, s9;
	v10 =	vmov s23;
	s23 =	sor.u32 $0x12, s9;
	v13 =	vld.idx.msk [tilespmem:v5+s16+$0x0], $0xffff  }
0x9a: {  	s24 =	sor.u32 $0x10, s9;
	s25 =	sor.u32 $0x11, s9;
	s8 =	sor.u32 s1, s8;
	v5 =	vor.u32 s23, v10;
	v18 =	vld.idx.msk [tilespmem:v4+s16+$0x0], $0xffff;
	v19 =	vadd.f32 v7, v8;
	v20 =	vadd.f32 v6, v9  }
0x9b: {  	s9 =	sor.u32 $0x13, s9;
	v4 =	vor.u32 s24, v10;
	s8 =	sshll.u32 s8, $0x4;
	v7 =	vor.u32 s25, v10;
	v12 =	vbroadcast v5, $0x0;
	v6 =	vld.idx.msk [tilespmem:v3+s20+$0x0], $0xffff  }
0x9c: {  	v5 =	vbroadcast v4, $0x0;
	v4 =	vbroadcast v7, $0x0;
	s23 =	sor.u32 $0x110, s8;
	s24 =	sor.u32 $0x120, s8;
	v7 =	vor.u32 s9, v10;
	s9 =	sor.u32 $0x130, s8;
	v11 =	vld.idx.msk [tilespmem:v2+s16+$0x0], $0xffff  }
.Ltmp4:
0x9d: {  	s8 =	sor.u32 $0x100, s8;
	v8 =	vor.u32 s23, v0;
	v9 =	vor.u32 s24, v0;
	v3 =	vor.u32 s9, v0;
	v2 =	vmovc v12;
	(pc) =	sbr.rel @p0 .LBB2_9-.Ltmp4, $4  }
0x9e: {  	v12 =	vor.u32 s8, v0;
	v17 =	vshll.u32 v16, $0x10;
	v16 =	vand.u32 $0xFFFF0000, v16;
	v10 =	vld.idx.msk [tilespmem:v15+s16+$0x0], $0xffff  }
0x9f: {  	v15 =	vmul.f32 v17, v13;
	v16 =	vmul.f32 v16, v13;
	v13 =	vshll.u32 v14, $0x10  }
0xa0: {  	v21 =	vand.u32 $0xFFFF0000, v14;
	v17 =	vshll.u32 v1, $0x10;
	v13 =	vmul.f32 v13, v18  }
0xa1: {  	v15 =	vadd.f32 v15, v19;
	v14 =	vadd.f32 v16, v20;
	v16 =	vmul.f32 v21, v18  }
0xa2: {  	_ =	sdelay $0x3  }
0xa3: {  	v12 =	vld.idx.msk [tilespmem:v12+s20+$0x0], $0xffff  }
0xa4: {  	v7 =	vbroadcast v7, $0x0;
	v5 =	vld.idx.msk [tilespmem:v5+s16+$0x0], $0xffff  }
0xa5: {  	v1 =	vand.u32 $0xFFFF0000, v1;
	v17 =	vmul.f32 v17, v11;
	v8 =	vld.idx.msk [tilespmem:v8+s20+$0x0], $0xffff;
	v13 =	vadd.f32 v13, v15  }
0xa6: {  	v4 =	vld.idx.msk [tilespmem:v4+s16+$0x0], $0xffff;
	v15 =	vshll.u32 v6, $0x10;
	v14 =	vadd.f32 v16, v14;
	v1 =	vmul.f32 v1, v11  }
0xa7: {  	v9 =	vld.idx.msk [tilespmem:v9+s20+$0x0], $0xffff;
	v6 =	vand.u32 $0xFFFF0000, v6;
	v11 =	vmul.f32 v15, v10;
	v13 =	vadd.f32 v17, v13  }
0xa8: {  	v2 =	vld.idx.msk [tilespmem:v2+s16+$0x0], $0xffff;
	v6 =	vmul.f32 v6, v10;
	v1 =	vadd.f32 v1, v14;
	v10 =	vshll.u32 v12, $0x10  }
0xa9: {  	v3 =	vld.idx.msk [tilespmem:v3+s20+$0x0], $0xffff;
	v11 =	vadd.f32 v11, v13;
	v12 =	vand.u32 $0xFFFF0000, v12;
	v10 =	vmul.f32 v10, v5  }
0xaa: {  	v1 =	vadd.f32 v6, v1;
	v6 =	vld.idx.msk [tilespmem:v7+s16+$0x0], $0xffff;
	v5 =	vmul.f32 v12, v5;
	v7 =	vshll.u32 v8, $0x10  }
0xab: {  	s8 =	simm.s32 $0x0;
	s9 =	simm.s32 $0x0;
	v8 =	vand.u32 $0xFFFF0000, v8;
	v7 =	vmul.f32 v7, v4;
	v10 =	vadd.f32 v10, v11  }
0xac: {  	s9 =	sand.u32 $0xFFFFFF80, s9;
	s8 =	sand.u32 $0xC, s8;
	v4 =	vmul.f32 v8, v4;
	v11 =	vshll.u32 v9, $0x10;
	v1 =	vadd.f32 v5, v1  }
0xad: {  	s22 =	sor.u32 s9, s8;
	v5 =	vand.u32 $0xFFFF0000, v9;
	v8 =	vmul.f32 v11, v2;
	v7 =	vadd.f32 v7, v10  }
0xae: {  	s22 =	sor.u32 s1, s22;
	v9 =	vshll.u32 v3, $0x10;
	v2 =	vmul.f32 v5, v2;
	v1 =	vadd.f32 v4, v1  }
0xaf: {  	s23 =	sshll.u32 s22, $0x4;
	v4 =	vmul.f32 v9, v6;
	v5 =	vadd.f32 v8, v7  }
0xb0: {  	s22 =	sor.u32 $0x220, s23;
	v3 =	vand.u32 $0xFFFF0000, v3;
	v1 =	vadd.f32 v2, v1  }
0xb1: {  	s9 =	sadd.s32 s17, s9;
	s25 =	sor.u32 $0x200, s23;
	v2 =	vmul.f32 v3, v6;
	v3 =	vadd.f32 v4, v5;
	v5 =	vor.u32 s22, v0  }
0xb2: {  	s10 =	sor.u32 $0x20, s8;
	s24 =	sor.u32 $0x210, s23;
	v8 =	vor.u32 s25, v0;
	v4 =	vmov s9  }
0xb3: {  	s11 =	sor.u32 $0x21, s8;
	v6 =	vor.u32 s24, v0;
	v1 =	vadd.f32 v2, v1;
	v2 =	vor.u32 s10, v4  }
0xb4: {  	v7 =	vor.u32 s11, v4;
	v2 =	vbroadcast v2, $0x0;
	[tilespmem:s18+$0x4C20] =	vst v3  }
0xb5: {  	s22 =	simm.s32 $0x4;
	s10 =	simm.s32 $0x20;
	s11 =	sor.u32 $0x22, s8;
	v3 =	vbroadcast v7, $0x0;
	[tilespmem:s18+$0x4C30] =	vst v1  }
0xb6: {  	s23 =	sor.u32 $0x230, s23;
	s24 =	sand.u32 $0xC, s22;
	s9 =	sand.u32 $0xFFFFFF80, s10;
	v1 =	vld.idx.msk [tilespmem:v5+s20+$0x0], $0xffff;
	v5 =	vor.u32 s11, v4  }
0xb7: {  	v13 =	vor.u32 s23, v0;
	s8 =	sor.u32 $0x23, s8;
	s25 =	sadd.s32 s17, s9;
	v7 =	vld.idx.msk [tilespmem:v8+s20+$0x0], $0xffff;
	s9 =	sor.u32 s9, s24;
	v11 =	vbroadcast v5, $0x0  }
0xb8: {  	v9 =	vld.idx.msk [tilespmem:v6+s20+$0x0], $0xffff;
	s9 =	sor.u32 s1, s9;
	v4 =	vor.u32 s8, v4  }
0xb9: {  	v6 =	vmov s25;
	s11 =	sor.u32 $0x21, s24;
	s23 =	sshll.u32 s9, $0x4;
	v15 =	vbroadcast v4, $0x0  }
0xba: {  	v14 =	vimm.f32 $0.0e+00;
	s25 =	sor.u32 $0x22, s24;
	v4 =	vor.u32 s11, v6;
	s11 =	sor.u32 $0x220, s23;
	s8 =	sor.u32 $0x200, s23;
	v16 =	vld.idx.msk [tilespmem:v2+s16+$0x0], $0xffff  }
0xbb: {  	s10 =	sor.u32 $0x20, s24;
	v12 =	vor.u32 s11, v0;
	v10 =	vor.u32 s8, v0;
	v2 =	vor.u32 s25, v6;
	v18 =	vld.idx.msk [tilespmem:v3+s16+$0x0], $0xffff  }
0xbc: {  	v3 =	vor.u32 s10, v6;
	v17 =	vshll.u32 v7, $0x10;
	v19 =	vand.u32 $0xFFFF0000, v7;
	v7 =	vld.idx.msk [tilespmem:v13+s20+$0x0], $0xffff  }
0xbd: {  	s25 =	sor.u32 $0x23, s24;
	s10 =	sor.u32 $0x210, s23;
	v13 =	vshll.u32 v9, $0x10;
	v2 =	vbroadcast v2, $0x0;
	v5 =	vbroadcast v3, $0x0;
	v11 =	vld.idx.msk [tilespmem:v11+s16+$0x0], $0xffff  }
0xbe: {  	v3 =	vbroadcast v4, $0x0;
	v6 =	vor.u32 s25, v6;
	v8 =	vor.u32 s10, v0  }
0xbf: {  	s25 =	sor.u32 $0x230, s23;
	v20 =	vmul.f32 v17, v16;
	v16 =	vmul.f32 v19, v16;
	v19 =	vand.u32 $0xFFFF0000, v9;
	v9 =	vld.idx.msk [tilespmem:v15+s16+$0x0], $0xffff  }
0xc0: {  	v4 =	vor.u32 s25, v0;
	v13 =	vmul.f32 v13, v18;
	v17 =	vshll.u32 v1, $0x10  }
0xc1: {  	v15 =	vadd.f32 v20, v14;
	v14 =	vadd.f32 v16, v14;
	v16 =	vmul.f32 v19, v18  }
.LBB2_11:
0xc2: {  	s22 =	sadd.s32 $0x4, s22;
	v18 =	vand.u32 $0xFFFF0000, v1;
	v17 =	vmul.f32 v17, v11;
	v19 =	vshll.u32 v7, $0x10  }
0xc3: {  	s8 =	sshll.u32 s22, $0x3;
	v1 =	vld.idx.msk [tilespmem:v12+s20+$0x0], $0xffff;
	v12 =	vadd.f32 v13, v15;
	v13 =	vadd.f32 v16, v14;
	v11 =	vmul.f32 v18, v11  }
0xc4: {  	v15 =	vbroadcast v6, $0x0;
	v6 =	vand.u32 $0xFFFF0000, v7;
	v7 =	vmul.f32 v19, v9;
	s8 =	sand.u32 $0xFFFFFF80, s8;
	v14 =	vld.idx.msk [tilespmem:v8+s20+$0x0], $0xffff  }
0xc5: {  	s9 =	sand.u32 $0xC, s22;
	v6 =	vmul.f32 v6, v9;
	s23 =	sadd.s32 s17, s8;
	v16 =	vld.idx.msk [tilespmem:v10+s20+$0x0], $0xffff;
	v8 =	vadd.f32 v17, v12;
	v10 =	vadd.f32 v11, v13  }
0xc6: {  	p0 =	slt.u32 s22, $0x3C;
	s8 =	sor.u32 s8, s9;
	v9 =	vmov s23;
	s23 =	sor.u32 $0x22, s9;
	v13 =	vld.idx.msk [tilespmem:v5+s16+$0x0], $0xffff  }
0xc7: {  	s24 =	sor.u32 $0x20, s9;
	s25 =	sor.u32 $0x21, s9;
	s8 =	sor.u32 s1, s8;
	v5 =	vor.u32 s23, v9;
	v18 =	vld.idx.msk [tilespmem:v3+s16+$0x0], $0xffff;
	v19 =	vadd.f32 v7, v8;
	v20 =	vadd.f32 v6, v10  }
0xc8: {  	s9 =	sor.u32 $0x23, s9;
	v3 =	vor.u32 s24, v9;
	s8 =	sshll.u32 s8, $0x4;
	v6 =	vor.u32 s25, v9;
	v10 =	vbroadcast v5, $0x0;
	v7 =	vld.idx.msk [tilespmem:v4+s20+$0x0], $0xffff  }
0xc9: {  	v5 =	vbroadcast v3, $0x0;
	v3 =	vbroadcast v6, $0x0;
	s23 =	sor.u32 $0x210, s8;
	s24 =	sor.u32 $0x220, s8;
	v6 =	vor.u32 s9, v9;
	s9 =	sor.u32 $0x230, s8;
	v11 =	vld.idx.msk [tilespmem:v2+s16+$0x0], $0xffff  }
.Ltmp5:
0xca: {  	s8 =	sor.u32 $0x200, s8;
	v8 =	vor.u32 s23, v0;
	v12 =	vor.u32 s24, v0;
	v4 =	vor.u32 s9, v0;
	v2 =	vmovc v10;
	(pc) =	sbr.rel @p0 .LBB2_11-.Ltmp5, $4  }
0xcb: {  	v10 =	vor.u32 s8, v0;
	v17 =	vshll.u32 v16, $0x10;
	v16 =	vand.u32 $0xFFFF0000, v16;
	v9 =	vld.idx.msk [tilespmem:v15+s16+$0x0], $0xffff  }
0xcc: {  	v15 =	vmul.f32 v17, v13;
	v16 =	vmul.f32 v16, v13;
	v13 =	vshll.u32 v14, $0x10  }
0xcd: {  	v21 =	vand.u32 $0xFFFF0000, v14;
	v17 =	vshll.u32 v1, $0x10;
	v13 =	vmul.f32 v13, v18  }
0xce: {  	v15 =	vadd.f32 v15, v19;
	v14 =	vadd.f32 v16, v20;
	v16 =	vmul.f32 v21, v18  }
0xcf: {  	_ =	sdelay $0x3  }
0xd0: {  	v12 =	vld.idx.msk [tilespmem:v12+s20+$0x0], $0xffff  }
0xd1: {  	v1 =	vand.u32 $0xFFFF0000, v1;
	v10 =	vld.idx.msk [tilespmem:v10+s20+$0x0], $0xffff  }
0xd2: {  	v17 =	vmul.f32 v17, v11;
	v18 =	vshll.u32 v7, $0x10;
	v5 =	vld.idx.msk [tilespmem:v5+s16+$0x0], $0xffff;
	v13 =	vadd.f32 v13, v15  }
0xd3: {  	v8 =	vld.idx.msk [tilespmem:v8+s20+$0x0], $0xffff;
	v6 =	vbroadcast v6, $0x0;
	v14 =	vadd.f32 v16, v14;
	v1 =	vmul.f32 v1, v11  }
0xd4: {  	v7 =	vand.u32 $0xFFFF0000, v7;
	v3 =	vld.idx.msk [tilespmem:v3+s16+$0x0], $0xffff;
	v11 =	vmul.f32 v18, v9;
	v13 =	vadd.f32 v17, v13  }
0xd5: {  	v2 =	vld.idx.msk [tilespmem:v2+s16+$0x0], $0xffff;
	v7 =	vmul.f32 v7, v9;
	v1 =	vadd.f32 v1, v14  }
0xd6: {  	v9 =	vadd.f32 v11, v13  }
0xd7: {  	v4 =	vld.idx.msk [tilespmem:v4+s20+$0x0], $0xffff;
	v11 =	vshll.u32 v10, $0x10;
	v1 =	vadd.f32 v7, v1;
	v7 =	vand.u32 $0xFFFF0000, v10  }
0xd8: {  	v10 =	vmul.f32 v11, v5;
	v5 =	vmul.f32 v7, v5;
	v7 =	vshll.u32 v8, $0x10  }
0xd9: {  	s8 =	simm.s32 $0x0;
	s9 =	simm.s32 $0x0;
	v8 =	vand.u32 $0xFFFF0000, v8;
	v6 =	vld.idx.msk [tilespmem:v6+s16+$0x0], $0xffff;
	v11 =	vshll.u32 v12, $0x10;
	v7 =	vmul.f32 v7, v3  }
0xda: {  	s22 =	sor.u32 $0x30, s8;
	s9 =	sand.u32 $0xFFFFFF80, s9;
	v3 =	vmul.f32 v8, v3;
	v8 =	vmul.f32 v11, v2;
	v9 =	vadd.f32 v10, v9  }
0xdb: {  	v11 =	vmov s22;
	s22 =	sadd.s32 s17, s9;
	s9 =	sor.u32 s9, s8;
	v1 =	vadd.f32 v5, v1;
	v5 =	vand.u32 $0xFFFF0000, v12  }
0xdc: {  	v10 =	vshll.u32 v4, $0x10;
	v4 =	vand.u32 $0xFFFF0000, v4;
	s9 =	sor.u32 s1, s9;
	v7 =	vadd.f32 v7, v9  }
0xdd: {  	v2 =	vmul.f32 v5, v2;
	s9 =	sshll.u32 s9, $0x4;
	v1 =	vadd.f32 v3, v1;
	v3 =	vand.u32 $0x3C, v11  }
0xde: {  	s10 =	sor.u32 $0x320, s9;
	v3 =	vor.u32 s22, v3;
	v5 =	vmul.f32 v10, v6;
	v7 =	vadd.f32 v8, v7  }
0xdf: {  	s23 =	sor.u32 $0x300, s9;
	s11 =	sor.u32 $0x310, s9;
	s9 =	sor.u32 $0x330, s9;
	v1 =	vadd.f32 v2, v1;
	v2 =	vmul.f32 v4, v6;
	v6 =	vor.u32 s10, v0  }
0xe0: {  	v3 =	vbroadcast v3, $0x0;
	v8 =	vor.u32 s9, v0;
	v4 =	vadd.f32 v5, v7  }
0xe1: {  	s24 =	sor.u32 $0x31, s8;
	v1 =	vadd.f32 v2, v1  }
0xe2: {  	v5 =	vor.u32 s23, v0;
	v2 =	vmov s24;
	[tilespmem:s18+$0x4C40] =	vst v4  }
0xe3: {  	s25 =	sor.u32 $0x32, s8;
	v2 =	vand.u32 $0x3D, v2;
	[tilespmem:s18+$0x4C50] =	vst v1  }
0xe4: {  	v4 =	vor.u32 s11, v0;
	v1 =	vor.u32 s22, v2;
	v2 =	vmov s25;
	v6 =	vld.idx.msk [tilespmem:v6+s20+$0x0], $0xffff  }
0xe5: {  	s8 =	sor.u32 $0x33, s8;
	s23 =	simm.s32 $0x4;
	v1 =	vbroadcast v1, $0x0;
	v2 =	vand.u32 $0x3E, v2;
	v13 =	vld.idx.msk [tilespmem:v8+s20+$0x0], $0xffff  }
0xe6: {  	s9 =	simm.s32 $0x20;
	s10 =	sor.u32 $0x30, s23;
	v7 =	vld.idx.msk [tilespmem:v3+s16+$0x0], $0xffff;
	v2 =	vor.u32 s22, v2;
	v3 =	vmov s8  }
0xe7: {  	v9 =	vmov s10;
	s8 =	sand.u32 $0xFFFFFF80, s9;
	v5 =	vld.idx.msk [tilespmem:v5+s20+$0x0], $0xffff;
	v2 =	vbroadcast v2, $0x0;
	v3 =	vand.u32 $0x3F, v3  }
0xe8: {  	v9 =	vand.u32 $0x3C, v9;
	s9 =	sadd.s32 s17, s8;
	s8 =	sor.u32 s8, s23;
	v3 =	vor.u32 s22, v3  }
0xe9: {  	v10 =	vimm.f32 $0.0e+00;
	s11 =	sor.u32 $0x31, s23;
	v9 =	vor.u32 s9, v9;
	s8 =	sor.u32 s1, s8;
	v4 =	vld.idx.msk [tilespmem:v4+s20+$0x0], $0xffff;
	v11 =	vbroadcast v3, $0x0  }
0xea: {  	v3 =	vmov s11;
	v9 =	vbroadcast v9, $0x0;
	s8 =	sshll.u32 s8, $0x4;
	s11 =	sor.u32 $0x32, s23;
	v14 =	vand.u32 $0xFFFF0000, v6  }
0xeb: {  	s25 =	sor.u32 $0x310, s8;
	v19 =	vmov s11;
	v6 =	vshll.u32 v6, $0x10;
	v20 =	vshll.u32 v13, $0x10;
	v12 =	vld.idx.msk [tilespmem:v1+s16+$0x0], $0xffff  }
0xec: {  	s10 =	sor.u32 $0x320, s8;
	v1 =	vand.u32 $0x3D, v3;
	v59 =	vor.u32 s25, v0;
	v3 =	vshll.u32 v5, $0x10  }
0xed: {  	v61 =	vor.u32 s10, v0;
	s25 =	sor.u32 $0x33, s23;
	v1 =	vor.u32 s9, v1;
	v8 =	vmul.f32 v3, v7;
	v2 =	vld.idx.msk [tilespmem:v2+s16+$0x0], $0xffff  }
0xee: {  	s24 =	sor.u32 $0x300, s8;
	v62 =	vmov s25;
	v3 =	vbroadcast v1, $0x0;
	v1 =	vshll.u32 v4, $0x10  }
0xef: {  	v15 =	vand.u32 $0xFFFF0000, v4;
	v4 =	vor.u32 s24, v0;
	v60 =	vadd.f32 v8, v10  }
0xf0: {  	v8 =	vand.u32 $0xFFFF0000, v5;
	v5 =	vld.idx.msk [tilespmem:v11+s16+$0x0], $0xffff;
	v11 =	vand.u32 $0x3E, v19;
	v1 =	vmul.f32 v1, v12  }
0xf1: {  	v11 =	vor.u32 s9, v11;
	v21 =	vmul.f32 v8, v7;
	v12 =	vmul.f32 v15, v12  }
0xf2: {  	s8 =	sor.u32 $0x330, s8;
	v8 =	vmul.f32 v14, v2;
	v14 =	vadd.f32 v1, v60;
	v1 =	vld.idx.msk [tilespmem:v9+s16+$0x0], $0xffff;
	v6 =	vmul.f32 v6, v2  }
0xf3: {  	v7 =	vbroadcast v11, $0x0;
	v9 =	vor.u32 s8, v0;
	v63 =	vadd.f32 v21, v10;
	v2 =	vld.idx.msk [tilespmem:v61+s20+$0x0], $0xffff  }
0xf4: {  	v15 =	vand.u32 $0x3F, v62;
	v10 =	vand.u32 $0xFFFF0000, v13;
	v4 =	vld.idx.msk [tilespmem:v4+s20+$0x0], $0xffff;
	v11 =	vadd.f32 v6, v14  }
0xf5: {  	s23 =	simm.s32 $0x8;
	v6 =	vld.idx.msk [tilespmem:v59+s20+$0x0], $0xffff;
	v13 =	vmul.f32 v20, v5;
	v14 =	vor.u32 s9, v15;
	v12 =	vadd.f32 v12, v63  }
.LBB2_13:
0xf6: {  	s8 =	sshll.u32 s23, $0x3  }
0xf7: {  	s9 =	sor.u32 $0x30, s23;
	s22 =	sor.u32 $0x31, s23;
	v15 =	vld.idx.msk [tilespmem:v3+s16+$0x0], $0xffff;
	v14 =	vbroadcast v14, $0x0;
	v11 =	vadd.f32 v13, v11;
	v3 =	vmul.f32 v10, v5;
	s24 =	smov.u32 s23  }
0xf8: {  	s25 =	sor.u32 $0x33, s23;
	s8 =	sand.u32 $0xFFFFFF80, s8;
	v5 =	vmov s9;
	v10 =	vmov s22;
	s9 =	sor.u32 $0x32, s23;
	v13 =	vld.idx.msk [tilespmem:v9+s20+$0x0], $0xffff;
	v8 =	vadd.f32 v8, v12  }
0xf9: {  	s22 =	sadd.s32 s17, s8;
	v5 =	vand.u32 $0x3C, v5;
	s8 =	sor.u32 s8, s24;
	v9 =	vand.u32 $0x3D, v10;
	s24 =	sadd.s32 $0x4, s23;
	v10 =	vshll.u32 v4, $0x10;
	v12 =	vld.idx.msk [tilespmem:v7+s16+$0x0], $0xffff  }
0xfa: {  	p0 =	slt.u32 s23, $0x3C;
	v5 =	vor.u32 s22, v5;
	s8 =	sor.u32 s1, s8;
	v7 =	vmul.f32 v10, v1;
	v10 =	vadd.f32 v3, v8  }
0xfb: {  	v3 =	vor.u32 s22, v9;
	v9 =	vand.u32 $0xFFFF0000, v2;
	v8 =	vbroadcast v5, $0x0;
	s8 =	sshll.u32 s8, $0x4  }
0xfc: {  	v3 =	vbroadcast v3, $0x0;
	v5 =	vshll.u32 v6, $0x10;
	v6 =	vand.u32 $0xFFFF0000, v6;
	s23 =	sor.u32 $0x300, s8;
	s10 =	sor.u32 $0x310, s8  }
0xfd: {  	v7 =	vadd.f32 v7, v11;
	v16 =	vor.u32 s23, v0;
	v17 =	vor.u32 s10, v0;
	s10 =	sor.u32 $0x320, s8  }
0xfe: {  	v4 =	vand.u32 $0xFFFF0000, v4;
	v18 =	vmul.f32 v5, v15;
	v11 =	vor.u32 s10, v0;
	v5 =	vld.idx.msk [tilespmem:v14+s16+$0x0], $0xffff  }
0xff: {  	v2 =	vshll.u32 v2, $0x10;
	v19 =	vshll.u32 v13, $0x10;
	v14 =	vmov s9  }
0x100: {  	v20 =	vmov s25;
	v18 =	vadd.f32 v18, v7;
	v14 =	vand.u32 $0x3E, v14  }
.Ltmp6:
0x101: {  	s8 =	sor.u32 $0x330, s8;
	v7 =	vor.u32 s22, v14;
	v14 =	vmul.f32 v4, v1;
	v1 =	vld.idx.msk [tilespmem:v8+s16+$0x0], $0xffff;
	v8 =	vmul.f32 v9, v12;
	(pc) =	sbr.rel @p0 .LBB2_13-.Ltmp6, $4  }
0x102: {  	v7 =	vbroadcast v7, $0x0;
	v9 =	vor.u32 s8, v0;
	v12 =	vmul.f32 v2, v12;
	v4 =	vld.idx.msk [tilespmem:v16+s20+$0x0], $0xffff  }
0x103: {  	v15 =	vmul.f32 v6, v15;
	v16 =	vadd.f32 v14, v10;
	v10 =	vand.u32 $0xFFFF0000, v13;
	v2 =	vld.idx.msk [tilespmem:v11+s20+$0x0], $0xffff  }
0x104: {  	v14 =	vand.u32 $0x3F, v20;
	v11 =	vadd.f32 v12, v18;
	v13 =	vmul.f32 v19, v5;
	v6 =	vld.idx.msk [tilespmem:v17+s20+$0x0], $0xffff  }
0x105: {  	s23 =	smov.u32 s24;
	v14 =	vor.u32 s22, v14;
	v12 =	vadd.f32 v15, v16  }
0x106: {  	_ =	sdelay $0x1  }
0x107: {  	v14 =	vbroadcast v14, $0x0;
	_ =	sdelay $0x1  }
0x108: {  	v3 =	vld.idx.msk [tilespmem:v3+s16+$0x0], $0xffff;
	_ =	sdelay $0x1  }
0x109: {  	v5 =	vmul.f32 v10, v5;
	v7 =	vld.idx.msk [tilespmem:v7+s16+$0x0], $0xffff;
	v8 =	vadd.f32 v8, v12;
	v10 =	vshll.u32 v4, $0x10  }
0x10a: {  	v11 =	vadd.f32 v13, v11;
	v9 =	vld.idx.msk [tilespmem:v9+s20+$0x0], $0xffff;
	v4 =	vand.u32 $0xFFFF0000, v4;
	v10 =	vmul.f32 v10, v1  }
0x10b: {  	s8 =	simm.s32 $0x0;
	s9 =	simm.s32 $0x0;
	v1 =	vmul.f32 v4, v1;
	v5 =	vadd.f32 v5, v8;
	v8 =	vshll.u32 v6, $0x10;
	v12 =	vld.idx.msk [tilespmem:v14+s16+$0x0], $0xffff  }
0x10c: {  	s9 =	sand.u32 $0xFFFFFF80, s9;
	s8 =	sand.u32 $0xC, s8;
	v4 =	vand.u32 $0xFFFF0000, v6;
	v6 =	vadd.f32 v10, v11;
	v8 =	vmul.f32 v8, v3  }
0x10d: {  	s10 =	sor.u32 s9, s8;
	v10 =	vshll.u32 v2, $0x10;
	v1 =	vadd.f32 v1, v5;
	v3 =	vmul.f32 v4, v3  }
0x10e: {  	s10 =	sor.u32 s1, s10;
	v2 =	vand.u32 $0xFFFF0000, v2;
	v5 =	vmul.f32 v10, v7;
	v4 =	vadd.f32 v8, v6  }
0x10f: {  	s10 =	sshll.u32 s10, $0x4;
	v2 =	vmul.f32 v2, v7;
	v6 =	vshll.u32 v9, $0x10;
	v1 =	vadd.f32 v3, v1  }
0x110: {  	s23 =	sor.u32 $0x410, s10;
	v3 =	vand.u32 $0xFFFF0000, v9;
	v4 =	vadd.f32 v5, v4;
	v5 =	vmul.f32 v6, v12  }
0x111: {  	s22 =	sor.u32 $0x420, s10;
	v1 =	vadd.f32 v2, v1;
	v3 =	vmul.f32 v3, v12;
	v6 =	vor.u32 s23, v0  }
0x112: {  	s9 =	sadd.s32 s17, s9;
	s11 =	sor.u32 $0x400, s10;
	v2 =	vadd.f32 v5, v4;
	v5 =	vor.u32 s22, v0  }
0x113: {  	s24 =	sor.u32 $0x40, s8;
	v8 =	vor.u32 s11, v0;
	v4 =	vmov s9;
	v1 =	vadd.f32 v3, v1  }
0x114: {  	s25 =	sor.u32 $0x41, s8;
	v3 =	vor.u32 s24, v4;
	[tilespmem:s18+$0x4C60] =	vst v2  }
0x115: {  	v7 =	vor.u32 s25, v4;
	v3 =	vbroadcast v3, $0x0;
	[tilespmem:s18+$0x4C70] =	vst v1  }
0x116: {  	s25 =	sor.u32 $0x42, s8;
	v2 =	vbroadcast v7, $0x0;
	v9 =	vld.idx.msk [tilespmem:v6+s20+$0x0], $0xffff  }
0x117: {  	s10 =	sor.u32 $0x430, s10;
	s22 =	simm.s32 $0x4;
	s24 =	simm.s32 $0x20;
	v1 =	vld.idx.msk [tilespmem:v5+s20+$0x0], $0xffff;
	v5 =	vor.u32 s25, v4  }
0x118: {  	v13 =	vor.u32 s10, v0;
	s8 =	sor.u32 $0x43, s8;
	s23 =	sand.u32 $0xC, s22;
	s9 =	sand.u32 $0xFFFFFF80, s24;
	v6 =	vld.idx.msk [tilespmem:v8+s20+$0x0], $0xffff;
	v11 =	vbroadcast v5, $0x0  }
0x119: {  	s24 =	sadd.s32 s17, s9;
	s9 =	sor.u32 s9, s23;
	v4 =	vor.u32 s8, v4  }
0x11a: {  	v7 =	vmov s24;
	s24 =	sor.u32 $0x40, s23;
	s9 =	sor.u32 s1, s9;
	s25 =	sor.u32 $0x41, s23;
	v15 =	vbroadcast v4, $0x0  }
0x11b: {  	s10 =	sshll.u32 s9, $0x4;
	v4 =	vor.u32 s24, v7;
	v8 =	vor.u32 s25, v7;
	v16 =	vld.idx.msk [tilespmem:v3+s16+$0x0], $0xffff  }
0x11c: {  	v14 =	vimm.f32 $0.0e+00;
	s24 =	sor.u32 $0x420, s10;
	v5 =	vbroadcast v4, $0x0;
	v4 =	vbroadcast v8, $0x0;
	v18 =	vld.idx.msk [tilespmem:v2+s16+$0x0], $0xffff  }
0x11d: {  	s11 =	sor.u32 $0x42, s23;
	s8 =	sor.u32 $0x400, s10;
	v10 =	vor.u32 s24, v0;
	v17 =	vshll.u32 v6, $0x10;
	v19 =	vand.u32 $0xFFFF0000, v6;
	v6 =	vld.idx.msk [tilespmem:v13+s20+$0x0], $0xffff  }
0x11e: {  	v12 =	vor.u32 s8, v0;
	v3 =	vor.u32 s11, v7;
	s11 =	sor.u32 $0x43, s23;
	s23 =	sor.u32 $0x410, s10;
	v13 =	vshll.u32 v9, $0x10;
	v11 =	vld.idx.msk [tilespmem:v11+s16+$0x0], $0xffff  }
0x11f: {  	v2 =	vbroadcast v3, $0x0;
	v7 =	vor.u32 s11, v7;
	v8 =	vor.u32 s23, v0  }
0x120: {  	s25 =	sor.u32 $0x430, s10;
	v20 =	vmul.f32 v17, v16;
	v16 =	vmul.f32 v19, v16;
	v19 =	vand.u32 $0xFFFF0000, v9;
	v9 =	vld.idx.msk [tilespmem:v15+s16+$0x0], $0xffff  }
0x121: {  	v3 =	vor.u32 s25, v0;
	v13 =	vmul.f32 v13, v18;
	v17 =	vshll.u32 v1, $0x10  }
0x122: {  	v15 =	vadd.f32 v20, v14;
	v14 =	vadd.f32 v16, v14;
	v16 =	vmul.f32 v19, v18  }
.LBB2_15:
0x123: {  	s22 =	sadd.s32 $0x4, s22;
	v18 =	vand.u32 $0xFFFF0000, v1;
	v17 =	vmul.f32 v17, v11;
	v19 =	vshll.u32 v6, $0x10  }
0x124: {  	s8 =	sshll.u32 s22, $0x3;
	v1 =	vld.idx.msk [tilespmem:v10+s20+$0x0], $0xffff;
	v10 =	vadd.f32 v13, v15;
	v13 =	vadd.f32 v16, v14;
	v11 =	vmul.f32 v18, v11  }
0x125: {  	v6 =	vand.u32 $0xFFFF0000, v6;
	v15 =	vbroadcast v7, $0x0;
	v7 =	vmul.f32 v19, v9;
	s8 =	sand.u32 $0xFFFFFF80, s8;
	v14 =	vld.idx.msk [tilespmem:v8+s20+$0x0], $0xffff  }
0x126: {  	s9 =	sand.u32 $0xC, s22;
	v6 =	vmul.f32 v6, v9;
	s10 =	sadd.s32 s17, s8;
	v16 =	vld.idx.msk [tilespmem:v12+s20+$0x0], $0xffff;
	v8 =	vadd.f32 v17, v10;
	v10 =	vadd.f32 v11, v13  }
0x127: {  	p0 =	slt.u32 s22, $0x3C;
	s8 =	sor.u32 s8, s9;
	v9 =	vmov s10;
	s10 =	sor.u32 $0x42, s9;
	v13 =	vld.idx.msk [tilespmem:v5+s16+$0x0], $0xffff  }
0x128: {  	s23 =	sor.u32 $0x40, s9;
	s24 =	sor.u32 $0x41, s9;
	s8 =	sor.u32 s1, s8;
	v5 =	vor.u32 s10, v9;
	v18 =	vld.idx.msk [tilespmem:v4+s16+$0x0], $0xffff;
	v19 =	vadd.f32 v7, v8;
	v20 =	vadd.f32 v6, v10  }
0x129: {  	s9 =	sor.u32 $0x43, s9;
	v4 =	vor.u32 s23, v9;
	s8 =	sshll.u32 s8, $0x4;
	v7 =	vor.u32 s24, v9;
	v12 =	vbroadcast v5, $0x0;
	v6 =	vld.idx.msk [tilespmem:v3+s20+$0x0], $0xffff  }
0x12a: {  	v5 =	vbroadcast v4, $0x0;
	v4 =	vbroadcast v7, $0x0;
	s10 =	sor.u32 $0x410, s8;
	s23 =	sor.u32 $0x420, s8;
	v7 =	vor.u32 s9, v9;
	s9 =	sor.u32 $0x430, s8;
	v11 =	vld.idx.msk [tilespmem:v2+s16+$0x0], $0xffff  }
.Ltmp7:
0x12b: {  	s8 =	sor.u32 $0x400, s8;
	v8 =	vor.u32 s10, v0;
	v10 =	vor.u32 s23, v0;
	v3 =	vor.u32 s9, v0;
	v2 =	vmovc v12;
	(pc) =	sbr.rel @p0 .LBB2_15-.Ltmp7, $4  }
0x12c: {  	v12 =	vor.u32 s8, v0;
	v17 =	vshll.u32 v16, $0x10;
	v16 =	vand.u32 $0xFFFF0000, v16;
	v9 =	vld.idx.msk [tilespmem:v15+s16+$0x0], $0xffff  }
0x12d: {  	v15 =	vmul.f32 v17, v13;
	v16 =	vmul.f32 v16, v13;
	v13 =	vshll.u32 v14, $0x10  }
0x12e: {  	v21 =	vand.u32 $0xFFFF0000, v14;
	v17 =	vshll.u32 v1, $0x10;
	v13 =	vmul.f32 v13, v18  }
0x12f: {  	v15 =	vadd.f32 v15, v19;
	v14 =	vadd.f32 v16, v20;
	v16 =	vmul.f32 v21, v18  }
0x130: {  	_ =	sdelay $0x3  }
0x131: {  	v12 =	vld.idx.msk [tilespmem:v12+s20+$0x0], $0xffff  }
0x132: {  	v7 =	vbroadcast v7, $0x0;
	v5 =	vld.idx.msk [tilespmem:v5+s16+$0x0], $0xffff  }
0x133: {  	v1 =	vand.u32 $0xFFFF0000, v1;
	v17 =	vmul.f32 v17, v11;
	v8 =	vld.idx.msk [tilespmem:v8+s20+$0x0], $0xffff;
	v13 =	vadd.f32 v13, v15  }
0x134: {  	v4 =	vld.idx.msk [tilespmem:v4+s16+$0x0], $0xffff;
	v15 =	vshll.u32 v6, $0x10;
	v14 =	vadd.f32 v16, v14;
	v1 =	vmul.f32 v1, v11  }
0x135: {  	v10 =	vld.idx.msk [tilespmem:v10+s20+$0x0], $0xffff;
	v6 =	vand.u32 $0xFFFF0000, v6;
	v11 =	vmul.f32 v15, v9;
	v13 =	vadd.f32 v17, v13  }
0x136: {  	v2 =	vld.idx.msk [tilespmem:v2+s16+$0x0], $0xffff;
	v6 =	vmul.f32 v6, v9;
	v1 =	vadd.f32 v1, v14;
	v9 =	vshll.u32 v12, $0x10  }
0x137: {  	v3 =	vld.idx.msk [tilespmem:v3+s20+$0x0], $0xffff;
	v11 =	vadd.f32 v11, v13;
	v12 =	vand.u32 $0xFFFF0000, v12;
	v9 =	vmul.f32 v9, v5  }
0x138: {  	s8 =	simm.s32 $0x0;
	s9 =	simm.s32 $0x0;
	v1 =	vadd.f32 v6, v1;
	v6 =	vld.idx.msk [tilespmem:v7+s16+$0x0], $0xffff;
	v5 =	vmul.f32 v12, v5;
	v7 =	vshll.u32 v8, $0x10  }
0x139: {  	s9 =	sand.u32 $0xFFFFFF80, s9;
	s8 =	sand.u32 $0xC, s8;
	v8 =	vand.u32 $0xFFFF0000, v8;
	v7 =	vmul.f32 v7, v4;
	v9 =	vadd.f32 v9, v11  }
0x13a: {  	s10 =	sor.u32 s9, s8;
	v4 =	vmul.f32 v8, v4;
	v11 =	vshll.u32 v10, $0x10;
	v1 =	vadd.f32 v5, v1  }
0x13b: {  	s10 =	sor.u32 s1, s10;
	v5 =	vand.u32 $0xFFFF0000, v10;
	v8 =	vmul.f32 v11, v2;
	v7 =	vadd.f32 v7, v9  }
0x13c: {  	s10 =	sshll.u32 s10, $0x4;
	v2 =	vmul.f32 v5, v2;
	v9 =	vshll.u32 v3, $0x10;
	v1 =	vadd.f32 v4, v1  }
0x13d: {  	s23 =	sor.u32 $0x510, s10;
	v3 =	vand.u32 $0xFFFF0000, v3;
	v4 =	vmul.f32 v9, v6;
	v5 =	vadd.f32 v8, v7  }
0x13e: {  	s22 =	sor.u32 $0x520, s10;
	v1 =	vadd.f32 v2, v1;
	v2 =	vmul.f32 v3, v6;
	v6 =	vor.u32 s23, v0  }
0x13f: {  	s9 =	sadd.s32 s17, s9;
	s11 =	sor.u32 $0x500, s10;
	v3 =	vadd.f32 v4, v5;
	v5 =	vor.u32 s22, v0  }
0x140: {  	s24 =	sor.u32 $0x50, s8;
	v8 =	vor.u32 s11, v0;
	v4 =	vmov s9;
	v1 =	vadd.f32 v2, v1  }
0x141: {  	s25 =	sor.u32 $0x51, s8;
	v2 =	vor.u32 s24, v4;
	[tilespmem:s18+$0x4C80] =	vst v3  }
0x142: {  	v7 =	vor.u32 s25, v4;
	v2 =	vbroadcast v2, $0x0;
	[tilespmem:s18+$0x4C90] =	vst v1  }
0x143: {  	s23 =	simm.s32 $0x4;
	s24 =	simm.s32 $0x20;
	s25 =	sor.u32 $0x52, s8;
	v3 =	vbroadcast v7, $0x0;
	v10 =	vld.idx.msk [tilespmem:v6+s20+$0x0], $0xffff  }
0x144: {  	s10 =	sor.u32 $0x530, s10;
	s22 =	sand.u32 $0xC, s23;
	s9 =	sand.u32 $0xFFFFFF80, s24;
	v1 =	vld.idx.msk [tilespmem:v5+s20+$0x0], $0xffff;
	v5 =	vor.u32 s25, v4  }
0x145: {  	v13 =	vor.u32 s10, v0;
	s8 =	sor.u32 $0x53, s8;
	s24 =	sadd.s32 s17, s9;
	v6 =	vld.idx.msk [tilespmem:v8+s20+$0x0], $0xffff;
	s9 =	sor.u32 s9, s22;
	v11 =	vbroadcast v5, $0x0  }
0x146: {  	s9 =	sor.u32 s1, s9;
	v4 =	vor.u32 s8, v4  }
0x147: {  	v7 =	vmov s24;
	s25 =	sor.u32 $0x51, s22;
	s10 =	sshll.u32 s9, $0x4;
	v15 =	vbroadcast v4, $0x0  }
0x148: {  	v14 =	vimm.f32 $0.0e+00;
	s11 =	sor.u32 $0x52, s22;
	v4 =	vor.u32 s25, v7;
	s8 =	sor.u32 $0x500, s10;
	v16 =	vld.idx.msk [tilespmem:v2+s16+$0x0], $0xffff  }
0x149: {  	s24 =	sor.u32 $0x50, s22;
	v4 =	vbroadcast v4, $0x0;
	v12 =	vor.u32 s8, v0;
	v2 =	vor.u32 s11, v7;
	v18 =	vld.idx.msk [tilespmem:v3+s16+$0x0], $0xffff  }
0x14a: {  	v3 =	vor.u32 s24, v7;
	v17 =	vshll.u32 v6, $0x10;
	v19 =	vand.u32 $0xFFFF0000, v6;
	v6 =	vld.idx.msk [tilespmem:v13+s20+$0x0], $0xffff  }
0x14b: {  	s11 =	sor.u32 $0x53, s22;
	s22 =	sor.u32 $0x510, s10;
	s24 =	sor.u32 $0x520, s10;
	v13 =	vshll.u32 v10, $0x10;
	v2 =	vbroadcast v2, $0x0;
	v5 =	vbroadcast v3, $0x0;
	v11 =	vld.idx.msk [tilespmem:v11+s16+$0x0], $0xffff  }
0x14c: {  	v7 =	vor.u32 s11, v7;
	v8 =	vor.u32 s22, v0;
	v9 =	vor.u32 s24, v0  }
0x14d: {  	s25 =	sor.u32 $0x530, s10;
	v20 =	vmul.f32 v17, v16;
	v16 =	vmul.f32 v19, v16;
	v19 =	vand.u32 $0xFFFF0000, v10;
	v10 =	vld.idx.msk [tilespmem:v15+s16+$0x0], $0xffff  }
0x14e: {  	v3 =	vor.u32 s25, v0;
	v13 =	vmul.f32 v13, v18;
	v17 =	vshll.u32 v1, $0x10  }
0x14f: {  	s22 =	sadd.s32 $0x4C80, s18;
	v15 =	vadd.f32 v20, v14;
	v14 =	vadd.f32 v16, v14;
	v16 =	vmul.f32 v19, v18  }
.LBB2_17:
0x150: {  	s23 =	sadd.s32 $0x4, s23;
	v18 =	vand.u32 $0xFFFF0000, v1;
	v17 =	vmul.f32 v17, v11;
	v19 =	vshll.u32 v6, $0x10  }
0x151: {  	s8 =	sshll.u32 s23, $0x3;
	v1 =	vld.idx.msk [tilespmem:v9+s20+$0x0], $0xffff;
	v9 =	vadd.f32 v13, v15;
	v13 =	vadd.f32 v16, v14;
	v11 =	vmul.f32 v18, v11  }
0x152: {  	v6 =	vand.u32 $0xFFFF0000, v6;
	v15 =	vbroadcast v7, $0x0;
	v7 =	vmul.f32 v19, v10;
	s8 =	sand.u32 $0xFFFFFF80, s8;
	v14 =	vld.idx.msk [tilespmem:v8+s20+$0x0], $0xffff  }
0x153: {  	s9 =	sand.u32 $0xC, s23;
	v6 =	vmul.f32 v6, v10;
	s10 =	sadd.s32 s17, s8;
	v16 =	vld.idx.msk [tilespmem:v12+s20+$0x0], $0xffff;
	v8 =	vadd.f32 v17, v9;
	v9 =	vadd.f32 v11, v13  }
0x154: {  	p0 =	slt.u32 s23, $0x3C;
	s8 =	sor.u32 s8, s9;
	v10 =	vmov s10;
	s10 =	sor.u32 $0x52, s9;
	v13 =	vld.idx.msk [tilespmem:v5+s16+$0x0], $0xffff  }
0x155: {  	s24 =	sor.u32 $0x50, s9;
	s25 =	sor.u32 $0x51, s9;
	s8 =	sor.u32 s1, s8;
	v5 =	vor.u32 s10, v10;
	v18 =	vld.idx.msk [tilespmem:v4+s16+$0x0], $0xffff;
	v19 =	vadd.f32 v7, v8;
	v20 =	vadd.f32 v6, v9  }
0x156: {  	s9 =	sor.u32 $0x53, s9;
	v4 =	vor.u32 s24, v10;
	s8 =	sshll.u32 s8, $0x4;
	v7 =	vor.u32 s25, v10;
	v12 =	vbroadcast v5, $0x0;
	v6 =	vld.idx.msk [tilespmem:v3+s20+$0x0], $0xffff  }
0x157: {  	v5 =	vbroadcast v4, $0x0;
	v4 =	vbroadcast v7, $0x0;
	s10 =	sor.u32 $0x510, s8;
	s24 =	sor.u32 $0x520, s8;
	v7 =	vor.u32 s9, v10;
	s9 =	sor.u32 $0x530, s8;
	v11 =	vld.idx.msk [tilespmem:v2+s16+$0x0], $0xffff  }
.Ltmp8:
0x158: {  	s8 =	sor.u32 $0x500, s8;
	v8 =	vor.u32 s10, v0;
	v9 =	vor.u32 s24, v0;
	v3 =	vor.u32 s9, v0;
	v2 =	vmovc v12;
	(pc) =	sbr.rel @p0 .LBB2_17-.Ltmp8, $4  }
0x159: {  	v12 =	vor.u32 s8, v0;
	v17 =	vshll.u32 v16, $0x10;
	v16 =	vand.u32 $0xFFFF0000, v16;
	v10 =	vld.idx.msk [tilespmem:v15+s16+$0x0], $0xffff  }
0x15a: {  	v15 =	vmul.f32 v17, v13;
	v16 =	vmul.f32 v16, v13;
	v13 =	vshll.u32 v14, $0x10  }
0x15b: {  	v21 =	vand.u32 $0xFFFF0000, v14;
	v17 =	vshll.u32 v1, $0x10;
	v13 =	vmul.f32 v13, v18  }
0x15c: {  	v15 =	vadd.f32 v15, v19;
	v14 =	vadd.f32 v16, v20;
	v16 =	vmul.f32 v21, v18  }
0x15d: {  	_ =	sdelay $0x3  }
0x15e: {  	v12 =	vld.idx.msk [tilespmem:v12+s20+$0x0], $0xffff  }
0x15f: {  	v7 =	vbroadcast v7, $0x0;
	v5 =	vld.idx.msk [tilespmem:v5+s16+$0x0], $0xffff  }
0x160: {  	v1 =	vand.u32 $0xFFFF0000, v1;
	v17 =	vmul.f32 v17, v11;
	v8 =	vld.idx.msk [tilespmem:v8+s20+$0x0], $0xffff;
	v13 =	vadd.f32 v13, v15  }
0x161: {  	v4 =	vld.idx.msk [tilespmem:v4+s16+$0x0], $0xffff;
	v15 =	vshll.u32 v6, $0x10;
	v14 =	vadd.f32 v16, v14;
	v1 =	vmul.f32 v1, v11  }
0x162: {  	v9 =	vld.idx.msk [tilespmem:v9+s20+$0x0], $0xffff;
	v6 =	vand.u32 $0xFFFF0000, v6;
	v11 =	vmul.f32 v15, v10;
	v13 =	vadd.f32 v17, v13  }
0x163: {  	v2 =	vld.idx.msk [tilespmem:v2+s16+$0x0], $0xffff;
	v6 =	vmul.f32 v6, v10;
	v1 =	vadd.f32 v1, v14;
	v10 =	vshll.u32 v12, $0x10  }
0x164: {  	v3 =	vld.idx.msk [tilespmem:v3+s20+$0x0], $0xffff;
	v11 =	vadd.f32 v11, v13;
	v12 =	vand.u32 $0xFFFF0000, v12;
	v10 =	vmul.f32 v10, v5  }
0x165: {  	v1 =	vadd.f32 v6, v1;
	v6 =	vld.idx.msk [tilespmem:v7+s16+$0x0], $0xffff;
	v5 =	vmul.f32 v12, v5;
	v7 =	vshll.u32 v8, $0x10  }
0x166: {  	v8 =	vand.u32 $0xFFFF0000, v8;
	v7 =	vmul.f32 v7, v4;
	v10 =	vadd.f32 v10, v11  }
0x167: {  	s8 =	simm.s32 $0x0;
	s9 =	simm.s32 $0x0;
	v4 =	vmul.f32 v8, v4;
	v11 =	vshll.u32 v9, $0x10;
	v1 =	vadd.f32 v5, v1  }
0x168: {  	s9 =	sand.u32 $0xFFFFFF80, s9;
	s8 =	sand.u32 $0xC, s8;
	v5 =	vand.u32 $0xFFFF0000, v9;
	v8 =	vmul.f32 v11, v2;
	v7 =	vadd.f32 v7, v10  }
0x169: {  	s10 =	sor.u32 s9, s8;
	v9 =	vshll.u32 v3, $0x10;
	v2 =	vmul.f32 v5, v2;
	v1 =	vadd.f32 v4, v1  }
0x16a: {  	s10 =	sor.u32 s1, s10;
	v3 =	vand.u32 $0xFFFF0000, v3;
	v4 =	vmul.f32 v9, v6;
	v5 =	vadd.f32 v8, v7  }
0x16b: {  	s9 =	sadd.s32 s17, s9;
	s10 =	sshll.u32 s10, $0x4;
	v1 =	vadd.f32 v2, v1;
	v2 =	vmul.f32 v3, v6  }
0x16c: {  	s11 =	sor.u32 $0x60, s8;
	s23 =	sor.u32 $0x620, s10;
	v3 =	vadd.f32 v4, v5;
	v4 =	vmov s9  }
0x16d: {  	v5 =	vor.u32 s23, v0;
	v1 =	vadd.f32 v2, v1;
	v2 =	vor.u32 s11, v4;
	s11 =	sor.u32 $0x600, s10  }
0x16e: {  	v8 =	vor.u32 s11, v0  }
0x16f: {  	s25 =	sor.u32 $0x61, s8;
	s24 =	sor.u32 $0x610, s10  }
0x170: {  	v6 =	vor.u32 s24, v0;
	v7 =	vor.u32 s25, v4;
	v2 =	vbroadcast v2, $0x0;
	[tilespmem:s18+$0x4CA0] =	vst v3  }
0x171: {  	s25 =	sor.u32 $0x62, s8;
	v3 =	vbroadcast v7, $0x0;
	[tilespmem:s18+$0x4CB0] =	vst v1  }
0x172: {  	s24 =	simm.s32 $0x20;
	s11 =	sor.u32 $0x630, s10;
	v1 =	vld.idx.msk [tilespmem:v5+s20+$0x0], $0xffff;
	v5 =	vor.u32 s25, v4  }
0x173: {  	s23 =	simm.s32 $0x4;
	s9 =	sand.u32 $0xFFFFFF80, s24;
	s8 =	sor.u32 $0x63, s8;
	v13 =	vor.u32 s11, v0;
	v11 =	vbroadcast v5, $0x0;
	v7 =	vld.idx.msk [tilespmem:v8+s20+$0x0], $0xffff  }
0x174: {  	s24 =	sand.u32 $0xC, s23;
	s25 =	sadd.s32 s17, s9;
	v4 =	vor.u32 s8, v4  }
0x175: {  	s10 =	sor.u32 $0x62, s24;
	v9 =	vld.idx.msk [tilespmem:v6+s20+$0x0], $0xffff;
	s9 =	sor.u32 s9, s24;
	v6 =	vmov s25;
	v15 =	vbroadcast v4, $0x0  }
0x176: {  	v14 =	vimm.f32 $0.0e+00;
	s11 =	sor.u32 $0x61, s24;
	s25 =	sor.u32 $0x60, s24;
	s9 =	sor.u32 s1, s9;
	v16 =	vld.idx.msk [tilespmem:v2+s16+$0x0], $0xffff;
	v2 =	vor.u32 s10, v6  }
0x177: {  	s8 =	sshll.u32 s9, $0x4;
	v4 =	vor.u32 s11, v6;
	v18 =	vld.idx.msk [tilespmem:v3+s16+$0x0], $0xffff;
	v3 =	vor.u32 s25, v6;
	v2 =	vbroadcast v2, $0x0  }
0x178: {  	s10 =	sor.u32 $0x63, s24;
	s24 =	sor.u32 $0x610, s8;
	v5 =	vbroadcast v3, $0x0;
	v17 =	vshll.u32 v7, $0x10;
	v19 =	vand.u32 $0xFFFF0000, v7;
	v7 =	vld.idx.msk [tilespmem:v13+s20+$0x0], $0xffff  }
0x179: {  	s11 =	sor.u32 $0x620, s8;
	s25 =	sor.u32 $0x630, s8;
	v3 =	vbroadcast v4, $0x0;
	v6 =	vor.u32 s10, v6;
	v8 =	vor.u32 s24, v0;
	v11 =	vld.idx.msk [tilespmem:v11+s16+$0x0], $0xffff  }
0x17a: {  	v12 =	vor.u32 s11, v0;
	v4 =	vor.u32 s25, v0;
	v13 =	vshll.u32 v9, $0x10  }
0x17b: {  	s8 =	sor.u32 $0x600, s8;
	v20 =	vmul.f32 v17, v16;
	v16 =	vmul.f32 v19, v16;
	v19 =	vand.u32 $0xFFFF0000, v9;
	v9 =	vld.idx.msk [tilespmem:v15+s16+$0x0], $0xffff  }
0x17c: {  	v10 =	vor.u32 s8, v0;
	v13 =	vmul.f32 v13, v18;
	v17 =	vshll.u32 v1, $0x10  }
0x17d: {  	v15 =	vadd.f32 v20, v14;
	v14 =	vadd.f32 v16, v14;
	v16 =	vmul.f32 v19, v18  }
.LBB2_19:
0x17e: {  	s23 =	sadd.s32 $0x4, s23;
	v18 =	vand.u32 $0xFFFF0000, v1;
	v17 =	vmul.f32 v17, v11;
	v19 =	vshll.u32 v7, $0x10  }
0x17f: {  	s8 =	sshll.u32 s23, $0x3;
	v1 =	vld.idx.msk [tilespmem:v12+s20+$0x0], $0xffff;
	v12 =	vadd.f32 v13, v15;
	v13 =	vadd.f32 v16, v14;
	v11 =	vmul.f32 v18, v11  }
0x180: {  	v15 =	vbroadcast v6, $0x0;
	v6 =	vand.u32 $0xFFFF0000, v7;
	v7 =	vmul.f32 v19, v9;
	s8 =	sand.u32 $0xFFFFFF80, s8;
	v14 =	vld.idx.msk [tilespmem:v8+s20+$0x0], $0xffff  }
0x181: {  	s9 =	sand.u32 $0xC, s23;
	v6 =	vmul.f32 v6, v9;
	s10 =	sadd.s32 s17, s8;
	v16 =	vld.idx.msk [tilespmem:v10+s20+$0x0], $0xffff;
	v8 =	vadd.f32 v17, v12;
	v10 =	vadd.f32 v11, v13  }
0x182: {  	p0 =	slt.u32 s23, $0x3C;
	s8 =	sor.u32 s8, s9;
	v9 =	vmov s10;
	s10 =	sor.u32 $0x62, s9;
	v13 =	vld.idx.msk [tilespmem:v5+s16+$0x0], $0xffff  }
0x183: {  	s24 =	sor.u32 $0x60, s9;
	s25 =	sor.u32 $0x61, s9;
	s8 =	sor.u32 s1, s8;
	v5 =	vor.u32 s10, v9;
	v18 =	vld.idx.msk [tilespmem:v3+s16+$0x0], $0xffff;
	v19 =	vadd.f32 v7, v8;
	v20 =	vadd.f32 v6, v10  }
0x184: {  	s9 =	sor.u32 $0x63, s9;
	v3 =	vor.u32 s24, v9;
	s8 =	sshll.u32 s8, $0x4;
	v6 =	vor.u32 s25, v9;
	v10 =	vbroadcast v5, $0x0;
	v7 =	vld.idx.msk [tilespmem:v4+s20+$0x0], $0xffff  }
0x185: {  	v5 =	vbroadcast v3, $0x0;
	v3 =	vbroadcast v6, $0x0;
	s10 =	sor.u32 $0x610, s8;
	s24 =	sor.u32 $0x620, s8;
	v6 =	vor.u32 s9, v9;
	s9 =	sor.u32 $0x630, s8;
	v11 =	vld.idx.msk [tilespmem:v2+s16+$0x0], $0xffff  }
.Ltmp9:
0x186: {  	s8 =	sor.u32 $0x600, s8;
	v8 =	vor.u32 s10, v0;
	v12 =	vor.u32 s24, v0;
	v4 =	vor.u32 s9, v0;
	v2 =	vmovc v10;
	(pc) =	sbr.rel @p0 .LBB2_19-.Ltmp9, $4  }
0x187: {  	v10 =	vor.u32 s8, v0;
	v17 =	vshll.u32 v16, $0x10;
	v16 =	vand.u32 $0xFFFF0000, v16;
	v9 =	vld.idx.msk [tilespmem:v15+s16+$0x0], $0xffff  }
0x188: {  	v15 =	vmul.f32 v17, v13;
	v16 =	vmul.f32 v16, v13;
	v13 =	vshll.u32 v14, $0x10  }
0x189: {  	v21 =	vand.u32 $0xFFFF0000, v14;
	v17 =	vshll.u32 v1, $0x10;
	v13 =	vmul.f32 v13, v18  }
0x18a: {  	v15 =	vadd.f32 v15, v19;
	v14 =	vadd.f32 v16, v20;
	v16 =	vmul.f32 v21, v18  }
0x18b: {  	_ =	sdelay $0x3  }
0x18c: {  	v12 =	vld.idx.msk [tilespmem:v12+s20+$0x0], $0xffff  }
0x18d: {  	v1 =	vand.u32 $0xFFFF0000, v1;
	v10 =	vld.idx.msk [tilespmem:v10+s20+$0x0], $0xffff  }
0x18e: {  	v17 =	vmul.f32 v17, v11;
	v18 =	vshll.u32 v7, $0x10;
	v5 =	vld.idx.msk [tilespmem:v5+s16+$0x0], $0xffff;
	v13 =	vadd.f32 v13, v15  }
0x18f: {  	v8 =	vld.idx.msk [tilespmem:v8+s20+$0x0], $0xffff;
	v6 =	vbroadcast v6, $0x0;
	v14 =	vadd.f32 v16, v14;
	v1 =	vmul.f32 v1, v11  }
0x190: {  	v7 =	vand.u32 $0xFFFF0000, v7;
	v3 =	vld.idx.msk [tilespmem:v3+s16+$0x0], $0xffff;
	v11 =	vmul.f32 v18, v9;
	v13 =	vadd.f32 v17, v13  }
0x191: {  	v2 =	vld.idx.msk [tilespmem:v2+s16+$0x0], $0xffff;
	v7 =	vmul.f32 v7, v9;
	v1 =	vadd.f32 v1, v14  }
0x192: {  	v9 =	vadd.f32 v11, v13  }
0x193: {  	v4 =	vld.idx.msk [tilespmem:v4+s20+$0x0], $0xffff;
	v11 =	vshll.u32 v10, $0x10;
	v1 =	vadd.f32 v7, v1;
	v7 =	vand.u32 $0xFFFF0000, v10  }
0x194: {  	v10 =	vmul.f32 v11, v5;
	v5 =	vmul.f32 v7, v5;
	v7 =	vshll.u32 v8, $0x10  }
0x195: {  	s8 =	simm.s32 $0x0;
	s9 =	simm.s32 $0x0;
	v8 =	vand.u32 $0xFFFF0000, v8;
	v6 =	vld.idx.msk [tilespmem:v6+s16+$0x0], $0xffff;
	v11 =	vshll.u32 v12, $0x10;
	v7 =	vmul.f32 v7, v3  }
0x196: {  	s10 =	sor.u32 $0x70, s8;
	s9 =	sand.u32 $0xFFFFFF80, s9;
	v3 =	vmul.f32 v8, v3;
	v8 =	vmul.f32 v11, v2;
	v9 =	vadd.f32 v10, v9  }
0x197: {  	v11 =	vmov s10;
	s10 =	sadd.s32 s17, s9;
	s9 =	sor.u32 s9, s8;
	v1 =	vadd.f32 v5, v1;
	v5 =	vand.u32 $0xFFFF0000, v12  }
0x198: {  	v10 =	vshll.u32 v4, $0x10;
	v4 =	vand.u32 $0xFFFF0000, v4;
	s9 =	sor.u32 s1, s9;
	v7 =	vadd.f32 v7, v9  }
0x199: {  	v2 =	vmul.f32 v5, v2;
	s9 =	sshll.u32 s9, $0x4;
	v1 =	vadd.f32 v3, v1;
	v3 =	vand.u32 $0x7C, v11  }
0x19a: {  	s25 =	sor.u32 $0x720, s9;
	v3 =	vor.u32 s10, v3;
	v5 =	vmul.f32 v10, v6;
	v7 =	vadd.f32 v8, v7  }
0x19b: {  	s23 =	sor.u32 $0x700, s9;
	s11 =	sor.u32 $0x710, s9;
	s9 =	sor.u32 $0x730, s9;
	v1 =	vadd.f32 v2, v1;
	v2 =	vmul.f32 v4, v6;
	v6 =	vor.u32 s25, v0  }
0x19c: {  	v3 =	vbroadcast v3, $0x0;
	v8 =	vor.u32 s9, v0;
	v4 =	vadd.f32 v5, v7  }
0x19d: {  	s24 =	sor.u32 $0x71, s8;
	v1 =	vadd.f32 v2, v1  }
0x19e: {  	v5 =	vor.u32 s23, v0;
	v2 =	vmov s24;
	[tilespmem:s18+$0x4CC0] =	vst v4  }
0x19f: {  	s25 =	sor.u32 $0x72, s8;
	v2 =	vand.u32 $0x7D, v2;
	[tilespmem:s18+$0x4CD0] =	vst v1  }
0x1a0: {  	v4 =	vor.u32 s11, v0;
	v1 =	vor.u32 s10, v2;
	v2 =	vmov s25;
	v6 =	vld.idx.msk [tilespmem:v6+s20+$0x0], $0xffff  }
0x1a1: {  	s8 =	sor.u32 $0x73, s8;
	s23 =	simm.s32 $0x4;
	v1 =	vbroadcast v1, $0x0;
	v2 =	vand.u32 $0x7E, v2;
	v13 =	vld.idx.msk [tilespmem:v8+s20+$0x0], $0xffff  }
0x1a2: {  	s9 =	simm.s32 $0x20;
	s11 =	sor.u32 $0x70, s23;
	v7 =	vld.idx.msk [tilespmem:v3+s16+$0x0], $0xffff;
	v2 =	vor.u32 s10, v2;
	v3 =	vmov s8  }
0x1a3: {  	v9 =	vmov s11;
	s8 =	sand.u32 $0xFFFFFF80, s9;
	v5 =	vld.idx.msk [tilespmem:v5+s20+$0x0], $0xffff;
	v2 =	vbroadcast v2, $0x0;
	v3 =	vand.u32 $0x7F, v3  }
0x1a4: {  	v9 =	vand.u32 $0x7C, v9;
	s9 =	sadd.s32 s17, s8;
	s8 =	sor.u32 s8, s23;
	v3 =	vor.u32 s10, v3  }
0x1a5: {  	v10 =	vimm.f32 $0.0e+00;
	s24 =	sor.u32 $0x71, s23;
	v9 =	vor.u32 s9, v9;
	s8 =	sor.u32 s1, s8;
	v4 =	vld.idx.msk [tilespmem:v4+s20+$0x0], $0xffff;
	v11 =	vbroadcast v3, $0x0  }
0x1a6: {  	v3 =	vmov s24;
	v9 =	vbroadcast v9, $0x0;
	s8 =	sshll.u32 s8, $0x4;
	v14 =	vand.u32 $0xFFFF0000, v6  }
0x1a7: {  	s11 =	sor.u32 $0x710, s8;
	v6 =	vshll.u32 v6, $0x10;
	v20 =	vshll.u32 v13, $0x10;
	v12 =	vld.idx.msk [tilespmem:v1+s16+$0x0], $0xffff;
	v1 =	vand.u32 $0x7D, v3  }
0x1a8: {  	v59 =	vor.u32 s11, v0;
	s11 =	sor.u32 $0x72, s23;
	v3 =	vshll.u32 v5, $0x10;
	v1 =	vor.u32 s9, v1  }
0x1a9: {  	s25 =	sor.u32 $0x700, s8;
	v19 =	vmov s11;
	v8 =	vmul.f32 v3, v7;
	v2 =	vld.idx.msk [tilespmem:v2+s16+$0x0], $0xffff;
	v3 =	vbroadcast v1, $0x0  }
0x1aa: {  	v1 =	vshll.u32 v4, $0x10;
	v15 =	vand.u32 $0xFFFF0000, v4;
	v4 =	vor.u32 s25, v0;
	s25 =	sor.u32 $0x720, s8  }
0x1ab: {  	v60 =	vadd.f32 v8, v10;
	v61 =	vor.u32 s25, v0;
	v8 =	vand.u32 $0xFFFF0000, v5;
	s25 =	sor.u32 $0x73, s23  }
0x1ac: {  	v5 =	vld.idx.msk [tilespmem:v11+s16+$0x0], $0xffff;
	v11 =	vand.u32 $0x7E, v19;
	v1 =	vmul.f32 v1, v12;
	v62 =	vmov s25  }
0x1ad: {  	v11 =	vor.u32 s9, v11;
	v21 =	vmul.f32 v8, v7;
	v12 =	vmul.f32 v15, v12  }
0x1ae: {  	s8 =	sor.u32 $0x730, s8;
	v8 =	vmul.f32 v14, v2;
	v14 =	vadd.f32 v1, v60;
	v1 =	vld.idx.msk [tilespmem:v9+s16+$0x0], $0xffff;
	v6 =	vmul.f32 v6, v2  }
0x1af: {  	v7 =	vbroadcast v11, $0x0;
	v9 =	vor.u32 s8, v0;
	v63 =	vadd.f32 v21, v10;
	v4 =	vld.idx.msk [tilespmem:v4+s20+$0x0], $0xffff  }
0x1b0: {  	v15 =	vand.u32 $0x7F, v62;
	v10 =	vand.u32 $0xFFFF0000, v13;
	v2 =	vld.idx.msk [tilespmem:v61+s20+$0x0], $0xffff;
	v11 =	vadd.f32 v6, v14  }
0x1b1: {  	s24 =	simm.s32 $0x8;
	v6 =	vld.idx.msk [tilespmem:v59+s20+$0x0], $0xffff;
	v13 =	vmul.f32 v20, v5;
	v14 =	vor.u32 s9, v15;
	v12 =	vadd.f32 v12, v63  }
.LBB2_21:
0x1b2: {  	s8 =	sshll.u32 s24, $0x3  }
0x1b3: {  	s9 =	sor.u32 $0x70, s24;
	s10 =	sor.u32 $0x71, s24;
	v15 =	vld.idx.msk [tilespmem:v3+s16+$0x0], $0xffff;
	v14 =	vbroadcast v14, $0x0;
	v11 =	vadd.f32 v13, v11;
	v3 =	vmul.f32 v10, v5;
	s25 =	smov.u32 s24  }
0x1b4: {  	s8 =	sand.u32 $0xFFFFFF80, s8;
	v5 =	vmov s9;
	v10 =	vmov s10;
	s9 =	sor.u32 $0x72, s24;
	s10 =	sor.u32 $0x73, s24;
	v13 =	vld.idx.msk [tilespmem:v9+s20+$0x0], $0xffff;
	v8 =	vadd.f32 v8, v12  }
0x1b5: {  	s23 =	sadd.s32 s17, s8;
	v5 =	vand.u32 $0x7C, v5;
	s8 =	sor.u32 s8, s25;
	v9 =	vand.u32 $0x7D, v10;
	s25 =	sadd.s32 $0x4, s24;
	v10 =	vshll.u32 v4, $0x10;
	v12 =	vld.idx.msk [tilespmem:v7+s16+$0x0], $0xffff  }
0x1b6: {  	p0 =	slt.u32 s24, $0x3C;
	v5 =	vor.u32 s23, v5;
	s8 =	sor.u32 s1, s8;
	v7 =	vmul.f32 v10, v1;
	v10 =	vadd.f32 v3, v8  }
0x1b7: {  	v3 =	vor.u32 s23, v9;
	v9 =	vand.u32 $0xFFFF0000, v2;
	v8 =	vbroadcast v5, $0x0;
	s8 =	sshll.u32 s8, $0x4  }
0x1b8: {  	v3 =	vbroadcast v3, $0x0;
	v5 =	vshll.u32 v6, $0x10;
	v6 =	vand.u32 $0xFFFF0000, v6;
	s24 =	sor.u32 $0x700, s8;
	s11 =	sor.u32 $0x710, s8  }
0x1b9: {  	v7 =	vadd.f32 v7, v11;
	v16 =	vor.u32 s24, v0;
	v17 =	vor.u32 s11, v0;
	s11 =	sor.u32 $0x720, s8  }
0x1ba: {  	v4 =	vand.u32 $0xFFFF0000, v4;
	v18 =	vmul.f32 v5, v15;
	v11 =	vor.u32 s11, v0;
	v5 =	vld.idx.msk [tilespmem:v14+s16+$0x0], $0xffff  }
0x1bb: {  	v2 =	vshll.u32 v2, $0x10;
	v19 =	vshll.u32 v13, $0x10;
	v14 =	vmov s9  }
0x1bc: {  	v20 =	vmov s10;
	v18 =	vadd.f32 v18, v7;
	v14 =	vand.u32 $0x7E, v14  }
.Ltmp10:
0x1bd: {  	s8 =	sor.u32 $0x730, s8;
	v7 =	vor.u32 s23, v14;
	v14 =	vmul.f32 v4, v1;
	v1 =	vld.idx.msk [tilespmem:v8+s16+$0x0], $0xffff;
	v8 =	vmul.f32 v9, v12;
	(pc) =	sbr.rel @p0 .LBB2_21-.Ltmp10, $4  }
0x1be: {  	v7 =	vbroadcast v7, $0x0;
	v9 =	vor.u32 s8, v0;
	v12 =	vmul.f32 v2, v12;
	v4 =	vld.idx.msk [tilespmem:v16+s20+$0x0], $0xffff  }
0x1bf: {  	v15 =	vmul.f32 v6, v15;
	v16 =	vadd.f32 v14, v10;
	v10 =	vand.u32 $0xFFFF0000, v13;
	v2 =	vld.idx.msk [tilespmem:v11+s20+$0x0], $0xffff  }
0x1c0: {  	v14 =	vand.u32 $0x7F, v20;
	v11 =	vadd.f32 v12, v18;
	v13 =	vmul.f32 v19, v5;
	v6 =	vld.idx.msk [tilespmem:v17+s20+$0x0], $0xffff  }
0x1c1: {  	s24 =	smov.u32 s25;
	v14 =	vor.u32 s23, v14;
	v12 =	vadd.f32 v15, v16  }
0x1c2: {  	_ =	sdelay $0x1  }
0x1c3: {  	v14 =	vbroadcast v14, $0x0;
	_ =	sdelay $0x1  }
0x1c4: {  	v3 =	vld.idx.msk [tilespmem:v3+s16+$0x0], $0xffff;
	_ =	sdelay $0x1  }
0x1c5: {  	v5 =	vmul.f32 v10, v5;
	v7 =	vld.idx.msk [tilespmem:v7+s16+$0x0], $0xffff;
	v8 =	vadd.f32 v8, v12;
	v53 =	vshll.u32 v4, $0x10  }
0x1c6: {  	v11 =	vadd.f32 v13, v11;
	v9 =	vld.idx.msk [tilespmem:v9+s20+$0x0], $0xffff;
	v54 =	vand.u32 $0xFFFF0000, v4;
	v10 =	vmul.f32 v53, v1  }
0x1c7: {  	v1 =	vmul.f32 v54, v1;
	v5 =	vadd.f32 v5, v8;
	v55 =	vshll.u32 v6, $0x10;
	v56 =	vld.idx.msk [tilespmem:v14+s16+$0x0], $0xffff  }
0x1c8: {  	v57 =	vand.u32 $0xFFFF0000, v6;
	v58 =	vadd.f32 v10, v11;
	v8 =	vmul.f32 v55, v3  }
0x1c9: {  	v59 =	vshll.u32 v2, $0x10;
	v1 =	vadd.f32 v1, v5;
	v3 =	vmul.f32 v57, v3  }
0x1ca: {  	v2 =	vand.u32 $0xFFFF0000, v2;
	v61 =	vmul.f32 v59, v7;
	v60 =	vadd.f32 v8, v58  }
0x1cb: {  	v62 =	vshll.u32 v9, $0x10;
	v2 =	vmul.f32 v2, v7;
	v1 =	vadd.f32 v3, v1  }
0x1cc: {  	v3 =	vand.u32 $0xFFFF0000, v9;
	v4 =	vadd.f32 v61, v60;
	v63 =	vmul.f32 v62, v56  }
0x1cd: {  	v1 =	vadd.f32 v2, v1;
	v3 =	vmul.f32 v3, v56  }
0x1ce: {  	v2 =	vadd.f32 v63, v4  }
0x1cf: {  	v1 =	vadd.f32 v3, v1  }
0x1d0: {  	s1 =	sshll.u32 s31, $0x4;
	p0 =	sne.s32 s30, $0x2A8;
	[tilespmem:s18+$0x4CE0] =	vst v2  }
.Ltmp11:
0x1d1: {  	s0 =	sor.u32 $0x6, s0;
	s8 =	sadd.s32 s2, s1;
	[tilespmem:s18+$0x4CF0] =	vst v1;
	(pc) =	sbr.rel @p0 .LBB2_2-.Ltmp11, $4  }
0x1d2: {  	[hbm4b:s8+s3] =	stream.linear.scatter [tilespmem:s21], [sflag:s0], $0x80, $0x38;
	[tilespmem:$0x4E00] =	vst v63  }
0x1d3: {  	s1 =	sadd.s32 s1, s12  }
0x1d4: {  	[hbm4b:s1+s3] =	stream.linear.scatter [tilespmem:s22], [sflag:s0], $0x80, $0x38;
	[tilespmem:$0x4E00] =	vst v63  }
0x1d5: {  	s1 =	smov.u32 s30  }
0x1d6: {  	_ =	swait.ge [sflag:s26], $0x80  }
0x1d7: {  	[sflag:s26] =	ssyncset.done $0x0  }
0x1d8: {  	[sflag:s26] =	ssyncadd.s32 $0xFFFFFF80  }
0x1d9: {  	_ =	swait.ge [sflag:s26], $0x80  }
0x1da: {  	[sflag:s26] =	ssyncset.done $0x0  }
0x1db: {  	s29 =	sadd.s32 $0x1, s29;
	[sflag:s26] =	ssyncadd.s32 $0xFFFFFF80  }
0x1dc: {  	p0 =	sne.s32 s29, s13;
	_ =	swait.ge [sflag:s28], $0x80  }
.Ltmp12:
0x1dd: {  	[sflag:s28] =	ssyncset.done $0x0;
	(pc) =	sbr.rel @p0 .LBB2_1-.Ltmp12, $4  }
0x1de: {  	[sflag:s28] =	ssyncadd.s32 $0xFFFFFF80  }
0x1df: {  	_ =	swait.ge [sflag:s28], $0x80  }
0x1e0: {  	[sflag:s28] =	ssyncset.done $0x0  }
0x1e1: {  	[sflag:s28] =	ssyncadd.s32 $0xFFFFFF80  }
0x1e2: {  	_ =	sfence.sel $0x180000  }
0x1e3: {  	[bflag:$0x0] =	sbarrier.arrive $0xFFFF  }
0x1e4: {  	_ =	strace $0x90000047  }
0x1e5: {  	s0 =	stileid.u32;
	[bflag:$0x2] =	sbarrier.arrive $0xFFFF  }
0x1e6: {  	p0 =	sne.s32 s0, $0x0;
	s0 =	rddreg [dreg:$0x2]  }
0x1e7: {  	s0 =	sadd.s32 @!p0 $0x100000, s0  }
0x1e8: {  	[sflag:s0] =	ssyncadd.tile.s32 @!p0 $0x1;
	_ =	shalt  }
.Lfunc_end2:
_tile_overlayer_lowered:
.L_overlay_start_2:
0x1e9: {  	(tag) =	ssettag $0x2  }
0x1ea: {  	s0 =	rddreg [dreg:$0x0];
	s2 =	stileid.u32  }
0x1eb: {  	s1 =	rddreg [dreg:$0x1];
	p0 =	sne.s32 s2, $0x0  }
0x1ec: {  	s3 =	rddreg [dreg:$0x2];
	[bflag:$0x3] =	sbarrier.arrive $0xFFFF;
	s2 =	simm.s32 @!p0 $0x1C08  }
0x1ed: {  	[timem:s3], [sflag:s2] =	dma.local @!p0 [hbm:s0], s1  }
0x1ee: {  	s0 =	simm.s32 @!p0 $0x8  }
0x1ef: {  	_ =	swait.ge @!p0 [sflag:s0], s1  }
0x1f0: {  	s1 =	ssub.s32 @!p0 $0x0, s1;
	[sflag:s0] =	ssyncset.done @!p0 $0x0  }
0x1f1: {  	[sflag:s0] =	ssyncadd.s32 @!p0 s1  }
0x1f2: {  	[bflag:$0x3] =	sbarrier.arrive $0xFFFF  }
0x1f3: {  	_ =	shalt  }

</sc_bundles>
